<compile_context>
chip_gen: v7x
topology: tpu7x:2x2x1
jax: 0.10.2.dev20260603
libtpu: 0.0.44.dev20260713+nightly
codegen_flags: <defaults>
</compile_context>

<pallas_src>
import functools

import jax
import jax.numpy as jnp
from jax import lax
from jax.experimental import pallas as pl
from jax.experimental.pallas import tpu as pltpu
from jax.experimental.pallas import tpu_sc as plsc

N = 10000
E = 320000
F = 128
HEADS = 4
HID = 32

N_PAD = 10240
CHUNK = 112
N_WORKERS = 32
CPW = 92
E_PAD = N_WORKERS * CPW * CHUNK
ROWS_PER_SUB = N_PAD // 16


def _leaky(x):
    return jnp.where(x >= 0.0, x, 0.2 * x)


def _elu(x):
    return jnp.where(x > 0.0, x, jnp.exp(x) - 1.0)


def _prologue_body(x_ref, w_ref, ms_ref, md_ref, h_ref, as_ref, ad_ref):
    h = jnp.dot(x_ref[...], w_ref[...], preferred_element_type=jnp.float32)
    h_ref[...] = h
    as_ref[...] = jnp.dot(h, ms_ref[...], preferred_element_type=jnp.float32)
    ad_ref[...] = jnp.dot(h, md_ref[...], preferred_element_type=jnp.float32)


def _prologue(x_pad, W, Msrc, Mdst):
    blk = 1024
    grid = N_PAD // blk
    return pl.pallas_call(
        _prologue_body,
        grid=(grid,),
        in_specs=[
            pl.BlockSpec((blk, F), lambda i: (i, 0)),
            pl.BlockSpec((F, F), lambda i: (0, 0)),
            pl.BlockSpec((F, 16), lambda i: (0, 0)),
            pl.BlockSpec((F, 16), lambda i: (0, 0)),
        ],
        out_specs=[
            pl.BlockSpec((blk, F), lambda i: (i, 0)),
            pl.BlockSpec((blk, 16), lambda i: (i, 0)),
            pl.BlockSpec((blk, 16), lambda i: (i, 0)),
        ],
        out_shape=[
            jax.ShapeDtypeStruct((N_PAD, F), jnp.float32),
            jax.ShapeDtypeStruct((N_PAD, 16), jnp.float32),
            jax.ShapeDtypeStruct((N_PAD, 16), jnp.float32),
        ],
    )(x_pad, W, Msrc, Mdst)


def _edge_pass(H, As, Ad, srcp, dstp):
    mesh = plsc.VectorSubcoreMesh(core_axis_name="c", subcore_axis_name="s")

    @functools.partial(
        pl.kernel,
        out_type=[
            jax.ShapeDtypeStruct((2, N_PAD, F), jnp.float32),
            jax.ShapeDtypeStruct((2, N_PAD, 16), jnp.float32),
        ],
        mesh=mesh,
        compiler_params=pltpu.CompilerParams(use_tc_tiling_on_sc=False),
        scratch_types=(
            [pltpu.VMEM((CHUNK,), jnp.int32)] * 8
            + [pltpu.VMEM((CHUNK, F), jnp.float32)] * 2
            + [pltpu.VMEM((CHUNK, 16), jnp.float32)] * 4
            + [pltpu.VMEM_SHARED((N_PAD, F), jnp.float32),
               pltpu.VMEM_SHARED((N_PAD, 16), jnp.float32)]
            + [pltpu.SemaphoreType.DMA] * 8
        ),
    )
    def k(h_r, as_r, ad_r, src_r, dst_r, accm_o, accw_o,
          is0, is1, is2, is3, id0, id1, id2, id3,
          rows0, rows1, asr0, asr1, adr0, adr1,
          accm_sh, accw_sh,
          si0, si1, si2, si3, sg0, sg1, ss0, ss1):
        cid = lax.axis_index("c")
        sid = lax.axis_index("s")
        wid = sid * 2 + cid
        e0 = wid * CPW * CHUNK

        z16 = jnp.zeros((16,), jnp.float32)

        def _zrow(i, carry):
            for j in range(F // 16):
                rows0[i, pl.ds(j * 16, 16)] = z16
                rows1[i, pl.ds(j * 16, 16)] = z16
            asr0[i, :] = z16
            asr1[i, :] = z16
            return carry
        lax.fori_loop(0, CHUNK, _zrow, 0)
        nfull = ROWS_PER_SUB // CHUNK
        for t in range(nfull):
            r0 = sid * ROWS_PER_SUB + t * CHUNK
            pltpu.sync_copy(rows0, accm_sh.at[pl.ds(r0, CHUNK)])
            pltpu.sync_copy(asr0, accw_sh.at[pl.ds(r0, CHUNK)])
        rem = ROWS_PER_SUB - nfull * CHUNK
        if rem:
            r0 = sid * ROWS_PER_SUB + nfull * CHUNK
            pltpu.sync_copy(rows0.at[pl.ds(0, rem)],
                            accm_sh.at[pl.ds(r0, rem)])
            pltpu.sync_copy(asr0.at[pl.ds(0, rem)],
                            accw_sh.at[pl.ds(r0, rem)])
        plsc.subcore_barrier()

        isl = (is0, is1, is2, is3)
        idl = (id0, id1, id2, id3)
        sis = (si0, si1, si2, si3)
        dbufs = ((rows0, asr0, adr0, sg0, ss0), (rows1, asr1, adr1, sg1, ss1))

        def _issue_idx(j, r):
            base = e0 + j * CHUNK
            pltpu.async_copy(src_r.at[pl.ds(base, CHUNK)], isl[r], sis[r])
            pltpu.async_copy(dst_r.at[pl.ds(base, CHUNK)], idl[r], sis[r])

        def _wait_idx(r):
            pltpu.make_async_copy(src_r.at[pl.ds(e0, CHUNK)], isl[r], sis[r]).wait()
            pltpu.make_async_copy(dst_r.at[pl.ds(e0, CHUNK)], idl[r], sis[r]).wait()

        def _issue_gathers(b, r):
            rows, asr, adr, sg, _ = dbufs[b]
            pltpu.async_copy(h_r.at[isl[r]], rows, sg)
            pltpu.async_copy(as_r.at[isl[r]], asr, sg)
            pltpu.async_copy(ad_r.at[idl[r]], adr, sg)

        def _wait_gathers(b, r):
            rows, asr, adr, sg, _ = dbufs[b]
            pltpu.make_async_copy(h_r.at[isl[r]], rows, sg).wait()
            pltpu.make_async_copy(as_r.at[isl[r]], asr, sg).wait()
            pltpu.make_async_copy(ad_r.at[idl[r]], adr, sg).wait()

        def _scatter(b, r):
            rows, asr, _, _, _ = dbufs[b]
            pltpu.sync_copy(rows, accm_sh.at[idl[r]], add=True)
            pltpu.sync_copy(asr, accw_sh.at[idl[r]], add=True)

        def _compute(b):
            rows, asr, adr, _, _ = dbufs[b]

            def _edge(e, carry2):
                wrow = jnp.exp(_leaky(asr[e, :] + adr[e, :]))
                asr[e, :] = wrow
                for jb in range(F // 16):
                    s = wrow[jb * 16 // HID]
                    rows[e, pl.ds(jb * 16, 16)] = rows[e, pl.ds(jb * 16, 16)] * s
                return carry2
            lax.fori_loop(0, CHUNK, _edge, 0)

        _issue_idx(0, 0)
        _issue_idx(1, 1)
        _issue_idx(2, 2)
        _wait_idx(0)
        _issue_gathers(0, 0)

        def _quad(q, carry):
            for u in range(4):
                j = q * 4 + u
                b, o = u % 2, 1 - u % 2
                r, rn, rp = u % 4, (u + 1) % 4, (u + 3) % 4
                _wait_gathers(b, r)
                _issue_idx(jnp.minimum(j + 3, CPW - 1), rp)
                _wait_idx(rn)
                _issue_gathers(o, rn)
                _compute(b)
                _scatter(b, r)
            return carry
        lax.fori_loop(0, CPW // 4, _quad, 0)

        _wait_gathers(0, 0)
        _wait_idx(1)
        _wait_idx(2)

        plsc.subcore_barrier()
        r0 = sid * ROWS_PER_SUB
        pltpu.sync_copy(accm_sh.at[pl.ds(r0, ROWS_PER_SUB)],
                        accm_o.at[cid, pl.ds(r0, ROWS_PER_SUB)])
        pltpu.sync_copy(accw_sh.at[pl.ds(r0, ROWS_PER_SUB)],
                        accw_o.at[cid, pl.ds(r0, ROWS_PER_SUB)])

    return k(H, As, Ad, srcp, dstp)


def _mid_body(am_ref, aw_ref, h_ref, as_ref, ad_ref, erep_ref, b_ref,
              w2_ref, ms_ref, md_ref, h2_ref, as2_ref, ad2_ref):
    wself = jnp.exp(_leaky(as_ref[...] + ad_ref[...]))
    erep = erep_ref[...]
    den = jnp.dot(aw_ref[0] + aw_ref[1] + wself, erep,
                  preferred_element_type=jnp.float32)
    num = (am_ref[0] + am_ref[1]
           + jnp.dot(wself, erep, preferred_element_type=jnp.float32)
           * h_ref[...])
    x2 = _elu(num / den + b_ref[...])
    h2 = jnp.dot(x2, w2_ref[...], preferred_element_type=jnp.float32)
    h2_ref[...] = h2
    as2_ref[...] = jnp.dot(h2, ms_ref[...], preferred_element_type=jnp.float32)
    ad2_ref[...] = jnp.dot(h2, md_ref[...], preferred_element_type=jnp.float32)


def _mid(accm, accw, H1, As1, Ad1, Erep, b1, W2, Msrc2, Mdst2):
    blk = 1024
    grid = N_PAD // blk
    return pl.pallas_call(
        _mid_body,
        grid=(grid,),
        in_specs=[
            pl.BlockSpec((2, blk, F), lambda i: (0, i, 0)),
            pl.BlockSpec((2, blk, 16), lambda i: (0, i, 0)),
            pl.BlockSpec((blk, F), lambda i: (i, 0)),
            pl.BlockSpec((blk, 16), lambda i: (i, 0)),
            pl.BlockSpec((blk, 16), lambda i: (i, 0)),
            pl.BlockSpec((16, F), lambda i: (0, 0)),
            pl.BlockSpec((1, F), lambda i: (0, 0)),
            pl.BlockSpec((F, F), lambda i: (0, 0)),
            pl.BlockSpec((F, 16), lambda i: (0, 0)),
            pl.BlockSpec((F, 16), lambda i: (0, 0)),
        ],
        out_specs=[
            pl.BlockSpec((blk, F), lambda i: (i, 0)),
            pl.BlockSpec((blk, 16), lambda i: (i, 0)),
            pl.BlockSpec((blk, 16), lambda i: (i, 0)),
        ],
        out_shape=[
            jax.ShapeDtypeStruct((N_PAD, F), jnp.float32),
            jax.ShapeDtypeStruct((N_PAD, 16), jnp.float32),
            jax.ShapeDtypeStruct((N_PAD, 16), jnp.float32),
        ],
    )(accm, accw, H1, As1, Ad1, Erep, b1, W2, Msrc2, Mdst2)


def _final_body(am_ref, aw_ref, h_ref, as_ref, ad_ref, erep_ref, mavg_ref,
                b_ref, wc_ref, bc_ref, out_ref):
    wself = jnp.exp(_leaky(as_ref[...] + ad_ref[...]))
    erep = erep_ref[...]
    den = jnp.dot(aw_ref[0] + aw_ref[1] + wself, erep,
                  preferred_element_type=jnp.float32)
    num = (am_ref[0] + am_ref[1]
           + jnp.dot(wself, erep, preferred_element_type=jnp.float32)
           * h_ref[...])
    v = num / den
    y = _elu(jnp.dot(v, mavg_ref[...], preferred_element_type=jnp.float32)
             + b_ref[...])
    out_ref[...] = (jnp.dot(y, wc_ref[...], preferred_element_type=jnp.float32)
                    + bc_ref[...])


def _final(accm, accw, H2, As2, Ad2, Erep, Mavg, b2, Wc, bc):
    blk = 1000
    grid = N // blk
    return pl.pallas_call(
        _final_body,
        grid=(grid,),
        in_specs=[
            pl.BlockSpec((2, blk, F), lambda i: (0, i, 0)),
            pl.BlockSpec((2, blk, 16), lambda i: (0, i, 0)),
            pl.BlockSpec((blk, F), lambda i: (i, 0)),
            pl.BlockSpec((blk, 16), lambda i: (i, 0)),
            pl.BlockSpec((blk, 16), lambda i: (i, 0)),
            pl.BlockSpec((16, F), lambda i: (0, 0)),
            pl.BlockSpec((F, HID), lambda i: (0, 0)),
            pl.BlockSpec((1, HID), lambda i: (0, 0)),
            pl.BlockSpec((HID, 16), lambda i: (0, 0)),
            pl.BlockSpec((1, 16), lambda i: (0, 0)),
        ],
        out_specs=pl.BlockSpec((blk, 16), lambda i: (i, 0)),
        out_shape=jax.ShapeDtypeStruct((N, 16), jnp.float32),
    )(accm, accw, H2, As2, Ad2, Erep, Mavg, b2, Wc, bc)


def kernel(x, edge_index, W1, att_src1, att_dst1, b1,
           W2, att_src2, att_dst2, b2, Wc, bc):
    f32 = jnp.float32
    hm = (jnp.arange(16)[None, :] == (jnp.arange(F) // HID)[:, None]).astype(f32)
    Erep = hm.T
    Mavg = jnp.tile(jnp.eye(HID, dtype=f32), (HEADS, 1)) * (1.0 / HEADS)
    Msrc1 = att_src1.reshape(F)[:, None] * hm
    Mdst1 = att_dst1.reshape(F)[:, None] * hm
    Msrc2 = att_src2.reshape(F)[:, None] * hm
    Mdst2 = att_dst2.reshape(F)[:, None] * hm

    x_pad = jnp.pad(x, ((0, N_PAD - N), (0, 0)))
    pad_idx = jnp.full((E_PAD - E,), N, jnp.int32)
    srcp = jnp.concatenate([edge_index[0], pad_idx])
    dstp = jnp.concatenate([edge_index[1], pad_idx])
    H1, As1, Ad1 = _prologue(x_pad, W1, Msrc1, Mdst1)
    accm1, accw1 = _edge_pass(H1, As1, Ad1, srcp, dstp)
    H2, As2, Ad2 = _mid(accm1, accw1, H1, As1, Ad1, Erep,
                        b1.reshape(1, F), W2, Msrc2, Mdst2)
    accm2, accw2 = _edge_pass(H2, As2, Ad2, srcp, dstp)
    return _final(accm2, accw2, H2, As2, Ad2, Erep, Mavg,
                  b2.reshape(1, HID), Wc, bc.reshape(1, 16))

# --- scband reference (transcript-rebuilt; emitter-appended) ---
"""Pipeline reference for scband-gatmodel-45191645888899 (READ-ONLY COPY).

The authoritative reference and input builder live on the scoring server;
editing this copy changes nothing except your own understanding.
"""

import jax, jax.numpy as jnp
import numpy as np

N_NODES = 10000
N_EDGES = 320000
IN_CH = 128
HIDDEN = 32
OUT_CH = 16
HEADS = 4


def segment_softmax(logits, seg, num_segments):
    m = jax.ops.segment_max(logits, seg, num_segments=num_segments)
    m = jnp.where(jnp.isfinite(m), m, 0.0)
    e = jnp.exp(logits - m[seg])
    denom = jax.ops.segment_sum(e, seg, num_segments=num_segments)
    return e / (denom[seg] + 1e-16)


def gat_conv(x, edge_index, W, att_src, att_dst, bias, heads, out_ch, concat):
    N = x.shape[0]
    # PyG GATConv adds self-loops by default
    loop = jnp.arange(N, dtype=edge_index.dtype)
    ei = jnp.concatenate([edge_index, jnp.stack([loop, loop])], axis=1)
    src, dst = ei[0], ei[1]
    h = (x @ W).reshape(N, heads, out_ch)
    a_src = (h * att_src).sum(-1)  # [N, H]
    a_dst = (h * att_dst).sum(-1)  # [N, H]
    alpha = a_src[src] + a_dst[dst]  # [E, H]
    alpha = jax.nn.leaky_relu(alpha, negative_slope=0.2)
    alpha = segment_softmax(alpha, dst, N)
    msg = h[src] * alpha[:, :, None]  # [E, H, C]
    out = jax.ops.segment_sum(msg, dst, num_segments=N)  # [N, H, C]
    if concat:
        out = out.reshape(N, heads * out_ch)
    else:
        out = out.mean(axis=1)
    return out + bias


def setup_inputs(seed: int = 0):
    key = jax.random.key(seed)
    ks = jax.random.split(key, 12)
    x = jax.random.normal(ks[0], (N_NODES, IN_CH), dtype=jnp.float32)
    edge_index = jax.random.randint(ks[1], (2, N_EDGES), 0, N_NODES, dtype=jnp.int32)
    W1 = jax.random.normal(ks[2], (IN_CH, HEADS * HIDDEN), dtype=jnp.float32) * 0.1
    att_src1 = jax.random.normal(ks[3], (1, HEADS, HIDDEN), dtype=jnp.float32) * 0.1
    att_dst1 = jax.random.normal(ks[4], (1, HEADS, HIDDEN), dtype=jnp.float32) * 0.1
    b1 = jnp.zeros((HEADS * HIDDEN,), dtype=jnp.float32)
    W2 = jax.random.normal(ks[5], (HEADS * HIDDEN, HEADS * HIDDEN), dtype=jnp.float32) * 0.1
    att_src2 = jax.random.normal(ks[6], (1, HEADS, HIDDEN), dtype=jnp.float32) * 0.1
    att_dst2 = jax.random.normal(ks[7], (1, HEADS, HIDDEN), dtype=jnp.float32) * 0.1
    b2 = jnp.zeros((HIDDEN,), dtype=jnp.float32)
    Wc = jax.random.normal(ks[8], (HIDDEN, OUT_CH), dtype=jnp.float32) * 0.1
    bc = jnp.zeros((OUT_CH,), dtype=jnp.float32)
    return {"x": x, "edge_index": edge_index, "W1": W1, "att_src1": att_src1,
            "att_dst1": att_dst1, "b1": b1, "W2": W2, "att_src2": att_src2,
            "att_dst2": att_dst2, "b2": b2, "Wc": Wc, "bc": bc}


def reference(x, edge_index, W1, att_src1, att_dst1, b1, W2, att_src2, att_dst2, b2, Wc, bc):
    h = gat_conv(x, edge_index, W1, att_src1, att_dst1, b1, HEADS, HIDDEN, True)
    h = jax.nn.elu(h)
    h = gat_conv(h, edge_index, W2, att_src2, att_dst2, b2, HEADS, HIDDEN, False)
    h = jax.nn.elu(h)
    out = h @ Wc + bc
    return out

if __name__ == "__main__":
    import jax
    _d = setup_inputs()
    print(jax.jit(kernel)(*tuple(_d.values())))

</pallas_src>

<mosaic_0001>
#map = affine_map<(d0, d1) -> (0, 0)>
#map1 = affine_map<(d0, d1) -> (0)>
#map2 = affine_map<(d0, d1) -> (0, 0, 0)>
module attributes {stable_mosaic.version = 14 : i64} {
  func.func @k(%arg0: i32, %arg1: i32, %arg2: memref<10240x128xf32, #tpu.memory_space<hbm>>, %arg3: memref<10240x16xf32, #tpu.memory_space<hbm>>, %arg4: memref<10240x16xf32, #tpu.memory_space<hbm>>, %arg5: memref<329728xi32, #tpu.memory_space<hbm>>, %arg6: memref<329728xi32, #tpu.memory_space<hbm>>, %arg7: memref<2x10240x128xf32, #tpu.memory_space<hbm>>, %arg8: memref<2x10240x16xf32, #tpu.memory_space<hbm>>, %arg9: memref<112xi32, #tpu.memory_space<vmem>>, %arg10: memref<112xi32, #tpu.memory_space<vmem>>, %arg11: memref<112xi32, #tpu.memory_space<vmem>>, %arg12: memref<112xi32, #tpu.memory_space<vmem>>, %arg13: memref<112xi32, #tpu.memory_space<vmem>>, %arg14: memref<112xi32, #tpu.memory_space<vmem>>, %arg15: memref<112xi32, #tpu.memory_space<vmem>>, %arg16: memref<112xi32, #tpu.memory_space<vmem>>, %arg17: memref<112x128xf32, #tpu.memory_space<vmem>>, %arg18: memref<112x128xf32, #tpu.memory_space<vmem>>, %arg19: memref<112x16xf32, #tpu.memory_space<vmem>>, %arg20: memref<112x16xf32, #tpu.memory_space<vmem>>, %arg21: memref<112x16xf32, #tpu.memory_space<vmem>>, %arg22: memref<112x16xf32, #tpu.memory_space<vmem>>, %arg23: memref<10240x128xf32, #tpu.memory_space<vmem_shared>>, %arg24: memref<10240x16xf32, #tpu.memory_space<vmem_shared>>, %arg25: memref<!tpu.dma_semaphore, #tpu.memory_space<semaphore_mem>>, %arg26: memref<!tpu.dma_semaphore, #tpu.memory_space<semaphore_mem>>, %arg27: memref<!tpu.dma_semaphore, #tpu.memory_space<semaphore_mem>>, %arg28: memref<!tpu.dma_semaphore, #tpu.memory_space<semaphore_mem>>, %arg29: memref<!tpu.dma_semaphore, #tpu.memory_space<semaphore_mem>>, %arg30: memref<!tpu.dma_semaphore, #tpu.memory_space<semaphore_mem>>, %arg31: memref<!tpu.dma_semaphore, #tpu.memory_space<semaphore_mem>>, %arg32: memref<!tpu.dma_semaphore, #tpu.memory_space<semaphore_mem>>) attributes {dimension_semantics = [#tpu.dimension_semantics<core_parallel>, #tpu.dimension_semantics<subcore_parallel>], iteration_bounds = array<i64: 2, 16>, scalar_prefetch = 0 : i64, scratch_operands = 24 : i64, tpu.core_type = #tpu.core_type<sc_vector_subcore>, window_params = [{transform_indices = #map}, {transform_indices = #map}, {transform_indices = #map}, {transform_indices = #map1}, {transform_indices = #map1}, {transform_indices = #map2}, {transform_indices = #map2}]} {
    %mul3A = arith.constant 2 : i32
    %mul3A_0 = arith.muli %arg1, %mul3A : i32
    %add3A = arith.addi %mul3A_0, %arg0 : i32
    %mul3A_1 = arith.constant 92 : i32
    %mul3A_2 = arith.muli %add3A, %mul3A_1 : i32
    %mul3A_3 = arith.constant 112 : i32
    %mul3A_4 = arith.muli %mul3A_2, %mul3A_3 : i32
    %broadcast_in_dim3A = arith.constant 0.000000e+00 : f32
    %broadcast_in_dim3A_5 = vector.broadcast %broadcast_in_dim3A : f32 to vector<16xf32>
    %scan3A = arith.constant 0 : i32
    %scan3A_6 = arith.constant 0 : i32
    %scan3A_7 = arith.constant 112 : i32
    %scan3A_8 = arith.addi %scan3A_6, %scan3A_7 : i32
    %scan3A_9 = arith.constant 1 : i32
    scf.for %scan3A_90 = %scan3A_6 to %scan3A_8 step %scan3A_9  : i32 {
      %swap3A = arith.index_cast %scan3A_90 : i32 to index
      %swap3A_91 = arith.constant 0 : index
      %swap3A_92 = tpu.vector_load %arg17[%swap3A, %swap3A_91] {strides = array<i32>} : memref<112x128xf32, #tpu.memory_space<vmem>>, vector<1x16xf32>,
      %swap3A_93 = vector.shape_cast %swap3A_92 : vector<1x16xf32> to vector<16xf32>
      %swap3A_94 = vector.shape_cast %broadcast_in_dim3A_5 : vector<16xf32> to vector<1x16xf32>
      tpu.vector_store %arg17[%swap3A, %swap3A_91], %swap3A_94 {strides = array<i32>} : memref<112x128xf32, #tpu.memory_space<vmem>>, vector<1x16xf32>,
      %swap3A_95 = arith.index_cast %scan3A_90 : i32 to index
      %swap3A_96 = arith.constant 0 : index
      %swap3A_97 = tpu.vector_load %arg18[%swap3A_95, %swap3A_96] {strides = array<i32>} : memref<112x128xf32, #tpu.memory_space<vmem>>, vector<1x16xf32>,
      %swap3A_98 = vector.shape_cast %swap3A_97 : vector<1x16xf32> to vector<16xf32>
      %swap3A_99 = vector.shape_cast %broadcast_in_dim3A_5 : vector<16xf32> to vector<1x16xf32>
      tpu.vector_store %arg18[%swap3A_95, %swap3A_96], %swap3A_99 {strides = array<i32>} : memref<112x128xf32, #tpu.memory_space<vmem>>, vector<1x16xf32>,
      %swap3A_100 = arith.index_cast %scan3A_90 : i32 to index
      %swap3A_101 = arith.constant 16 : index
      %swap3A_102 = tpu.vector_load %arg17[%swap3A_100, %swap3A_101] {strides = array<i32>} : memref<112x128xf32, #tpu.memory_space<vmem>>, vector<1x16xf32>,
      %swap3A_103 = vector.shape_cast %swap3A_102 : vector<1x16xf32> to vector<16xf32>
      %swap3A_104 = vector.shape_cast %broadcast_in_dim3A_5 : vector<16xf32> to vector<1x16xf32>
      tpu.vector_store %arg17[%swap3A_100, %swap3A_101], %swap3A_104 {strides = array<i32>} : memref<112x128xf32, #tpu.memory_space<vmem>>, vector<1x16xf32>,
      %swap3A_105 = arith.index_cast %scan3A_90 : i32 to index
      %swap3A_106 = arith.constant 16 : index
      %swap3A_107 = tpu.vector_load %arg18[%swap3A_105, %swap3A_106] {strides = array<i32>} : memref<112x128xf32, #tpu.memory_space<vmem>>, vector<1x16xf32>,
      %swap3A_108 = vector.shape_cast %swap3A_107 : vector<1x16xf32> to vector<16xf32>
      %swap3A_109 = vector.shape_cast %broadcast_in_dim3A_5 : vector<16xf32> to vector<1x16xf32>
      tpu.vector_store %arg18[%swap3A_105, %swap3A_106], %swap3A_109 {strides = array<i32>} : memref<112x128xf32, #tpu.memory_space<vmem>>, vector<1x16xf32>,
      %swap3A_110 = arith.index_cast %scan3A_90 : i32 to index
      %swap3A_111 = arith.constant 32 : index
      %swap3A_112 = tpu.vector_load %arg17[%swap3A_110, %swap3A_111] {strides = array<i32>} : memref<112x128xf32, #tpu.memory_space<vmem>>, vector<1x16xf32>,
      %swap3A_113 = vector.shape_cast %swap3A_112 : vector<1x16xf32> to vector<16xf32>
      %swap3A_114 = vector.shape_cast %broadcast_in_dim3A_5 : vector<16xf32> to vector<1x16xf32>
      tpu.vector_store %arg17[%swap3A_110, %swap3A_111], %swap3A_114 {strides = array<i32>} : memref<112x128xf32, #tpu.memory_space<vmem>>, vector<1x16xf32>,
      %swap3A_115 = arith.index_cast %scan3A_90 : i32 to index
      %swap3A_116 = arith.constant 32 : index
      %swap3A_117 = tpu.vector_load %arg18[%swap3A_115, %swap3A_116] {strides = array<i32>} : memref<112x128xf32, #tpu.memory_space<vmem>>, vector<1x16xf32>,
      %swap3A_118 = vector.shape_cast %swap3A_117 : vector<1x16xf32> to vector<16xf32>
      %swap3A_119 = vector.shape_cast %broadcast_in_dim3A_5 : vector<16xf32> to vector<1x16xf32>
      tpu.vector_store %arg18[%swap3A_115, %swap3A_116], %swap3A_119 {strides = array<i32>} : memref<112x128xf32, #tpu.memory_space<vmem>>, vector<1x16xf32>,
      %swap3A_120 = arith.index_cast %scan3A_90 : i32 to index
      %swap3A_121 = arith.constant 48 : index
      %swap3A_122 = tpu.vector_load %arg17[%swap3A_120, %swap3A_121] {strides = array<i32>} : memref<112x128xf32, #tpu.memory_space<vmem>>, vector<1x16xf32>,
      %swap3A_123 = vector.shape_cast %swap3A_122 : vector<1x16xf32> to vector<16xf32>
      %swap3A_124 = vector.shape_cast %broadcast_in_dim3A_5 : vector<16xf32> to vector<1x16xf32>
      tpu.vector_store %arg17[%swap3A_120, %swap3A_121], %swap3A_124 {strides = array<i32>} : memref<112x128xf32, #tpu.memory_space<vmem>>, vector<1x16xf32>,
      %swap3A_125 = arith.index_cast %scan3A_90 : i32 to index
      %swap3A_126 = arith.constant 48 : index
      %swap3A_127 = tpu.vector_load %arg18[%swap3A_125, %swap3A_126] {strides = array<i32>} : memref<112x128xf32, #tpu.memory_space<vmem>>, vector<1x16xf32>,
      %swap3A_128 = vector.shape_cast %swap3A_127 : vector<1x16xf32> to vector<16xf32>
      %swap3A_129 = vector.shape_cast %broadcast_in_dim3A_5 : vector<16xf32> to vector<1x16xf32>
      tpu.vector_store %arg18[%swap3A_125, %swap3A_126], %swap3A_129 {strides = array<i32>} : memref<112x128xf32, #tpu.memory_space<vmem>>, vector<1x16xf32>,
      %swap3A_130 = arith.index_cast %scan3A_90 : i32 to index
      %swap3A_131 = arith.constant 64 : index
      %swap3A_132 = tpu.vector_load %arg17[%swap3A_130, %swap3A_131] {strides = array<i32>} : memref<112x128xf32, #tpu.memory_space<vmem>>, vector<1x16xf32>,
      %swap3A_133 = vector.shape_cast %swap3A_132 : vector<1x16xf32> to vector<16xf32>
      %swap3A_134 = vector.shape_cast %broadcast_in_dim3A_5 : vector<16xf32> to vector<1x16xf32>
      tpu.vector_store %arg17[%swap3A_130, %swap3A_131], %swap3A_134 {strides = array<i32>} : memref<112x128xf32, #tpu.memory_space<vmem>>, vector<1x16xf32>,
      %swap3A_135 = arith.index_cast %scan3A_90 : i32 to index
      %swap3A_136 = arith.constant 64 : index
      %swap3A_137 = tpu.vector_load %arg18[%swap3A_135, %swap3A_136] {strides = array<i32>} : memref<112x128xf32, #tpu.memory_space<vmem>>, vector<1x16xf32>,
      %swap3A_138 = vector.shape_cast %swap3A_137 : vector<1x16xf32> to vector<16xf32>
      %swap3A_139 = vector.shape_cast %broadcast_in_dim3A_5 : vector<16xf32> to vector<1x16xf32>
      tpu.vector_store %arg18[%swap3A_135, %swap3A_136], %swap3A_139 {strides = array<i32>} : memref<112x128xf32, #tpu.memory_space<vmem>>, vector<1x16xf32>,
      %swap3A_140 = arith.index_cast %scan3A_90 : i32 to index
      %swap3A_141 = arith.constant 80 : index
      %swap3A_142 = tpu.vector_load %arg17[%swap3A_140, %swap3A_141] {strides = array<i32>} : memref<112x128xf32, #tpu.memory_space<vmem>>, vector<1x16xf32>,
      %swap3A_143 = vector.shape_cast %swap3A_142 : vector<1x16xf32> to vector<16xf32>
      %swap3A_144 = vector.shape_cast %broadcast_in_dim3A_5 : vector<16xf32> to vector<1x16xf32>
      tpu.vector_store %arg17[%swap3A_140, %swap3A_141], %swap3A_144 {strides = array<i32>} : memref<112x128xf32, #tpu.memory_space<vmem>>, vector<1x16xf32>,
      %swap3A_145 = arith.index_cast %scan3A_90 : i32 to index
      %swap3A_146 = arith.constant 80 : index
      %swap3A_147 = tpu.vector_load %arg18[%swap3A_145, %swap3A_146] {strides = array<i32>} : memref<112x128xf32, #tpu.memory_space<vmem>>, vector<1x16xf32>,
      %swap3A_148 = vector.shape_cast %swap3A_147 : vector<1x16xf32> to vector<16xf32>
      %swap3A_149 = vector.shape_cast %broadcast_in_dim3A_5 : vector<16xf32> to vector<1x16xf32>
      tpu.vector_store %arg18[%swap3A_145, %swap3A_146], %swap3A_149 {strides = array<i32>} : memref<112x128xf32, #tpu.memory_space<vmem>>, vector<1x16xf32>,
      %swap3A_150 = arith.index_cast %scan3A_90 : i32 to index
      %swap3A_151 = arith.constant 96 : index
      %swap3A_152 = tpu.vector_load %arg17[%swap3A_150, %swap3A_151] {strides = array<i32>} : memref<112x128xf32, #tpu.memory_space<vmem>>, vector<1x16xf32>,
      %swap3A_153 = vector.shape_cast %swap3A_152 : vector<1x16xf32> to vector<16xf32>
      %swap3A_154 = vector.shape_cast %broadcast_in_dim3A_5 : vector<16xf32> to vector<1x16xf32>
      tpu.vector_store %arg17[%swap3A_150, %swap3A_151], %swap3A_154 {strides = array<i32>} : memref<112x128xf32, #tpu.memory_space<vmem>>, vector<1x16xf32>,
      %swap3A_155 = arith.index_cast %scan3A_90 : i32 to index
      %swap3A_156 = arith.constant 96 : index
      %swap3A_157 = tpu.vector_load %arg18[%swap3A_155, %swap3A_156] {strides = array<i32>} : memref<112x128xf32, #tpu.memory_space<vmem>>, vector<1x16xf32>,
      %swap3A_158 = vector.shape_cast %swap3A_157 : vector<1x16xf32> to vector<16xf32>
      %swap3A_159 = vector.shape_cast %broadcast_in_dim3A_5 : vector<16xf32> to vector<1x16xf32>
      tpu.vector_store %arg18[%swap3A_155, %swap3A_156], %swap3A_159 {strides = array<i32>} : memref<112x128xf32, #tpu.memory_space<vmem>>, vector<1x16xf32>,
      %swap3A_160 = arith.index_cast %scan3A_90 : i32 to index
      %swap3A_161 = arith.constant 112 : index
      %swap3A_162 = tpu.vector_load %arg17[%swap3A_160, %swap3A_161] {strides = array<i32>} : memref<112x128xf32, #tpu.memory_space<vmem>>, vector<1x16xf32>,
      %swap3A_163 = vector.shape_cast %swap3A_162 : vector<1x16xf32> to vector<16xf32>
      %swap3A_164 = vector.shape_cast %broadcast_in_dim3A_5 : vector<16xf32> to vector<1x16xf32>
      tpu.vector_store %arg17[%swap3A_160, %swap3A_161], %swap3A_164 {strides = array<i32>} : memref<112x128xf32, #tpu.memory_space<vmem>>, vector<1x16xf32>,
      %swap3A_165 = arith.index_cast %scan3A_90 : i32 to index
      %swap3A_166 = arith.constant 112 : index
      %swap3A_167 = tpu.vector_load %arg18[%swap3A_165, %swap3A_166] {strides = array<i32>} : memref<112x128xf32, #tpu.memory_space<vmem>>, vector<1x16xf32>,
      %swap3A_168 = vector.shape_cast %swap3A_167 : vector<1x16xf32> to vector<16xf32>
      %swap3A_169 = vector.shape_cast %broadcast_in_dim3A_5 : vector<16xf32> to vector<1x16xf32>
      tpu.vector_store %arg18[%swap3A_165, %swap3A_166], %swap3A_169 {strides = array<i32>} : memref<112x128xf32, #tpu.memory_space<vmem>>, vector<1x16xf32>,
      %swap3A_170 = arith.index_cast %scan3A_90 : i32 to index
      %swap3A_171 = arith.constant 0 : index
      %swap3A_172 = tpu.vector_load %arg19[%swap3A_170, %swap3A_171] {strides = array<i32>} : memref<112x16xf32, #tpu.memory_space<vmem>>, vector<1x16xf32>,
      %swap3A_173 = vector.shape_cast %swap3A_172 : vector<1x16xf32> to vector<16xf32>
      %swap3A_174 = vector.shape_cast %broadcast_in_dim3A_5 : vector<16xf32> to vector<1x16xf32>
      tpu.vector_store %arg19[%swap3A_170, %swap3A_171], %swap3A_174 {strides = array<i32>} : memref<112x16xf32, #tpu.memory_space<vmem>>, vector<1x16xf32>,
      %swap3A_175 = arith.index_cast %scan3A_90 : i32 to index
      %swap3A_176 = arith.constant 0 : index
      %swap3A_177 = tpu.vector_load %arg20[%swap3A_175, %swap3A_176] {strides = array<i32>} : memref<112x16xf32, #tpu.memory_space<vmem>>, vector<1x16xf32>,
      %swap3A_178 = vector.shape_cast %swap3A_177 : vector<1x16xf32> to vector<16xf32>
      %swap3A_179 = vector.shape_cast %broadcast_in_dim3A_5 : vector<16xf32> to vector<1x16xf32>
      tpu.vector_store %arg20[%swap3A_175, %swap3A_176], %swap3A_179 {strides = array<i32>} : memref<112x16xf32, #tpu.memory_space<vmem>>, vector<1x16xf32>,
    }
    %scan3A_10 = arith.constant 112 : i32
    %mul3A_11 = arith.constant 640 : i32
    %mul3A_12 = arith.muli %arg1, %mul3A_11 : i32
    %add3A_13 = arith.constant 0 : i32
    %add3A_14 = arith.addi %mul3A_12, %add3A_13 : i32
    "tpu.region"() ({
      %run_scoped3A = tpu.sem_alloc : memref<!tpu.dma_semaphore, #tpu.memory_space<semaphore_mem>>
      %dma_start3A_90 = arith.constant 0 : i32
      %dma_start3A_91 = tpu.memref_slice %arg23[%add3A_14, %dma_start3A_90] : memref<10240x128xf32, #tpu.memory_space<vmem_shared>> -> memref<112x128xf32, #tpu.memory_space<vmem_shared>>
      %dma_start3A_92 = arith.constant 0 : i32
      %dma_start3A_93 = tpu.memref_slice %arg23[%add3A_14, %dma_start3A_92] : memref<10240x128xf32, #tpu.memory_space<vmem_shared>> -> memref<112x128xf32, #tpu.memory_space<vmem_shared>>
      tpu.enqueue_dma source(%arg17 : memref<112x128xf32, #tpu.memory_space<vmem>>) target(%dma_start3A_93 : memref<112x128xf32, #tpu.memory_space<vmem_shared>>) target_semaphore(%run_scoped3A : memref<!tpu.dma_semaphore, #tpu.memory_space<semaphore_mem>>)
      %dma_wait3A_94 = arith.constant 0 : i32
      %dma_wait3A_95 = tpu.memref_slice %arg23[%add3A_14, %dma_wait3A_94] : memref<10240x128xf32, #tpu.memory_space<vmem_shared>> -> memref<112x128xf32, #tpu.memory_space<vmem_shared>>
      %dma_wait3A_96 = arith.constant 0 : i32
      %dma_wait3A_97 = tpu.memref_slice %arg23[%add3A_14, %dma_wait3A_96] : memref<10240x128xf32, #tpu.memory_space<vmem_shared>> -> memref<112x128xf32, #tpu.memory_space<vmem_shared>>
      tpu.wait_dma2 semaphore(%run_scoped3A : memref<!tpu.dma_semaphore, #tpu.memory_space<semaphore_mem>>) src(%arg17 : memref<112x128xf32, #tpu.memory_space<vmem>>) dst(%dma_wait3A_97 : memref<112x128xf32, #tpu.memory_space<vmem_shared>>)
      tpu.yield
    }) : () -> ()
    "tpu.region"() ({
      %run_scoped3A = tpu.sem_alloc : memref<!tpu.dma_semaphore, #tpu.memory_space<semaphore_mem>>
      %dma_start3A_90 = arith.constant 0 : i32
      %dma_start3A_91 = tpu.memref_slice %arg24[%add3A_14, %dma_start3A_90] : memref<10240x16xf32, #tpu.memory_space<vmem_shared>> -> memref<112x16xf32, #tpu.memory_space<vmem_shared>>
      %dma_start3A_92 = arith.constant 0 : i32
      %dma_start3A_93 = tpu.memref_slice %arg24[%add3A_14, %dma_start3A_92] : memref<10240x16xf32, #tpu.memory_space<vmem_shared>> -> memref<112x16xf32, #tpu.memory_space<vmem_shared>>
      tpu.enqueue_dma source(%arg19 : memref<112x16xf32, #tpu.memory_space<vmem>>) target(%dma_start3A_93 : memref<112x16xf32, #tpu.memory_space<vmem_shared>>) target_semaphore(%run_scoped3A : memref<!tpu.dma_semaphore, #tpu.memory_space<semaphore_mem>>)
      %dma_wait3A_94 = arith.constant 0 : i32
      %dma_wait3A_95 = tpu.memref_slice %arg24[%add3A_14, %dma_wait3A_94] : memref<10240x16xf32, #tpu.memory_space<vmem_shared>> -> memref<112x16xf32, #tpu.memory_space<vmem_shared>>
      %dma_wait3A_96 = arith.constant 0 : i32
      %dma_wait3A_97 = tpu.memref_slice %arg24[%add3A_14, %dma_wait3A_96] : memref<10240x16xf32, #tpu.memory_space<vmem_shared>> -> memref<112x16xf32, #tpu.memory_space<vmem_shared>>
      tpu.wait_dma2 semaphore(%run_scoped3A : memref<!tpu.dma_semaphore, #tpu.memory_space<semaphore_mem>>) src(%arg19 : memref<112x16xf32, #tpu.memory_space<vmem>>) dst(%dma_wait3A_97 : memref<112x16xf32, #tpu.memory_space<vmem_shared>>)
      tpu.yield
    }) : () -> ()
    %mul3A_15 = arith.constant 640 : i32
    %mul3A_16 = arith.muli %arg1, %mul3A_15 : i32
    %add3A_17 = arith.constant 112 : i32
    %add3A_18 = arith.addi %mul3A_16, %add3A_17 : i32
    "tpu.region"() ({
      %run_scoped3A = tpu.sem_alloc : memref<!tpu.dma_semaphore, #tpu.memory_space<semaphore_mem>>
      %dma_start3A_90 = arith.constant 0 : i32
      %dma_start3A_91 = tpu.memref_slice %arg23[%add3A_18, %dma_start3A_90] : memref<10240x128xf32, #tpu.memory_space<vmem_shared>> -> memref<112x128xf32, #tpu.memory_space<vmem_shared>>
      %dma_start3A_92 = arith.constant 0 : i32
      %dma_start3A_93 = tpu.memref_slice %arg23[%add3A_18, %dma_start3A_92] : memref<10240x128xf32, #tpu.memory_space<vmem_shared>> -> memref<112x128xf32, #tpu.memory_space<vmem_shared>>
      tpu.enqueue_dma source(%arg17 : memref<112x128xf32, #tpu.memory_space<vmem>>) target(%dma_start3A_93 : memref<112x128xf32, #tpu.memory_space<vmem_shared>>) target_semaphore(%run_scoped3A : memref<!tpu.dma_semaphore, #tpu.memory_space<semaphore_mem>>)
      %dma_wait3A_94 = arith.constant 0 : i32
      %dma_wait3A_95 = tpu.memref_slice %arg23[%add3A_18, %dma_wait3A_94] : memref<10240x128xf32, #tpu.memory_space<vmem_shared>> -> memref<112x128xf32, #tpu.memory_space<vmem_shared>>
      %dma_wait3A_96 = arith.constant 0 : i32
      %dma_wait3A_97 = tpu.memref_slice %arg23[%add3A_18, %dma_wait3A_96] : memref<10240x128xf32, #tpu.memory_space<vmem_shared>> -> memref<112x128xf32, #tpu.memory_space<vmem_shared>>
      tpu.wait_dma2 semaphore(%run_scoped3A : memref<!tpu.dma_semaphore, #tpu.memory_space<semaphore_mem>>) src(%arg17 : memref<112x128xf32, #tpu.memory_space<vmem>>) dst(%dma_wait3A_97 : memref<112x128xf32, #tpu.memory_space<vmem_shared>>)
      tpu.yield
    }) : () -> ()
    "tpu.region"() ({
      %run_scoped3A = tpu.sem_alloc : memref<!tpu.dma_semaphore, #tpu.memory_space<semaphore_mem>>
      %dma_start3A_90 = arith.constant 0 : i32
      %dma_start3A_91 = tpu.memref_slice %arg24[%add3A_18, %dma_start3A_90] : memref<10240x16xf32, #tpu.memory_space<vmem_shared>> -> memref<112x16xf32, #tpu.memory_space<vmem_shared>>
      %dma_start3A_92 = arith.constant 0 : i32
      %dma_start3A_93 = tpu.memref_slice %arg24[%add3A_18, %dma_start3A_92] : memref<10240x16xf32, #tpu.memory_space<vmem_shared>> -> memref<112x16xf32, #tpu.memory_space<vmem_shared>>
      tpu.enqueue_dma source(%arg19 : memref<112x16xf32, #tpu.memory_space<vmem>>) target(%dma_start3A_93 : memref<112x16xf32, #tpu.memory_space<vmem_shared>>) target_semaphore(%run_scoped3A : memref<!tpu.dma_semaphore, #tpu.memory_space<semaphore_mem>>)
      %dma_wait3A_94 = arith.constant 0 : i32
      %dma_wait3A_95 = tpu.memref_slice %arg24[%add3A_18, %dma_wait3A_94] : memref<10240x16xf32, #tpu.memory_space<vmem_shared>> -> memref<112x16xf32, #tpu.memory_space<vmem_shared>>
      %dma_wait3A_96 = arith.constant 0 : i32
      %dma_wait3A_97 = tpu.memref_slice %arg24[%add3A_18, %dma_wait3A_96] : memref<10240x16xf32, #tpu.memory_space<vmem_shared>> -> memref<112x16xf32, #tpu.memory_space<vmem_shared>>
      tpu.wait_dma2 semaphore(%run_scoped3A : memref<!tpu.dma_semaphore, #tpu.memory_space<semaphore_mem>>) src(%arg19 : memref<112x16xf32, #tpu.memory_space<vmem>>) dst(%dma_wait3A_97 : memref<112x16xf32, #tpu.memory_space<vmem_shared>>)
      tpu.yield
    }) : () -> ()
    %mul3A_19 = arith.constant 640 : i32
    %mul3A_20 = arith.muli %arg1, %mul3A_19 : i32
    %add3A_21 = arith.constant 224 : i32
    %add3A_22 = arith.addi %mul3A_20, %add3A_21 : i32
    "tpu.region"() ({
      %run_scoped3A = tpu.sem_alloc : memref<!tpu.dma_semaphore, #tpu.memory_space<semaphore_mem>>
      %dma_start3A_90 = arith.constant 0 : i32
      %dma_start3A_91 = tpu.memref_slice %arg23[%add3A_22, %dma_start3A_90] : memref<10240x128xf32, #tpu.memory_space<vmem_shared>> -> memref<112x128xf32, #tpu.memory_space<vmem_shared>>
      %dma_start3A_92 = arith.constant 0 : i32
      %dma_start3A_93 = tpu.memref_slice %arg23[%add3A_22, %dma_start3A_92] : memref<10240x128xf32, #tpu.memory_space<vmem_shared>> -> memref<112x128xf32, #tpu.memory_space<vmem_shared>>
      tpu.enqueue_dma source(%arg17 : memref<112x128xf32, #tpu.memory_space<vmem>>) target(%dma_start3A_93 : memref<112x128xf32, #tpu.memory_space<vmem_shared>>) target_semaphore(%run_scoped3A : memref<!tpu.dma_semaphore, #tpu.memory_space<semaphore_mem>>)
      %dma_wait3A_94 = arith.constant 0 : i32
      %dma_wait3A_95 = tpu.memref_slice %arg23[%add3A_22, %dma_wait3A_94] : memref<10240x128xf32, #tpu.memory_space<vmem_shared>> -> memref<112x128xf32, #tpu.memory_space<vmem_shared>>
      %dma_wait3A_96 = arith.constant 0 : i32
      %dma_wait3A_97 = tpu.memref_slice %arg23[%add3A_22, %dma_wait3A_96] : memref<10240x128xf32, #tpu.memory_space<vmem_shared>> -> memref<112x128xf32, #tpu.memory_space<vmem_shared>>
      tpu.wait_dma2 semaphore(%run_scoped3A : memref<!tpu.dma_semaphore, #tpu.memory_space<semaphore_mem>>) src(%arg17 : memref<112x128xf32, #tpu.memory_space<vmem>>) dst(%dma_wait3A_97 : memref<112x128xf32, #tpu.memory_space<vmem_shared>>)
      tpu.yield
    }) : () -> ()
    "tpu.region"() ({
      %run_scoped3A = tpu.sem_alloc : memref<!tpu.dma_semaphore, #tpu.memory_space<semaphore_mem>>
      %dma_start3A_90 = arith.constant 0 : i32
      %dma_start3A_91 = tpu.memref_slice %arg24[%add3A_22, %dma_start3A_90] : memref<10240x16xf32, #tpu.memory_space<vmem_shared>> -> memref<112x16xf32, #tpu.memory_space<vmem_shared>>
      %dma_start3A_92 = arith.constant 0 : i32
      %dma_start3A_93 = tpu.memref_slice %arg24[%add3A_22, %dma_start3A_92] : memref<10240x16xf32, #tpu.memory_space<vmem_shared>> -> memref<112x16xf32, #tpu.memory_space<vmem_shared>>
      tpu.enqueue_dma source(%arg19 : memref<112x16xf32, #tpu.memory_space<vmem>>) target(%dma_start3A_93 : memref<112x16xf32, #tpu.memory_space<vmem_shared>>) target_semaphore(%run_scoped3A : memref<!tpu.dma_semaphore, #tpu.memory_space<semaphore_mem>>)
      %dma_wait3A_94 = arith.constant 0 : i32
      %dma_wait3A_95 = tpu.memref_slice %arg24[%add3A_22, %dma_wait3A_94] : memref<10240x16xf32, #tpu.memory_space<vmem_shared>> -> memref<112x16xf32, #tpu.memory_space<vmem_shared>>
      %dma_wait3A_96 = arith.constant 0 : i32
      %dma_wait3A_97 = tpu.memref_slice %arg24[%add3A_22, %dma_wait3A_96] : memref<10240x16xf32, #tpu.memory_space<vmem_shared>> -> memref<112x16xf32, #tpu.memory_space<vmem_shared>>
      tpu.wait_dma2 semaphore(%run_scoped3A : memref<!tpu.dma_semaphore, #tpu.memory_space<semaphore_mem>>) src(%arg19 : memref<112x16xf32, #tpu.memory_space<vmem>>) dst(%dma_wait3A_97 : memref<112x16xf32, #tpu.memory_space<vmem_shared>>)
      tpu.yield
    }) : () -> ()
    %mul3A_23 = arith.constant 640 : i32
    %mul3A_24 = arith.muli %arg1, %mul3A_23 : i32
    %add3A_25 = arith.constant 336 : i32
    %add3A_26 = arith.addi %mul3A_24, %add3A_25 : i32
    "tpu.region"() ({
      %run_scoped3A = tpu.sem_alloc : memref<!tpu.dma_semaphore, #tpu.memory_space<semaphore_mem>>
      %dma_start3A_90 = arith.constant 0 : i32
      %dma_start3A_91 = tpu.memref_slice %arg23[%add3A_26, %dma_start3A_90] : memref<10240x128xf32, #tpu.memory_space<vmem_shared>> -> memref<112x128xf32, #tpu.memory_space<vmem_shared>>
      %dma_start3A_92 = arith.constant 0 : i32
      %dma_start3A_93 = tpu.memref_slice %arg23[%add3A_26, %dma_start3A_92] : memref<10240x128xf32, #tpu.memory_space<vmem_shared>> -> memref<112x128xf32, #tpu.memory_space<vmem_shared>>
      tpu.enqueue_dma source(%arg17 : memref<112x128xf32, #tpu.memory_space<vmem>>) target(%dma_start3A_93 : memref<112x128xf32, #tpu.memory_space<vmem_shared>>) target_semaphore(%run_scoped3A : memref<!tpu.dma_semaphore, #tpu.memory_space<semaphore_mem>>)
      %dma_wait3A_94 = arith.constant 0 : i32
      %dma_wait3A_95 = tpu.memref_slice %arg23[%add3A_26, %dma_wait3A_94] : memref<10240x128xf32, #tpu.memory_space<vmem_shared>> -> memref<112x128xf32, #tpu.memory_space<vmem_shared>>
      %dma_wait3A_96 = arith.constant 0 : i32
      %dma_wait3A_97 = tpu.memref_slice %arg23[%add3A_26, %dma_wait3A_96] : memref<10240x128xf32, #tpu.memory_space<vmem_shared>> -> memref<112x128xf32, #tpu.memory_space<vmem_shared>>
      tpu.wait_dma2 semaphore(%run_scoped3A : memref<!tpu.dma_semaphore, #tpu.memory_space<semaphore_mem>>) src(%arg17 : memref<112x128xf32, #tpu.memory_space<vmem>>) dst(%dma_wait3A_97 : memref<112x128xf32, #tpu.memory_space<vmem_shared>>)
      tpu.yield
    }) : () -> ()
    "tpu.region"() ({
      %run_scoped3A = tpu.sem_alloc : memref<!tpu.dma_semaphore, #tpu.memory_space<semaphore_mem>>
      %dma_start3A_90 = arith.constant 0 : i32
      %dma_start3A_91 = tpu.memref_slice %arg24[%add3A_26, %dma_start3A_90] : memref<10240x16xf32, #tpu.memory_space<vmem_shared>> -> memref<112x16xf32, #tpu.memory_space<vmem_shared>>
      %dma_start3A_92 = arith.constant 0 : i32
      %dma_start3A_93 = tpu.memref_slice %arg24[%add3A_26, %dma_start3A_92] : memref<10240x16xf32, #tpu.memory_space<vmem_shared>> -> memref<112x16xf32, #tpu.memory_space<vmem_shared>>
      tpu.enqueue_dma source(%arg19 : memref<112x16xf32, #tpu.memory_space<vmem>>) target(%dma_start3A_93 : memref<112x16xf32, #tpu.memory_space<vmem_shared>>) target_semaphore(%run_scoped3A : memref<!tpu.dma_semaphore, #tpu.memory_space<semaphore_mem>>)
      %dma_wait3A_94 = arith.constant 0 : i32
      %dma_wait3A_95 = tpu.memref_slice %arg24[%add3A_26, %dma_wait3A_94] : memref<10240x16xf32, #tpu.memory_space<vmem_shared>> -> memref<112x16xf32, #tpu.memory_space<vmem_shared>>
      %dma_wait3A_96 = arith.constant 0 : i32
      %dma_wait3A_97 = tpu.memref_slice %arg24[%add3A_26, %dma_wait3A_96] : memref<10240x16xf32, #tpu.memory_space<vmem_shared>> -> memref<112x16xf32, #tpu.memory_space<vmem_shared>>
      tpu.wait_dma2 semaphore(%run_scoped3A : memref<!tpu.dma_semaphore, #tpu.memory_space<semaphore_mem>>) src(%arg19 : memref<112x16xf32, #tpu.memory_space<vmem>>) dst(%dma_wait3A_97 : memref<112x16xf32, #tpu.memory_space<vmem_shared>>)
      tpu.yield
    }) : () -> ()
    %mul3A_27 = arith.constant 640 : i32
    %mul3A_28 = arith.muli %arg1, %mul3A_27 : i32
    %add3A_29 = arith.constant 448 : i32
    %add3A_30 = arith.addi %mul3A_28, %add3A_29 : i32
    "tpu.region"() ({
      %run_scoped3A = tpu.sem_alloc : memref<!tpu.dma_semaphore, #tpu.memory_space<semaphore_mem>>
      %dma_start3A_90 = arith.constant 0 : i32
      %dma_start3A_91 = tpu.memref_slice %arg23[%add3A_30, %dma_start3A_90] : memref<10240x128xf32, #tpu.memory_space<vmem_shared>> -> memref<112x128xf32, #tpu.memory_space<vmem_shared>>
      %dma_start3A_92 = arith.constant 0 : i32
      %dma_start3A_93 = tpu.memref_slice %arg23[%add3A_30, %dma_start3A_92] : memref<10240x128xf32, #tpu.memory_space<vmem_shared>> -> memref<112x128xf32, #tpu.memory_space<vmem_shared>>
      tpu.enqueue_dma source(%arg17 : memref<112x128xf32, #tpu.memory_space<vmem>>) target(%dma_start3A_93 : memref<112x128xf32, #tpu.memory_space<vmem_shared>>) target_semaphore(%run_scoped3A : memref<!tpu.dma_semaphore, #tpu.memory_space<semaphore_mem>>)
      %dma_wait3A_94 = arith.constant 0 : i32
      %dma_wait3A_95 = tpu.memref_slice %arg23[%add3A_30, %dma_wait3A_94] : memref<10240x128xf32, #tpu.memory_space<vmem_shared>> -> memref<112x128xf32, #tpu.memory_space<vmem_shared>>
      %dma_wait3A_96 = arith.constant 0 : i32
      %dma_wait3A_97 = tpu.memref_slice %arg23[%add3A_30, %dma_wait3A_96] : memref<10240x128xf32, #tpu.memory_space<vmem_shared>> -> memref<112x128xf32, #tpu.memory_space<vmem_shared>>
      tpu.wait_dma2 semaphore(%run_scoped3A : memref<!tpu.dma_semaphore, #tpu.memory_space<semaphore_mem>>) src(%arg17 : memref<112x128xf32, #tpu.memory_space<vmem>>) dst(%dma_wait3A_97 : memref<112x128xf32, #tpu.memory_space<vmem_shared>>)
      tpu.yield
    }) : () -> ()
    "tpu.region"() ({
      %run_scoped3A = tpu.sem_alloc : memref<!tpu.dma_semaphore, #tpu.memory_space<semaphore_mem>>
      %dma_start3A_90 = arith.constant 0 : i32
      %dma_start3A_91 = tpu.memref_slice %arg24[%add3A_30, %dma_start3A_90] : memref<10240x16xf32, #tpu.memory_space<vmem_shared>> -> memref<112x16xf32, #tpu.memory_space<vmem_shared>>
      %dma_start3A_92 = arith.constant 0 : i32
      %dma_start3A_93 = tpu.memref_slice %arg24[%add3A_30, %dma_start3A_92] : memref<10240x16xf32, #tpu.memory_space<vmem_shared>> -> memref<112x16xf32, #tpu.memory_space<vmem_shared>>
      tpu.enqueue_dma source(%arg19 : memref<112x16xf32, #tpu.memory_space<vmem>>) target(%dma_start3A_93 : memref<112x16xf32, #tpu.memory_space<vmem_shared>>) target_semaphore(%run_scoped3A : memref<!tpu.dma_semaphore, #tpu.memory_space<semaphore_mem>>)
      %dma_wait3A_94 = arith.constant 0 : i32
      %dma_wait3A_95 = tpu.memref_slice %arg24[%add3A_30, %dma_wait3A_94] : memref<10240x16xf32, #tpu.memory_space<vmem_shared>> -> memref<112x16xf32, #tpu.memory_space<vmem_shared>>
      %dma_wait3A_96 = arith.constant 0 : i32
      %dma_wait3A_97 = tpu.memref_slice %arg24[%add3A_30, %dma_wait3A_96] : memref<10240x16xf32, #tpu.memory_space<vmem_shared>> -> memref<112x16xf32, #tpu.memory_space<vmem_shared>>
      tpu.wait_dma2 semaphore(%run_scoped3A : memref<!tpu.dma_semaphore, #tpu.memory_space<semaphore_mem>>) src(%arg19 : memref<112x16xf32, #tpu.memory_space<vmem>>) dst(%dma_wait3A_97 : memref<112x16xf32, #tpu.memory_space<vmem_shared>>)
      tpu.yield
    }) : () -> ()
    %mul3A_31 = arith.constant 640 : i32
    %mul3A_32 = arith.muli %arg1, %mul3A_31 : i32
    %add3A_33 = arith.constant 560 : i32
    %add3A_34 = arith.addi %mul3A_32, %add3A_33 : i32
    "tpu.region"() ({
      %run_scoped3A = tpu.sem_alloc : memref<!tpu.dma_semaphore, #tpu.memory_space<semaphore_mem>>
      %dma_start3A_90 = arith.constant 0 : i32
      %dma_start3A_91 = arith.constant 0 : i32
      %dma_start3A_92 = tpu.memref_slice %arg17[%dma_start3A_90, %dma_start3A_91] : memref<112x128xf32, #tpu.memory_space<vmem>> -> memref<80x128xf32, #tpu.memory_space<vmem>>
      %dma_start3A_93 = arith.constant 0 : i32
      %dma_start3A_94 = tpu.memref_slice %arg23[%add3A_34, %dma_start3A_93] : memref<10240x128xf32, #tpu.memory_space<vmem_shared>> -> memref<80x128xf32, #tpu.memory_space<vmem_shared>>
      %dma_start3A_95 = arith.constant 0 : i32
      %dma_start3A_96 = tpu.memref_slice %arg23[%add3A_34, %dma_start3A_95] : memref<10240x128xf32, #tpu.memory_space<vmem_shared>> -> memref<80x128xf32, #tpu.memory_space<vmem_shared>>
      %dma_start3A_97 = arith.constant 0 : i32
      %dma_start3A_98 = arith.constant 0 : i32
      %dma_start3A_99 = tpu.memref_slice %arg17[%dma_start3A_97, %dma_start3A_98] : memref<112x128xf32, #tpu.memory_space<vmem>> -> memref<80x128xf32, #tpu.memory_space<vmem>>
      tpu.enqueue_dma source(%dma_start3A_99 : memref<80x128xf32, #tpu.memory_space<vmem>>) target(%dma_start3A_96 : memref<80x128xf32, #tpu.memory_space<vmem_shared>>) target_semaphore(%run_scoped3A : memref<!tpu.dma_semaphore, #tpu.memory_space<semaphore_mem>>)
      %dma_wait3A_100 = arith.constant 0 : i32
      %dma_wait3A_101 = arith.constant 0 : i32
      %dma_wait3A_102 = tpu.memref_slice %arg17[%dma_wait3A_100, %dma_wait3A_101] : memref<112x128xf32, #tpu.memory_space<vmem>> -> memref<80x128xf32, #tpu.memory_space<vmem>>
      %dma_wait3A_103 = arith.constant 0 : i32
      %dma_wait3A_104 = tpu.memref_slice %arg23[%add3A_34, %dma_wait3A_103] : memref<10240x128xf32, #tpu.memory_space<vmem_shared>> -> memref<80x128xf32, #tpu.memory_space<vmem_shared>>
      %dma_wait3A_105 = arith.constant 0 : i32
      %dma_wait3A_106 = tpu.memref_slice %arg23[%add3A_34, %dma_wait3A_105] : memref<10240x128xf32, #tpu.memory_space<vmem_shared>> -> memref<80x128xf32, #tpu.memory_space<vmem_shared>>
      %dma_wait3A_107 = arith.constant 0 : i32
      %dma_wait3A_108 = arith.constant 0 : i32
      %dma_wait3A_109 = tpu.memref_slice %arg17[%dma_wait3A_107, %dma_wait3A_108] : memref<112x128xf32, #tpu.memory_space<vmem>> -> memref<80x128xf32, #tpu.memory_space<vmem>>
      tpu.wait_dma2 semaphore(%run_scoped3A : memref<!tpu.dma_semaphore, #tpu.memory_space<semaphore_mem>>) src(%dma_wait3A_109 : memref<80x128xf32, #tpu.memory_space<vmem>>) dst(%dma_wait3A_106 : memref<80x128xf32, #tpu.memory_space<vmem_shared>>)
      tpu.yield
    }) : () -> ()
    "tpu.region"() ({
      %run_scoped3A = tpu.sem_alloc : memref<!tpu.dma_semaphore, #tpu.memory_space<semaphore_mem>>
      %dma_start3A_90 = arith.constant 0 : i32
      %dma_start3A_91 = arith.constant 0 : i32
      %dma_start3A_92 = tpu.memref_slice %arg19[%dma_start3A_90, %dma_start3A_91] : memref<112x16xf32, #tpu.memory_space<vmem>> -> memref<80x16xf32, #tpu.memory_space<vmem>>
      %dma_start3A_93 = arith.constant 0 : i32
      %dma_start3A_94 = tpu.memref_slice %arg24[%add3A_34, %dma_start3A_93] : memref<10240x16xf32, #tpu.memory_space<vmem_shared>> -> memref<80x16xf32, #tpu.memory_space<vmem_shared>>
      %dma_start3A_95 = arith.constant 0 : i32
      %dma_start3A_96 = tpu.memref_slice %arg24[%add3A_34, %dma_start3A_95] : memref<10240x16xf32, #tpu.memory_space<vmem_shared>> -> memref<80x16xf32, #tpu.memory_space<vmem_shared>>
      %dma_start3A_97 = arith.constant 0 : i32
      %dma_start3A_98 = arith.constant 0 : i32
      %dma_start3A_99 = tpu.memref_slice %arg19[%dma_start3A_97, %dma_start3A_98] : memref<112x16xf32, #tpu.memory_space<vmem>> -> memref<80x16xf32, #tpu.memory_space<vmem>>
      tpu.enqueue_dma source(%dma_start3A_99 : memref<80x16xf32, #tpu.memory_space<vmem>>) target(%dma_start3A_96 : memref<80x16xf32, #tpu.memory_space<vmem_shared>>) target_semaphore(%run_scoped3A : memref<!tpu.dma_semaphore, #tpu.memory_space<semaphore_mem>>)
      %dma_wait3A_100 = arith.constant 0 : i32
      %dma_wait3A_101 = arith.constant 0 : i32
      %dma_wait3A_102 = tpu.memref_slice %arg19[%dma_wait3A_100, %dma_wait3A_101] : memref<112x16xf32, #tpu.memory_space<vmem>> -> memref<80x16xf32, #tpu.memory_space<vmem>>
      %dma_wait3A_103 = arith.constant 0 : i32
      %dma_wait3A_104 = tpu.memref_slice %arg24[%add3A_34, %dma_wait3A_103] : memref<10240x16xf32, #tpu.memory_space<vmem_shared>> -> memref<80x16xf32, #tpu.memory_space<vmem_shared>>
      %dma_wait3A_105 = arith.constant 0 : i32
      %dma_wait3A_106 = tpu.memref_slice %arg24[%add3A_34, %dma_wait3A_105] : memref<10240x16xf32, #tpu.memory_space<vmem_shared>> -> memref<80x16xf32, #tpu.memory_space<vmem_shared>>
      %dma_wait3A_107 = arith.constant 0 : i32
      %dma_wait3A_108 = arith.constant 0 : i32
      %dma_wait3A_109 = tpu.memref_slice %arg19[%dma_wait3A_107, %dma_wait3A_108] : memref<112x16xf32, #tpu.memory_space<vmem>> -> memref<80x16xf32, #tpu.memory_space<vmem>>
      tpu.wait_dma2 semaphore(%run_scoped3A : memref<!tpu.dma_semaphore, #tpu.memory_space<semaphore_mem>>) src(%dma_wait3A_109 : memref<80x16xf32, #tpu.memory_space<vmem>>) dst(%dma_wait3A_106 : memref<80x16xf32, #tpu.memory_space<vmem_shared>>)
      tpu.yield
    }) : () -> ()
    %barrier3A = arith.constant 0 : index
    tpu.barrier barrier_id(%barrier3A)
    %add3A_35 = arith.constant 0 : i32
    %add3A_36 = arith.addi %mul3A_4, %add3A_35 : i32
    %dma_start3A = tpu.memref_slice %arg5[%add3A_36] : memref<329728xi32, #tpu.memory_space<hbm>> -> memref<112xi32, #tpu.memory_space<hbm>>
    %dma_start3A_37 = tpu.memref_slice %arg5[%add3A_36] : memref<329728xi32, #tpu.memory_space<hbm>> -> memref<112xi32, #tpu.memory_space<hbm>>
    tpu.enqueue_dma source(%dma_start3A_37 : memref<112xi32, #tpu.memory_space<hbm>>) target(%arg9 : memref<112xi32, #tpu.memory_space<vmem>>) target_semaphore(%arg25 : memref<!tpu.dma_semaphore, #tpu.memory_space<semaphore_mem>>)
    %dma_start3A_38 = tpu.memref_slice %arg6[%add3A_36] : memref<329728xi32, #tpu.memory_space<hbm>> -> memref<112xi32, #tpu.memory_space<hbm>>
    %dma_start3A_39 = tpu.memref_slice %arg6[%add3A_36] : memref<329728xi32, #tpu.memory_space<hbm>> -> memref<112xi32, #tpu.memory_space<hbm>>
    tpu.enqueue_dma source(%dma_start3A_39 : memref<112xi32, #tpu.memory_space<hbm>>) target(%arg13 : memref<112xi32, #tpu.memory_space<vmem>>) target_semaphore(%arg25 : memref<!tpu.dma_semaphore, #tpu.memory_space<semaphore_mem>>)
    %add3A_40 = arith.constant 112 : i32
    %add3A_41 = arith.addi %mul3A_4, %add3A_40 : i32
    %dma_start3A_42 = tpu.memref_slice %arg5[%add3A_41] : memref<329728xi32, #tpu.memory_space<hbm>> -> memref<112xi32, #tpu.memory_space<hbm>>
    %dma_start3A_43 = tpu.memref_slice %arg5[%add3A_41] : memref<329728xi32, #tpu.memory_space<hbm>> -> memref<112xi32, #tpu.memory_space<hbm>>
    tpu.enqueue_dma source(%dma_start3A_43 : memref<112xi32, #tpu.memory_space<hbm>>) target(%arg10 : memref<112xi32, #tpu.memory_space<vmem>>) target_semaphore(%arg26 : memref<!tpu.dma_semaphore, #tpu.memory_space<semaphore_mem>>)
    %dma_start3A_44 = tpu.memref_slice %arg6[%add3A_41] : memref<329728xi32, #tpu.memory_space<hbm>> -> memref<112xi32, #tpu.memory_space<hbm>>
    %dma_start3A_45 = tpu.memref_slice %arg6[%add3A_41] : memref<329728xi32, #tpu.memory_space<hbm>> -> memref<112xi32, #tpu.memory_space<hbm>>
    tpu.enqueue_dma source(%dma_start3A_45 : memref<112xi32, #tpu.memory_space<hbm>>) target(%arg14 : memref<112xi32, #tpu.memory_space<vmem>>) target_semaphore(%arg26 : memref<!tpu.dma_semaphore, #tpu.memory_space<semaphore_mem>>)
    %add3A_46 = arith.constant 224 : i32
    %add3A_47 = arith.addi %mul3A_4, %add3A_46 : i32
    %dma_start3A_48 = tpu.memref_slice %arg5[%add3A_47] : memref<329728xi32, #tpu.memory_space<hbm>> -> memref<112xi32, #tpu.memory_space<hbm>>
    %dma_start3A_49 = tpu.memref_slice %arg5[%add3A_47] : memref<329728xi32, #tpu.memory_space<hbm>> -> memref<112xi32, #tpu.memory_space<hbm>>
    tpu.enqueue_dma source(%dma_start3A_49 : memref<112xi32, #tpu.memory_space<hbm>>) target(%arg11 : memref<112xi32, #tpu.memory_space<vmem>>) target_semaphore(%arg27 : memref<!tpu.dma_semaphore, #tpu.memory_space<semaphore_mem>>)
    %dma_start3A_50 = tpu.memref_slice %arg6[%add3A_47] : memref<329728xi32, #tpu.memory_space<hbm>> -> memref<112xi32, #tpu.memory_space<hbm>>
    %dma_start3A_51 = tpu.memref_slice %arg6[%add3A_47] : memref<329728xi32, #tpu.memory_space<hbm>> -> memref<112xi32, #tpu.memory_space<hbm>>
    tpu.enqueue_dma source(%dma_start3A_51 : memref<112xi32, #tpu.memory_space<hbm>>) target(%arg15 : memref<112xi32, #tpu.memory_space<vmem>>) target_semaphore(%arg27 : memref<!tpu.dma_semaphore, #tpu.memory_space<semaphore_mem>>)
    %dma_wait3A = tpu.memref_slice %arg5[%mul3A_4] : memref<329728xi32, #tpu.memory_space<hbm>> -> memref<112xi32, #tpu.memory_space<hbm>>
    %dma_wait3A_52 = tpu.memref_slice %arg5[%mul3A_4] : memref<329728xi32, #tpu.memory_space<hbm>> -> memref<112xi32, #tpu.memory_space<hbm>>
    tpu.wait_dma2 semaphore(%arg25 : memref<!tpu.dma_semaphore, #tpu.memory_space<semaphore_mem>>) src(%dma_wait3A_52 : memref<112xi32, #tpu.memory_space<hbm>>) dst(%arg9 : memref<112xi32, #tpu.memory_space<vmem>>)
    %dma_wait3A_53 = tpu.memref_slice %arg6[%mul3A_4] : memref<329728xi32, #tpu.memory_space<hbm>> -> memref<112xi32, #tpu.memory_space<hbm>>
    %dma_wait3A_54 = tpu.memref_slice %arg6[%mul3A_4] : memref<329728xi32, #tpu.memory_space<hbm>> -> memref<112xi32, #tpu.memory_space<hbm>>
    tpu.wait_dma2 semaphore(%arg25 : memref<!tpu.dma_semaphore, #tpu.memory_space<semaphore_mem>>) src(%dma_wait3A_54 : memref<112xi32, #tpu.memory_space<hbm>>) dst(%arg13 : memref<112xi32, #tpu.memory_space<vmem>>)
    %dma_start3A_55 = arith.constant 0 : i32
    %dma_start3A_56 = arith.constant 0 : i32
    %dma_start3A_57 = tpu.memref_slice %arg2[%dma_start3A_55, %dma_start3A_56] : memref<10240x128xf32, #tpu.memory_space<hbm>> -> memref<10240x128xf32, #tpu.memory_space<hbm>>
    tpu.enqueue_indirect_dma source(%dma_start3A_57 : memref<10240x128xf32, #tpu.memory_space<hbm>>) target(%arg17 : memref<112x128xf32, #tpu.memory_space<vmem>>) offsets(%arg9 : memref<112xi32, #tpu.memory_space<vmem>>) semaphore(%arg29 : memref<!tpu.dma_semaphore, #tpu.memory_space<semaphore_mem>>)
    %dma_start3A_58 = arith.constant 0 : i32
    %dma_start3A_59 = arith.constant 0 : i32
    %dma_start3A_60 = tpu.memref_slice %arg3[%dma_start3A_58, %dma_start3A_59] : memref<10240x16xf32, #tpu.memory_space<hbm>> -> memref<10240x16xf32, #tpu.memory_space<hbm>>
    tpu.enqueue_indirect_dma source(%dma_start3A_60 : memref<10240x16xf32, #tpu.memory_space<hbm>>) target(%arg19 : memref<112x16xf32, #tpu.memory_space<vmem>>) offsets(%arg9 : memref<112xi32, #tpu.memory_space<vmem>>) semaphore(%arg29 : memref<!tpu.dma_semaphore, #tpu.memory_space<semaphore_mem>>)
    %dma_start3A_61 = arith.constant 0 : i32
    %dma_start3A_62 = arith.constant 0 : i32
    %dma_start3A_63 = tpu.memref_slice %arg4[%dma_start3A_61, %dma_start3A_62] : memref<10240x16xf32, #tpu.memory_space<hbm>> -> memref<10240x16xf32, #tpu.memory_space<hbm>>
    tpu.enqueue_indirect_dma source(%dma_start3A_63 : memref<10240x16xf32, #tpu.memory_space<hbm>>) target(%arg21 : memref<112x16xf32, #tpu.memory_space<vmem>>) offsets(%arg13 : memref<112xi32, #tpu.memory_space<vmem>>) semaphore(%arg29 : memref<!tpu.dma_semaphore, #tpu.memory_space<semaphore_mem>>)
    %scan3A_64 = arith.constant 0 : i32
    %scan3A_65 = arith.constant 0 : i32
    %scan3A_66 = arith.constant 23 : i32
    %scan3A_67 = arith.addi %scan3A_65, %scan3A_66 : i32
    %scan3A_68 = arith.constant 1 : i32
    scf.for %scan3A_90 = %scan3A_65 to %scan3A_67 step %scan3A_68  : i32 {
      %mul3A_91 = arith.constant 4 : i32
      %mul3A_92 = arith.muli %scan3A_90, %mul3A_91 : i32
      %add3A_93 = arith.constant 0 : i32
      %add3A_94 = arith.addi %mul3A_92, %add3A_93 : i32
      %dma_wait3A_95 = arith.constant 0 : i32
      %dma_wait3A_96 = arith.constant 0 : i32
      %dma_wait3A_97 = tpu.memref_slice %arg2[%dma_wait3A_95, %dma_wait3A_96] : memref<10240x128xf32, #tpu.memory_space<hbm>> -> memref<10240x128xf32, #tpu.memory_space<hbm>>
      tpu.wait_indirect_dma semaphore(%arg29 : memref<!tpu.dma_semaphore, #tpu.memory_space<semaphore_mem>>) src(%dma_wait3A_97 : memref<10240x128xf32, #tpu.memory_space<hbm>>) dst(%arg17 : memref<112x128xf32, #tpu.memory_space<vmem>>)
      %dma_wait3A_98 = arith.constant 0 : i32
      %dma_wait3A_99 = arith.constant 0 : i32
      %dma_wait3A_100 = tpu.memref_slice %arg3[%dma_wait3A_98, %dma_wait3A_99] : memref<10240x16xf32, #tpu.memory_space<hbm>> -> memref<10240x16xf32, #tpu.memory_space<hbm>>
      tpu.wait_indirect_dma semaphore(%arg29 : memref<!tpu.dma_semaphore, #tpu.memory_space<semaphore_mem>>) src(%dma_wait3A_100 : memref<10240x16xf32, #tpu.memory_space<hbm>>) dst(%arg19 : memref<112x16xf32, #tpu.memory_space<vmem>>)
      %dma_wait3A_101 = arith.constant 0 : i32
      %dma_wait3A_102 = arith.constant 0 : i32
      %dma_wait3A_103 = tpu.memref_slice %arg4[%dma_wait3A_101, %dma_wait3A_102] : memref<10240x16xf32, #tpu.memory_space<hbm>> -> memref<10240x16xf32, #tpu.memory_space<hbm>>
      tpu.wait_indirect_dma semaphore(%arg29 : memref<!tpu.dma_semaphore, #tpu.memory_space<semaphore_mem>>) src(%dma_wait3A_103 : memref<10240x16xf32, #tpu.memory_space<hbm>>) dst(%arg21 : memref<112x16xf32, #tpu.memory_space<vmem>>)
      %add3A_104 = arith.constant 3 : i32
      %add3A_105 = arith.addi %add3A_94, %add3A_104 : i32
      %min3A = arith.constant 91 : i32
      %min3A_106 = arith.minsi %add3A_105, %min3A : i32
      %mul3A_107 = arith.constant 112 : i32
      %mul3A_108 = arith.muli %min3A_106, %mul3A_107 : i32
      %add3A_109 = arith.addi %mul3A_4, %mul3A_108 : i32
      %dma_start3A_110 = tpu.memref_slice %arg5[%add3A_109] : memref<329728xi32, #tpu.memory_space<hbm>> -> memref<112xi32, #tpu.memory_space<hbm>>
      %dma_start3A_111 = tpu.memref_slice %arg5[%add3A_109] : memref<329728xi32, #tpu.memory_space<hbm>> -> memref<112xi32, #tpu.memory_space<hbm>>
      tpu.enqueue_dma source(%dma_start3A_111 : memref<112xi32, #tpu.memory_space<hbm>>) target(%arg12 : memref<112xi32, #tpu.memory_space<vmem>>) target_semaphore(%arg28 : memref<!tpu.dma_semaphore, #tpu.memory_space<semaphore_mem>>)
      %dma_start3A_112 = tpu.memref_slice %arg6[%add3A_109] : memref<329728xi32, #tpu.memory_space<hbm>> -> memref<112xi32, #tpu.memory_space<hbm>>
      %dma_start3A_113 = tpu.memref_slice %arg6[%add3A_109] : memref<329728xi32, #tpu.memory_space<hbm>> -> memref<112xi32, #tpu.memory_space<hbm>>
      tpu.enqueue_dma source(%dma_start3A_113 : memref<112xi32, #tpu.memory_space<hbm>>) target(%arg16 : memref<112xi32, #tpu.memory_space<vmem>>) target_semaphore(%arg28 : memref<!tpu.dma_semaphore, #tpu.memory_space<semaphore_mem>>)
      %dma_wait3A_114 = tpu.memref_slice %arg5[%mul3A_4] : memref<329728xi32, #tpu.memory_space<hbm>> -> memref<112xi32, #tpu.memory_space<hbm>>
      %dma_wait3A_115 = tpu.memref_slice %arg5[%mul3A_4] : memref<329728xi32, #tpu.memory_space<hbm>> -> memref<112xi32, #tpu.memory_space<hbm>>
      tpu.wait_dma2 semaphore(%arg26 : memref<!tpu.dma_semaphore, #tpu.memory_space<semaphore_mem>>) src(%dma_wait3A_115 : memref<112xi32, #tpu.memory_space<hbm>>) dst(%arg10 : memref<112xi32, #tpu.memory_space<vmem>>)
      %dma_wait3A_116 = tpu.memref_slice %arg6[%mul3A_4] : memref<329728xi32, #tpu.memory_space<hbm>> -> memref<112xi32, #tpu.memory_space<hbm>>
      %dma_wait3A_117 = tpu.memref_slice %arg6[%mul3A_4] : memref<329728xi32, #tpu.memory_space<hbm>> -> memref<112xi32, #tpu.memory_space<hbm>>
      tpu.wait_dma2 semaphore(%arg26 : memref<!tpu.dma_semaphore, #tpu.memory_space<semaphore_mem>>) src(%dma_wait3A_117 : memref<112xi32, #tpu.memory_space<hbm>>) dst(%arg14 : memref<112xi32, #tpu.memory_space<vmem>>)
      %dma_start3A_118 = arith.constant 0 : i32
      %dma_start3A_119 = arith.constant 0 : i32
      %dma_start3A_120 = tpu.memref_slice %arg2[%dma_start3A_118, %dma_start3A_119] : memref<10240x128xf32, #tpu.memory_space<hbm>> -> memref<10240x128xf32, #tpu.memory_space<hbm>>
      tpu.enqueue_indirect_dma source(%dma_start3A_120 : memref<10240x128xf32, #tpu.memory_space<hbm>>) target(%arg18 : memref<112x128xf32, #tpu.memory_space<vmem>>) offsets(%arg10 : memref<112xi32, #tpu.memory_space<vmem>>) semaphore(%arg30 : memref<!tpu.dma_semaphore, #tpu.memory_space<semaphore_mem>>)
      %dma_start3A_121 = arith.constant 0 : i32
      %dma_start3A_122 = arith.constant 0 : i32
      %dma_start3A_123 = tpu.memref_slice %arg3[%dma_start3A_121, %dma_start3A_122] : memref<10240x16xf32, #tpu.memory_space<hbm>> -> memref<10240x16xf32, #tpu.memory_space<hbm>>
      tpu.enqueue_indirect_dma source(%dma_start3A_123 : memref<10240x16xf32, #tpu.memory_space<hbm>>) target(%arg20 : memref<112x16xf32, #tpu.memory_space<vmem>>) offsets(%arg10 : memref<112xi32, #tpu.memory_space<vmem>>) semaphore(%arg30 : memref<!tpu.dma_semaphore, #tpu.memory_space<semaphore_mem>>)
      %dma_start3A_124 = arith.constant 0 : i32
      %dma_start3A_125 = arith.constant 0 : i32
      %dma_start3A_126 = tpu.memref_slice %arg4[%dma_start3A_124, %dma_start3A_125] : memref<10240x16xf32, #tpu.memory_space<hbm>> -> memref<10240x16xf32, #tpu.memory_space<hbm>>
      tpu.enqueue_indirect_dma source(%dma_start3A_126 : memref<10240x16xf32, #tpu.memory_space<hbm>>) target(%arg22 : memref<112x16xf32, #tpu.memory_space<vmem>>) offsets(%arg14 : memref<112xi32, #tpu.memory_space<vmem>>) semaphore(%arg30 : memref<!tpu.dma_semaphore, #tpu.memory_space<semaphore_mem>>)
      %scan3A_127 = arith.constant 0 : i32
      %scan3A_128 = arith.constant 0 : i32
      %scan3A_129 = arith.constant 112 : i32
      %scan3A_130 = arith.addi %scan3A_128, %scan3A_129 : i32
      %scan3A_131 = arith.constant 1 : i32
      scf.for %scan3A_262 = %scan3A_128 to %scan3A_130 step %scan3A_131  : i32 {
        %get3A = arith.index_cast %scan3A_262 : i32 to index
        %get3A_263 = arith.constant 0 : index
        %get3A_264 = tpu.vector_load %arg19[%get3A, %get3A_263] {strides = array<i32>} : memref<112x16xf32, #tpu.memory_space<vmem>>, vector<1x16xf32>,
        %get3A_265 = vector.shape_cast %get3A_264 : vector<1x16xf32> to vector<16xf32>
        %get3A_266 = arith.index_cast %scan3A_262 : i32 to index
        %get3A_267 = arith.constant 0 : index
        %get3A_268 = tpu.vector_load %arg21[%get3A_266, %get3A_267] {strides = array<i32>} : memref<112x16xf32, #tpu.memory_space<vmem>>, vector<1x16xf32>,
        %get3A_269 = vector.shape_cast %get3A_268 : vector<1x16xf32> to vector<16xf32>
        %add3A_270 = arith.addf %get3A_265, %get3A_269 : vector<16xf32>
        %ge3A = arith.constant 0.000000e+00 : f32
        %ge3A_271 = vector.broadcast %ge3A : f32 to vector<16xf32>
        %ge3A_272 = arith.cmpf oge, %add3A_270, %ge3A_271 : vector<16xf32>
        %mul3A_273 = arith.constant 2.000000e-01 : f32
        %mul3A_274 = vector.broadcast %mul3A_273 : f32 to vector<16xf32>
        %mul3A_275 = arith.mulf %mul3A_274, %add3A_270 : vector<16xf32>
        %select_n3A = arith.select %ge3A_272, %add3A_270, %mul3A_275 : vector<16xi1>, vector<16xf32>
        %exp3A = math.exp %select_n3A : vector<16xf32>
        %swap3A = arith.index_cast %scan3A_262 : i32 to index
        %swap3A_276 = arith.constant 0 : index
        %swap3A_277 = tpu.vector_load %arg19[%swap3A, %swap3A_276] {strides = array<i32>} : memref<112x16xf32, #tpu.memory_space<vmem>>, vector<1x16xf32>,
        %swap3A_278 = vector.shape_cast %swap3A_277 : vector<1x16xf32> to vector<16xf32>
        %swap3A_279 = vector.shape_cast %exp3A : vector<16xf32> to vector<1x16xf32>
        tpu.vector_store %arg19[%swap3A, %swap3A_276], %swap3A_279 {strides = array<i32>} : memref<112x16xf32, #tpu.memory_space<vmem>>, vector<1x16xf32>,
        %slice3A = vector.extract_strided_slice %exp3A {offsets = [0], sizes = [1], strides = [1]} : vector<16xf32> to vector<1xf32>
        %squeeze3A = vector.extract %slice3A[0] : f32 from vector<1xf32>
        %get3A_280 = arith.index_cast %scan3A_262 : i32 to index
        %get3A_281 = arith.constant 0 : index
        %get3A_282 = tpu.vector_load %arg17[%get3A_280, %get3A_281] {strides = array<i32>} : memref<112x128xf32, #tpu.memory_space<vmem>>, vector<1x16xf32>,
        %get3A_283 = vector.shape_cast %get3A_282 : vector<1x16xf32> to vector<16xf32>
        %mul3A_284 = vector.broadcast %squeeze3A : f32 to vector<16xf32>
        %mul3A_285 = arith.mulf %get3A_283, %mul3A_284 : vector<16xf32>
        %swap3A_286 = arith.index_cast %scan3A_262 : i32 to index
        %swap3A_287 = arith.constant 0 : index
        %swap3A_288 = tpu.vector_load %arg17[%swap3A_286, %swap3A_287] {strides = array<i32>} : memref<112x128xf32, #tpu.memory_space<vmem>>, vector<1x16xf32>,
        %swap3A_289 = vector.shape_cast %swap3A_288 : vector<1x16xf32> to vector<16xf32>
        %swap3A_290 = vector.shape_cast %mul3A_285 : vector<16xf32> to vector<1x16xf32>
        tpu.vector_store %arg17[%swap3A_286, %swap3A_287], %swap3A_290 {strides = array<i32>} : memref<112x128xf32, #tpu.memory_space<vmem>>, vector<1x16xf32>,
        %slice3A_291 = vector.extract_strided_slice %exp3A {offsets = [0], sizes = [1], strides = [1]} : vector<16xf32> to vector<1xf32>
        %squeeze3A_292 = vector.extract %slice3A_291[0] : f32 from vector<1xf32>
        %get3A_293 = arith.index_cast %scan3A_262 : i32 to index
        %get3A_294 = arith.constant 16 : index
        %get3A_295 = tpu.vector_load %arg17[%get3A_293, %get3A_294] {strides = array<i32>} : memref<112x128xf32, #tpu.memory_space<vmem>>, vector<1x16xf32>,
        %get3A_296 = vector.shape_cast %get3A_295 : vector<1x16xf32> to vector<16xf32>
        %mul3A_297 = vector.broadcast %squeeze3A_292 : f32 to vector<16xf32>
        %mul3A_298 = arith.mulf %get3A_296, %mul3A_297 : vector<16xf32>
        %swap3A_299 = arith.index_cast %scan3A_262 : i32 to index
        %swap3A_300 = arith.constant 16 : index
        %swap3A_301 = tpu.vector_load %arg17[%swap3A_299, %swap3A_300] {strides = array<i32>} : memref<112x128xf32, #tpu.memory_space<vmem>>, vector<1x16xf32>,
        %swap3A_302 = vector.shape_cast %swap3A_301 : vector<1x16xf32> to vector<16xf32>
        %swap3A_303 = vector.shape_cast %mul3A_298 : vector<16xf32> to vector<1x16xf32>
        tpu.vector_store %arg17[%swap3A_299, %swap3A_300], %swap3A_303 {strides = array<i32>} : memref<112x128xf32, #tpu.memory_space<vmem>>, vector<1x16xf32>,
        %slice3A_304 = vector.extract_strided_slice %exp3A {offsets = [1], sizes = [1], strides = [1]} : vector<16xf32> to vector<1xf32>
        %squeeze3A_305 = vector.extract %slice3A_304[0] : f32 from vector<1xf32>
        %get3A_306 = arith.index_cast %scan3A_262 : i32 to index
        %get3A_307 = arith.constant 32 : index
        %get3A_308 = tpu.vector_load %arg17[%get3A_306, %get3A_307] {strides = array<i32>} : memref<112x128xf32, #tpu.memory_space<vmem>>, vector<1x16xf32>,
        %get3A_309 = vector.shape_cast %get3A_308 : vector<1x16xf32> to vector<16xf32>
        %mul3A_310 = vector.broadcast %squeeze3A_305 : f32 to vector<16xf32>
        %mul3A_311 = arith.mulf %get3A_309, %mul3A_310 : vector<16xf32>
        %swap3A_312 = arith.index_cast %scan3A_262 : i32 to index
        %swap3A_313 = arith.constant 32 : index
        %swap3A_314 = tpu.vector_load %arg17[%swap3A_312, %swap3A_313] {strides = array<i32>} : memref<112x128xf32, #tpu.memory_space<vmem>>, vector<1x16xf32>,
        %swap3A_315 = vector.shape_cast %swap3A_314 : vector<1x16xf32> to vector<16xf32>
        %swap3A_316 = vector.shape_cast %mul3A_311 : vector<16xf32> to vector<1x16xf32>
        tpu.vector_store %arg17[%swap3A_312, %swap3A_313], %swap3A_316 {strides = array<i32>} : memref<112x128xf32, #tpu.memory_space<vmem>>, vector<1x16xf32>,
        %slice3A_317 = vector.extract_strided_slice %exp3A {offsets = [1], sizes = [1], strides = [1]} : vector<16xf32> to vector<1xf32>
        %squeeze3A_318 = vector.extract %slice3A_317[0] : f32 from vector<1xf32>
        %get3A_319 = arith.index_cast %scan3A_262 : i32 to index
        %get3A_320 = arith.constant 48 : index
        %get3A_321 = tpu.vector_load %arg17[%get3A_319, %get3A_320] {strides = array<i32>} : memref<112x128xf32, #tpu.memory_space<vmem>>, vector<1x16xf32>,
        %get3A_322 = vector.shape_cast %get3A_321 : vector<1x16xf32> to vector<16xf32>
        %mul3A_323 = vector.broadcast %squeeze3A_318 : f32 to vector<16xf32>
        %mul3A_324 = arith.mulf %get3A_322, %mul3A_323 : vector<16xf32>
        %swap3A_325 = arith.index_cast %scan3A_262 : i32 to index
        %swap3A_326 = arith.constant 48 : index
        %swap3A_327 = tpu.vector_load %arg17[%swap3A_325, %swap3A_326] {strides = array<i32>} : memref<112x128xf32, #tpu.memory_space<vmem>>, vector<1x16xf32>,
        %swap3A_328 = vector.shape_cast %swap3A_327 : vector<1x16xf32> to vector<16xf32>
        %swap3A_329 = vector.shape_cast %mul3A_324 : vector<16xf32> to vector<1x16xf32>
        tpu.vector_store %arg17[%swap3A_325, %swap3A_326], %swap3A_329 {strides = array<i32>} : memref<112x128xf32, #tpu.memory_space<vmem>>, vector<1x16xf32>,
        %slice3A_330 = vector.extract_strided_slice %exp3A {offsets = [2], sizes = [1], strides = [1]} : vector<16xf32> to vector<1xf32>
        %squeeze3A_331 = vector.extract %slice3A_330[0] : f32 from vector<1xf32>
        %get3A_332 = arith.index_cast %scan3A_262 : i32 to index
        %get3A_333 = arith.constant 64 : index
        %get3A_334 = tpu.vector_load %arg17[%get3A_332, %get3A_333] {strides = array<i32>} : memref<112x128xf32, #tpu.memory_space<vmem>>, vector<1x16xf32>,
        %get3A_335 = vector.shape_cast %get3A_334 : vector<1x16xf32> to vector<16xf32>
        %mul3A_336 = vector.broadcast %squeeze3A_331 : f32 to vector<16xf32>
        %mul3A_337 = arith.mulf %get3A_335, %mul3A_336 : vector<16xf32>
        %swap3A_338 = arith.index_cast %scan3A_262 : i32 to index
        %swap3A_339 = arith.constant 64 : index
        %swap3A_340 = tpu.vector_load %arg17[%swap3A_338, %swap3A_339] {strides = array<i32>} : memref<112x128xf32, #tpu.memory_space<vmem>>, vector<1x16xf32>,
        %swap3A_341 = vector.shape_cast %swap3A_340 : vector<1x16xf32> to vector<16xf32>
        %swap3A_342 = vector.shape_cast %mul3A_337 : vector<16xf32> to vector<1x16xf32>
        tpu.vector_store %arg17[%swap3A_338, %swap3A_339], %swap3A_342 {strides = array<i32>} : memref<112x128xf32, #tpu.memory_space<vmem>>, vector<1x16xf32>,
        %slice3A_343 = vector.extract_strided_slice %exp3A {offsets = [2], sizes = [1], strides = [1]} : vector<16xf32> to vector<1xf32>
        %squeeze3A_344 = vector.extract %slice3A_343[0] : f32 from vector<1xf32>
        %get3A_345 = arith.index_cast %scan3A_262 : i32 to index
        %get3A_346 = arith.constant 80 : index
        %get3A_347 = tpu.vector_load %arg17[%get3A_345, %get3A_346] {strides = array<i32>} : memref<112x128xf32, #tpu.memory_space<vmem>>, vector<1x16xf32>,
        %get3A_348 = vector.shape_cast %get3A_347 : vector<1x16xf32> to vector<16xf32>
        %mul3A_349 = vector.broadcast %squeeze3A_344 : f32 to vector<16xf32>
        %mul3A_350 = arith.mulf %get3A_348, %mul3A_349 : vector<16xf32>
        %swap3A_351 = arith.index_cast %scan3A_262 : i32 to index
        %swap3A_352 = arith.constant 80 : index
        %swap3A_353 = tpu.vector_load %arg17[%swap3A_351, %swap3A_352] {strides = array<i32>} : memref<112x128xf32, #tpu.memory_space<vmem>>, vector<1x16xf32>,
        %swap3A_354 = vector.shape_cast %swap3A_353 : vector<1x16xf32> to vector<16xf32>
        %swap3A_355 = vector.shape_cast %mul3A_350 : vector<16xf32> to vector<1x16xf32>
        tpu.vector_store %arg17[%swap3A_351, %swap3A_352], %swap3A_355 {strides = array<i32>} : memref<112x128xf32, #tpu.memory_space<vmem>>, vector<1x16xf32>,
        %slice3A_356 = vector.extract_strided_slice %exp3A {offsets = [3], sizes = [1], strides = [1]} : vector<16xf32> to vector<1xf32>
        %squeeze3A_357 = vector.extract %slice3A_356[0] : f32 from vector<1xf32>
        %get3A_358 = arith.index_cast %scan3A_262 : i32 to index
        %get3A_359 = arith.constant 96 : index
        %get3A_360 = tpu.vector_load %arg17[%get3A_358, %get3A_359] {strides = array<i32>} : memref<112x128xf32, #tpu.memory_space<vmem>>, vector<1x16xf32>,
        %get3A_361 = vector.shape_cast %get3A_360 : vector<1x16xf32> to vector<16xf32>
        %mul3A_362 = vector.broadcast %squeeze3A_357 : f32 to vector<16xf32>
        %mul3A_363 = arith.mulf %get3A_361, %mul3A_362 : vector<16xf32>
        %swap3A_364 = arith.index_cast %scan3A_262 : i32 to index
        %swap3A_365 = arith.constant 96 : index
        %swap3A_366 = tpu.vector_load %arg17[%swap3A_364, %swap3A_365] {strides = array<i32>} : memref<112x128xf32, #tpu.memory_space<vmem>>, vector<1x16xf32>,
        %swap3A_367 = vector.shape_cast %swap3A_366 : vector<1x16xf32> to vector<16xf32>
        %swap3A_368 = vector.shape_cast %mul3A_363 : vector<16xf32> to vector<1x16xf32>
        tpu.vector_store %arg17[%swap3A_364, %swap3A_365], %swap3A_368 {strides = array<i32>} : memref<112x128xf32, #tpu.memory_space<vmem>>, vector<1x16xf32>,
        %slice3A_369 = vector.extract_strided_slice %exp3A {offsets = [3], sizes = [1], strides = [1]} : vector<16xf32> to vector<1xf32>
        %squeeze3A_370 = vector.extract %slice3A_369[0] : f32 from vector<1xf32>
        %get3A_371 = arith.index_cast %scan3A_262 : i32 to index
        %get3A_372 = arith.constant 112 : index
        %get3A_373 = tpu.vector_load %arg17[%get3A_371, %get3A_372] {strides = array<i32>} : memref<112x128xf32, #tpu.memory_space<vmem>>, vector<1x16xf32>,
        %get3A_374 = vector.shape_cast %get3A_373 : vector<1x16xf32> to vector<16xf32>
        %mul3A_375 = vector.broadcast %squeeze3A_370 : f32 to vector<16xf32>
        %mul3A_376 = arith.mulf %get3A_374, %mul3A_375 : vector<16xf32>
        %swap3A_377 = arith.index_cast %scan3A_262 : i32 to index
        %swap3A_378 = arith.constant 112 : index
        %swap3A_379 = tpu.vector_load %arg17[%swap3A_377, %swap3A_378] {strides = array<i32>} : memref<112x128xf32, #tpu.memory_space<vmem>>, vector<1x16xf32>,
        %swap3A_380 = vector.shape_cast %swap3A_379 : vector<1x16xf32> to vector<16xf32>
        %swap3A_381 = vector.shape_cast %mul3A_376 : vector<16xf32> to vector<1x16xf32>
        tpu.vector_store %arg17[%swap3A_377, %swap3A_378], %swap3A_381 {strides = array<i32>} : memref<112x128xf32, #tpu.memory_space<vmem>>, vector<1x16xf32>,
      }
      %scan3A_132 = arith.constant 112 : i32
      "tpu.region"() ({
        %run_scoped3A = tpu.sem_alloc : memref<!tpu.dma_semaphore, #tpu.memory_space<semaphore_mem>>
        %dma_start3A_262 = arith.constant 0 : i32
        %dma_start3A_263 = arith.constant 0 : i32
        %dma_start3A_264 = tpu.memref_slice %arg23[%dma_start3A_262, %dma_start3A_263] : memref<10240x128xf32, #tpu.memory_space<vmem_shared>> -> memref<10240x128xf32, #tpu.memory_space<vmem_shared>>
        tpu.enqueue_indirect_dma source(%arg17 : memref<112x128xf32, #tpu.memory_space<vmem>>) target(%dma_start3A_264 : memref<10240x128xf32, #tpu.memory_space<vmem_shared>>) offsets(%arg13 : memref<112xi32, #tpu.memory_space<vmem>>) semaphore(%run_scoped3A : memref<!tpu.dma_semaphore, #tpu.memory_space<semaphore_mem>>) {add = true}
        %dma_wait3A_265 = arith.constant 0 : i32
        %dma_wait3A_266 = arith.constant 0 : i32
        %dma_wait3A_267 = tpu.memref_slice %arg23[%dma_wait3A_265, %dma_wait3A_266] : memref<10240x128xf32, #tpu.memory_space<vmem_shared>> -> memref<10240x128xf32, #tpu.memory_space<vmem_shared>>
        tpu.wait_indirect_dma semaphore(%run_scoped3A : memref<!tpu.dma_semaphore, #tpu.memory_space<semaphore_mem>>) src(%arg17 : memref<112x128xf32, #tpu.memory_space<vmem>>) dst(%dma_wait3A_267 : memref<10240x128xf32, #tpu.memory_space<vmem_shared>>)
        tpu.yield
      }) : () -> ()
      "tpu.region"() ({
        %run_scoped3A = tpu.sem_alloc : memref<!tpu.dma_semaphore, #tpu.memory_space<semaphore_mem>>
        %dma_start3A_262 = arith.constant 0 : i32
        %dma_start3A_263 = arith.constant 0 : i32
        %dma_start3A_264 = tpu.memref_slice %arg24[%dma_start3A_262, %dma_start3A_263] : memref<10240x16xf32, #tpu.memory_space<vmem_shared>> -> memref<10240x16xf32, #tpu.memory_space<vmem_shared>>
        tpu.enqueue_indirect_dma source(%arg19 : memref<112x16xf32, #tpu.memory_space<vmem>>) target(%dma_start3A_264 : memref<10240x16xf32, #tpu.memory_space<vmem_shared>>) offsets(%arg13 : memref<112xi32, #tpu.memory_space<vmem>>) semaphore(%run_scoped3A : memref<!tpu.dma_semaphore, #tpu.memory_space<semaphore_mem>>) {add = true}
        %dma_wait3A_265 = arith.constant 0 : i32
        %dma_wait3A_266 = arith.constant 0 : i32
        %dma_wait3A_267 = tpu.memref_slice %arg24[%dma_wait3A_265, %dma_wait3A_266] : memref<10240x16xf32, #tpu.memory_space<vmem_shared>> -> memref<10240x16xf32, #tpu.memory_space<vmem_shared>>
        tpu.wait_indirect_dma semaphore(%run_scoped3A : memref<!tpu.dma_semaphore, #tpu.memory_space<semaphore_mem>>) src(%arg19 : memref<112x16xf32, #tpu.memory_space<vmem>>) dst(%dma_wait3A_267 : memref<10240x16xf32, #tpu.memory_space<vmem_shared>>)
        tpu.yield
      }) : () -> ()
      %mul3A_133 = arith.constant 4 : i32
      %mul3A_134 = arith.muli %scan3A_90, %mul3A_133 : i32
      %add3A_135 = arith.constant 1 : i32
      %add3A_136 = arith.addi %mul3A_134, %add3A_135 : i32
      %dma_wait3A_137 = arith.constant 0 : i32
      %dma_wait3A_138 = arith.constant 0 : i32
      %dma_wait3A_139 = tpu.memref_slice %arg2[%dma_wait3A_137, %dma_wait3A_138] : memref<10240x128xf32, #tpu.memory_space<hbm>> -> memref<10240x128xf32, #tpu.memory_space<hbm>>
      tpu.wait_indirect_dma semaphore(%arg30 : memref<!tpu.dma_semaphore, #tpu.memory_space<semaphore_mem>>) src(%dma_wait3A_139 : memref<10240x128xf32, #tpu.memory_space<hbm>>) dst(%arg18 : memref<112x128xf32, #tpu.memory_space<vmem>>)
      %dma_wait3A_140 = arith.constant 0 : i32
      %dma_wait3A_141 = arith.constant 0 : i32
      %dma_wait3A_142 = tpu.memref_slice %arg3[%dma_wait3A_140, %dma_wait3A_141] : memref<10240x16xf32, #tpu.memory_space<hbm>> -> memref<10240x16xf32, #tpu.memory_space<hbm>>
      tpu.wait_indirect_dma semaphore(%arg30 : memref<!tpu.dma_semaphore, #tpu.memory_space<semaphore_mem>>) src(%dma_wait3A_142 : memref<10240x16xf32, #tpu.memory_space<hbm>>) dst(%arg20 : memref<112x16xf32, #tpu.memory_space<vmem>>)
      %dma_wait3A_143 = arith.constant 0 : i32
      %dma_wait3A_144 = arith.constant 0 : i32
      %dma_wait3A_145 = tpu.memref_slice %arg4[%dma_wait3A_143, %dma_wait3A_144] : memref<10240x16xf32, #tpu.memory_space<hbm>> -> memref<10240x16xf32, #tpu.memory_space<hbm>>
      tpu.wait_indirect_dma semaphore(%arg30 : memref<!tpu.dma_semaphore, #tpu.memory_space<semaphore_mem>>) src(%dma_wait3A_145 : memref<10240x16xf32, #tpu.memory_space<hbm>>) dst(%arg22 : memref<112x16xf32, #tpu.memory_space<vmem>>)
      %add3A_146 = arith.constant 3 : i32
      %add3A_147 = arith.addi %add3A_136, %add3A_146 : i32
      %min3A_148 = arith.constant 91 : i32
      %min3A_149 = arith.minsi %add3A_147, %min3A_148 : i32
      %mul3A_150 = arith.constant 112 : i32
      %mul3A_151 = arith.muli %min3A_149, %mul3A_150 : i32
      %add3A_152 = arith.addi %mul3A_4, %mul3A_151 : i32
      %dma_start3A_153 = tpu.memref_slice %arg5[%add3A_152] : memref<329728xi32, #tpu.memory_space<hbm>> -> memref<112xi32, #tpu.memory_space<hbm>>
      %dma_start3A_154 = tpu.memref_slice %arg5[%add3A_152] : memref<329728xi32, #tpu.memory_space<hbm>> -> memref<112xi32, #tpu.memory_space<hbm>>
      tpu.enqueue_dma source(%dma_start3A_154 : memref<112xi32, #tpu.memory_space<hbm>>) target(%arg9 : memref<112xi32, #tpu.memory_space<vmem>>) target_semaphore(%arg25 : memref<!tpu.dma_semaphore, #tpu.memory_space<semaphore_mem>>)
      %dma_start3A_155 = tpu.memref_slice %arg6[%add3A_152] : memref<329728xi32, #tpu.memory_space<hbm>> -> memref<112xi32, #tpu.memory_space<hbm>>
      %dma_start3A_156 = tpu.memref_slice %arg6[%add3A_152] : memref<329728xi32, #tpu.memory_space<hbm>> -> memref<112xi32, #tpu.memory_space<hbm>>
      tpu.enqueue_dma source(%dma_start3A_156 : memref<112xi32, #tpu.memory_space<hbm>>) target(%arg13 : memref<112xi32, #tpu.memory_space<vmem>>) target_semaphore(%arg25 : memref<!tpu.dma_semaphore, #tpu.memory_space<semaphore_mem>>)
      %dma_wait3A_157 = tpu.memref_slice %arg5[%mul3A_4] : memref<329728xi32, #tpu.memory_space<hbm>> -> memref<112xi32, #tpu.memory_space<hbm>>
      %dma_wait3A_158 = tpu.memref_slice %arg5[%mul3A_4] : memref<329728xi32, #tpu.memory_space<hbm>> -> memref<112xi32, #tpu.memory_space<hbm>>
      tpu.wait_dma2 semaphore(%arg27 : memref<!tpu.dma_semaphore, #tpu.memory_space<semaphore_mem>>) src(%dma_wait3A_158 : memref<112xi32, #tpu.memory_space<hbm>>) dst(%arg11 : memref<112xi32, #tpu.memory_space<vmem>>)
      %dma_wait3A_159 = tpu.memref_slice %arg6[%mul3A_4] : memref<329728xi32, #tpu.memory_space<hbm>> -> memref<112xi32, #tpu.memory_space<hbm>>
      %dma_wait3A_160 = tpu.memref_slice %arg6[%mul3A_4] : memref<329728xi32, #tpu.memory_space<hbm>> -> memref<112xi32, #tpu.memory_space<hbm>>
      tpu.wait_dma2 semaphore(%arg27 : memref<!tpu.dma_semaphore, #tpu.memory_space<semaphore_mem>>) src(%dma_wait3A_160 : memref<112xi32, #tpu.memory_space<hbm>>) dst(%arg15 : memref<112xi32, #tpu.memory_space<vmem>>)
      %dma_start3A_161 = arith.constant 0 : i32
      %dma_start3A_162 = arith.constant 0 : i32
      %dma_start3A_163 = tpu.memref_slice %arg2[%dma_start3A_161, %dma_start3A_162] : memref<10240x128xf32, #tpu.memory_space<hbm>> -> memref<10240x128xf32, #tpu.memory_space<hbm>>
      tpu.enqueue_indirect_dma source(%dma_start3A_163 : memref<10240x128xf32, #tpu.memory_space<hbm>>) target(%arg17 : memref<112x128xf32, #tpu.memory_space<vmem>>) offsets(%arg11 : memref<112xi32, #tpu.memory_space<vmem>>) semaphore(%arg29 : memref<!tpu.dma_semaphore, #tpu.memory_space<semaphore_mem>>)
      %dma_start3A_164 = arith.constant 0 : i32
      %dma_start3A_165 = arith.constant 0 : i32
      %dma_start3A_166 = tpu.memref_slice %arg3[%dma_start3A_164, %dma_start3A_165] : memref<10240x16xf32, #tpu.memory_space<hbm>> -> memref<10240x16xf32, #tpu.memory_space<hbm>>
      tpu.enqueue_indirect_dma source(%dma_start3A_166 : memref<10240x16xf32, #tpu.memory_space<hbm>>) target(%arg19 : memref<112x16xf32, #tpu.memory_space<vmem>>) offsets(%arg11 : memref<112xi32, #tpu.memory_space<vmem>>) semaphore(%arg29 : memref<!tpu.dma_semaphore, #tpu.memory_space<semaphore_mem>>)
      %dma_start3A_167 = arith.constant 0 : i32
      %dma_start3A_168 = arith.constant 0 : i32
      %dma_start3A_169 = tpu.memref_slice %arg4[%dma_start3A_167, %dma_start3A_168] : memref<10240x16xf32, #tpu.memory_space<hbm>> -> memref<10240x16xf32, #tpu.memory_space<hbm>>
      tpu.enqueue_indirect_dma source(%dma_start3A_169 : memref<10240x16xf32, #tpu.memory_space<hbm>>) target(%arg21 : memref<112x16xf32, #tpu.memory_space<vmem>>) offsets(%arg15 : memref<112xi32, #tpu.memory_space<vmem>>) semaphore(%arg29 : memref<!tpu.dma_semaphore, #tpu.memory_space<semaphore_mem>>)
      %scan3A_170 = arith.constant 0 : i32
      %scan3A_171 = arith.constant 0 : i32
      %scan3A_172 = arith.constant 112 : i32
      %scan3A_173 = arith.addi %scan3A_171, %scan3A_172 : i32
      %scan3A_174 = arith.constant 1 : i32
      scf.for %scan3A_262 = %scan3A_171 to %scan3A_173 step %scan3A_174  : i32 {
        %get3A = arith.index_cast %scan3A_262 : i32 to index
        %get3A_263 = arith.constant 0 : index
        %get3A_264 = tpu.vector_load %arg20[%get3A, %get3A_263] {strides = array<i32>} : memref<112x16xf32, #tpu.memory_space<vmem>>, vector<1x16xf32>,
        %get3A_265 = vector.shape_cast %get3A_264 : vector<1x16xf32> to vector<16xf32>
        %get3A_266 = arith.index_cast %scan3A_262 : i32 to index
        %get3A_267 = arith.constant 0 : index
        %get3A_268 = tpu.vector_load %arg22[%get3A_266, %get3A_267] {strides = array<i32>} : memref<112x16xf32, #tpu.memory_space<vmem>>, vector<1x16xf32>,
        %get3A_269 = vector.shape_cast %get3A_268 : vector<1x16xf32> to vector<16xf32>
        %add3A_270 = arith.addf %get3A_265, %get3A_269 : vector<16xf32>
        %ge3A = arith.constant 0.000000e+00 : f32
        %ge3A_271 = vector.broadcast %ge3A : f32 to vector<16xf32>
        %ge3A_272 = arith.cmpf oge, %add3A_270, %ge3A_271 : vector<16xf32>
        %mul3A_273 = arith.constant 2.000000e-01 : f32
        %mul3A_274 = vector.broadcast %mul3A_273 : f32 to vector<16xf32>
        %mul3A_275 = arith.mulf %mul3A_274, %add3A_270 : vector<16xf32>
        %select_n3A = arith.select %ge3A_272, %add3A_270, %mul3A_275 : vector<16xi1>, vector<16xf32>
        %exp3A = math.exp %select_n3A : vector<16xf32>
        %swap3A = arith.index_cast %scan3A_262 : i32 to index
        %swap3A_276 = arith.constant 0 : index
        %swap3A_277 = tpu.vector_load %arg20[%swap3A, %swap3A_276] {strides = array<i32>} : memref<112x16xf32, #tpu.memory_space<vmem>>, vector<1x16xf32>,
        %swap3A_278 = vector.shape_cast %swap3A_277 : vector<1x16xf32> to vector<16xf32>
        %swap3A_279 = vector.shape_cast %exp3A : vector<16xf32> to vector<1x16xf32>
        tpu.vector_store %arg20[%swap3A, %swap3A_276], %swap3A_279 {strides = array<i32>} : memref<112x16xf32, #tpu.memory_space<vmem>>, vector<1x16xf32>,
        %slice3A = vector.extract_strided_slice %exp3A {offsets = [0], sizes = [1], strides = [1]} : vector<16xf32> to vector<1xf32>
        %squeeze3A = vector.extract %slice3A[0] : f32 from vector<1xf32>
        %get3A_280 = arith.index_cast %scan3A_262 : i32 to index
        %get3A_281 = arith.constant 0 : index
        %get3A_282 = tpu.vector_load %arg18[%get3A_280, %get3A_281] {strides = array<i32>} : memref<112x128xf32, #tpu.memory_space<vmem>>, vector<1x16xf32>,
        %get3A_283 = vector.shape_cast %get3A_282 : vector<1x16xf32> to vector<16xf32>
        %mul3A_284 = vector.broadcast %squeeze3A : f32 to vector<16xf32>
        %mul3A_285 = arith.mulf %get3A_283, %mul3A_284 : vector<16xf32>
        %swap3A_286 = arith.index_cast %scan3A_262 : i32 to index
        %swap3A_287 = arith.constant 0 : index
        %swap3A_288 = tpu.vector_load %arg18[%swap3A_286, %swap3A_287] {strides = array<i32>} : memref<112x128xf32, #tpu.memory_space<vmem>>, vector<1x16xf32>,
        %swap3A_289 = vector.shape_cast %swap3A_288 : vector<1x16xf32> to vector<16xf32>
        %swap3A_290 = vector.shape_cast %mul3A_285 : vector<16xf32> to vector<1x16xf32>
        tpu.vector_store %arg18[%swap3A_286, %swap3A_287], %swap3A_290 {strides = array<i32>} : memref<112x128xf32, #tpu.memory_space<vmem>>, vector<1x16xf32>,
        %slice3A_291 = vector.extract_strided_slice %exp3A {offsets = [0], sizes = [1], strides = [1]} : vector<16xf32> to vector<1xf32>
        %squeeze3A_292 = vector.extract %slice3A_291[0] : f32 from vector<1xf32>
        %get3A_293 = arith.index_cast %scan3A_262 : i32 to index
        %get3A_294 = arith.constant 16 : index
        %get3A_295 = tpu.vector_load %arg18[%get3A_293, %get3A_294] {strides = array<i32>} : memref<112x128xf32, #tpu.memory_space<vmem>>, vector<1x16xf32>,
        %get3A_296 = vector.shape_cast %get3A_295 : vector<1x16xf32> to vector<16xf32>
        %mul3A_297 = vector.broadcast %squeeze3A_292 : f32 to vector<16xf32>
        %mul3A_298 = arith.mulf %get3A_296, %mul3A_297 : vector<16xf32>
        %swap3A_299 = arith.index_cast %scan3A_262 : i32 to index
        %swap3A_300 = arith.constant 16 : index
        %swap3A_301 = tpu.vector_load %arg18[%swap3A_299, %swap3A_300] {strides = array<i32>} : memref<112x128xf32, #tpu.memory_space<vmem>>, vector<1x16xf32>,
        %swap3A_302 = vector.shape_cast %swap3A_301 : vector<1x16xf32> to vector<16xf32>
        %swap3A_303 = vector.shape_cast %mul3A_298 : vector<16xf32> to vector<1x16xf32>
        tpu.vector_store %arg18[%swap3A_299, %swap3A_300], %swap3A_303 {strides = array<i32>} : memref<112x128xf32, #tpu.memory_space<vmem>>, vector<1x16xf32>,
        %slice3A_304 = vector.extract_strided_slice %exp3A {offsets = [1], sizes = [1], strides = [1]} : vector<16xf32> to vector<1xf32>
        %squeeze3A_305 = vector.extract %slice3A_304[0] : f32 from vector<1xf32>
        %get3A_306 = arith.index_cast %scan3A_262 : i32 to index
        %get3A_307 = arith.constant 32 : index
        %get3A_308 = tpu.vector_load %arg18[%get3A_306, %get3A_307] {strides = array<i32>} : memref<112x128xf32, #tpu.memory_space<vmem>>, vector<1x16xf32>,
        %get3A_309 = vector.shape_cast %get3A_308 : vector<1x16xf32> to vector<16xf32>
        %mul3A_310 = vector.broadcast %squeeze3A_305 : f32 to vector<16xf32>
        %mul3A_311 = arith.mulf %get3A_309, %mul3A_310 : vector<16xf32>
        %swap3A_312 = arith.index_cast %scan3A_262 : i32 to index
        %swap3A_313 = arith.constant 32 : index
        %swap3A_314 = tpu.vector_load %arg18[%swap3A_312, %swap3A_313] {strides = array<i32>} : memref<112x128xf32, #tpu.memory_space<vmem>>, vector<1x16xf32>,
        %swap3A_315 = vector.shape_cast %swap3A_314 : vector<1x16xf32> to vector<16xf32>
        %swap3A_316 = vector.shape_cast %mul3A_311 : vector<16xf32> to vector<1x16xf32>
        tpu.vector_store %arg18[%swap3A_312, %swap3A_313], %swap3A_316 {strides = array<i32>} : memref<112x128xf32, #tpu.memory_space<vmem>>, vector<1x16xf32>,
        %slice3A_317 = vector.extract_strided_slice %exp3A {offsets = [1], sizes = [1], strides = [1]} : vector<16xf32> to vector<1xf32>
        %squeeze3A_318 = vector.extract %slice3A_317[0] : f32 from vector<1xf32>
        %get3A_319 = arith.index_cast %scan3A_262 : i32 to index
        %get3A_320 = arith.constant 48 : index
        %get3A_321 = tpu.vector_load %arg18[%get3A_319, %get3A_320] {strides = array<i32>} : memref<112x128xf32, #tpu.memory_space<vmem>>, vector<1x16xf32>,
        %get3A_322 = vector.shape_cast %get3A_321 : vector<1x16xf32> to vector<16xf32>
        %mul3A_323 = vector.broadcast %squeeze3A_318 : f32 to vector<16xf32>
        %mul3A_324 = arith.mulf %get3A_322, %mul3A_323 : vector<16xf32>
        %swap3A_325 = arith.index_cast %scan3A_262 : i32 to index
        %swap3A_326 = arith.constant 48 : index
        %swap3A_327 = tpu.vector_load %arg18[%swap3A_325, %swap3A_326] {strides = array<i32>} : memref<112x128xf32, #tpu.memory_space<vmem>>, vector<1x16xf32>,
        %swap3A_328 = vector.shape_cast %swap3A_327 : vector<1x16xf32> to vector<16xf32>
        %swap3A_329 = vector.shape_cast %mul3A_324 : vector<16xf32> to vector<1x16xf32>
        tpu.vector_store %arg18[%swap3A_325, %swap3A_326], %swap3A_329 {strides = array<i32>} : memref<112x128xf32, #tpu.memory_space<vmem>>, vector<1x16xf32>,
        %slice3A_330 = vector.extract_strided_slice %exp3A {offsets = [2], sizes = [1], strides = [1]} : vector<16xf32> to vector<1xf32>
        %squeeze3A_331 = vector.extract %slice3A_330[0] : f32 from vector<1xf32>
        %get3A_332 = arith.index_cast %scan3A_262 : i32 to index
        %get3A_333 = arith.constant 64 : index
        %get3A_334 = tpu.vector_load %arg18[%get3A_332, %get3A_333] {strides = array<i32>} : memref<112x128xf32, #tpu.memory_space<vmem>>, vector<1x16xf32>,
        %get3A_335 = vector.shape_cast %get3A_334 : vector<1x16xf32> to vector<16xf32>
        %mul3A_336 = vector.broadcast %squeeze3A_331 : f32 to vector<16xf32>
        %mul3A_337 = arith.mulf %get3A_335, %mul3A_336 : vector<16xf32>
        %swap3A_338 = arith.index_cast %scan3A_262 : i32 to index
        %swap3A_339 = arith.constant 64 : index
        %swap3A_340 = tpu.vector_load %arg18[%swap3A_338, %swap3A_339] {strides = array<i32>} : memref<112x128xf32, #tpu.memory_space<vmem>>, vector<1x16xf32>,
        %swap3A_341 = vector.shape_cast %swap3A_340 : vector<1x16xf32> to vector<16xf32>
        %swap3A_342 = vector.shape_cast %mul3A_337 : vector<16xf32> to vector<1x16xf32>
        tpu.vector_store %arg18[%swap3A_338, %swap3A_339], %swap3A_342 {strides = array<i32>} : memref<112x128xf32, #tpu.memory_space<vmem>>, vector<1x16xf32>,
        %slice3A_343 = vector.extract_strided_slice %exp3A {offsets = [2], sizes = [1], strides = [1]} : vector<16xf32> to vector<1xf32>
        %squeeze3A_344 = vector.extract %slice3A_343[0] : f32 from vector<1xf32>
        %get3A_345 = arith.index_cast %scan3A_262 : i32 to index
        %get3A_346 = arith.constant 80 : index
        %get3A_347 = tpu.vector_load %arg18[%get3A_345, %get3A_346] {strides = array<i32>} : memref<112x128xf32, #tpu.memory_space<vmem>>, vector<1x16xf32>,
        %get3A_348 = vector.shape_cast %get3A_347 : vector<1x16xf32> to vector<16xf32>
        %mul3A_349 = vector.broadcast %squeeze3A_344 : f32 to vector<16xf32>
        %mul3A_350 = arith.mulf %get3A_348, %mul3A_349 : vector<16xf32>
        %swap3A_351 = arith.index_cast %scan3A_262 : i32 to index
        %swap3A_352 = arith.constant 80 : index
        %swap3A_353 = tpu.vector_load %arg18[%swap3A_351, %swap3A_352] {strides = array<i32>} : memref<112x128xf32, #tpu.memory_space<vmem>>, vector<1x16xf32>,
        %swap3A_354 = vector.shape_cast %swap3A_353 : vector<1x16xf32> to vector<16xf32>
        %swap3A_355 = vector.shape_cast %mul3A_350 : vector<16xf32> to vector<1x16xf32>
        tpu.vector_store %arg18[%swap3A_351, %swap3A_352], %swap3A_355 {strides = array<i32>} : memref<112x128xf32, #tpu.memory_space<vmem>>, vector<1x16xf32>,
        %slice3A_356 = vector.extract_strided_slice %exp3A {offsets = [3], sizes = [1], strides = [1]} : vector<16xf32> to vector<1xf32>
        %squeeze3A_357 = vector.extract %slice3A_356[0] : f32 from vector<1xf32>
        %get3A_358 = arith.index_cast %scan3A_262 : i32 to index
        %get3A_359 = arith.constant 96 : index
        %get3A_360 = tpu.vector_load %arg18[%get3A_358, %get3A_359] {strides = array<i32>} : memref<112x128xf32, #tpu.memory_space<vmem>>, vector<1x16xf32>,
        %get3A_361 = vector.shape_cast %get3A_360 : vector<1x16xf32> to vector<16xf32>
        %mul3A_362 = vector.broadcast %squeeze3A_357 : f32 to vector<16xf32>
        %mul3A_363 = arith.mulf %get3A_361, %mul3A_362 : vector<16xf32>
        %swap3A_364 = arith.index_cast %scan3A_262 : i32 to index
        %swap3A_365 = arith.constant 96 : index
        %swap3A_366 = tpu.vector_load %arg18[%swap3A_364, %swap3A_365] {strides = array<i32>} : memref<112x128xf32, #tpu.memory_space<vmem>>, vector<1x16xf32>,
        %swap3A_367 = vector.shape_cast %swap3A_366 : vector<1x16xf32> to vector<16xf32>
        %swap3A_368 = vector.shape_cast %mul3A_363 : vector<16xf32> to vector<1x16xf32>
        tpu.vector_store %arg18[%swap3A_364, %swap3A_365], %swap3A_368 {strides = array<i32>} : memref<112x128xf32, #tpu.memory_space<vmem>>, vector<1x16xf32>,
        %slice3A_369 = vector.extract_strided_slice %exp3A {offsets = [3], sizes = [1], strides = [1]} : vector<16xf32> to vector<1xf32>
        %squeeze3A_370 = vector.extract %slice3A_369[0] : f32 from vector<1xf32>
        %get3A_371 = arith.index_cast %scan3A_262 : i32 to index
        %get3A_372 = arith.constant 112 : index
        %get3A_373 = tpu.vector_load %arg18[%get3A_371, %get3A_372] {strides = array<i32>} : memref<112x128xf32, #tpu.memory_space<vmem>>, vector<1x16xf32>,
        %get3A_374 = vector.shape_cast %get3A_373 : vector<1x16xf32> to vector<16xf32>
        %mul3A_375 = vector.broadcast %squeeze3A_370 : f32 to vector<16xf32>
        %mul3A_376 = arith.mulf %get3A_374, %mul3A_375 : vector<16xf32>
        %swap3A_377 = arith.index_cast %scan3A_262 : i32 to index
        %swap3A_378 = arith.constant 112 : index
        %swap3A_379 = tpu.vector_load %arg18[%swap3A_377, %swap3A_378] {strides = array<i32>} : memref<112x128xf32, #tpu.memory_space<vmem>>, vector<1x16xf32>,
        %swap3A_380 = vector.shape_cast %swap3A_379 : vector<1x16xf32> to vector<16xf32>
        %swap3A_381 = vector.shape_cast %mul3A_376 : vector<16xf32> to vector<1x16xf32>
        tpu.vector_store %arg18[%swap3A_377, %swap3A_378], %swap3A_381 {strides = array<i32>} : memref<112x128xf32, #tpu.memory_space<vmem>>, vector<1x16xf32>,
      }
      %scan3A_175 = arith.constant 112 : i32
      "tpu.region"() ({
        %run_scoped3A = tpu.sem_alloc : memref<!tpu.dma_semaphore, #tpu.memory_space<semaphore_mem>>
        %dma_start3A_262 = arith.constant 0 : i32
        %dma_start3A_263 = arith.constant 0 : i32
        %dma_start3A_264 = tpu.memref_slice %arg23[%dma_start3A_262, %dma_start3A_263] : memref<10240x128xf32, #tpu.memory_space<vmem_shared>> -> memref<10240x128xf32, #tpu.memory_space<vmem_shared>>
        tpu.enqueue_indirect_dma source(%arg18 : memref<112x128xf32, #tpu.memory_space<vmem>>) target(%dma_start3A_264 : memref<10240x128xf32, #tpu.memory_space<vmem_shared>>) offsets(%arg14 : memref<112xi32, #tpu.memory_space<vmem>>) semaphore(%run_scoped3A : memref<!tpu.dma_semaphore, #tpu.memory_space<semaphore_mem>>) {add = true}
        %dma_wait3A_265 = arith.constant 0 : i32
        %dma_wait3A_266 = arith.constant 0 : i32
        %dma_wait3A_267 = tpu.memref_slice %arg23[%dma_wait3A_265, %dma_wait3A_266] : memref<10240x128xf32, #tpu.memory_space<vmem_shared>> -> memref<10240x128xf32, #tpu.memory_space<vmem_shared>>
        tpu.wait_indirect_dma semaphore(%run_scoped3A : memref<!tpu.dma_semaphore, #tpu.memory_space<semaphore_mem>>) src(%arg18 : memref<112x128xf32, #tpu.memory_space<vmem>>) dst(%dma_wait3A_267 : memref<10240x128xf32, #tpu.memory_space<vmem_shared>>)
        tpu.yield
      }) : () -> ()
      "tpu.region"() ({
        %run_scoped3A = tpu.sem_alloc : memref<!tpu.dma_semaphore, #tpu.memory_space<semaphore_mem>>
        %dma_start3A_262 = arith.constant 0 : i32
        %dma_start3A_263 = arith.constant 0 : i32
        %dma_start3A_264 = tpu.memref_slice %arg24[%dma_start3A_262, %dma_start3A_263] : memref<10240x16xf32, #tpu.memory_space<vmem_shared>> -> memref<10240x16xf32, #tpu.memory_space<vmem_shared>>
        tpu.enqueue_indirect_dma source(%arg20 : memref<112x16xf32, #tpu.memory_space<vmem>>) target(%dma_start3A_264 : memref<10240x16xf32, #tpu.memory_space<vmem_shared>>) offsets(%arg14 : memref<112xi32, #tpu.memory_space<vmem>>) semaphore(%run_scoped3A : memref<!tpu.dma_semaphore, #tpu.memory_space<semaphore_mem>>) {add = true}
        %dma_wait3A_265 = arith.constant 0 : i32
        %dma_wait3A_266 = arith.constant 0 : i32
        %dma_wait3A_267 = tpu.memref_slice %arg24[%dma_wait3A_265, %dma_wait3A_266] : memref<10240x16xf32, #tpu.memory_space<vmem_shared>> -> memref<10240x16xf32, #tpu.memory_space<vmem_shared>>
        tpu.wait_indirect_dma semaphore(%run_scoped3A : memref<!tpu.dma_semaphore, #tpu.memory_space<semaphore_mem>>) src(%arg20 : memref<112x16xf32, #tpu.memory_space<vmem>>) dst(%dma_wait3A_267 : memref<10240x16xf32, #tpu.memory_space<vmem_shared>>)
        tpu.yield
      }) : () -> ()
      %mul3A_176 = arith.constant 4 : i32
      %mul3A_177 = arith.muli %scan3A_90, %mul3A_176 : i32
      %add3A_178 = arith.constant 2 : i32
      %add3A_179 = arith.addi %mul3A_177, %add3A_178 : i32
      %dma_wait3A_180 = arith.constant 0 : i32
      %dma_wait3A_181 = arith.constant 0 : i32
      %dma_wait3A_182 = tpu.memref_slice %arg2[%dma_wait3A_180, %dma_wait3A_181] : memref<10240x128xf32, #tpu.memory_space<hbm>> -> memref<10240x128xf32, #tpu.memory_space<hbm>>
      tpu.wait_indirect_dma semaphore(%arg29 : memref<!tpu.dma_semaphore, #tpu.memory_space<semaphore_mem>>) src(%dma_wait3A_182 : memref<10240x128xf32, #tpu.memory_space<hbm>>) dst(%arg17 : memref<112x128xf32, #tpu.memory_space<vmem>>)
      %dma_wait3A_183 = arith.constant 0 : i32
      %dma_wait3A_184 = arith.constant 0 : i32
      %dma_wait3A_185 = tpu.memref_slice %arg3[%dma_wait3A_183, %dma_wait3A_184] : memref<10240x16xf32, #tpu.memory_space<hbm>> -> memref<10240x16xf32, #tpu.memory_space<hbm>>
      tpu.wait_indirect_dma semaphore(%arg29 : memref<!tpu.dma_semaphore, #tpu.memory_space<semaphore_mem>>) src(%dma_wait3A_185 : memref<10240x16xf32, #tpu.memory_space<hbm>>) dst(%arg19 : memref<112x16xf32, #tpu.memory_space<vmem>>)
      %dma_wait3A_186 = arith.constant 0 : i32
      %dma_wait3A_187 = arith.constant 0 : i32
      %dma_wait3A_188 = tpu.memref_slice %arg4[%dma_wait3A_186, %dma_wait3A_187] : memref<10240x16xf32, #tpu.memory_space<hbm>> -> memref<10240x16xf32, #tpu.memory_space<hbm>>
      tpu.wait_indirect_dma semaphore(%arg29 : memref<!tpu.dma_semaphore, #tpu.memory_space<semaphore_mem>>) src(%dma_wait3A_188 : memref<10240x16xf32, #tpu.memory_space<hbm>>) dst(%arg21 : memref<112x16xf32, #tpu.memory_space<vmem>>)
      %add3A_189 = arith.constant 3 : i32
      %add3A_190 = arith.addi %add3A_179, %add3A_189 : i32
      %min3A_191 = arith.constant 91 : i32
      %min3A_192 = arith.minsi %add3A_190, %min3A_191 : i32
      %mul3A_193 = arith.constant 112 : i32
      %mul3A_194 = arith.muli %min3A_192, %mul3A_193 : i32
      %add3A_195 = arith.addi %mul3A_4, %mul3A_194 : i32
      %dma_start3A_196 = tpu.memref_slice %arg5[%add3A_195] : memref<329728xi32, #tpu.memory_space<hbm>> -> memref<112xi32, #tpu.memory_space<hbm>>
      %dma_start3A_197 = tpu.memref_slice %arg5[%add3A_195] : memref<329728xi32, #tpu.memory_space<hbm>> -> memref<112xi32, #tpu.memory_space<hbm>>
      tpu.enqueue_dma source(%dma_start3A_197 : memref<112xi32, #tpu.memory_space<hbm>>) target(%arg10 : memref<112xi32, #tpu.memory_space<vmem>>) target_semaphore(%arg26 : memref<!tpu.dma_semaphore, #tpu.memory_space<semaphore_mem>>)
      %dma_start3A_198 = tpu.memref_slice %arg6[%add3A_195] : memref<329728xi32, #tpu.memory_space<hbm>> -> memref<112xi32, #tpu.memory_space<hbm>>
      %dma_start3A_199 = tpu.memref_slice %arg6[%add3A_195] : memref<329728xi32, #tpu.memory_space<hbm>> -> memref<112xi32, #tpu.memory_space<hbm>>
      tpu.enqueue_dma source(%dma_start3A_199 : memref<112xi32, #tpu.memory_space<hbm>>) target(%arg14 : memref<112xi32, #tpu.memory_space<vmem>>) target_semaphore(%arg26 : memref<!tpu.dma_semaphore, #tpu.memory_space<semaphore_mem>>)
      %dma_wait3A_200 = tpu.memref_slice %arg5[%mul3A_4] : memref<329728xi32, #tpu.memory_space<hbm>> -> memref<112xi32, #tpu.memory_space<hbm>>
      %dma_wait3A_201 = tpu.memref_slice %arg5[%mul3A_4] : memref<329728xi32, #tpu.memory_space<hbm>> -> memref<112xi32, #tpu.memory_space<hbm>>
      tpu.wait_dma2 semaphore(%arg28 : memref<!tpu.dma_semaphore, #tpu.memory_space<semaphore_mem>>) src(%dma_wait3A_201 : memref<112xi32, #tpu.memory_space<hbm>>) dst(%arg12 : memref<112xi32, #tpu.memory_space<vmem>>)
      %dma_wait3A_202 = tpu.memref_slice %arg6[%mul3A_4] : memref<329728xi32, #tpu.memory_space<hbm>> -> memref<112xi32, #tpu.memory_space<hbm>>
      %dma_wait3A_203 = tpu.memref_slice %arg6[%mul3A_4] : memref<329728xi32, #tpu.memory_space<hbm>> -> memref<112xi32, #tpu.memory_space<hbm>>
      tpu.wait_dma2 semaphore(%arg28 : memref<!tpu.dma_semaphore, #tpu.memory_space<semaphore_mem>>) src(%dma_wait3A_203 : memref<112xi32, #tpu.memory_space<hbm>>) dst(%arg16 : memref<112xi32, #tpu.memory_space<vmem>>)
      %dma_start3A_204 = arith.constant 0 : i32
      %dma_start3A_205 = arith.constant 0 : i32
      %dma_start3A_206 = tpu.memref_slice %arg2[%dma_start3A_204, %dma_start3A_205] : memref<10240x128xf32, #tpu.memory_space<hbm>> -> memref<10240x128xf32, #tpu.memory_space<hbm>>
      tpu.enqueue_indirect_dma source(%dma_start3A_206 : memref<10240x128xf32, #tpu.memory_space<hbm>>) target(%arg18 : memref<112x128xf32, #tpu.memory_space<vmem>>) offsets(%arg12 : memref<112xi32, #tpu.memory_space<vmem>>) semaphore(%arg30 : memref<!tpu.dma_semaphore, #tpu.memory_space<semaphore_mem>>)
      %dma_start3A_207 = arith.constant 0 : i32
      %dma_start3A_208 = arith.constant 0 : i32
      %dma_start3A_209 = tpu.memref_slice %arg3[%dma_start3A_207, %dma_start3A_208] : memref<10240x16xf32, #tpu.memory_space<hbm>> -> memref<10240x16xf32, #tpu.memory_space<hbm>>
      tpu.enqueue_indirect_dma source(%dma_start3A_209 : memref<10240x16xf32, #tpu.memory_space<hbm>>) target(%arg20 : memref<112x16xf32, #tpu.memory_space<vmem>>) offsets(%arg12 : memref<112xi32, #tpu.memory_space<vmem>>) semaphore(%arg30 : memref<!tpu.dma_semaphore, #tpu.memory_space<semaphore_mem>>)
      %dma_start3A_210 = arith.constant 0 : i32
      %dma_start3A_211 = arith.constant 0 : i32
      %dma_start3A_212 = tpu.memref_slice %arg4[%dma_start3A_210, %dma_start3A_211] : memref<10240x16xf32, #tpu.memory_space<hbm>> -> memref<10240x16xf32, #tpu.memory_space<hbm>>
      tpu.enqueue_indirect_dma source(%dma_start3A_212 : memref<10240x16xf32, #tpu.memory_space<hbm>>) target(%arg22 : memref<112x16xf32, #tpu.memory_space<vmem>>) offsets(%arg16 : memref<112xi32, #tpu.memory_space<vmem>>) semaphore(%arg30 : memref<!tpu.dma_semaphore, #tpu.memory_space<semaphore_mem>>)
      %scan3A_213 = arith.constant 0 : i32
      %scan3A_214 = arith.constant 0 : i32
      %scan3A_215 = arith.constant 112 : i32
      %scan3A_216 = arith.addi %scan3A_214, %scan3A_215 : i32
      %scan3A_217 = arith.constant 1 : i32
      scf.for %scan3A_262 = %scan3A_214 to %scan3A_216 step %scan3A_217  : i32 {
        %get3A = arith.index_cast %scan3A_262 : i32 to index
        %get3A_263 = arith.constant 0 : index
        %get3A_264 = tpu.vector_load %arg19[%get3A, %get3A_263] {strides = array<i32>} : memref<112x16xf32, #tpu.memory_space<vmem>>, vector<1x16xf32>,
        %get3A_265 = vector.shape_cast %get3A_264 : vector<1x16xf32> to vector<16xf32>
        %get3A_266 = arith.index_cast %scan3A_262 : i32 to index
        %get3A_267 = arith.constant 0 : index
        %get3A_268 = tpu.vector_load %arg21[%get3A_266, %get3A_267] {strides = array<i32>} : memref<112x16xf32, #tpu.memory_space<vmem>>, vector<1x16xf32>,
        %get3A_269 = vector.shape_cast %get3A_268 : vector<1x16xf32> to vector<16xf32>
        %add3A_270 = arith.addf %get3A_265, %get3A_269 : vector<16xf32>
        %ge3A = arith.constant 0.000000e+00 : f32
        %ge3A_271 = vector.broadcast %ge3A : f32 to vector<16xf32>
        %ge3A_272 = arith.cmpf oge, %add3A_270, %ge3A_271 : vector<16xf32>
        %mul3A_273 = arith.constant 2.000000e-01 : f32
        %mul3A_274 = vector.broadcast %mul3A_273 : f32 to vector<16xf32>
        %mul3A_275 = arith.mulf %mul3A_274, %add3A_270 : vector<16xf32>
        %select_n3A = arith.select %ge3A_272, %add3A_270, %mul3A_275 : vector<16xi1>, vector<16xf32>
        %exp3A = math.exp %select_n3A : vector<16xf32>
        %swap3A = arith.index_cast %scan3A_262 : i32 to index
        %swap3A_276 = arith.constant 0 : index
        %swap3A_277 = tpu.vector_load %arg19[%swap3A, %swap3A_276] {strides = array<i32>} : memref<112x16xf32, #tpu.memory_space<vmem>>, vector<1x16xf32>,
        %swap3A_278 = vector.shape_cast %swap3A_277 : vector<1x16xf32> to vector<16xf32>
        %swap3A_279 = vector.shape_cast %exp3A : vector<16xf32> to vector<1x16xf32>
        tpu.vector_store %arg19[%swap3A, %swap3A_276], %swap3A_279 {strides = array<i32>} : memref<112x16xf32, #tpu.memory_space<vmem>>, vector<1x16xf32>,
        %slice3A = vector.extract_strided_slice %exp3A {offsets = [0], sizes = [1], strides = [1]} : vector<16xf32> to vector<1xf32>
        %squeeze3A = vector.extract %slice3A[0] : f32 from vector<1xf32>
        %get3A_280 = arith.index_cast %scan3A_262 : i32 to index
        %get3A_281 = arith.constant 0 : index
        %get3A_282 = tpu.vector_load %arg17[%get3A_280, %get3A_281] {strides = array<i32>} : memref<112x128xf32, #tpu.memory_space<vmem>>, vector<1x16xf32>,
        %get3A_283 = vector.shape_cast %get3A_282 : vector<1x16xf32> to vector<16xf32>
        %mul3A_284 = vector.broadcast %squeeze3A : f32 to vector<16xf32>
        %mul3A_285 = arith.mulf %get3A_283, %mul3A_284 : vector<16xf32>
        %swap3A_286 = arith.index_cast %scan3A_262 : i32 to index
        %swap3A_287 = arith.constant 0 : index
        %swap3A_288 = tpu.vector_load %arg17[%swap3A_286, %swap3A_287] {strides = array<i32>} : memref<112x128xf32, #tpu.memory_space<vmem>>, vector<1x16xf32>,
        %swap3A_289 = vector.shape_cast %swap3A_288 : vector<1x16xf32> to vector<16xf32>
        %swap3A_290 = vector.shape_cast %mul3A_285 : vector<16xf32> to vector<1x16xf32>
        tpu.vector_store %arg17[%swap3A_286, %swap3A_287], %swap3A_290 {strides = array<i32>} : memref<112x128xf32, #tpu.memory_space<vmem>>, vector<1x16xf32>,
        %slice3A_291 = vector.extract_strided_slice %exp3A {offsets = [0], sizes = [1], strides = [1]} : vector<16xf32> to vector<1xf32>
        %squeeze3A_292 = vector.extract %slice3A_291[0] : f32 from vector<1xf32>
        %get3A_293 = arith.index_cast %scan3A_262 : i32 to index
        %get3A_294 = arith.constant 16 : index
        %get3A_295 = tpu.vector_load %arg17[%get3A_293, %get3A_294] {strides = array<i32>} : memref<112x128xf32, #tpu.memory_space<vmem>>, vector<1x16xf32>,
        %get3A_296 = vector.shape_cast %get3A_295 : vector<1x16xf32> to vector<16xf32>
        %mul3A_297 = vector.broadcast %squeeze3A_292 : f32 to vector<16xf32>
        %mul3A_298 = arith.mulf %get3A_296, %mul3A_297 : vector<16xf32>
        %swap3A_299 = arith.index_cast %scan3A_262 : i32 to index
        %swap3A_300 = arith.constant 16 : index
        %swap3A_301 = tpu.vector_load %arg17[%swap3A_299, %swap3A_300] {strides = array<i32>} : memref<112x128xf32, #tpu.memory_space<vmem>>, vector<1x16xf32>,
        %swap3A_302 = vector.shape_cast %swap3A_301 : vector<1x16xf32> to vector<16xf32>
        %swap3A_303 = vector.shape_cast %mul3A_298 : vector<16xf32> to vector<1x16xf32>
        tpu.vector_store %arg17[%swap3A_299, %swap3A_300], %swap3A_303 {strides = array<i32>} : memref<112x128xf32, #tpu.memory_space<vmem>>, vector<1x16xf32>,
        %slice3A_304 = vector.extract_strided_slice %exp3A {offsets = [1], sizes = [1], strides = [1]} : vector<16xf32> to vector<1xf32>
        %squeeze3A_305 = vector.extract %slice3A_304[0] : f32 from vector<1xf32>
        %get3A_306 = arith.index_cast %scan3A_262 : i32 to index
        %get3A_307 = arith.constant 32 : index
        %get3A_308 = tpu.vector_load %arg17[%get3A_306, %get3A_307] {strides = array<i32>} : memref<112x128xf32, #tpu.memory_space<vmem>>, vector<1x16xf32>,
        %get3A_309 = vector.shape_cast %get3A_308 : vector<1x16xf32> to vector<16xf32>
        %mul3A_310 = vector.broadcast %squeeze3A_305 : f32 to vector<16xf32>
        %mul3A_311 = arith.mulf %get3A_309, %mul3A_310 : vector<16xf32>
        %swap3A_312 = arith.index_cast %scan3A_262 : i32 to index
        %swap3A_313 = arith.constant 32 : index
        %swap3A_314 = tpu.vector_load %arg17[%swap3A_312, %swap3A_313] {strides = array<i32>} : memref<112x128xf32, #tpu.memory_space<vmem>>, vector<1x16xf32>,
        %swap3A_315 = vector.shape_cast %swap3A_314 : vector<1x16xf32> to vector<16xf32>
        %swap3A_316 = vector.shape_cast %mul3A_311 : vector<16xf32> to vector<1x16xf32>
        tpu.vector_store %arg17[%swap3A_312, %swap3A_313], %swap3A_316 {strides = array<i32>} : memref<112x128xf32, #tpu.memory_space<vmem>>, vector<1x16xf32>,
        %slice3A_317 = vector.extract_strided_slice %exp3A {offsets = [1], sizes = [1], strides = [1]} : vector<16xf32> to vector<1xf32>
        %squeeze3A_318 = vector.extract %slice3A_317[0] : f32 from vector<1xf32>
        %get3A_319 = arith.index_cast %scan3A_262 : i32 to index
        %get3A_320 = arith.constant 48 : index
        %get3A_321 = tpu.vector_load %arg17[%get3A_319, %get3A_320] {strides = array<i32>} : memref<112x128xf32, #tpu.memory_space<vmem>>, vector<1x16xf32>,
        %get3A_322 = vector.shape_cast %get3A_321 : vector<1x16xf32> to vector<16xf32>
        %mul3A_323 = vector.broadcast %squeeze3A_318 : f32 to vector<16xf32>
        %mul3A_324 = arith.mulf %get3A_322, %mul3A_323 : vector<16xf32>
        %swap3A_325 = arith.index_cast %scan3A_262 : i32 to index
        %swap3A_326 = arith.constant 48 : index
        %swap3A_327 = tpu.vector_load %arg17[%swap3A_325, %swap3A_326] {strides = array<i32>} : memref<112x128xf32, #tpu.memory_space<vmem>>, vector<1x16xf32>,
        %swap3A_328 = vector.shape_cast %swap3A_327 : vector<1x16xf32> to vector<16xf32>
        %swap3A_329 = vector.shape_cast %mul3A_324 : vector<16xf32> to vector<1x16xf32>
        tpu.vector_store %arg17[%swap3A_325, %swap3A_326], %swap3A_329 {strides = array<i32>} : memref<112x128xf32, #tpu.memory_space<vmem>>, vector<1x16xf32>,
        %slice3A_330 = vector.extract_strided_slice %exp3A {offsets = [2], sizes = [1], strides = [1]} : vector<16xf32> to vector<1xf32>
        %squeeze3A_331 = vector.extract %slice3A_330[0] : f32 from vector<1xf32>
        %get3A_332 = arith.index_cast %scan3A_262 : i32 to index
        %get3A_333 = arith.constant 64 : index
        %get3A_334 = tpu.vector_load %arg17[%get3A_332, %get3A_333] {strides = array<i32>} : memref<112x128xf32, #tpu.memory_space<vmem>>, vector<1x16xf32>,
        %get3A_335 = vector.shape_cast %get3A_334 : vector<1x16xf32> to vector<16xf32>
        %mul3A_336 = vector.broadcast %squeeze3A_331 : f32 to vector<16xf32>
        %mul3A_337 = arith.mulf %get3A_335, %mul3A_336 : vector<16xf32>
        %swap3A_338 = arith.index_cast %scan3A_262 : i32 to index
        %swap3A_339 = arith.constant 64 : index
        %swap3A_340 = tpu.vector_load %arg17[%swap3A_338, %swap3A_339] {strides = array<i32>} : memref<112x128xf32, #tpu.memory_space<vmem>>, vector<1x16xf32>,
        %swap3A_341 = vector.shape_cast %swap3A_340 : vector<1x16xf32> to vector<16xf32>
        %swap3A_342 = vector.shape_cast %mul3A_337 : vector<16xf32> to vector<1x16xf32>
        tpu.vector_store %arg17[%swap3A_338, %swap3A_339], %swap3A_342 {strides = array<i32>} : memref<112x128xf32, #tpu.memory_space<vmem>>, vector<1x16xf32>,
        %slice3A_343 = vector.extract_strided_slice %exp3A {offsets = [2], sizes = [1], strides = [1]} : vector<16xf32> to vector<1xf32>
        %squeeze3A_344 = vector.extract %slice3A_343[0] : f32 from vector<1xf32>
        %get3A_345 = arith.index_cast %scan3A_262 : i32 to index
        %get3A_346 = arith.constant 80 : index
        %get3A_347 = tpu.vector_load %arg17[%get3A_345, %get3A_346] {strides = array<i32>} : memref<112x128xf32, #tpu.memory_space<vmem>>, vector<1x16xf32>,
        %get3A_348 = vector.shape_cast %get3A_347 : vector<1x16xf32> to vector<16xf32>
        %mul3A_349 = vector.broadcast %squeeze3A_344 : f32 to vector<16xf32>
        %mul3A_350 = arith.mulf %get3A_348, %mul3A_349 : vector<16xf32>
        %swap3A_351 = arith.index_cast %scan3A_262 : i32 to index
        %swap3A_352 = arith.constant 80 : index
        %swap3A_353 = tpu.vector_load %arg17[%swap3A_351, %swap3A_352] {strides = array<i32>} : memref<112x128xf32, #tpu.memory_space<vmem>>, vector<1x16xf32>,
        %swap3A_354 = vector.shape_cast %swap3A_353 : vector<1x16xf32> to vector<16xf32>
        %swap3A_355 = vector.shape_cast %mul3A_350 : vector<16xf32> to vector<1x16xf32>
        tpu.vector_store %arg17[%swap3A_351, %swap3A_352], %swap3A_355 {strides = array<i32>} : memref<112x128xf32, #tpu.memory_space<vmem>>, vector<1x16xf32>,
        %slice3A_356 = vector.extract_strided_slice %exp3A {offsets = [3], sizes = [1], strides = [1]} : vector<16xf32> to vector<1xf32>
        %squeeze3A_357 = vector.extract %slice3A_356[0] : f32 from vector<1xf32>
        %get3A_358 = arith.index_cast %scan3A_262 : i32 to index
        %get3A_359 = arith.constant 96 : index
        %get3A_360 = tpu.vector_load %arg17[%get3A_358, %get3A_359] {strides = array<i32>} : memref<112x128xf32, #tpu.memory_space<vmem>>, vector<1x16xf32>,
        %get3A_361 = vector.shape_cast %get3A_360 : vector<1x16xf32> to vector<16xf32>
        %mul3A_362 = vector.broadcast %squeeze3A_357 : f32 to vector<16xf32>
        %mul3A_363 = arith.mulf %get3A_361, %mul3A_362 : vector<16xf32>
        %swap3A_364 = arith.index_cast %scan3A_262 : i32 to index
        %swap3A_365 = arith.constant 96 : index
        %swap3A_366 = tpu.vector_load %arg17[%swap3A_364, %swap3A_365] {strides = array<i32>} : memref<112x128xf32, #tpu.memory_space<vmem>>, vector<1x16xf32>,
        %swap3A_367 = vector.shape_cast %swap3A_366 : vector<1x16xf32> to vector<16xf32>
        %swap3A_368 = vector.shape_cast %mul3A_363 : vector<16xf32> to vector<1x16xf32>
        tpu.vector_store %arg17[%swap3A_364, %swap3A_365], %swap3A_368 {strides = array<i32>} : memref<112x128xf32, #tpu.memory_space<vmem>>, vector<1x16xf32>,
        %slice3A_369 = vector.extract_strided_slice %exp3A {offsets = [3], sizes = [1], strides = [1]} : vector<16xf32> to vector<1xf32>
        %squeeze3A_370 = vector.extract %slice3A_369[0] : f32 from vector<1xf32>
        %get3A_371 = arith.index_cast %scan3A_262 : i32 to index
        %get3A_372 = arith.constant 112 : index
        %get3A_373 = tpu.vector_load %arg17[%get3A_371, %get3A_372] {strides = array<i32>} : memref<112x128xf32, #tpu.memory_space<vmem>>, vector<1x16xf32>,
        %get3A_374 = vector.shape_cast %get3A_373 : vector<1x16xf32> to vector<16xf32>
        %mul3A_375 = vector.broadcast %squeeze3A_370 : f32 to vector<16xf32>
        %mul3A_376 = arith.mulf %get3A_374, %mul3A_375 : vector<16xf32>
        %swap3A_377 = arith.index_cast %scan3A_262 : i32 to index
        %swap3A_378 = arith.constant 112 : index
        %swap3A_379 = tpu.vector_load %arg17[%swap3A_377, %swap3A_378] {strides = array<i32>} : memref<112x128xf32, #tpu.memory_space<vmem>>, vector<1x16xf32>,
        %swap3A_380 = vector.shape_cast %swap3A_379 : vector<1x16xf32> to vector<16xf32>
        %swap3A_381 = vector.shape_cast %mul3A_376 : vector<16xf32> to vector<1x16xf32>
        tpu.vector_store %arg17[%swap3A_377, %swap3A_378], %swap3A_381 {strides = array<i32>} : memref<112x128xf32, #tpu.memory_space<vmem>>, vector<1x16xf32>,
      }
      %scan3A_218 = arith.constant 112 : i32
      "tpu.region"() ({
        %run_scoped3A = tpu.sem_alloc : memref<!tpu.dma_semaphore, #tpu.memory_space<semaphore_mem>>
        %dma_start3A_262 = arith.constant 0 : i32
        %dma_start3A_263 = arith.constant 0 : i32
        %dma_start3A_264 = tpu.memref_slice %arg23[%dma_start3A_262, %dma_start3A_263] : memref<10240x128xf32, #tpu.memory_space<vmem_shared>> -> memref<10240x128xf32, #tpu.memory_space<vmem_shared>>
        tpu.enqueue_indirect_dma source(%arg17 : memref<112x128xf32, #tpu.memory_space<vmem>>) target(%dma_start3A_264 : memref<10240x128xf32, #tpu.memory_space<vmem_shared>>) offsets(%arg15 : memref<112xi32, #tpu.memory_space<vmem>>) semaphore(%run_scoped3A : memref<!tpu.dma_semaphore, #tpu.memory_space<semaphore_mem>>) {add = true}
        %dma_wait3A_265 = arith.constant 0 : i32
        %dma_wait3A_266 = arith.constant 0 : i32
        %dma_wait3A_267 = tpu.memref_slice %arg23[%dma_wait3A_265, %dma_wait3A_266] : memref<10240x128xf32, #tpu.memory_space<vmem_shared>> -> memref<10240x128xf32, #tpu.memory_space<vmem_shared>>
        tpu.wait_indirect_dma semaphore(%run_scoped3A : memref<!tpu.dma_semaphore, #tpu.memory_space<semaphore_mem>>) src(%arg17 : memref<112x128xf32, #tpu.memory_space<vmem>>) dst(%dma_wait3A_267 : memref<10240x128xf32, #tpu.memory_space<vmem_shared>>)
        tpu.yield
      }) : () -> ()
      "tpu.region"() ({
        %run_scoped3A = tpu.sem_alloc : memref<!tpu.dma_semaphore, #tpu.memory_space<semaphore_mem>>
        %dma_start3A_262 = arith.constant 0 : i32
        %dma_start3A_263 = arith.constant 0 : i32
        %dma_start3A_264 = tpu.memref_slice %arg24[%dma_start3A_262, %dma_start3A_263] : memref<10240x16xf32, #tpu.memory_space<vmem_shared>> -> memref<10240x16xf32, #tpu.memory_space<vmem_shared>>
        tpu.enqueue_indirect_dma source(%arg19 : memref<112x16xf32, #tpu.memory_space<vmem>>) target(%dma_start3A_264 : memref<10240x16xf32, #tpu.memory_space<vmem_shared>>) offsets(%arg15 : memref<112xi32, #tpu.memory_space<vmem>>) semaphore(%run_scoped3A : memref<!tpu.dma_semaphore, #tpu.memory_space<semaphore_mem>>) {add = true}
        %dma_wait3A_265 = arith.constant 0 : i32
        %dma_wait3A_266 = arith.constant 0 : i32
        %dma_wait3A_267 = tpu.memref_slice %arg24[%dma_wait3A_265, %dma_wait3A_266] : memref<10240x16xf32, #tpu.memory_space<vmem_shared>> -> memref<10240x16xf32, #tpu.memory_space<vmem_shared>>
        tpu.wait_indirect_dma semaphore(%run_scoped3A : memref<!tpu.dma_semaphore, #tpu.memory_space<semaphore_mem>>) src(%arg19 : memref<112x16xf32, #tpu.memory_space<vmem>>) dst(%dma_wait3A_267 : memref<10240x16xf32, #tpu.memory_space<vmem_shared>>)
        tpu.yield
      }) : () -> ()
      %mul3A_219 = arith.constant 4 : i32
      %mul3A_220 = arith.muli %scan3A_90, %mul3A_219 : i32
      %add3A_221 = arith.constant 3 : i32
      %add3A_222 = arith.addi %mul3A_220, %add3A_221 : i32
      %dma_wait3A_223 = arith.constant 0 : i32
      %dma_wait3A_224 = arith.constant 0 : i32
      %dma_wait3A_225 = tpu.memref_slice %arg2[%dma_wait3A_223, %dma_wait3A_224] : memref<10240x128xf32, #tpu.memory_space<hbm>> -> memref<10240x128xf32, #tpu.memory_space<hbm>>
      tpu.wait_indirect_dma semaphore(%arg30 : memref<!tpu.dma_semaphore, #tpu.memory_space<semaphore_mem>>) src(%dma_wait3A_225 : memref<10240x128xf32, #tpu.memory_space<hbm>>) dst(%arg18 : memref<112x128xf32, #tpu.memory_space<vmem>>)
      %dma_wait3A_226 = arith.constant 0 : i32
      %dma_wait3A_227 = arith.constant 0 : i32
      %dma_wait3A_228 = tpu.memref_slice %arg3[%dma_wait3A_226, %dma_wait3A_227] : memref<10240x16xf32, #tpu.memory_space<hbm>> -> memref<10240x16xf32, #tpu.memory_space<hbm>>
      tpu.wait_indirect_dma semaphore(%arg30 : memref<!tpu.dma_semaphore, #tpu.memory_space<semaphore_mem>>) src(%dma_wait3A_228 : memref<10240x16xf32, #tpu.memory_space<hbm>>) dst(%arg20 : memref<112x16xf32, #tpu.memory_space<vmem>>)
      %dma_wait3A_229 = arith.constant 0 : i32
      %dma_wait3A_230 = arith.constant 0 : i32
      %dma_wait3A_231 = tpu.memref_slice %arg4[%dma_wait3A_229, %dma_wait3A_230] : memref<10240x16xf32, #tpu.memory_space<hbm>> -> memref<10240x16xf32, #tpu.memory_space<hbm>>
      tpu.wait_indirect_dma semaphore(%arg30 : memref<!tpu.dma_semaphore, #tpu.memory_space<semaphore_mem>>) src(%dma_wait3A_231 : memref<10240x16xf32, #tpu.memory_space<hbm>>) dst(%arg22 : memref<112x16xf32, #tpu.memory_space<vmem>>)
      %add3A_232 = arith.constant 3 : i32
      %add3A_233 = arith.addi %add3A_222, %add3A_232 : i32
      %min3A_234 = arith.constant 91 : i32
      %min3A_235 = arith.minsi %add3A_233, %min3A_234 : i32
      %mul3A_236 = arith.constant 112 : i32
      %mul3A_237 = arith.muli %min3A_235, %mul3A_236 : i32
      %add3A_238 = arith.addi %mul3A_4, %mul3A_237 : i32
      %dma_start3A_239 = tpu.memref_slice %arg5[%add3A_238] : memref<329728xi32, #tpu.memory_space<hbm>> -> memref<112xi32, #tpu.memory_space<hbm>>
      %dma_start3A_240 = tpu.memref_slice %arg5[%add3A_238] : memref<329728xi32, #tpu.memory_space<hbm>> -> memref<112xi32, #tpu.memory_space<hbm>>
      tpu.enqueue_dma source(%dma_start3A_240 : memref<112xi32, #tpu.memory_space<hbm>>) target(%arg11 : memref<112xi32, #tpu.memory_space<vmem>>) target_semaphore(%arg27 : memref<!tpu.dma_semaphore, #tpu.memory_space<semaphore_mem>>)
      %dma_start3A_241 = tpu.memref_slice %arg6[%add3A_238] : memref<329728xi32, #tpu.memory_space<hbm>> -> memref<112xi32, #tpu.memory_space<hbm>>
      %dma_start3A_242 = tpu.memref_slice %arg6[%add3A_238] : memref<329728xi32, #tpu.memory_space<hbm>> -> memref<112xi32, #tpu.memory_space<hbm>>
      tpu.enqueue_dma source(%dma_start3A_242 : memref<112xi32, #tpu.memory_space<hbm>>) target(%arg15 : memref<112xi32, #tpu.memory_space<vmem>>) target_semaphore(%arg27 : memref<!tpu.dma_semaphore, #tpu.memory_space<semaphore_mem>>)
      %dma_wait3A_243 = tpu.memref_slice %arg5[%mul3A_4] : memref<329728xi32, #tpu.memory_space<hbm>> -> memref<112xi32, #tpu.memory_space<hbm>>
      %dma_wait3A_244 = tpu.memref_slice %arg5[%mul3A_4] : memref<329728xi32, #tpu.memory_space<hbm>> -> memref<112xi32, #tpu.memory_space<hbm>>
      tpu.wait_dma2 semaphore(%arg25 : memref<!tpu.dma_semaphore, #tpu.memory_space<semaphore_mem>>) src(%dma_wait3A_244 : memref<112xi32, #tpu.memory_space<hbm>>) dst(%arg9 : memref<112xi32, #tpu.memory_space<vmem>>)
      %dma_wait3A_245 = tpu.memref_slice %arg6[%mul3A_4] : memref<329728xi32, #tpu.memory_space<hbm>> -> memref<112xi32, #tpu.memory_space<hbm>>
      %dma_wait3A_246 = tpu.memref_slice %arg6[%mul3A_4] : memref<329728xi32, #tpu.memory_space<hbm>> -> memref<112xi32, #tpu.memory_space<hbm>>
      tpu.wait_dma2 semaphore(%arg25 : memref<!tpu.dma_semaphore, #tpu.memory_space<semaphore_mem>>) src(%dma_wait3A_246 : memref<112xi32, #tpu.memory_space<hbm>>) dst(%arg13 : memref<112xi32, #tpu.memory_space<vmem>>)
      %dma_start3A_247 = arith.constant 0 : i32
      %dma_start3A_248 = arith.constant 0 : i32
      %dma_start3A_249 = tpu.memref_slice %arg2[%dma_start3A_247, %dma_start3A_248] : memref<10240x128xf32, #tpu.memory_space<hbm>> -> memref<10240x128xf32, #tpu.memory_space<hbm>>
      tpu.enqueue_indirect_dma source(%dma_start3A_249 : memref<10240x128xf32, #tpu.memory_space<hbm>>) target(%arg17 : memref<112x128xf32, #tpu.memory_space<vmem>>) offsets(%arg9 : memref<112xi32, #tpu.memory_space<vmem>>) semaphore(%arg29 : memref<!tpu.dma_semaphore, #tpu.memory_space<semaphore_mem>>)
      %dma_start3A_250 = arith.constant 0 : i32
      %dma_start3A_251 = arith.constant 0 : i32
      %dma_start3A_252 = tpu.memref_slice %arg3[%dma_start3A_250, %dma_start3A_251] : memref<10240x16xf32, #tpu.memory_space<hbm>> -> memref<10240x16xf32, #tpu.memory_space<hbm>>
      tpu.enqueue_indirect_dma source(%dma_start3A_252 : memref<10240x16xf32, #tpu.memory_space<hbm>>) target(%arg19 : memref<112x16xf32, #tpu.memory_space<vmem>>) offsets(%arg9 : memref<112xi32, #tpu.memory_space<vmem>>) semaphore(%arg29 : memref<!tpu.dma_semaphore, #tpu.memory_space<semaphore_mem>>)
      %dma_start3A_253 = arith.constant 0 : i32
      %dma_start3A_254 = arith.constant 0 : i32
      %dma_start3A_255 = tpu.memref_slice %arg4[%dma_start3A_253, %dma_start3A_254] : memref<10240x16xf32, #tpu.memory_space<hbm>> -> memref<10240x16xf32, #tpu.memory_space<hbm>>
      tpu.enqueue_indirect_dma source(%dma_start3A_255 : memref<10240x16xf32, #tpu.memory_space<hbm>>) target(%arg21 : memref<112x16xf32, #tpu.memory_space<vmem>>) offsets(%arg13 : memref<112xi32, #tpu.memory_space<vmem>>) semaphore(%arg29 : memref<!tpu.dma_semaphore, #tpu.memory_space<semaphore_mem>>)
      %scan3A_256 = arith.constant 0 : i32
      %scan3A_257 = arith.constant 0 : i32
      %scan3A_258 = arith.constant 112 : i32
      %scan3A_259 = arith.addi %scan3A_257, %scan3A_258 : i32
      %scan3A_260 = arith.constant 1 : i32
      scf.for %scan3A_262 = %scan3A_257 to %scan3A_259 step %scan3A_260  : i32 {
        %get3A = arith.index_cast %scan3A_262 : i32 to index
        %get3A_263 = arith.constant 0 : index
        %get3A_264 = tpu.vector_load %arg20[%get3A, %get3A_263] {strides = array<i32>} : memref<112x16xf32, #tpu.memory_space<vmem>>, vector<1x16xf32>,
        %get3A_265 = vector.shape_cast %get3A_264 : vector<1x16xf32> to vector<16xf32>
        %get3A_266 = arith.index_cast %scan3A_262 : i32 to index
        %get3A_267 = arith.constant 0 : index
        %get3A_268 = tpu.vector_load %arg22[%get3A_266, %get3A_267] {strides = array<i32>} : memref<112x16xf32, #tpu.memory_space<vmem>>, vector<1x16xf32>,
        %get3A_269 = vector.shape_cast %get3A_268 : vector<1x16xf32> to vector<16xf32>
        %add3A_270 = arith.addf %get3A_265, %get3A_269 : vector<16xf32>
        %ge3A = arith.constant 0.000000e+00 : f32
        %ge3A_271 = vector.broadcast %ge3A : f32 to vector<16xf32>
        %ge3A_272 = arith.cmpf oge, %add3A_270, %ge3A_271 : vector<16xf32>
        %mul3A_273 = arith.constant 2.000000e-01 : f32
        %mul3A_274 = vector.broadcast %mul3A_273 : f32 to vector<16xf32>
        %mul3A_275 = arith.mulf %mul3A_274, %add3A_270 : vector<16xf32>
        %select_n3A = arith.select %ge3A_272, %add3A_270, %mul3A_275 : vector<16xi1>, vector<16xf32>
        %exp3A = math.exp %select_n3A : vector<16xf32>
        %swap3A = arith.index_cast %scan3A_262 : i32 to index
        %swap3A_276 = arith.constant 0 : index
        %swap3A_277 = tpu.vector_load %arg20[%swap3A, %swap3A_276] {strides = array<i32>} : memref<112x16xf32, #tpu.memory_space<vmem>>, vector<1x16xf32>,
        %swap3A_278 = vector.shape_cast %swap3A_277 : vector<1x16xf32> to vector<16xf32>
        %swap3A_279 = vector.shape_cast %exp3A : vector<16xf32> to vector<1x16xf32>
        tpu.vector_store %arg20[%swap3A, %swap3A_276], %swap3A_279 {strides = array<i32>} : memref<112x16xf32, #tpu.memory_space<vmem>>, vector<1x16xf32>,
        %slice3A = vector.extract_strided_slice %exp3A {offsets = [0], sizes = [1], strides = [1]} : vector<16xf32> to vector<1xf32>
        %squeeze3A = vector.extract %slice3A[0] : f32 from vector<1xf32>
        %get3A_280 = arith.index_cast %scan3A_262 : i32 to index
        %get3A_281 = arith.constant 0 : index
        %get3A_282 = tpu.vector_load %arg18[%get3A_280, %get3A_281] {strides = array<i32>} : memref<112x128xf32, #tpu.memory_space<vmem>>, vector<1x16xf32>,
        %get3A_283 = vector.shape_cast %get3A_282 : vector<1x16xf32> to vector<16xf32>
        %mul3A_284 = vector.broadcast %squeeze3A : f32 to vector<16xf32>
        %mul3A_285 = arith.mulf %get3A_283, %mul3A_284 : vector<16xf32>
        %swap3A_286 = arith.index_cast %scan3A_262 : i32 to index
        %swap3A_287 = arith.constant 0 : index
        %swap3A_288 = tpu.vector_load %arg18[%swap3A_286, %swap3A_287] {strides = array<i32>} : memref<112x128xf32, #tpu.memory_space<vmem>>, vector<1x16xf32>,
        %swap3A_289 = vector.shape_cast %swap3A_288 : vector<1x16xf32> to vector<16xf32>
        %swap3A_290 = vector.shape_cast %mul3A_285 : vector<16xf32> to vector<1x16xf32>
        tpu.vector_store %arg18[%swap3A_286, %swap3A_287], %swap3A_290 {strides = array<i32>} : memref<112x128xf32, #tpu.memory_space<vmem>>, vector<1x16xf32>,
        %slice3A_291 = vector.extract_strided_slice %exp3A {offsets = [0], sizes = [1], strides = [1]} : vector<16xf32> to vector<1xf32>
        %squeeze3A_292 = vector.extract %slice3A_291[0] : f32 from vector<1xf32>
        %get3A_293 = arith.index_cast %scan3A_262 : i32 to index
        %get3A_294 = arith.constant 16 : index
        %get3A_295 = tpu.vector_load %arg18[%get3A_293, %get3A_294] {strides = array<i32>} : memref<112x128xf32, #tpu.memory_space<vmem>>, vector<1x16xf32>,
        %get3A_296 = vector.shape_cast %get3A_295 : vector<1x16xf32> to vector<16xf32>
        %mul3A_297 = vector.broadcast %squeeze3A_292 : f32 to vector<16xf32>
        %mul3A_298 = arith.mulf %get3A_296, %mul3A_297 : vector<16xf32>
        %swap3A_299 = arith.index_cast %scan3A_262 : i32 to index
        %swap3A_300 = arith.constant 16 : index
        %swap3A_301 = tpu.vector_load %arg18[%swap3A_299, %swap3A_300] {strides = array<i32>} : memref<112x128xf32, #tpu.memory_space<vmem>>, vector<1x16xf32>,
        %swap3A_302 = vector.shape_cast %swap3A_301 : vector<1x16xf32> to vector<16xf32>
        %swap3A_303 = vector.shape_cast %mul3A_298 : vector<16xf32> to vector<1x16xf32>
        tpu.vector_store %arg18[%swap3A_299, %swap3A_300], %swap3A_303 {strides = array<i32>} : memref<112x128xf32, #tpu.memory_space<vmem>>, vector<1x16xf32>,
        %slice3A_304 = vector.extract_strided_slice %exp3A {offsets = [1], sizes = [1], strides = [1]} : vector<16xf32> to vector<1xf32>
        %squeeze3A_305 = vector.extract %slice3A_304[0] : f32 from vector<1xf32>
        %get3A_306 = arith.index_cast %scan3A_262 : i32 to index
        %get3A_307 = arith.constant 32 : index
        %get3A_308 = tpu.vector_load %arg18[%get3A_306, %get3A_307] {strides = array<i32>} : memref<112x128xf32, #tpu.memory_space<vmem>>, vector<1x16xf32>,
        %get3A_309 = vector.shape_cast %get3A_308 : vector<1x16xf32> to vector<16xf32>
        %mul3A_310 = vector.broadcast %squeeze3A_305 : f32 to vector<16xf32>
        %mul3A_311 = arith.mulf %get3A_309, %mul3A_310 : vector<16xf32>
        %swap3A_312 = arith.index_cast %scan3A_262 : i32 to index
        %swap3A_313 = arith.constant 32 : index
        %swap3A_314 = tpu.vector_load %arg18[%swap3A_312, %swap3A_313] {strides = array<i32>} : memref<112x128xf32, #tpu.memory_space<vmem>>, vector<1x16xf32>,
        %swap3A_315 = vector.shape_cast %swap3A_314 : vector<1x16xf32> to vector<16xf32>
        %swap3A_316 = vector.shape_cast %mul3A_311 : vector<16xf32> to vector<1x16xf32>
        tpu.vector_store %arg18[%swap3A_312, %swap3A_313], %swap3A_316 {strides = array<i32>} : memref<112x128xf32, #tpu.memory_space<vmem>>, vector<1x16xf32>,
        %slice3A_317 = vector.extract_strided_slice %exp3A {offsets = [1], sizes = [1], strides = [1]} : vector<16xf32> to vector<1xf32>
        %squeeze3A_318 = vector.extract %slice3A_317[0] : f32 from vector<1xf32>
        %get3A_319 = arith.index_cast %scan3A_262 : i32 to index
        %get3A_320 = arith.constant 48 : index
        %get3A_321 = tpu.vector_load %arg18[%get3A_319, %get3A_320] {strides = array<i32>} : memref<112x128xf32, #tpu.memory_space<vmem>>, vector<1x16xf32>,
        %get3A_322 = vector.shape_cast %get3A_321 : vector<1x16xf32> to vector<16xf32>
        %mul3A_323 = vector.broadcast %squeeze3A_318 : f32 to vector<16xf32>
        %mul3A_324 = arith.mulf %get3A_322, %mul3A_323 : vector<16xf32>
        %swap3A_325 = arith.index_cast %scan3A_262 : i32 to index
        %swap3A_326 = arith.constant 48 : index
        %swap3A_327 = tpu.vector_load %arg18[%swap3A_325, %swap3A_326] {strides = array<i32>} : memref<112x128xf32, #tpu.memory_space<vmem>>, vector<1x16xf32>,
        %swap3A_328 = vector.shape_cast %swap3A_327 : vector<1x16xf32> to vector<16xf32>
        %swap3A_329 = vector.shape_cast %mul3A_324 : vector<16xf32> to vector<1x16xf32>
        tpu.vector_store %arg18[%swap3A_325, %swap3A_326], %swap3A_329 {strides = array<i32>} : memref<112x128xf32, #tpu.memory_space<vmem>>, vector<1x16xf32>,
        %slice3A_330 = vector.extract_strided_slice %exp3A {offsets = [2], sizes = [1], strides = [1]} : vector<16xf32> to vector<1xf32>
        %squeeze3A_331 = vector.extract %slice3A_330[0] : f32 from vector<1xf32>
        %get3A_332 = arith.index_cast %scan3A_262 : i32 to index
        %get3A_333 = arith.constant 64 : index
        %get3A_334 = tpu.vector_load %arg18[%get3A_332, %get3A_333] {strides = array<i32>} : memref<112x128xf32, #tpu.memory_space<vmem>>, vector<1x16xf32>,
        %get3A_335 = vector.shape_cast %get3A_334 : vector<1x16xf32> to vector<16xf32>
        %mul3A_336 = vector.broadcast %squeeze3A_331 : f32 to vector<16xf32>
        %mul3A_337 = arith.mulf %get3A_335, %mul3A_336 : vector<16xf32>
        %swap3A_338 = arith.index_cast %scan3A_262 : i32 to index
        %swap3A_339 = arith.constant 64 : index
        %swap3A_340 = tpu.vector_load %arg18[%swap3A_338, %swap3A_339] {strides = array<i32>} : memref<112x128xf32, #tpu.memory_space<vmem>>, vector<1x16xf32>,
        %swap3A_341 = vector.shape_cast %swap3A_340 : vector<1x16xf32> to vector<16xf32>
        %swap3A_342 = vector.shape_cast %mul3A_337 : vector<16xf32> to vector<1x16xf32>
        tpu.vector_store %arg18[%swap3A_338, %swap3A_339], %swap3A_342 {strides = array<i32>} : memref<112x128xf32, #tpu.memory_space<vmem>>, vector<1x16xf32>,
        %slice3A_343 = vector.extract_strided_slice %exp3A {offsets = [2], sizes = [1], strides = [1]} : vector<16xf32> to vector<1xf32>
        %squeeze3A_344 = vector.extract %slice3A_343[0] : f32 from vector<1xf32>
        %get3A_345 = arith.index_cast %scan3A_262 : i32 to index
        %get3A_346 = arith.constant 80 : index
        %get3A_347 = tpu.vector_load %arg18[%get3A_345, %get3A_346] {strides = array<i32>} : memref<112x128xf32, #tpu.memory_space<vmem>>, vector<1x16xf32>,
        %get3A_348 = vector.shape_cast %get3A_347 : vector<1x16xf32> to vector<16xf32>
        %mul3A_349 = vector.broadcast %squeeze3A_344 : f32 to vector<16xf32>
        %mul3A_350 = arith.mulf %get3A_348, %mul3A_349 : vector<16xf32>
        %swap3A_351 = arith.index_cast %scan3A_262 : i32 to index
        %swap3A_352 = arith.constant 80 : index
        %swap3A_353 = tpu.vector_load %arg18[%swap3A_351, %swap3A_352] {strides = array<i32>} : memref<112x128xf32, #tpu.memory_space<vmem>>, vector<1x16xf32>,
        %swap3A_354 = vector.shape_cast %swap3A_353 : vector<1x16xf32> to vector<16xf32>
        %swap3A_355 = vector.shape_cast %mul3A_350 : vector<16xf32> to vector<1x16xf32>
        tpu.vector_store %arg18[%swap3A_351, %swap3A_352], %swap3A_355 {strides = array<i32>} : memref<112x128xf32, #tpu.memory_space<vmem>>, vector<1x16xf32>,
        %slice3A_356 = vector.extract_strided_slice %exp3A {offsets = [3], sizes = [1], strides = [1]} : vector<16xf32> to vector<1xf32>
        %squeeze3A_357 = vector.extract %slice3A_356[0] : f32 from vector<1xf32>
        %get3A_358 = arith.index_cast %scan3A_262 : i32 to index
        %get3A_359 = arith.constant 96 : index
        %get3A_360 = tpu.vector_load %arg18[%get3A_358, %get3A_359] {strides = array<i32>} : memref<112x128xf32, #tpu.memory_space<vmem>>, vector<1x16xf32>,
        %get3A_361 = vector.shape_cast %get3A_360 : vector<1x16xf32> to vector<16xf32>
        %mul3A_362 = vector.broadcast %squeeze3A_357 : f32 to vector<16xf32>
        %mul3A_363 = arith.mulf %get3A_361, %mul3A_362 : vector<16xf32>
        %swap3A_364 = arith.index_cast %scan3A_262 : i32 to index
        %swap3A_365 = arith.constant 96 : index
        %swap3A_366 = tpu.vector_load %arg18[%swap3A_364, %swap3A_365] {strides = array<i32>} : memref<112x128xf32, #tpu.memory_space<vmem>>, vector<1x16xf32>,
        %swap3A_367 = vector.shape_cast %swap3A_366 : vector<1x16xf32> to vector<16xf32>
        %swap3A_368 = vector.shape_cast %mul3A_363 : vector<16xf32> to vector<1x16xf32>
        tpu.vector_store %arg18[%swap3A_364, %swap3A_365], %swap3A_368 {strides = array<i32>} : memref<112x128xf32, #tpu.memory_space<vmem>>, vector<1x16xf32>,
        %slice3A_369 = vector.extract_strided_slice %exp3A {offsets = [3], sizes = [1], strides = [1]} : vector<16xf32> to vector<1xf32>
        %squeeze3A_370 = vector.extract %slice3A_369[0] : f32 from vector<1xf32>
        %get3A_371 = arith.index_cast %scan3A_262 : i32 to index
        %get3A_372 = arith.constant 112 : index
        %get3A_373 = tpu.vector_load %arg18[%get3A_371, %get3A_372] {strides = array<i32>} : memref<112x128xf32, #tpu.memory_space<vmem>>, vector<1x16xf32>,
        %get3A_374 = vector.shape_cast %get3A_373 : vector<1x16xf32> to vector<16xf32>
        %mul3A_375 = vector.broadcast %squeeze3A_370 : f32 to vector<16xf32>
        %mul3A_376 = arith.mulf %get3A_374, %mul3A_375 : vector<16xf32>
        %swap3A_377 = arith.index_cast %scan3A_262 : i32 to index
        %swap3A_378 = arith.constant 112 : index
        %swap3A_379 = tpu.vector_load %arg18[%swap3A_377, %swap3A_378] {strides = array<i32>} : memref<112x128xf32, #tpu.memory_space<vmem>>, vector<1x16xf32>,
        %swap3A_380 = vector.shape_cast %swap3A_379 : vector<1x16xf32> to vector<16xf32>
        %swap3A_381 = vector.shape_cast %mul3A_376 : vector<16xf32> to vector<1x16xf32>
        tpu.vector_store %arg18[%swap3A_377, %swap3A_378], %swap3A_381 {strides = array<i32>} : memref<112x128xf32, #tpu.memory_space<vmem>>, vector<1x16xf32>,
      }
      %scan3A_261 = arith.constant 112 : i32
      "tpu.region"() ({
        %run_scoped3A = tpu.sem_alloc : memref<!tpu.dma_semaphore, #tpu.memory_space<semaphore_mem>>
        %dma_start3A_262 = arith.constant 0 : i32
        %dma_start3A_263 = arith.constant 0 : i32
        %dma_start3A_264 = tpu.memref_slice %arg23[%dma_start3A_262, %dma_start3A_263] : memref<10240x128xf32, #tpu.memory_space<vmem_shared>> -> memref<10240x128xf32, #tpu.memory_space<vmem_shared>>
        tpu.enqueue_indirect_dma source(%arg18 : memref<112x128xf32, #tpu.memory_space<vmem>>) target(%dma_start3A_264 : memref<10240x128xf32, #tpu.memory_space<vmem_shared>>) offsets(%arg16 : memref<112xi32, #tpu.memory_space<vmem>>) semaphore(%run_scoped3A : memref<!tpu.dma_semaphore, #tpu.memory_space<semaphore_mem>>) {add = true}
        %dma_wait3A_265 = arith.constant 0 : i32
        %dma_wait3A_266 = arith.constant 0 : i32
        %dma_wait3A_267 = tpu.memref_slice %arg23[%dma_wait3A_265, %dma_wait3A_266] : memref<10240x128xf32, #tpu.memory_space<vmem_shared>> -> memref<10240x128xf32, #tpu.memory_space<vmem_shared>>
        tpu.wait_indirect_dma semaphore(%run_scoped3A : memref<!tpu.dma_semaphore, #tpu.memory_space<semaphore_mem>>) src(%arg18 : memref<112x128xf32, #tpu.memory_space<vmem>>) dst(%dma_wait3A_267 : memref<10240x128xf32, #tpu.memory_space<vmem_shared>>)
        tpu.yield
      }) : () -> ()
      "tpu.region"() ({
        %run_scoped3A = tpu.sem_alloc : memref<!tpu.dma_semaphore, #tpu.memory_space<semaphore_mem>>
        %dma_start3A_262 = arith.constant 0 : i32
        %dma_start3A_263 = arith.constant 0 : i32
        %dma_start3A_264 = tpu.memref_slice %arg24[%dma_start3A_262, %dma_start3A_263] : memref<10240x16xf32, #tpu.memory_space<vmem_shared>> -> memref<10240x16xf32, #tpu.memory_space<vmem_shared>>
        tpu.enqueue_indirect_dma source(%arg20 : memref<112x16xf32, #tpu.memory_space<vmem>>) target(%dma_start3A_264 : memref<10240x16xf32, #tpu.memory_space<vmem_shared>>) offsets(%arg16 : memref<112xi32, #tpu.memory_space<vmem>>) semaphore(%run_scoped3A : memref<!tpu.dma_semaphore, #tpu.memory_space<semaphore_mem>>) {add = true}
        %dma_wait3A_265 = arith.constant 0 : i32
        %dma_wait3A_266 = arith.constant 0 : i32
        %dma_wait3A_267 = tpu.memref_slice %arg24[%dma_wait3A_265, %dma_wait3A_266] : memref<10240x16xf32, #tpu.memory_space<vmem_shared>> -> memref<10240x16xf32, #tpu.memory_space<vmem_shared>>
        tpu.wait_indirect_dma semaphore(%run_scoped3A : memref<!tpu.dma_semaphore, #tpu.memory_space<semaphore_mem>>) src(%arg20 : memref<112x16xf32, #tpu.memory_space<vmem>>) dst(%dma_wait3A_267 : memref<10240x16xf32, #tpu.memory_space<vmem_shared>>)
        tpu.yield
      }) : () -> ()
    }
    %scan3A_69 = arith.constant 23 : i32
    %dma_wait3A_70 = arith.constant 0 : i32
    %dma_wait3A_71 = arith.constant 0 : i32
    %dma_wait3A_72 = tpu.memref_slice %arg2[%dma_wait3A_70, %dma_wait3A_71] : memref<10240x128xf32, #tpu.memory_space<hbm>> -> memref<10240x128xf32, #tpu.memory_space<hbm>>
    tpu.wait_indirect_dma semaphore(%arg29 : memref<!tpu.dma_semaphore, #tpu.memory_space<semaphore_mem>>) src(%dma_wait3A_72 : memref<10240x128xf32, #tpu.memory_space<hbm>>) dst(%arg17 : memref<112x128xf32, #tpu.memory_space<vmem>>)
    %dma_wait3A_73 = arith.constant 0 : i32
    %dma_wait3A_74 = arith.constant 0 : i32
    %dma_wait3A_75 = tpu.memref_slice %arg3[%dma_wait3A_73, %dma_wait3A_74] : memref<10240x16xf32, #tpu.memory_space<hbm>> -> memref<10240x16xf32, #tpu.memory_space<hbm>>
    tpu.wait_indirect_dma semaphore(%arg29 : memref<!tpu.dma_semaphore, #tpu.memory_space<semaphore_mem>>) src(%dma_wait3A_75 : memref<10240x16xf32, #tpu.memory_space<hbm>>) dst(%arg19 : memref<112x16xf32, #tpu.memory_space<vmem>>)
    %dma_wait3A_76 = arith.constant 0 : i32
    %dma_wait3A_77 = arith.constant 0 : i32
    %dma_wait3A_78 = tpu.memref_slice %arg4[%dma_wait3A_76, %dma_wait3A_77] : memref<10240x16xf32, #tpu.memory_space<hbm>> -> memref<10240x16xf32, #tpu.memory_space<hbm>>
    tpu.wait_indirect_dma semaphore(%arg29 : memref<!tpu.dma_semaphore, #tpu.memory_space<semaphore_mem>>) src(%dma_wait3A_78 : memref<10240x16xf32, #tpu.memory_space<hbm>>) dst(%arg21 : memref<112x16xf32, #tpu.memory_space<vmem>>)
    %dma_wait3A_79 = tpu.memref_slice %arg5[%mul3A_4] : memref<329728xi32, #tpu.memory_space<hbm>> -> memref<112xi32, #tpu.memory_space<hbm>>
    %dma_wait3A_80 = tpu.memref_slice %arg5[%mul3A_4] : memref<329728xi32, #tpu.memory_space<hbm>> -> memref<112xi32, #tpu.memory_space<hbm>>
    tpu.wait_dma2 semaphore(%arg26 : memref<!tpu.dma_semaphore, #tpu.memory_space<semaphore_mem>>) src(%dma_wait3A_80 : memref<112xi32, #tpu.memory_space<hbm>>) dst(%arg10 : memref<112xi32, #tpu.memory_space<vmem>>)
    %dma_wait3A_81 = tpu.memref_slice %arg6[%mul3A_4] : memref<329728xi32, #tpu.memory_space<hbm>> -> memref<112xi32, #tpu.memory_space<hbm>>
    %dma_wait3A_82 = tpu.memref_slice %arg6[%mul3A_4] : memref<329728xi32, #tpu.memory_space<hbm>> -> memref<112xi32, #tpu.memory_space<hbm>>
    tpu.wait_dma2 semaphore(%arg26 : memref<!tpu.dma_semaphore, #tpu.memory_space<semaphore_mem>>) src(%dma_wait3A_82 : memref<112xi32, #tpu.memory_space<hbm>>) dst(%arg14 : memref<112xi32, #tpu.memory_space<vmem>>)
    %dma_wait3A_83 = tpu.memref_slice %arg5[%mul3A_4] : memref<329728xi32, #tpu.memory_space<hbm>> -> memref<112xi32, #tpu.memory_space<hbm>>
    %dma_wait3A_84 = tpu.memref_slice %arg5[%mul3A_4] : memref<329728xi32, #tpu.memory_space<hbm>> -> memref<112xi32, #tpu.memory_space<hbm>>
    tpu.wait_dma2 semaphore(%arg27 : memref<!tpu.dma_semaphore, #tpu.memory_space<semaphore_mem>>) src(%dma_wait3A_84 : memref<112xi32, #tpu.memory_space<hbm>>) dst(%arg11 : memref<112xi32, #tpu.memory_space<vmem>>)
    %dma_wait3A_85 = tpu.memref_slice %arg6[%mul3A_4] : memref<329728xi32, #tpu.memory_space<hbm>> -> memref<112xi32, #tpu.memory_space<hbm>>
    %dma_wait3A_86 = tpu.memref_slice %arg6[%mul3A_4] : memref<329728xi32, #tpu.memory_space<hbm>> -> memref<112xi32, #tpu.memory_space<hbm>>
    tpu.wait_dma2 semaphore(%arg27 : memref<!tpu.dma_semaphore, #tpu.memory_space<semaphore_mem>>) src(%dma_wait3A_86 : memref<112xi32, #tpu.memory_space<hbm>>) dst(%arg15 : memref<112xi32, #tpu.memory_space<vmem>>)
    %barrier3A_87 = arith.constant 0 : index
    tpu.barrier barrier_id(%barrier3A_87)
    %mul3A_88 = arith.constant 640 : i32
    %mul3A_89 = arith.muli %arg1, %mul3A_88 : i32
    "tpu.region"() ({
      %run_scoped3A = tpu.sem_alloc : memref<!tpu.dma_semaphore, #tpu.memory_space<semaphore_mem>>
      %dma_start3A_90 = arith.constant 0 : i32
      %dma_start3A_91 = tpu.memref_slice %arg7[%arg0, %mul3A_89, %dma_start3A_90] : memref<2x10240x128xf32, #tpu.memory_space<hbm>> -> memref<1x640x128xf32, #tpu.memory_space<hbm>>
      %dma_start3A_92 = tpu.memref_squeeze %dma_start3A_91 : memref<1x640x128xf32, #tpu.memory_space<hbm>> -> memref<640x128xf32, #tpu.memory_space<hbm>>
      %dma_start3A_93 = arith.constant 0 : i32
      %dma_start3A_94 = tpu.memref_slice %arg23[%mul3A_89, %dma_start3A_93] : memref<10240x128xf32, #tpu.memory_space<vmem_shared>> -> memref<640x128xf32, #tpu.memory_space<vmem_shared>>
      tpu.enqueue_dma source(%dma_start3A_94 : memref<640x128xf32, #tpu.memory_space<vmem_shared>>) target(%dma_start3A_92 : memref<640x128xf32, #tpu.memory_space<hbm>>) target_semaphore(%run_scoped3A : memref<!tpu.dma_semaphore, #tpu.memory_space<semaphore_mem>>)
      %dma_wait3A_95 = arith.constant 0 : i32
      %dma_wait3A_96 = tpu.memref_slice %arg7[%arg0, %mul3A_89, %dma_wait3A_95] : memref<2x10240x128xf32, #tpu.memory_space<hbm>> -> memref<1x640x128xf32, #tpu.memory_space<hbm>>
      %dma_wait3A_97 = tpu.memref_squeeze %dma_wait3A_96 : memref<1x640x128xf32, #tpu.memory_space<hbm>> -> memref<640x128xf32, #tpu.memory_space<hbm>>
      %dma_wait3A_98 = arith.constant 0 : i32
      %dma_wait3A_99 = tpu.memref_slice %arg23[%mul3A_89, %dma_wait3A_98] : memref<10240x128xf32, #tpu.memory_space<vmem_shared>> -> memref<640x128xf32, #tpu.memory_space<vmem_shared>>
      tpu.wait_dma2 semaphore(%run_scoped3A : memref<!tpu.dma_semaphore, #tpu.memory_space<semaphore_mem>>) src(%dma_wait3A_99 : memref<640x128xf32, #tpu.memory_space<vmem_shared>>) dst(%dma_wait3A_97 : memref<640x128xf32, #tpu.memory_space<hbm>>)
      tpu.yield
    }) : () -> ()
    "tpu.region"() ({
      %run_scoped3A = tpu.sem_alloc : memref<!tpu.dma_semaphore, #tpu.memory_space<semaphore_mem>>
      %dma_start3A_90 = arith.constant 0 : i32
      %dma_start3A_91 = tpu.memref_slice %arg8[%arg0, %mul3A_89, %dma_start3A_90] : memref<2x10240x16xf32, #tpu.memory_space<hbm>> -> memref<1x640x16xf32, #tpu.memory_space<hbm>>
      %dma_start3A_92 = tpu.memref_squeeze %dma_start3A_91 : memref<1x640x16xf32, #tpu.memory_space<hbm>> -> memref<640x16xf32, #tpu.memory_space<hbm>>
      %dma_start3A_93 = arith.constant 0 : i32
      %dma_start3A_94 = tpu.memref_slice %arg24[%mul3A_89, %dma_start3A_93] : memref<10240x16xf32, #tpu.memory_space<vmem_shared>> -> memref<640x16xf32, #tpu.memory_space<vmem_shared>>
      tpu.enqueue_dma source(%dma_start3A_94 : memref<640x16xf32, #tpu.memory_space<vmem_shared>>) target(%dma_start3A_92 : memref<640x16xf32, #tpu.memory_space<hbm>>) target_semaphore(%run_scoped3A : memref<!tpu.dma_semaphore, #tpu.memory_space<semaphore_mem>>)
      %dma_wait3A_95 = arith.constant 0 : i32
      %dma_wait3A_96 = tpu.memref_slice %arg8[%arg0, %mul3A_89, %dma_wait3A_95] : memref<2x10240x16xf32, #tpu.memory_space<hbm>> -> memref<1x640x16xf32, #tpu.memory_space<hbm>>
      %dma_wait3A_97 = tpu.memref_squeeze %dma_wait3A_96 : memref<1x640x16xf32, #tpu.memory_space<hbm>> -> memref<640x16xf32, #tpu.memory_space<hbm>>
      %dma_wait3A_98 = arith.constant 0 : i32
      %dma_wait3A_99 = tpu.memref_slice %arg24[%mul3A_89, %dma_wait3A_98] : memref<10240x16xf32, #tpu.memory_space<vmem_shared>> -> memref<640x16xf32, #tpu.memory_space<vmem_shared>>
      tpu.wait_dma2 semaphore(%run_scoped3A : memref<!tpu.dma_semaphore, #tpu.memory_space<semaphore_mem>>) src(%dma_wait3A_99 : memref<640x16xf32, #tpu.memory_space<vmem_shared>>) dst(%dma_wait3A_97 : memref<640x16xf32, #tpu.memory_space<hbm>>)
      tpu.yield
    }) : () -> ()
    return
  }
}

#map = affine_map<(d0, d1) -> (0, 0)>
#map1 = affine_map<(d0, d1) -> (0)>
#map2 = affine_map<(d0, d1) -> (0, 0, 0)>
module attributes {stable_mosaic.version = 14 : i64} {
  func.func @k(%arg0: i32, %arg1: i32, %arg2: memref<10240x128xf32, #tpu.memory_space<hbm>>, %arg3: memref<10240x16xf32, #tpu.memory_space<hbm>>, %arg4: memref<10240x16xf32, #tpu.memory_space<hbm>>, %arg5: memref<329728xi32, #tpu.memory_space<hbm>>, %arg6: memref<329728xi32, #tpu.memory_space<hbm>>, %arg7: memref<2x10240x128xf32, #tpu.memory_space<hbm>>, %arg8: memref<2x10240x16xf32, #tpu.memory_space<hbm>>, %arg9: memref<112xi32, #tpu.memory_space<vmem>>, %arg10: memref<112xi32, #tpu.memory_space<vmem>>, %arg11: memref<112xi32, #tpu.memory_space<vmem>>, %arg12: memref<112xi32, #tpu.memory_space<vmem>>, %arg13: memref<112xi32, #tpu.memory_space<vmem>>, %arg14: memref<112xi32, #tpu.memory_space<vmem>>, %arg15: memref<112xi32, #tpu.memory_space<vmem>>, %arg16: memref<112xi32, #tpu.memory_space<vmem>>, %arg17: memref<112x128xf32, #tpu.memory_space<vmem>>, %arg18: memref<112x128xf32, #tpu.memory_space<vmem>>, %arg19: memref<112x16xf32, #tpu.memory_space<vmem>>, %arg20: memref<112x16xf32, #tpu.memory_space<vmem>>, %arg21: memref<112x16xf32, #tpu.memory_space<vmem>>, %arg22: memref<112x16xf32, #tpu.memory_space<vmem>>, %arg23: memref<10240x128xf32, #tpu.memory_space<vmem_shared>>, %arg24: memref<10240x16xf32, #tpu.memory_space<vmem_shared>>, %arg25: memref<!tpu.dma_semaphore, #tpu.memory_space<semaphore_mem>>, %arg26: memref<!tpu.dma_semaphore, #tpu.memory_space<semaphore_mem>>, %arg27: memref<!tpu.dma_semaphore, #tpu.memory_space<semaphore_mem>>, %arg28: memref<!tpu.dma_semaphore, #tpu.memory_space<semaphore_mem>>, %arg29: memref<!tpu.dma_semaphore, #tpu.memory_space<semaphore_mem>>, %arg30: memref<!tpu.dma_semaphore, #tpu.memory_space<semaphore_mem>>, %arg31: memref<!tpu.dma_semaphore, #tpu.memory_space<semaphore_mem>>, %arg32: memref<!tpu.dma_semaphore, #tpu.memory_space<semaphore_mem>>) attributes {dimension_semantics = [#tpu.dimension_semantics<core_parallel>, #tpu.dimension_semantics<subcore_parallel>], iteration_bounds = array<i64: 2, 16>, scalar_prefetch = 0 : i64, scratch_operands = 24 : i64, tpu.core_type = #tpu.core_type<sc_vector_subcore>, window_params = [{transform_indices = #map}, {transform_indices = #map}, {transform_indices = #map}, {transform_indices = #map1}, {transform_indices = #map1}, {transform_indices = #map2}, {transform_indices = #map2}]} {
    %mul3A = arith.constant 2 : i32
    %mul3A_0 = arith.muli %arg1, %mul3A : i32
    %add3A = arith.addi %mul3A_0, %arg0 : i32
    %mul3A_1 = arith.constant 92 : i32
    %mul3A_2 = arith.muli %add3A, %mul3A_1 : i32
    %mul3A_3 = arith.constant 112 : i32
    %mul3A_4 = arith.muli %mul3A_2, %mul3A_3 : i32
    %broadcast_in_dim3A = arith.constant 0.000000e+00 : f32
    %broadcast_in_dim3A_5 = vector.broadcast %broadcast_in_dim3A : f32 to vector<16xf32>
    %scan3A = arith.constant 0 : i32
    %scan3A_6 = arith.constant 0 : i32
    %scan3A_7 = arith.constant 112 : i32
    %scan3A_8 = arith.addi %scan3A_6, %scan3A_7 : i32
    %scan3A_9 = arith.constant 1 : i32
    scf.for %scan3A_90 = %scan3A_6 to %scan3A_8 step %scan3A_9  : i32 {
      %swap3A = arith.index_cast %scan3A_90 : i32 to index
      %swap3A_91 = arith.constant 0 : index
      %swap3A_92 = tpu.vector_load %arg17[%swap3A, %swap3A_91] {strides = array<i32>} : memref<112x128xf32, #tpu.memory_space<vmem>>, vector<1x16xf32>,
      %swap3A_93 = vector.shape_cast %swap3A_92 : vector<1x16xf32> to vector<16xf32>
      %swap3A_94 = vector.shape_cast %broadcast_in_dim3A_5 : vector<16xf32> to vector<1x16xf32>
      tpu.vector_store %arg17[%swap3A, %swap3A_91], %swap3A_94 {strides = array<i32>} : memref<112x128xf32, #tpu.memory_space<vmem>>, vector<1x16xf32>,
      %swap3A_95 = arith.index_cast %scan3A_90 : i32 to index
      %swap3A_96 = arith.constant 0 : index
      %swap3A_97 = tpu.vector_load %arg18[%swap3A_95, %swap3A_96] {strides = array<i32>} : memref<112x128xf32, #tpu.memory_space<vmem>>, vector<1x16xf32>,
      %swap3A_98 = vector.shape_cast %swap3A_97 : vector<1x16xf32> to vector<16xf32>
      %swap3A_99 = vector.shape_cast %broadcast_in_dim3A_5 : vector<16xf32> to vector<1x16xf32>
      tpu.vector_store %arg18[%swap3A_95, %swap3A_96], %swap3A_99 {strides = array<i32>} : memref<112x128xf32, #tpu.memory_space<vmem>>, vector<1x16xf32>,
      %swap3A_100 = arith.index_cast %scan3A_90 : i32 to index
      %swap3A_101 = arith.constant 16 : index
      %swap3A_102 = tpu.vector_load %arg17[%swap3A_100, %swap3A_101] {strides = array<i32>} : memref<112x128xf32, #tpu.memory_space<vmem>>, vector<1x16xf32>,
      %swap3A_103 = vector.shape_cast %swap3A_102 : vector<1x16xf32> to vector<16xf32>
      %swap3A_104 = vector.shape_cast %broadcast_in_dim3A_5 : vector<16xf32> to vector<1x16xf32>
      tpu.vector_store %arg17[%swap3A_100, %swap3A_101], %swap3A_104 {strides = array<i32>} : memref<112x128xf32, #tpu.memory_space<vmem>>, vector<1x16xf32>,
      %swap3A_105 = arith.index_cast %scan3A_90 : i32 to index
      %swap3A_106 = arith.constant 16 : index
      %swap3A_107 = tpu.vector_load %arg18[%swap3A_105, %swap3A_106] {strides = array<i32>} : memref<112x128xf32, #tpu.memory_space<vmem>>, vector<1x16xf32>,
      %swap3A_108 = vector.shape_cast %swap3A_107 : vector<1x16xf32> to vector<16xf32>
      %swap3A_109 = vector.shape_cast %broadcast_in_dim3A_5 : vector<16xf32> to vector<1x16xf32>
      tpu.vector_store %arg18[%swap3A_105, %swap3A_106], %swap3A_109 {strides = array<i32>} : memref<112x128xf32, #tpu.memory_space<vmem>>, vector<1x16xf32>,
      %swap3A_110 = arith.index_cast %scan3A_90 : i32 to index
      %swap3A_111 = arith.constant 32 : index
      %swap3A_112 = tpu.vector_load %arg17[%swap3A_110, %swap3A_111] {strides = array<i32>} : memref<112x128xf32, #tpu.memory_space<vmem>>, vector<1x16xf32>,
      %swap3A_113 = vector.shape_cast %swap3A_112 : vector<1x16xf32> to vector<16xf32>
      %swap3A_114 = vector.shape_cast %broadcast_in_dim3A_5 : vector<16xf32> to vector<1x16xf32>
      tpu.vector_store %arg17[%swap3A_110, %swap3A_111], %swap3A_114 {strides = array<i32>} : memref<112x128xf32, #tpu.memory_space<vmem>>, vector<1x16xf32>,
      %swap3A_115 = arith.index_cast %scan3A_90 : i32 to index
      %swap3A_116 = arith.constant 32 : index
      %swap3A_117 = tpu.vector_load %arg18[%swap3A_115, %swap3A_116] {strides = array<i32>} : memref<112x128xf32, #tpu.memory_space<vmem>>, vector<1x16xf32>,
      %swap3A_118 = vector.shape_cast %swap3A_117 : vector<1x16xf32> to vector<16xf32>
      %swap3A_119 = vector.shape_cast %broadcast_in_dim3A_5 : vector<16xf32> to vector<1x16xf32>
      tpu.vector_store %arg18[%swap3A_115, %swap3A_116], %swap3A_119 {strides = array<i32>} : memref<112x128xf32, #tpu.memory_space<vmem>>, vector<1x16xf32>,
      %swap3A_120 = arith.index_cast %scan3A_90 : i32 to index
      %swap3A_121 = arith.constant 48 : index
      %swap3A_122 = tpu.vector_load %arg17[%swap3A_120, %swap3A_121] {strides = array<i32>} : memref<112x128xf32, #tpu.memory_space<vmem>>, vector<1x16xf32>,
      %swap3A_123 = vector.shape_cast %swap3A_122 : vector<1x16xf32> to vector<16xf32>
      %swap3A_124 = vector.shape_cast %broadcast_in_dim3A_5 : vector<16xf32> to vector<1x16xf32>
      tpu.vector_store %arg17[%swap3A_120, %swap3A_121], %swap3A_124 {strides = array<i32>} : memref<112x128xf32, #tpu.memory_space<vmem>>, vector<1x16xf32>,
      %swap3A_125 = arith.index_cast %scan3A_90 : i32 to index
      %swap3A_126 = arith.constant 48 : index
      %swap3A_127 = tpu.vector_load %arg18[%swap3A_125, %swap3A_126] {strides = array<i32>} : memref<112x128xf32, #tpu.memory_space<vmem>>, vector<1x16xf32>,
      %swap3A_128 = vector.shape_cast %swap3A_127 : vector<1x16xf32> to vector<16xf32>
      %swap3A_129 = vector.shape_cast %broadcast_in_dim3A_5 : vector<16xf32> to vector<1x16xf32>
      tpu.vector_store %arg18[%swap3A_125, %swap3A_126], %swap3A_129 {strides = array<i32>} : memref<112x128xf32, #tpu.memory_space<vmem>>, vector<1x16xf32>,
      %swap3A_130 = arith.index_cast %scan3A_90 : i32 to index
      %swap3A_131 = arith.constant 64 : index
      %swap3A_132 = tpu.vector_load %arg17[%swap3A_130, %swap3A_131] {strides = array<i32>} : memref<112x128xf32, #tpu.memory_space<vmem>>, vector<1x16xf32>,
      %swap3A_133 = vector.shape_cast %swap3A_132 : vector<1x16xf32> to vector<16xf32>
      %swap3A_134 = vector.shape_cast %broadcast_in_dim3A_5 : vector<16xf32> to vector<1x16xf32>
      tpu.vector_store %arg17[%swap3A_130, %swap3A_131], %swap3A_134 {strides = array<i32>} : memref<112x128xf32, #tpu.memory_space<vmem>>, vector<1x16xf32>,
      %swap3A_135 = arith.index_cast %scan3A_90 : i32 to index
      %swap3A_136 = arith.constant 64 : index
      %swap3A_137 = tpu.vector_load %arg18[%swap3A_135, %swap3A_136] {strides = array<i32>} : memref<112x128xf32, #tpu.memory_space<vmem>>, vector<1x16xf32>,
      %swap3A_138 = vector.shape_cast %swap3A_137 : vector<1x16xf32> to vector<16xf32>
      %swap3A_139 = vector.shape_cast %broadcast_in_dim3A_5 : vector<16xf32> to vector<1x16xf32>
      tpu.vector_store %arg18[%swap3A_135, %swap3A_136], %swap3A_139 {strides = array<i32>} : memref<112x128xf32, #tpu.memory_space<vmem>>, vector<1x16xf32>,
      %swap3A_140 = arith.index_cast %scan3A_90 : i32 to index
      %swap3A_141 = arith.constant 80 : index
      %swap3A_142 = tpu.vector_load %arg17[%swap3A_140, %swap3A_141] {strides = array<i32>} : memref<112x128xf32, #tpu.memory_space<vmem>>, vector<1x16xf32>,
      %swap3A_143 = vector.shape_cast %swap3A_142 : vector<1x16xf32> to vector<16xf32>
      %swap3A_144 = vector.shape_cast %broadcast_in_dim3A_5 : vector<16xf32> to vector<1x16xf32>
      tpu.vector_store %arg17[%swap3A_140, %swap3A_141], %swap3A_144 {strides = array<i32>} : memref<112x128xf32, #tpu.memory_space<vmem>>, vector<1x16xf32>,
      %swap3A_145 = arith.index_cast %scan3A_90 : i32 to index
      %swap3A_146 = arith.constant 80 : index
      %swap3A_147 = tpu.vector_load %arg18[%swap3A_145, %swap3A_146] {strides = array<i32>} : memref<112x128xf32, #tpu.memory_space<vmem>>, vector<1x16xf32>,
      %swap3A_148 = vector.shape_cast %swap3A_147 : vector<1x16xf32> to vector<16xf32>
      %swap3A_149 = vector.shape_cast %broadcast_in_dim3A_5 : vector<16xf32> to vector<1x16xf32>
      tpu.vector_store %arg18[%swap3A_145, %swap3A_146], %swap3A_149 {strides = array<i32>} : memref<112x128xf32, #tpu.memory_space<vmem>>, vector<1x16xf32>,
      %swap3A_150 = arith.index_cast %scan3A_90 : i32 to index
      %swap3A_151 = arith.constant 96 : index
      %swap3A_152 = tpu.vector_load %arg17[%swap3A_150, %swap3A_151] {strides = array<i32>} : memref<112x128xf32, #tpu.memory_space<vmem>>, vector<1x16xf32>,
      %swap3A_153 = vector.shape_cast %swap3A_152 : vector<1x16xf32> to vector<16xf32>
      %swap3A_154 = vector.shape_cast %broadcast_in_dim3A_5 : vector<16xf32> to vector<1x16xf32>
      tpu.vector_store %arg17[%swap3A_150, %swap3A_151], %swap3A_154 {strides = array<i32>} : memref<112x128xf32, #tpu.memory_space<vmem>>, vector<1x16xf32>,
      %swap3A_155 = arith.index_cast %scan3A_90 : i32 to index
      %swap3A_156 = arith.constant 96 : index
      %swap3A_157 = tpu.vector_load %arg18[%swap3A_155, %swap3A_156] {strides = array<i32>} : memref<112x128xf32, #tpu.memory_space<vmem>>, vector<1x16xf32>,
      %swap3A_158 = vector.shape_cast %swap3A_157 : vector<1x16xf32> to vector<16xf32>
      %swap3A_159 = vector.shape_cast %broadcast_in_dim3A_5 : vector<16xf32> to vector<1x16xf32>
      tpu.vector_store %arg18[%swap3A_155, %swap3A_156], %swap3A_159 {strides = array<i32>} : memref<112x128xf32, #tpu.memory_space<vmem>>, vector<1x16xf32>,
      %swap3A_160 = arith.index_cast %scan3A_90 : i32 to index
      %swap3A_161 = arith.constant 112 : index
      %swap3A_162 = tpu.vector_load %arg17[%swap3A_160, %swap3A_161] {strides = array<i32>} : memref<112x128xf32, #tpu.memory_space<vmem>>, vector<1x16xf32>,
      %swap3A_163 = vector.shape_cast %swap3A_162 : vector<1x16xf32> to vector<16xf32>
      %swap3A_164 = vector.shape_cast %broadcast_in_dim3A_5 : vector<16xf32> to vector<1x16xf32>
      tpu.vector_store %arg17[%swap3A_160, %swap3A_161], %swap3A_164 {strides = array<i32>} : memref<112x128xf32, #tpu.memory_space<vmem>>, vector<1x16xf32>,
      %swap3A_165 = arith.index_cast %scan3A_90 : i32 to index
      %swap3A_166 = arith.constant 112 : index
      %swap3A_167 = tpu.vector_load %arg18[%swap3A_165, %swap3A_166] {strides = array<i32>} : memref<112x128xf32, #tpu.memory_space<vmem>>, vector<1x16xf32>,
      %swap3A_168 = vector.shape_cast %swap3A_167 : vector<1x16xf32> to vector<16xf32>
      %swap3A_169 = vector.shape_cast %broadcast_in_dim3A_5 : vector<16xf32> to vector<1x16xf32>
      tpu.vector_store %arg18[%swap3A_165, %swap3A_166], %swap3A_169 {strides = array<i32>} : memref<112x128xf32, #tpu.memory_space<vmem>>, vector<1x16xf32>,
      %swap3A_170 = arith.index_cast %scan3A_90 : i32 to index
      %swap3A_171 = arith.constant 0 : index
      %swap3A_172 = tpu.vector_load %arg19[%swap3A_170, %swap3A_171] {strides = array<i32>} : memref<112x16xf32, #tpu.memory_space<vmem>>, vector<1x16xf32>,
      %swap3A_173 = vector.shape_cast %swap3A_172 : vector<1x16xf32> to vector<16xf32>
      %swap3A_174 = vector.shape_cast %broadcast_in_dim3A_5 : vector<16xf32> to vector<1x16xf32>
      tpu.vector_store %arg19[%swap3A_170, %swap3A_171], %swap3A_174 {strides = array<i32>} : memref<112x16xf32, #tpu.memory_space<vmem>>, vector<1x16xf32>,
      %swap3A_175 = arith.index_cast %scan3A_90 : i32 to index
      %swap3A_176 = arith.constant 0 : index
      %swap3A_177 = tpu.vector_load %arg20[%swap3A_175, %swap3A_176] {strides = array<i32>} : memref<112x16xf32, #tpu.memory_space<vmem>>, vector<1x16xf32>,
      %swap3A_178 = vector.shape_cast %swap3A_177 : vector<1x16xf32> to vector<16xf32>
      %swap3A_179 = vector.shape_cast %broadcast_in_dim3A_5 : vector<16xf32> to vector<1x16xf32>
      tpu.vector_store %arg20[%swap3A_175, %swap3A_176], %swap3A_179 {strides = array<i32>} : memref<112x16xf32, #tpu.memory_space<vmem>>, vector<1x16xf32>,
    }
    %scan3A_10 = arith.constant 112 : i32
    %mul3A_11 = arith.constant 640 : i32
    %mul3A_12 = arith.muli %arg1, %mul3A_11 : i32
    %add3A_13 = arith.constant 0 : i32
    %add3A_14 = arith.addi %mul3A_12, %add3A_13 : i32
    "tpu.region"() ({
      %run_scoped3A = tpu.sem_alloc : memref<!tpu.dma_semaphore, #tpu.memory_space<semaphore_mem>>
      %dma_start3A_90 = arith.constant 0 : i32
      %dma_start3A_91 = tpu.memref_slice %arg23[%add3A_14, %dma_start3A_90] : memref<10240x128xf32, #tpu.memory_space<vmem_shared>> -> memref<112x128xf32, #tpu.memory_space<vmem_shared>>
      %dma_start3A_92 = arith.constant 0 : i32
      %dma_start3A_93 = tpu.memref_slice %arg23[%add3A_14, %dma_start3A_92] : memref<10240x128xf32, #tpu.memory_space<vmem_shared>> -> memref<112x128xf32, #tpu.memory_space<vmem_shared>>
      tpu.enqueue_dma source(%arg17 : memref<112x128xf32, #tpu.memory_space<vmem>>) target(%dma_start3A_93 : memref<112x128xf32, #tpu.memory_space<vmem_shared>>) target_semaphore(%run_scoped3A : memref<!tpu.dma_semaphore, #tpu.memory_space<semaphore_mem>>)
      %dma_wait3A_94 = arith.constant 0 : i32
      %dma_wait3A_95 = tpu.memref_slice %arg23[%add3A_14, %dma_wait3A_94] : memref<10240x128xf32, #tpu.memory_space<vmem_shared>> -> memref<112x128xf32, #tpu.memory_space<vmem_shared>>
      %dma_wait3A_96 = arith.constant 0 : i32
      %dma_wait3A_97 = tpu.memref_slice %arg23[%add3A_14, %dma_wait3A_96] : memref<10240x128xf32, #tpu.memory_space<vmem_shared>> -> memref<112x128xf32, #tpu.memory_space<vmem_shared>>
      tpu.wait_dma2 semaphore(%run_scoped3A : memref<!tpu.dma_semaphore, #tpu.memory_space<semaphore_mem>>) src(%arg17 : memref<112x128xf32, #tpu.memory_space<vmem>>) dst(%dma_wait3A_97 : memref<112x128xf32, #tpu.memory_space<vmem_shared>>)
      tpu.yield
    }) : () -> ()
    "tpu.region"() ({
      %run_scoped3A = tpu.sem_alloc : memref<!tpu.dma_semaphore, #tpu.memory_space<semaphore_mem>>
      %dma_start3A_90 = arith.constant 0 : i32
      %dma_start3A_91 = tpu.memref_slice %arg24[%add3A_14, %dma_start3A_90] : memref<10240x16xf32, #tpu.memory_space<vmem_shared>> -> memref<112x16xf32, #tpu.memory_space<vmem_shared>>
      %dma_start3A_92 = arith.constant 0 : i32
      %dma_start3A_93 = tpu.memref_slice %arg24[%add3A_14, %dma_start3A_92] : memref<10240x16xf32, #tpu.memory_space<vmem_shared>> -> memref<112x16xf32, #tpu.memory_space<vmem_shared>>
      tpu.enqueue_dma source(%arg19 : memref<112x16xf32, #tpu.memory_space<vmem>>) target(%dma_start3A_93 : memref<112x16xf32, #tpu.memory_space<vmem_shared>>) target_semaphore(%run_scoped3A : memref<!tpu.dma_semaphore, #tpu.memory_space<semaphore_mem>>)
      %dma_wait3A_94 = arith.constant 0 : i32
      %dma_wait3A_95 = tpu.memref_slice %arg24[%add3A_14, %dma_wait3A_94] : memref<10240x16xf32, #tpu.memory_space<vmem_shared>> -> memref<112x16xf32, #tpu.memory_space<vmem_shared>>
      %dma_wait3A_96 = arith.constant 0 : i32
      %dma_wait3A_97 = tpu.memref_slice %arg24[%add3A_14, %dma_wait3A_96] : memref<10240x16xf32, #tpu.memory_space<vmem_shared>> -> memref<112x16xf32, #tpu.memory_space<vmem_shared>>
      tpu.wait_dma2 semaphore(%run_scoped3A : memref<!tpu.dma_semaphore, #tpu.memory_space<semaphore_mem>>) src(%arg19 : memref<112x16xf32, #tpu.memory_space<vmem>>) dst(%dma_wait3A_97 : memref<112x16xf32, #tpu.memory_space<vmem_shared>>)
      tpu.yield
    }) : () -> ()
    %mul3A_15 = arith.constant 640 : i32
    %mul3A_16 = arith.muli %arg1, %mul3A_15 : i32
    %add3A_17 = arith.constant 112 : i32
    %add3A_18 = arith.addi %mul3A_16, %add3A_17 : i32
    "tpu.region"() ({
      %run_scoped3A = tpu.sem_alloc : memref<!tpu.dma_semaphore, #tpu.memory_space<semaphore_mem>>
      %dma_start3A_90 = arith.constant 0 : i32
      %dma_start3A_91 = tpu.memref_slice %arg23[%add3A_18, %dma_start3A_90] : memref<10240x128xf32, #tpu.memory_space<vmem_shared>> -> memref<112x128xf32, #tpu.memory_space<vmem_shared>>
      %dma_start3A_92 = arith.constant 0 : i32
      %dma_start3A_93 = tpu.memref_slice %arg23[%add3A_18, %dma_start3A_92] : memref<10240x128xf32, #tpu.memory_space<vmem_shared>> -> memref<112x128xf32, #tpu.memory_space<vmem_shared>>
      tpu.enqueue_dma source(%arg17 : memref<112x128xf32, #tpu.memory_space<vmem>>) target(%dma_start3A_93 : memref<112x128xf32, #tpu.memory_space<vmem_shared>>) target_semaphore(%run_scoped3A : memref<!tpu.dma_semaphore, #tpu.memory_space<semaphore_mem>>)
      %dma_wait3A_94 = arith.constant 0 : i32
      %dma_wait3A_95 = tpu.memref_slice %arg23[%add3A_18, %dma_wait3A_94] : memref<10240x128xf32, #tpu.memory_space<vmem_shared>> -> memref<112x128xf32, #tpu.memory_space<vmem_shared>>
      %dma_wait3A_96 = arith.constant 0 : i32
      %dma_wait3A_97 = tpu.memref_slice %arg23[%add3A_18, %dma_wait3A_96] : memref<10240x128xf32, #tpu.memory_space<vmem_shared>> -> memref<112x128xf32, #tpu.memory_space<vmem_shared>>
      tpu.wait_dma2 semaphore(%run_scoped3A : memref<!tpu.dma_semaphore, #tpu.memory_space<semaphore_mem>>) src(%arg17 : memref<112x128xf32, #tpu.memory_space<vmem>>) dst(%dma_wait3A_97 : memref<112x128xf32, #tpu.memory_space<vmem_shared>>)
      tpu.yield
    }) : () -> ()
    "tpu.region"() ({
      %run_scoped3A = tpu.sem_alloc : memref<!tpu.dma_semaphore, #tpu.memory_space<semaphore_mem>>
      %dma_start3A_90 = arith.constant 0 : i32
      %dma_start3A_91 = tpu.memref_slice %arg24[%add3A_18, %dma_start3A_90] : memref<10240x16xf32, #tpu.memory_space<vmem_shared>> -> memref<112x16xf32, #tpu.memory_space<vmem_shared>>
      %dma_start3A_92 = arith.constant 0 : i32
      %dma_start3A_93 = tpu.memref_slice %arg24[%add3A_18, %dma_start3A_92] : memref<10240x16xf32, #tpu.memory_space<vmem_shared>> -> memref<112x16xf32, #tpu.memory_space<vmem_shared>>
      tpu.enqueue_dma source(%arg19 : memref<112x16xf32, #tpu.memory_space<vmem>>) target(%dma_start3A_93 : memref<112x16xf32, #tpu.memory_space<vmem_shared>>) target_semaphore(%run_scoped3A : memref<!tpu.dma_semaphore, #tpu.memory_space<semaphore_mem>>)
      %dma_wait3A_94 = arith.constant 0 : i32
      %dma_wait3A_95 = tpu.memref_slice %arg24[%add3A_18, %dma_wait3A_94] : memref<10240x16xf32, #tpu.memory_space<vmem_shared>> -> memref<112x16xf32, #tpu.memory_space<vmem_shared>>
      %dma_wait3A_96 = arith.constant 0 : i32
      %dma_wait3A_97 = tpu.memref_slice %arg24[%add3A_18, %dma_wait3A_96] : memref<10240x16xf32, #tpu.memory_space<vmem_shared>> -> memref<112x16xf32, #tpu.memory_space<vmem_shared>>
      tpu.wait_dma2 semaphore(%run_scoped3A : memref<!tpu.dma_semaphore, #tpu.memory_space<semaphore_mem>>) src(%arg19 : memref<112x16xf32, #tpu.memory_space<vmem>>) dst(%dma_wait3A_97 : memref<112x16xf32, #tpu.memory_space<vmem_shared>>)
      tpu.yield
    }) : () -> ()
    %mul3A_19 = arith.constant 640 : i32
    %mul3A_20 = arith.muli %arg1, %mul3A_19 : i32
    %add3A_21 = arith.constant 224 : i32
    %add3A_22 = arith.addi %mul3A_20, %add3A_21 : i32
    "tpu.region"() ({
      %run_scoped3A = tpu.sem_alloc : memref<!tpu.dma_semaphore, #tpu.memory_space<semaphore_mem>>
      %dma_start3A_90 = arith.constant 0 : i32
      %dma_start3A_91 = tpu.memref_slice %arg23[%add3A_22, %dma_start3A_90] : memref<10240x128xf32, #tpu.memory_space<vmem_shared>> -> memref<112x128xf32, #tpu.memory_space<vmem_shared>>
      %dma_start3A_92 = arith.constant 0 : i32
      %dma_start3A_93 = tpu.memref_slice %arg23[%add3A_22, %dma_start3A_92] : memref<10240x128xf32, #tpu.memory_space<vmem_shared>> -> memref<112x128xf32, #tpu.memory_space<vmem_shared>>
      tpu.enqueue_dma source(%arg17 : memref<112x128xf32, #tpu.memory_space<vmem>>) target(%dma_start3A_93 : memref<112x128xf32, #tpu.memory_space<vmem_shared>>) target_semaphore(%run_scoped3A : memref<!tpu.dma_semaphore, #tpu.memory_space<semaphore_mem>>)
      %dma_wait3A_94 = arith.constant 0 : i32
      %dma_wait3A_95 = tpu.memref_slice %arg23[%add3A_22, %dma_wait3A_94] : memref<10240x128xf32, #tpu.memory_space<vmem_shared>> -> memref<112x128xf32, #tpu.memory_space<vmem_shared>>
      %dma_wait3A_96 = arith.constant 0 : i32
      %dma_wait3A_97 = tpu.memref_slice %arg23[%add3A_22, %dma_wait3A_96] : memref<10240x128xf32, #tpu.memory_space<vmem_shared>> -> memref<112x128xf32, #tpu.memory_space<vmem_shared>>
      tpu.wait_dma2 semaphore(%run_scoped3A : memref<!tpu.dma_semaphore, #tpu.memory_space<semaphore_mem>>) src(%arg17 : memref<112x128xf32, #tpu.memory_space<vmem>>) dst(%dma_wait3A_97 : memref<112x128xf32, #tpu.memory_space<vmem_shared>>)
      tpu.yield
    }) : () -> ()
    "tpu.region"() ({
      %run_scoped3A = tpu.sem_alloc : memref<!tpu.dma_semaphore, #tpu.memory_space<semaphore_mem>>
      %dma_start3A_90 = arith.constant 0 : i32
      %dma_start3A_91 = tpu.memref_slice %arg24[%add3A_22, %dma_start3A_90] : memref<10240x16xf32, #tpu.memory_space<vmem_shared>> -> memref<112x16xf32, #tpu.memory_space<vmem_shared>>
      %dma_start3A_92 = arith.constant 0 : i32
      %dma_start3A_93 = tpu.memref_slice %arg24[%add3A_22, %dma_start3A_92] : memref<10240x16xf32, #tpu.memory_space<vmem_shared>> -> memref<112x16xf32, #tpu.memory_space<vmem_shared>>
      tpu.enqueue_dma source(%arg19 : memref<112x16xf32, #tpu.memory_space<vmem>>) target(%dma_start3A_93 : memref<112x16xf32, #tpu.memory_space<vmem_shared>>) target_semaphore(%run_scoped3A : memref<!tpu.dma_semaphore, #tpu.memory_space<semaphore_mem>>)
      %dma_wait3A_94 = arith.constant 0 : i32
      %dma_wait3A_95 = tpu.memref_slice %arg24[%add3A_22, %dma_wait3A_94] : memref<10240x16xf32, #tpu.memory_space<vmem_shared>> -> memref<112x16xf32, #tpu.memory_space<vmem_shared>>
      %dma_wait3A_96 = arith.constant 0 : i32
      %dma_wait3A_97 = tpu.memref_slice %arg24[%add3A_22, %dma_wait3A_96] : memref<10240x16xf32, #tpu.memory_space<vmem_shared>> -> memref<112x16xf32, #tpu.memory_space<vmem_shared>>
      tpu.wait_dma2 semaphore(%run_scoped3A : memref<!tpu.dma_semaphore, #tpu.memory_space<semaphore_mem>>) src(%arg19 : memref<112x16xf32, #tpu.memory_space<vmem>>) dst(%dma_wait3A_97 : memref<112x16xf32, #tpu.memory_space<vmem_shared>>)
      tpu.yield
    }) : () -> ()
    %mul3A_23 = arith.constant 640 : i32
    %mul3A_24 = arith.muli %arg1, %mul3A_23 : i32
    %add3A_25 = arith.constant 336 : i32
    %add3A_26 = arith.addi %mul3A_24, %add3A_25 : i32
    "tpu.region"() ({
      %run_scoped3A = tpu.sem_alloc : memref<!tpu.dma_semaphore, #tpu.memory_space<semaphore_mem>>
      %dma_start3A_90 = arith.constant 0 : i32
      %dma_start3A_91 = tpu.memref_slice %arg23[%add3A_26, %dma_start3A_90] : memref<10240x128xf32, #tpu.memory_space<vmem_shared>> -> memref<112x128xf32, #tpu.memory_space<vmem_shared>>
      %dma_start3A_92 = arith.constant 0 : i32
      %dma_start3A_93 = tpu.memref_slice %arg23[%add3A_26, %dma_start3A_92] : memref<10240x128xf32, #tpu.memory_space<vmem_shared>> -> memref<112x128xf32, #tpu.memory_space<vmem_shared>>
      tpu.enqueue_dma source(%arg17 : memref<112x128xf32, #tpu.memory_space<vmem>>) target(%dma_start3A_93 : memref<112x128xf32, #tpu.memory_space<vmem_shared>>) target_semaphore(%run_scoped3A : memref<!tpu.dma_semaphore, #tpu.memory_space<semaphore_mem>>)
      %dma_wait3A_94 = arith.constant 0 : i32
      %dma_wait3A_95 = tpu.memref_slice %arg23[%add3A_26, %dma_wait3A_94] : memref<10240x128xf32, #tpu.memory_space<vmem_shared>> -> memref<112x128xf32, #tpu.memory_space<vmem_shared>>
      %dma_wait3A_96 = arith.constant 0 : i32
      %dma_wait3A_97 = tpu.memref_slice %arg23[%add3A_26, %dma_wait3A_96] : memref<10240x128xf32, #tpu.memory_space<vmem_shared>> -> memref<112x128xf32, #tpu.memory_space<vmem_shared>>
      tpu.wait_dma2 semaphore(%run_scoped3A : memref<!tpu.dma_semaphore, #tpu.memory_space<semaphore_mem>>) src(%arg17 : memref<112x128xf32, #tpu.memory_space<vmem>>) dst(%dma_wait3A_97 : memref<112x128xf32, #tpu.memory_space<vmem_shared>>)
      tpu.yield
    }) : () -> ()
    "tpu.region"() ({
      %run_scoped3A = tpu.sem_alloc : memref<!tpu.dma_semaphore, #tpu.memory_space<semaphore_mem>>
      %dma_start3A_90 = arith.constant 0 : i32
      %dma_start3A_91 = tpu.memref_slice %arg24[%add3A_26, %dma_start3A_90] : memref<10240x16xf32, #tpu.memory_space<vmem_shared>> -> memref<112x16xf32, #tpu.memory_space<vmem_shared>>
      %dma_start3A_92 = arith.constant 0 : i32
      %dma_start3A_93 = tpu.memref_slice %arg24[%add3A_26, %dma_start3A_92] : memref<10240x16xf32, #tpu.memory_space<vmem_shared>> -> memref<112x16xf32, #tpu.memory_space<vmem_shared>>
      tpu.enqueue_dma source(%arg19 : memref<112x16xf32, #tpu.memory_space<vmem>>) target(%dma_start3A_93 : memref<112x16xf32, #tpu.memory_space<vmem_shared>>) target_semaphore(%run_scoped3A : memref<!tpu.dma_semaphore, #tpu.memory_space<semaphore_mem>>)
      %dma_wait3A_94 = arith.constant 0 : i32
      %dma_wait3A_95 = tpu.memref_slice %arg24[%add3A_26, %dma_wait3A_94] : memref<10240x16xf32, #tpu.memory_space<vmem_shared>> -> memref<112x16xf32, #tpu.memory_space<vmem_shared>>
      %dma_wait3A_96 = arith.constant 0 : i32
      %dma_wait3A_97 = tpu.memref_slice %arg24[%add3A_26, %dma_wait3A_96] : memref<10240x16xf32, #tpu.memory_space<vmem_shared>> -> memref<112x16xf32, #tpu.memory_space<vmem_shared>>
      tpu.wait_dma2 semaphore(%run_scoped3A : memref<!tpu.dma_semaphore, #tpu.memory_space<semaphore_mem>>) src(%arg19 : memref<112x16xf32, #tpu.memory_space<vmem>>) dst(%dma_wait3A_97 : memref<112x16xf32, #tpu.memory_space<vmem_shared>>)
      tpu.yield
    }) : () -> ()
    %mul3A_27 = arith.constant 640 : i32
    %mul3A_28 = arith.muli %arg1, %mul3A_27 : i32
    %add3A_29 = arith.constant 448 : i32
    %add3A_30 = arith.addi %mul3A_28, %add3A_29 : i32
    "tpu.region"() ({
      %run_scoped3A = tpu.sem_alloc : memref<!tpu.dma_semaphore, #tpu.memory_space<semaphore_mem>>
      %dma_start3A_90 = arith.constant 0 : i32
      %dma_start3A_91 = tpu.memref_slice %arg23[%add3A_30, %dma_start3A_90] : memref<10240x128xf32, #tpu.memory_space<vmem_shared>> -> memref<112x128xf32, #tpu.memory_space<vmem_shared>>
      %dma_start3A_92 = arith.constant 0 : i32
      %dma_start3A_93 = tpu.memref_slice %arg23[%add3A_30, %dma_start3A_92] : memref<10240x128xf32, #tpu.memory_space<vmem_shared>> -> memref<112x128xf32, #tpu.memory_space<vmem_shared>>
      tpu.enqueue_dma source(%arg17 : memref<112x128xf32, #tpu.memory_space<vmem>>) target(%dma_start3A_93 : memref<112x128xf32, #tpu.memory_space<vmem_shared>>) target_semaphore(%run_scoped3A : memref<!tpu.dma_semaphore, #tpu.memory_space<semaphore_mem>>)
      %dma_wait3A_94 = arith.constant 0 : i32
      %dma_wait3A_95 = tpu.memref_slice %arg23[%add3A_30, %dma_wait3A_94] : memref<10240x128xf32, #tpu.memory_space<vmem_shared>> -> memref<112x128xf32, #tpu.memory_space<vmem_shared>>
      %dma_wait3A_96 = arith.constant 0 : i32
      %dma_wait3A_97 = tpu.memref_slice %arg23[%add3A_30, %dma_wait3A_96] : memref<10240x128xf32, #tpu.memory_space<vmem_shared>> -> memref<112x128xf32, #tpu.memory_space<vmem_shared>>
      tpu.wait_dma2 semaphore(%run_scoped3A : memref<!tpu.dma_semaphore, #tpu.memory_space<semaphore_mem>>) src(%arg17 : memref<112x128xf32, #tpu.memory_space<vmem>>) dst(%dma_wait3A_97 : memref<112x128xf32, #tpu.memory_space<vmem_shared>>)
      tpu.yield
    }) : () -> ()
    "tpu.region"() ({
      %run_scoped3A = tpu.sem_alloc : memref<!tpu.dma_semaphore, #tpu.memory_space<semaphore_mem>>
      %dma_start3A_90 = arith.constant 0 : i32
      %dma_start3A_91 = tpu.memref_slice %arg24[%add3A_30, %dma_start3A_90] : memref<10240x16xf32, #tpu.memory_space<vmem_shared>> -> memref<112x16xf32, #tpu.memory_space<vmem_shared>>
      %dma_start3A_92 = arith.constant 0 : i32
      %dma_start3A_93 = tpu.memref_slice %arg24[%add3A_30, %dma_start3A_92] : memref<10240x16xf32, #tpu.memory_space<vmem_shared>> -> memref<112x16xf32, #tpu.memory_space<vmem_shared>>
      tpu.enqueue_dma source(%arg19 : memref<112x16xf32, #tpu.memory_space<vmem>>) target(%dma_start3A_93 : memref<112x16xf32, #tpu.memory_space<vmem_shared>>) target_semaphore(%run_scoped3A : memref<!tpu.dma_semaphore, #tpu.memory_space<semaphore_mem>>)
      %dma_wait3A_94 = arith.constant 0 : i32
      %dma_wait3A_95 = tpu.memref_slice %arg24[%add3A_30, %dma_wait3A_94] : memref<10240x16xf32, #tpu.memory_space<vmem_shared>> -> memref<112x16xf32, #tpu.memory_space<vmem_shared>>
      %dma_wait3A_96 = arith.constant 0 : i32
      %dma_wait3A_97 = tpu.memref_slice %arg24[%add3A_30, %dma_wait3A_96] : memref<10240x16xf32, #tpu.memory_space<vmem_shared>> -> memref<112x16xf32, #tpu.memory_space<vmem_shared>>
      tpu.wait_dma2 semaphore(%run_scoped3A : memref<!tpu.dma_semaphore, #tpu.memory_space<semaphore_mem>>) src(%arg19 : memref<112x16xf32, #tpu.memory_space<vmem>>) dst(%dma_wait3A_97 : memref<112x16xf32, #tpu.memory_space<vmem_shared>>)
      tpu.yield
    }) : () -> ()
    %mul3A_31 = arith.constant 640 : i32
    %mul3A_32 = arith.muli %arg1, %mul3A_31 : i32
    %add3A_33 = arith.constant 560 : i32
    %add3A_34 = arith.addi %mul3A_32, %add3A_33 : i32
    "tpu.region"() ({
      %run_scoped3A = tpu.sem_alloc : memref<!tpu.dma_semaphore, #tpu.memory_space<semaphore_mem>>
      %dma_start3A_90 = arith.constant 0 : i32
      %dma_start3A_91 = arith.constant 0 : i32
      %dma_start3A_92 = tpu.memref_slice %arg17[%dma_start3A_90, %dma_start3A_91] : memref<112x128xf32, #tpu.memory_space<vmem>> -> memref<80x128xf32, #tpu.memory_space<vmem>>
      %dma_start3A_93 = arith.constant 0 : i32
      %dma_start3A_94 = tpu.memref_slice %arg23[%add3A_34, %dma_start3A_93] : memref<10240x128xf32, #tpu.memory_space<vmem_shared>> -> memref<80x128xf32, #tpu.memory_space<vmem_shared>>
      %dma_start3A_95 = arith.constant 0 : i32
      %dma_start3A_96 = tpu.memref_slice %arg23[%add3A_34, %dma_start3A_95] : memref<10240x128xf32, #tpu.memory_space<vmem_shared>> -> memref<80x128xf32, #tpu.memory_space<vmem_shared>>
      %dma_start3A_97 = arith.constant 0 : i32
      %dma_start3A_98 = arith.constant 0 : i32
      %dma_start3A_99 = tpu.memref_slice %arg17[%dma_start3A_97, %dma_start3A_98] : memref<112x128xf32, #tpu.memory_space<vmem>> -> memref<80x128xf32, #tpu.memory_space<vmem>>
      tpu.enqueue_dma source(%dma_start3A_99 : memref<80x128xf32, #tpu.memory_space<vmem>>) target(%dma_start3A_96 : memref<80x128xf32, #tpu.memory_space<vmem_shared>>) target_semaphore(%run_scoped3A : memref<!tpu.dma_semaphore, #tpu.memory_space<semaphore_mem>>)
      %dma_wait3A_100 = arith.constant 0 : i32
      %dma_wait3A_101 = arith.constant 0 : i32
      %dma_wait3A_102 = tpu.memref_slice %arg17[%dma_wait3A_100, %dma_wait3A_101] : memref<112x128xf32, #tpu.memory_space<vmem>> -> memref<80x128xf32, #tpu.memory_space<vmem>>
      %dma_wait3A_103 = arith.constant 0 : i32
      %dma_wait3A_104 = tpu.memref_slice %arg23[%add3A_34, %dma_wait3A_103] : memref<10240x128xf32, #tpu.memory_space<vmem_shared>> -> memref<80x128xf32, #tpu.memory_space<vmem_shared>>
      %dma_wait3A_105 = arith.constant 0 : i32
      %dma_wait3A_106 = tpu.memref_slice %arg23[%add3A_34, %dma_wait3A_105] : memref<10240x128xf32, #tpu.memory_space<vmem_shared>> -> memref<80x128xf32, #tpu.memory_space<vmem_shared>>
      %dma_wait3A_107 = arith.constant 0 : i32
      %dma_wait3A_108 = arith.constant 0 : i32
      %dma_wait3A_109 = tpu.memref_slice %arg17[%dma_wait3A_107, %dma_wait3A_108] : memref<112x128xf32, #tpu.memory_space<vmem>> -> memref<80x128xf32, #tpu.memory_space<vmem>>
      tpu.wait_dma2 semaphore(%run_scoped3A : memref<!tpu.dma_semaphore, #tpu.memory_space<semaphore_mem>>) src(%dma_wait3A_109 : memref<80x128xf32, #tpu.memory_space<vmem>>) dst(%dma_wait3A_106 : memref<80x128xf32, #tpu.memory_space<vmem_shared>>)
      tpu.yield
    }) : () -> ()
    "tpu.region"() ({
      %run_scoped3A = tpu.sem_alloc : memref<!tpu.dma_semaphore, #tpu.memory_space<semaphore_mem>>
      %dma_start3A_90 = arith.constant 0 : i32
      %dma_start3A_91 = arith.constant 0 : i32
      %dma_start3A_92 = tpu.memref_slice %arg19[%dma_start3A_90, %dma_start3A_91] : memref<112x16xf32, #tpu.memory_space<vmem>> -> memref<80x16xf32, #tpu.memory_space<vmem>>
      %dma_start3A_93 = arith.constant 0 : i32
      %dma_start3A_94 = tpu.memref_slice %arg24[%add3A_34, %dma_start3A_93] : memref<10240x16xf32, #tpu.memory_space<vmem_shared>> -> memref<80x16xf32, #tpu.memory_space<vmem_shared>>
      %dma_start3A_95 = arith.constant 0 : i32
      %dma_start3A_96 = tpu.memref_slice %arg24[%add3A_34, %dma_start3A_95] : memref<10240x16xf32, #tpu.memory_space<vmem_shared>> -> memref<80x16xf32, #tpu.memory_space<vmem_shared>>
      %dma_start3A_97 = arith.constant 0 : i32
      %dma_start3A_98 = arith.constant 0 : i32
      %dma_start3A_99 = tpu.memref_slice %arg19[%dma_start3A_97, %dma_start3A_98] : memref<112x16xf32, #tpu.memory_space<vmem>> -> memref<80x16xf32, #tpu.memory_space<vmem>>
      tpu.enqueue_dma source(%dma_start3A_99 : memref<80x16xf32, #tpu.memory_space<vmem>>) target(%dma_start3A_96 : memref<80x16xf32, #tpu.memory_space<vmem_shared>>) target_semaphore(%run_scoped3A : memref<!tpu.dma_semaphore, #tpu.memory_space<semaphore_mem>>)
      %dma_wait3A_100 = arith.constant 0 : i32
      %dma_wait3A_101 = arith.constant 0 : i32
      %dma_wait3A_102 = tpu.memref_slice %arg19[%dma_wait3A_100, %dma_wait3A_101] : memref<112x16xf32, #tpu.memory_space<vmem>> -> memref<80x16xf32, #tpu.memory_space<vmem>>
      %dma_wait3A_103 = arith.constant 0 : i32
      %dma_wait3A_104 = tpu.memref_slice %arg24[%add3A_34, %dma_wait3A_103] : memref<10240x16xf32, #tpu.memory_space<vmem_shared>> -> memref<80x16xf32, #tpu.memory_space<vmem_shared>>
      %dma_wait3A_105 = arith.constant 0 : i32
      %dma_wait3A_106 = tpu.memref_slice %arg24[%add3A_34, %dma_wait3A_105] : memref<10240x16xf32, #tpu.memory_space<vmem_shared>> -> memref<80x16xf32, #tpu.memory_space<vmem_shared>>
      %dma_wait3A_107 = arith.constant 0 : i32
      %dma_wait3A_108 = arith.constant 0 : i32
      %dma_wait3A_109 = tpu.memref_slice %arg19[%dma_wait3A_107, %dma_wait3A_108] : memref<112x16xf32, #tpu.memory_space<vmem>> -> memref<80x16xf32, #tpu.memory_space<vmem>>
      tpu.wait_dma2 semaphore(%run_scoped3A : memref<!tpu.dma_semaphore, #tpu.memory_space<semaphore_mem>>) src(%dma_wait3A_109 : memref<80x16xf32, #tpu.memory_space<vmem>>) dst(%dma_wait3A_106 : memref<80x16xf32, #tpu.memory_space<vmem_shared>>)
      tpu.yield
    }) : () -> ()
    %barrier3A = arith.constant 0 : index
    tpu.barrier barrier_id(%barrier3A)
    %add3A_35 = arith.constant 0 : i32
    %add3A_36 = arith.addi %mul3A_4, %add3A_35 : i32
    %dma_start3A = tpu.memref_slice %arg5[%add3A_36] : memref<329728xi32, #tpu.memory_space<hbm>> -> memref<112xi32, #tpu.memory_space<hbm>>
    %dma_start3A_37 = tpu.memref_slice %arg5[%add3A_36] : memref<329728xi32, #tpu.memory_space<hbm>> -> memref<112xi32, #tpu.memory_space<hbm>>
    tpu.enqueue_dma source(%dma_start3A_37 : memref<112xi32, #tpu.memory_space<hbm>>) target(%arg9 : memref<112xi32, #tpu.memory_space<vmem>>) target_semaphore(%arg25 : memref<!tpu.dma_semaphore, #tpu.memory_space<semaphore_mem>>)
    %dma_start3A_38 = tpu.memref_slice %arg6[%add3A_36] : memref<329728xi32, #tpu.memory_space<hbm>> -> memref<112xi32, #tpu.memory_space<hbm>>
    %dma_start3A_39 = tpu.memref_slice %arg6[%add3A_36] : memref<329728xi32, #tpu.memory_space<hbm>> -> memref<112xi32, #tpu.memory_space<hbm>>
    tpu.enqueue_dma source(%dma_start3A_39 : memref<112xi32, #tpu.memory_space<hbm>>) target(%arg13 : memref<112xi32, #tpu.memory_space<vmem>>) target_semaphore(%arg25 : memref<!tpu.dma_semaphore, #tpu.memory_space<semaphore_mem>>)
    %add3A_40 = arith.constant 112 : i32
    %add3A_41 = arith.addi %mul3A_4, %add3A_40 : i32
    %dma_start3A_42 = tpu.memref_slice %arg5[%add3A_41] : memref<329728xi32, #tpu.memory_space<hbm>> -> memref<112xi32, #tpu.memory_space<hbm>>
    %dma_start3A_43 = tpu.memref_slice %arg5[%add3A_41] : memref<329728xi32, #tpu.memory_space<hbm>> -> memref<112xi32, #tpu.memory_space<hbm>>
    tpu.enqueue_dma source(%dma_start3A_43 : memref<112xi32, #tpu.memory_space<hbm>>) target(%arg10 : memref<112xi32, #tpu.memory_space<vmem>>) target_semaphore(%arg26 : memref<!tpu.dma_semaphore, #tpu.memory_space<semaphore_mem>>)
    %dma_start3A_44 = tpu.memref_slice %arg6[%add3A_41] : memref<329728xi32, #tpu.memory_space<hbm>> -> memref<112xi32, #tpu.memory_space<hbm>>
    %dma_start3A_45 = tpu.memref_slice %arg6[%add3A_41] : memref<329728xi32, #tpu.memory_space<hbm>> -> memref<112xi32, #tpu.memory_space<hbm>>
    tpu.enqueue_dma source(%dma_start3A_45 : memref<112xi32, #tpu.memory_space<hbm>>) target(%arg14 : memref<112xi32, #tpu.memory_space<vmem>>) target_semaphore(%arg26 : memref<!tpu.dma_semaphore, #tpu.memory_space<semaphore_mem>>)
    %add3A_46 = arith.constant 224 : i32
    %add3A_47 = arith.addi %mul3A_4, %add3A_46 : i32
    %dma_start3A_48 = tpu.memref_slice %arg5[%add3A_47] : memref<329728xi32, #tpu.memory_space<hbm>> -> memref<112xi32, #tpu.memory_space<hbm>>
    %dma_start3A_49 = tpu.memref_slice %arg5[%add3A_47] : memref<329728xi32, #tpu.memory_space<hbm>> -> memref<112xi32, #tpu.memory_space<hbm>>
    tpu.enqueue_dma source(%dma_start3A_49 : memref<112xi32, #tpu.memory_space<hbm>>) target(%arg11 : memref<112xi32, #tpu.memory_space<vmem>>) target_semaphore(%arg27 : memref<!tpu.dma_semaphore, #tpu.memory_space<semaphore_mem>>)
    %dma_start3A_50 = tpu.memref_slice %arg6[%add3A_47] : memref<329728xi32, #tpu.memory_space<hbm>> -> memref<112xi32, #tpu.memory_space<hbm>>
    %dma_start3A_51 = tpu.memref_slice %arg6[%add3A_47] : memref<329728xi32, #tpu.memory_space<hbm>> -> memref<112xi32, #tpu.memory_space<hbm>>
    tpu.enqueue_dma source(%dma_start3A_51 : memref<112xi32, #tpu.memory_space<hbm>>) target(%arg15 : memref<112xi32, #tpu.memory_space<vmem>>) target_semaphore(%arg27 : memref<!tpu.dma_semaphore, #tpu.memory_space<semaphore_mem>>)
    %dma_wait3A = tpu.memref_slice %arg5[%mul3A_4] : memref<329728xi32, #tpu.memory_space<hbm>> -> memref<112xi32, #tpu.memory_space<hbm>>
    %dma_wait3A_52 = tpu.memref_slice %arg5[%mul3A_4] : memref<329728xi32, #tpu.memory_space<hbm>> -> memref<112xi32, #tpu.memory_space<hbm>>
    tpu.wait_dma2 semaphore(%arg25 : memref<!tpu.dma_semaphore, #tpu.memory_space<semaphore_mem>>) src(%dma_wait3A_52 : memref<112xi32, #tpu.memory_space<hbm>>) dst(%arg9 : memref<112xi32, #tpu.memory_space<vmem>>)
    %dma_wait3A_53 = tpu.memref_slice %arg6[%mul3A_4] : memref<329728xi32, #tpu.memory_space<hbm>> -> memref<112xi32, #tpu.memory_space<hbm>>
    %dma_wait3A_54 = tpu.memref_slice %arg6[%mul3A_4] : memref<329728xi32, #tpu.memory_space<hbm>> -> memref<112xi32, #tpu.memory_space<hbm>>
    tpu.wait_dma2 semaphore(%arg25 : memref<!tpu.dma_semaphore, #tpu.memory_space<semaphore_mem>>) src(%dma_wait3A_54 : memref<112xi32, #tpu.memory_space<hbm>>) dst(%arg13 : memref<112xi32, #tpu.memory_space<vmem>>)
    %dma_start3A_55 = arith.constant 0 : i32
    %dma_start3A_56 = arith.constant 0 : i32
    %dma_start3A_57 = tpu.memref_slice %arg2[%dma_start3A_55, %dma_start3A_56] : memref<10240x128xf32, #tpu.memory_space<hbm>> -> memref<10240x128xf32, #tpu.memory_space<hbm>>
    tpu.enqueue_indirect_dma source(%dma_start3A_57 : memref<10240x128xf32, #tpu.memory_space<hbm>>) target(%arg17 : memref<112x128xf32, #tpu.memory_space<vmem>>) offsets(%arg9 : memref<112xi32, #tpu.memory_space<vmem>>) semaphore(%arg29 : memref<!tpu.dma_semaphore, #tpu.memory_space<semaphore_mem>>)
    %dma_start3A_58 = arith.constant 0 : i32
    %dma_start3A_59 = arith.constant 0 : i32
    %dma_start3A_60 = tpu.memref_slice %arg3[%dma_start3A_58, %dma_start3A_59] : memref<10240x16xf32, #tpu.memory_space<hbm>> -> memref<10240x16xf32, #tpu.memory_space<hbm>>
    tpu.enqueue_indirect_dma source(%dma_start3A_60 : memref<10240x16xf32, #tpu.memory_space<hbm>>) target(%arg19 : memref<112x16xf32, #tpu.memory_space<vmem>>) offsets(%arg9 : memref<112xi32, #tpu.memory_space<vmem>>) semaphore(%arg29 : memref<!tpu.dma_semaphore, #tpu.memory_space<semaphore_mem>>)
    %dma_start3A_61 = arith.constant 0 : i32
    %dma_start3A_62 = arith.constant 0 : i32
    %dma_start3A_63 = tpu.memref_slice %arg4[%dma_start3A_61, %dma_start3A_62] : memref<10240x16xf32, #tpu.memory_space<hbm>> -> memref<10240x16xf32, #tpu.memory_space<hbm>>
    tpu.enqueue_indirect_dma source(%dma_start3A_63 : memref<10240x16xf32, #tpu.memory_space<hbm>>) target(%arg21 : memref<112x16xf32, #tpu.memory_space<vmem>>) offsets(%arg13 : memref<112xi32, #tpu.memory_space<vmem>>) semaphore(%arg29 : memref<!tpu.dma_semaphore, #tpu.memory_space<semaphore_mem>>)
    %scan3A_64 = arith.constant 0 : i32
    %scan3A_65 = arith.constant 0 : i32
    %scan3A_66 = arith.constant 23 : i32
    %scan3A_67 = arith.addi %scan3A_65, %scan3A_66 : i32
    %scan3A_68 = arith.constant 1 : i32
    scf.for %scan3A_90 = %scan3A_65 to %scan3A_67 step %scan3A_68  : i32 {
      %mul3A_91 = arith.constant 4 : i32
      %mul3A_92 = arith.muli %scan3A_90, %mul3A_91 : i32
      %add3A_93 = arith.constant 0 : i32
      %add3A_94 = arith.addi %mul3A_92, %add3A_93 : i32
      %dma_wait3A_95 = arith.constant 0 : i32
      %dma_wait3A_96 = arith.constant 0 : i32
      %dma_wait3A_97 = tpu.memref_slice %arg2[%dma_wait3A_95, %dma_wait3A_96] : memref<10240x128xf32, #tpu.memory_space<hbm>> -> memref<10240x128xf32, #tpu.memory_space<hbm>>
      tpu.wait_indirect_dma semaphore(%arg29 : memref<!tpu.dma_semaphore, #tpu.memory_space<semaphore_mem>>) src(%dma_wait3A_97 : memref<10240x128xf32, #tpu.memory_space<hbm>>) dst(%arg17 : memref<112x128xf32, #tpu.memory_space<vmem>>)
      %dma_wait3A_98 = arith.constant 0 : i32
      %dma_wait3A_99 = arith.constant 0 : i32
      %dma_wait3A_100 = tpu.memref_slice %arg3[%dma_wait3A_98, %dma_wait3A_99] : memref<10240x16xf32, #tpu.memory_space<hbm>> -> memref<10240x16xf32, #tpu.memory_space<hbm>>
      tpu.wait_indirect_dma semaphore(%arg29 : memref<!tpu.dma_semaphore, #tpu.memory_space<semaphore_mem>>) src(%dma_wait3A_100 : memref<10240x16xf32, #tpu.memory_space<hbm>>) dst(%arg19 : memref<112x16xf32, #tpu.memory_space<vmem>>)
      %dma_wait3A_101 = arith.constant 0 : i32
      %dma_wait3A_102 = arith.constant 0 : i32
      %dma_wait3A_103 = tpu.memref_slice %arg4[%dma_wait3A_101, %dma_wait3A_102] : memref<10240x16xf32, #tpu.memory_space<hbm>> -> memref<10240x16xf32, #tpu.memory_space<hbm>>
      tpu.wait_indirect_dma semaphore(%arg29 : memref<!tpu.dma_semaphore, #tpu.memory_space<semaphore_mem>>) src(%dma_wait3A_103 : memref<10240x16xf32, #tpu.memory_space<hbm>>) dst(%arg21 : memref<112x16xf32, #tpu.memory_space<vmem>>)
      %add3A_104 = arith.constant 3 : i32
      %add3A_105 = arith.addi %add3A_94, %add3A_104 : i32
      %min3A = arith.constant 91 : i32
      %min3A_106 = arith.minsi %add3A_105, %min3A : i32
      %mul3A_107 = arith.constant 112 : i32
      %mul3A_108 = arith.muli %min3A_106, %mul3A_107 : i32
      %add3A_109 = arith.addi %mul3A_4, %mul3A_108 : i32
      %dma_start3A_110 = tpu.memref_slice %arg5[%add3A_109] : memref<329728xi32, #tpu.memory_space<hbm>> -> memref<112xi32, #tpu.memory_space<hbm>>
      %dma_start3A_111 = tpu.memref_slice %arg5[%add3A_109] : memref<329728xi32, #tpu.memory_space<hbm>> -> memref<112xi32, #tpu.memory_space<hbm>>
      tpu.enqueue_dma source(%dma_start3A_111 : memref<112xi32, #tpu.memory_space<hbm>>) target(%arg12 : memref<112xi32, #tpu.memory_space<vmem>>) target_semaphore(%arg28 : memref<!tpu.dma_semaphore, #tpu.memory_space<semaphore_mem>>)
      %dma_start3A_112 = tpu.memref_slice %arg6[%add3A_109] : memref<329728xi32, #tpu.memory_space<hbm>> -> memref<112xi32, #tpu.memory_space<hbm>>
      %dma_start3A_113 = tpu.memref_slice %arg6[%add3A_109] : memref<329728xi32, #tpu.memory_space<hbm>> -> memref<112xi32, #tpu.memory_space<hbm>>
      tpu.enqueue_dma source(%dma_start3A_113 : memref<112xi32, #tpu.memory_space<hbm>>) target(%arg16 : memref<112xi32, #tpu.memory_space<vmem>>) target_semaphore(%arg28 : memref<!tpu.dma_semaphore, #tpu.memory_space<semaphore_mem>>)
      %dma_wait3A_114 = tpu.memref_slice %arg5[%mul3A_4] : memref<329728xi32, #tpu.memory_space<hbm>> -> memref<112xi32, #tpu.memory_space<hbm>>
      %dma_wait3A_115 = tpu.memref_slice %arg5[%mul3A_4] : memref<329728xi32, #tpu.memory_space<hbm>> -> memref<112xi32, #tpu.memory_space<hbm>>
      tpu.wait_dma2 semaphore(%arg26 : memref<!tpu.dma_semaphore, #tpu.memory_space<semaphore_mem>>) src(%dma_wait3A_115 : memref<112xi32, #tpu.memory_space<hbm>>) dst(%arg10 : memref<112xi32, #tpu.memory_space<vmem>>)
      %dma_wait3A_116 = tpu.memref_slice %arg6[%mul3A_4] : memref<329728xi32, #tpu.memory_space<hbm>> -> memref<112xi32, #tpu.memory_space<hbm>>
      %dma_wait3A_117 = tpu.memref_slice %arg6[%mul3A_4] : memref<329728xi32, #tpu.memory_space<hbm>> -> memref<112xi32, #tpu.memory_space<hbm>>
      tpu.wait_dma2 semaphore(%arg26 : memref<!tpu.dma_semaphore, #tpu.memory_space<semaphore_mem>>) src(%dma_wait3A_117 : memref<112xi32, #tpu.memory_space<hbm>>) dst(%arg14 : memref<112xi32, #tpu.memory_space<vmem>>)
      %dma_start3A_118 = arith.constant 0 : i32
      %dma_start3A_119 = arith.constant 0 : i32
      %dma_start3A_120 = tpu.memref_slice %arg2[%dma_start3A_118, %dma_start3A_119] : memref<10240x128xf32, #tpu.memory_space<hbm>> -> memref<10240x128xf32, #tpu.memory_space<hbm>>
      tpu.enqueue_indirect_dma source(%dma_start3A_120 : memref<10240x128xf32, #tpu.memory_space<hbm>>) target(%arg18 : memref<112x128xf32, #tpu.memory_space<vmem>>) offsets(%arg10 : memref<112xi32, #tpu.memory_space<vmem>>) semaphore(%arg30 : memref<!tpu.dma_semaphore, #tpu.memory_space<semaphore_mem>>)
      %dma_start3A_121 = arith.constant 0 : i32
      %dma_start3A_122 = arith.constant 0 : i32
      %dma_start3A_123 = tpu.memref_slice %arg3[%dma_start3A_121, %dma_start3A_122] : memref<10240x16xf32, #tpu.memory_space<hbm>> -> memref<10240x16xf32, #tpu.memory_space<hbm>>
      tpu.enqueue_indirect_dma source(%dma_start3A_123 : memref<10240x16xf32, #tpu.memory_space<hbm>>) target(%arg20 : memref<112x16xf32, #tpu.memory_space<vmem>>) offsets(%arg10 : memref<112xi32, #tpu.memory_space<vmem>>) semaphore(%arg30 : memref<!tpu.dma_semaphore, #tpu.memory_space<semaphore_mem>>)
      %dma_start3A_124 = arith.constant 0 : i32
      %dma_start3A_125 = arith.constant 0 : i32
      %dma_start3A_126 = tpu.memref_slice %arg4[%dma_start3A_124, %dma_start3A_125] : memref<10240x16xf32, #tpu.memory_space<hbm>> -> memref<10240x16xf32, #tpu.memory_space<hbm>>
      tpu.enqueue_indirect_dma source(%dma_start3A_126 : memref<10240x16xf32, #tpu.memory_space<hbm>>) target(%arg22 : memref<112x16xf32, #tpu.memory_space<vmem>>) offsets(%arg14 : memref<112xi32, #tpu.memory_space<vmem>>) semaphore(%arg30 : memref<!tpu.dma_semaphore, #tpu.memory_space<semaphore_mem>>)
      %scan3A_127 = arith.constant 0 : i32
      %scan3A_128 = arith.constant 0 : i32
      %scan3A_129 = arith.constant 112 : i32
      %scan3A_130 = arith.addi %scan3A_128, %scan3A_129 : i32
      %scan3A_131 = arith.constant 1 : i32
      scf.for %scan3A_262 = %scan3A_128 to %scan3A_130 step %scan3A_131  : i32 {
        %get3A = arith.index_cast %scan3A_262 : i32 to index
        %get3A_263 = arith.constant 0 : index
        %get3A_264 = tpu.vector_load %arg19[%get3A, %get3A_263] {strides = array<i32>} : memref<112x16xf32, #tpu.memory_space<vmem>>, vector<1x16xf32>,
        %get3A_265 = vector.shape_cast %get3A_264 : vector<1x16xf32> to vector<16xf32>
        %get3A_266 = arith.index_cast %scan3A_262 : i32 to index
        %get3A_267 = arith.constant 0 : index
        %get3A_268 = tpu.vector_load %arg21[%get3A_266, %get3A_267] {strides = array<i32>} : memref<112x16xf32, #tpu.memory_space<vmem>>, vector<1x16xf32>,
        %get3A_269 = vector.shape_cast %get3A_268 : vector<1x16xf32> to vector<16xf32>
        %add3A_270 = arith.addf %get3A_265, %get3A_269 : vector<16xf32>
        %ge3A = arith.constant 0.000000e+00 : f32
        %ge3A_271 = vector.broadcast %ge3A : f32 to vector<16xf32>
        %ge3A_272 = arith.cmpf oge, %add3A_270, %ge3A_271 : vector<16xf32>
        %mul3A_273 = arith.constant 2.000000e-01 : f32
        %mul3A_274 = vector.broadcast %mul3A_273 : f32 to vector<16xf32>
        %mul3A_275 = arith.mulf %mul3A_274, %add3A_270 : vector<16xf32>
        %select_n3A = arith.select %ge3A_272, %add3A_270, %mul3A_275 : vector<16xi1>, vector<16xf32>
        %exp3A = math.exp %select_n3A : vector<16xf32>
        %swap3A = arith.index_cast %scan3A_262 : i32 to index
        %swap3A_276 = arith.constant 0 : index
        %swap3A_277 = tpu.vector_load %arg19[%swap3A, %swap3A_276] {strides = array<i32>} : memref<112x16xf32, #tpu.memory_space<vmem>>, vector<1x16xf32>,
        %swap3A_278 = vector.shape_cast %swap3A_277 : vector<1x16xf32> to vector<16xf32>
        %swap3A_279 = vector.shape_cast %exp3A : vector<16xf32> to vector<1x16xf32>
        tpu.vector_store %arg19[%swap3A, %swap3A_276], %swap3A_279 {strides = array<i32>} : memref<112x16xf32, #tpu.memory_space<vmem>>, vector<1x16xf32>,
        %slice3A = vector.extract_strided_slice %exp3A {offsets = [0], sizes = [1], strides = [1]} : vector<16xf32> to vector<1xf32>
        %squeeze3A = vector.extract %slice3A[0] : f32 from vector<1xf32>
        %get3A_280 = arith.index_cast %scan3A_262 : i32 to index
        %get3A_281 = arith.constant 0 : index
        %get3A_282 = tpu.vector_load %arg17[%get3A_280, %get3A_281] {strides = array<i32>} : memref<112x128xf32, #tpu.memory_space<vmem>>, vector<1x16xf32>,
        %get3A_283 = vector.shape_cast %get3A_282 : vector<1x16xf32> to vector<16xf32>
        %mul3A_284 = vector.broadcast %squeeze3A : f32 to vector<16xf32>
        %mul3A_285 = arith.mulf %get3A_283, %mul3A_284 : vector<16xf32>
        %swap3A_286 = arith.index_cast %scan3A_262 : i32 to index
        %swap3A_287 = arith.constant 0 : index
        %swap3A_288 = tpu.vector_load %arg17[%swap3A_286, %swap3A_287] {strides = array<i32>} : memref<112x128xf32, #tpu.memory_space<vmem>>, vector<1x16xf32>,
        %swap3A_289 = vector.shape_cast %swap3A_288 : vector<1x16xf32> to vector<16xf32>
        %swap3A_290 = vector.shape_cast %mul3A_285 : vector<16xf32> to vector<1x16xf32>
        tpu.vector_store %arg17[%swap3A_286, %swap3A_287], %swap3A_290 {strides = array<i32>} : memref<112x128xf32, #tpu.memory_space<vmem>>, vector<1x16xf32>,
        %slice3A_291 = vector.extract_strided_slice %exp3A {offsets = [0], sizes = [1], strides = [1]} : vector<16xf32> to vector<1xf32>
        %squeeze3A_292 = vector.extract %slice3A_291[0] : f32 from vector<1xf32>
        %get3A_293 = arith.index_cast %scan3A_262 : i32 to index
        %get3A_294 = arith.constant 16 : index
        %get3A_295 = tpu.vector_load %arg17[%get3A_293, %get3A_294] {strides = array<i32>} : memref<112x128xf32, #tpu.memory_space<vmem>>, vector<1x16xf32>,
        %get3A_296 = vector.shape_cast %get3A_295 : vector<1x16xf32> to vector<16xf32>
        %mul3A_297 = vector.broadcast %squeeze3A_292 : f32 to vector<16xf32>
        %mul3A_298 = arith.mulf %get3A_296, %mul3A_297 : vector<16xf32>
        %swap3A_299 = arith.index_cast %scan3A_262 : i32 to index
        %swap3A_300 = arith.constant 16 : index
        %swap3A_301 = tpu.vector_load %arg17[%swap3A_299, %swap3A_300] {strides = array<i32>} : memref<112x128xf32, #tpu.memory_space<vmem>>, vector<1x16xf32>,
        %swap3A_302 = vector.shape_cast %swap3A_301 : vector<1x16xf32> to vector<16xf32>
        %swap3A_303 = vector.shape_cast %mul3A_298 : vector<16xf32> to vector<1x16xf32>
        tpu.vector_store %arg17[%swap3A_299, %swap3A_300], %swap3A_303 {strides = array<i32>} : memref<112x128xf32, #tpu.memory_space<vmem>>, vector<1x16xf32>,
        %slice3A_304 = vector.extract_strided_slice %exp3A {offsets = [1], sizes = [1], strides = [1]} : vector<16xf32> to vector<1xf32>
        %squeeze3A_305 = vector.extract %slice3A_304[0] : f32 from vector<1xf32>
        %get3A_306 = arith.index_cast %scan3A_262 : i32 to index
        %get3A_307 = arith.constant 32 : index
        %get3A_308 = tpu.vector_load %arg17[%get3A_306, %get3A_307] {strides = array<i32>} : memref<112x128xf32, #tpu.memory_space<vmem>>, vector<1x16xf32>,
        %get3A_309 = vector.shape_cast %get3A_308 : vector<1x16xf32> to vector<16xf32>
        %mul3A_310 = vector.broadcast %squeeze3A_305 : f32 to vector<16xf32>
        %mul3A_311 = arith.mulf %get3A_309, %mul3A_310 : vector<16xf32>
        %swap3A_312 = arith.index_cast %scan3A_262 : i32 to index
        %swap3A_313 = arith.constant 32 : index
        %swap3A_314 = tpu.vector_load %arg17[%swap3A_312, %swap3A_313] {strides = array<i32>} : memref<112x128xf32, #tpu.memory_space<vmem>>, vector<1x16xf32>,
        %swap3A_315 = vector.shape_cast %swap3A_314 : vector<1x16xf32> to vector<16xf32>
        %swap3A_316 = vector.shape_cast %mul3A_311 : vector<16xf32> to vector<1x16xf32>
        tpu.vector_store %arg17[%swap3A_312, %swap3A_313], %swap3A_316 {strides = array<i32>} : memref<112x128xf32, #tpu.memory_space<vmem>>, vector<1x16xf32>,
        %slice3A_317 = vector.extract_strided_slice %exp3A {offsets = [1], sizes = [1], strides = [1]} : vector<16xf32> to vector<1xf32>
        %squeeze3A_318 = vector.extract %slice3A_317[0] : f32 from vector<1xf32>
        %get3A_319 = arith.index_cast %scan3A_262 : i32 to index
        %get3A_320 = arith.constant 48 : index
        %get3A_321 = tpu.vector_load %arg17[%get3A_319, %get3A_320] {strides = array<i32>} : memref<112x128xf32, #tpu.memory_space<vmem>>, vector<1x16xf32>,
        %get3A_322 = vector.shape_cast %get3A_321 : vector<1x16xf32> to vector<16xf32>
        %mul3A_323 = vector.broadcast %squeeze3A_318 : f32 to vector<16xf32>
        %mul3A_324 = arith.mulf %get3A_322, %mul3A_323 : vector<16xf32>
        %swap3A_325 = arith.index_cast %scan3A_262 : i32 to index
        %swap3A_326 = arith.constant 48 : index
        %swap3A_327 = tpu.vector_load %arg17[%swap3A_325, %swap3A_326] {strides = array<i32>} : memref<112x128xf32, #tpu.memory_space<vmem>>, vector<1x16xf32>,
        %swap3A_328 = vector.shape_cast %swap3A_327 : vector<1x16xf32> to vector<16xf32>
        %swap3A_329 = vector.shape_cast %mul3A_324 : vector<16xf32> to vector<1x16xf32>
        tpu.vector_store %arg17[%swap3A_325, %swap3A_326], %swap3A_329 {strides = array<i32>} : memref<112x128xf32, #tpu.memory_space<vmem>>, vector<1x16xf32>,
        %slice3A_330 = vector.extract_strided_slice %exp3A {offsets = [2], sizes = [1], strides = [1]} : vector<16xf32> to vector<1xf32>
        %squeeze3A_331 = vector.extract %slice3A_330[0] : f32 from vector<1xf32>
        %get3A_332 = arith.index_cast %scan3A_262 : i32 to index
        %get3A_333 = arith.constant 64 : index
        %get3A_334 = tpu.vector_load %arg17[%get3A_332, %get3A_333] {strides = array<i32>} : memref<112x128xf32, #tpu.memory_space<vmem>>, vector<1x16xf32>,
        %get3A_335 = vector.shape_cast %get3A_334 : vector<1x16xf32> to vector<16xf32>
        %mul3A_336 = vector.broadcast %squeeze3A_331 : f32 to vector<16xf32>
        %mul3A_337 = arith.mulf %get3A_335, %mul3A_336 : vector<16xf32>
        %swap3A_338 = arith.index_cast %scan3A_262 : i32 to index
        %swap3A_339 = arith.constant 64 : index
        %swap3A_340 = tpu.vector_load %arg17[%swap3A_338, %swap3A_339] {strides = array<i32>} : memref<112x128xf32, #tpu.memory_space<vmem>>, vector<1x16xf32>,
        %swap3A_341 = vector.shape_cast %swap3A_340 : vector<1x16xf32> to vector<16xf32>
        %swap3A_342 = vector.shape_cast %mul3A_337 : vector<16xf32> to vector<1x16xf32>
        tpu.vector_store %arg17[%swap3A_338, %swap3A_339], %swap3A_342 {strides = array<i32>} : memref<112x128xf32, #tpu.memory_space<vmem>>, vector<1x16xf32>,
        %slice3A_343 = vector.extract_strided_slice %exp3A {offsets = [2], sizes = [1], strides = [1]} : vector<16xf32> to vector<1xf32>
        %squeeze3A_344 = vector.extract %slice3A_343[0] : f32 from vector<1xf32>
        %get3A_345 = arith.index_cast %scan3A_262 : i32 to index
        %get3A_346 = arith.constant 80 : index
        %get3A_347 = tpu.vector_load %arg17[%get3A_345, %get3A_346] {strides = array<i32>} : memref<112x128xf32, #tpu.memory_space<vmem>>, vector<1x16xf32>,
        %get3A_348 = vector.shape_cast %get3A_347 : vector<1x16xf32> to vector<16xf32>
        %mul3A_349 = vector.broadcast %squeeze3A_344 : f32 to vector<16xf32>
        %mul3A_350 = arith.mulf %get3A_348, %mul3A_349 : vector<16xf32>
        %swap3A_351 = arith.index_cast %scan3A_262 : i32 to index
        %swap3A_352 = arith.constant 80 : index
        %swap3A_353 = tpu.vector_load %arg17[%swap3A_351, %swap3A_352] {strides = array<i32>} : memref<112x128xf32, #tpu.memory_space<vmem>>, vector<1x16xf32>,
        %swap3A_354 = vector.shape_cast %swap3A_353 : vector<1x16xf32> to vector<16xf32>
        %swap3A_355 = vector.shape_cast %mul3A_350 : vector<16xf32> to vector<1x16xf32>
        tpu.vector_store %arg17[%swap3A_351, %swap3A_352], %swap3A_355 {strides = array<i32>} : memref<112x128xf32, #tpu.memory_space<vmem>>, vector<1x16xf32>,
        %slice3A_356 = vector.extract_strided_slice %exp3A {offsets = [3], sizes = [1], strides = [1]} : vector<16xf32> to vector<1xf32>
        %squeeze3A_357 = vector.extract %slice3A_356[0] : f32 from vector<1xf32>
        %get3A_358 = arith.index_cast %scan3A_262 : i32 to index
        %get3A_359 = arith.constant 96 : index
        %get3A_360 = tpu.vector_load %arg17[%get3A_358, %get3A_359] {strides = array<i32>} : memref<112x128xf32, #tpu.memory_space<vmem>>, vector<1x16xf32>,
        %get3A_361 = vector.shape_cast %get3A_360 : vector<1x16xf32> to vector<16xf32>
        %mul3A_362 = vector.broadcast %squeeze3A_357 : f32 to vector<16xf32>
        %mul3A_363 = arith.mulf %get3A_361, %mul3A_362 : vector<16xf32>
        %swap3A_364 = arith.index_cast %scan3A_262 : i32 to index
        %swap3A_365 = arith.constant 96 : index
        %swap3A_366 = tpu.vector_load %arg17[%swap3A_364, %swap3A_365] {strides = array<i32>} : memref<112x128xf32, #tpu.memory_space<vmem>>, vector<1x16xf32>,
        %swap3A_367 = vector.shape_cast %swap3A_366 : vector<1x16xf32> to vector<16xf32>
        %swap3A_368 = vector.shape_cast %mul3A_363 : vector<16xf32> to vector<1x16xf32>
        tpu.vector_store %arg17[%swap3A_364, %swap3A_365], %swap3A_368 {strides = array<i32>} : memref<112x128xf32, #tpu.memory_space<vmem>>, vector<1x16xf32>,
        %slice3A_369 = vector.extract_strided_slice %exp3A {offsets = [3], sizes = [1], strides = [1]} : vector<16xf32> to vector<1xf32>
        %squeeze3A_370 = vector.extract %slice3A_369[0] : f32 from vector<1xf32>
        %get3A_371 = arith.index_cast %scan3A_262 : i32 to index
        %get3A_372 = arith.constant 112 : index
        %get3A_373 = tpu.vector_load %arg17[%get3A_371, %get3A_372] {strides = array<i32>} : memref<112x128xf32, #tpu.memory_space<vmem>>, vector<1x16xf32>,
        %get3A_374 = vector.shape_cast %get3A_373 : vector<1x16xf32> to vector<16xf32>
        %mul3A_375 = vector.broadcast %squeeze3A_370 : f32 to vector<16xf32>
        %mul3A_376 = arith.mulf %get3A_374, %mul3A_375 : vector<16xf32>
        %swap3A_377 = arith.index_cast %scan3A_262 : i32 to index
        %swap3A_378 = arith.constant 112 : index
        %swap3A_379 = tpu.vector_load %arg17[%swap3A_377, %swap3A_378] {strides = array<i32>} : memref<112x128xf32, #tpu.memory_space<vmem>>, vector<1x16xf32>,
        %swap3A_380 = vector.shape_cast %swap3A_379 : vector<1x16xf32> to vector<16xf32>
        %swap3A_381 = vector.shape_cast %mul3A_376 : vector<16xf32> to vector<1x16xf32>
        tpu.vector_store %arg17[%swap3A_377, %swap3A_378], %swap3A_381 {strides = array<i32>} : memref<112x128xf32, #tpu.memory_space<vmem>>, vector<1x16xf32>,
      }
      %scan3A_132 = arith.constant 112 : i32
      "tpu.region"() ({
        %run_scoped3A = tpu.sem_alloc : memref<!tpu.dma_semaphore, #tpu.memory_space<semaphore_mem>>
        %dma_start3A_262 = arith.constant 0 : i32
        %dma_start3A_263 = arith.constant 0 : i32
        %dma_start3A_264 = tpu.memref_slice %arg23[%dma_start3A_262, %dma_start3A_263] : memref<10240x128xf32, #tpu.memory_space<vmem_shared>> -> memref<10240x128xf32, #tpu.memory_space<vmem_shared>>
        tpu.enqueue_indirect_dma source(%arg17 : memref<112x128xf32, #tpu.memory_space<vmem>>) target(%dma_start3A_264 : memref<10240x128xf32, #tpu.memory_space<vmem_shared>>) offsets(%arg13 : memref<112xi32, #tpu.memory_space<vmem>>) semaphore(%run_scoped3A : memref<!tpu.dma_semaphore, #tpu.memory_space<semaphore_mem>>) {add = true}
        %dma_wait3A_265 = arith.constant 0 : i32
        %dma_wait3A_266 = arith.constant 0 : i32
        %dma_wait3A_267 = tpu.memref_slice %arg23[%dma_wait3A_265, %dma_wait3A_266] : memref<10240x128xf32, #tpu.memory_space<vmem_shared>> -> memref<10240x128xf32, #tpu.memory_space<vmem_shared>>
        tpu.wait_indirect_dma semaphore(%run_scoped3A : memref<!tpu.dma_semaphore, #tpu.memory_space<semaphore_mem>>) src(%arg17 : memref<112x128xf32, #tpu.memory_space<vmem>>) dst(%dma_wait3A_267 : memref<10240x128xf32, #tpu.memory_space<vmem_shared>>)
        tpu.yield
      }) : () -> ()
      "tpu.region"() ({
        %run_scoped3A = tpu.sem_alloc : memref<!tpu.dma_semaphore, #tpu.memory_space<semaphore_mem>>
        %dma_start3A_262 = arith.constant 0 : i32
        %dma_start3A_263 = arith.constant 0 : i32
        %dma_start3A_264 = tpu.memref_slice %arg24[%dma_start3A_262, %dma_start3A_263] : memref<10240x16xf32, #tpu.memory_space<vmem_shared>> -> memref<10240x16xf32, #tpu.memory_space<vmem_shared>>
        tpu.enqueue_indirect_dma source(%arg19 : memref<112x16xf32, #tpu.memory_space<vmem>>) target(%dma_start3A_264 : memref<10240x16xf32, #tpu.memory_space<vmem_shared>>) offsets(%arg13 : memref<112xi32, #tpu.memory_space<vmem>>) semaphore(%run_scoped3A : memref<!tpu.dma_semaphore, #tpu.memory_space<semaphore_mem>>) {add = true}
        %dma_wait3A_265 = arith.constant 0 : i32
        %dma_wait3A_266 = arith.constant 0 : i32
        %dma_wait3A_267 = tpu.memref_slice %arg24[%dma_wait3A_265, %dma_wait3A_266] : memref<10240x16xf32, #tpu.memory_space<vmem_shared>> -> memref<10240x16xf32, #tpu.memory_space<vmem_shared>>
        tpu.wait_indirect_dma semaphore(%run_scoped3A : memref<!tpu.dma_semaphore, #tpu.memory_space<semaphore_mem>>) src(%arg19 : memref<112x16xf32, #tpu.memory_space<vmem>>) dst(%dma_wait3A_267 : memref<10240x16xf32, #tpu.memory_space<vmem_shared>>)
        tpu.yield
      }) : () -> ()
      %mul3A_133 = arith.constant 4 : i32
      %mul3A_134 = arith.muli %scan3A_90, %mul3A_133 : i32
      %add3A_135 = arith.constant 1 : i32
      %add3A_136 = arith.addi %mul3A_134, %add3A_135 : i32
      %dma_wait3A_137 = arith.constant 0 : i32
      %dma_wait3A_138 = arith.constant 0 : i32
      %dma_wait3A_139 = tpu.memref_slice %arg2[%dma_wait3A_137, %dma_wait3A_138] : memref<10240x128xf32, #tpu.memory_space<hbm>> -> memref<10240x128xf32, #tpu.memory_space<hbm>>
      tpu.wait_indirect_dma semaphore(%arg30 : memref<!tpu.dma_semaphore, #tpu.memory_space<semaphore_mem>>) src(%dma_wait3A_139 : memref<10240x128xf32, #tpu.memory_space<hbm>>) dst(%arg18 : memref<112x128xf32, #tpu.memory_space<vmem>>)
      %dma_wait3A_140 = arith.constant 0 : i32
      %dma_wait3A_141 = arith.constant 0 : i32
      %dma_wait3A_142 = tpu.memref_slice %arg3[%dma_wait3A_140, %dma_wait3A_141] : memref<10240x16xf32, #tpu.memory_space<hbm>> -> memref<10240x16xf32, #tpu.memory_space<hbm>>
      tpu.wait_indirect_dma semaphore(%arg30 : memref<!tpu.dma_semaphore, #tpu.memory_space<semaphore_mem>>) src(%dma_wait3A_142 : memref<10240x16xf32, #tpu.memory_space<hbm>>) dst(%arg20 : memref<112x16xf32, #tpu.memory_space<vmem>>)
      %dma_wait3A_143 = arith.constant 0 : i32
      %dma_wait3A_144 = arith.constant 0 : i32
      %dma_wait3A_145 = tpu.memref_slice %arg4[%dma_wait3A_143, %dma_wait3A_144] : memref<10240x16xf32, #tpu.memory_space<hbm>> -> memref<10240x16xf32, #tpu.memory_space<hbm>>
      tpu.wait_indirect_dma semaphore(%arg30 : memref<!tpu.dma_semaphore, #tpu.memory_space<semaphore_mem>>) src(%dma_wait3A_145 : memref<10240x16xf32, #tpu.memory_space<hbm>>) dst(%arg22 : memref<112x16xf32, #tpu.memory_space<vmem>>)
      %add3A_146 = arith.constant 3 : i32
      %add3A_147 = arith.addi %add3A_136, %add3A_146 : i32
      %min3A_148 = arith.constant 91 : i32
      %min3A_149 = arith.minsi %add3A_147, %min3A_148 : i32
      %mul3A_150 = arith.constant 112 : i32
      %mul3A_151 = arith.muli %min3A_149, %mul3A_150 : i32
      %add3A_152 = arith.addi %mul3A_4, %mul3A_151 : i32
      %dma_start3A_153 = tpu.memref_slice %arg5[%add3A_152] : memref<329728xi32, #tpu.memory_space<hbm>> -> memref<112xi32, #tpu.memory_space<hbm>>
      %dma_start3A_154 = tpu.memref_slice %arg5[%add3A_152] : memref<329728xi32, #tpu.memory_space<hbm>> -> memref<112xi32, #tpu.memory_space<hbm>>
      tpu.enqueue_dma source(%dma_start3A_154 : memref<112xi32, #tpu.memory_space<hbm>>) target(%arg9 : memref<112xi32, #tpu.memory_space<vmem>>) target_semaphore(%arg25 : memref<!tpu.dma_semaphore, #tpu.memory_space<semaphore_mem>>)
      %dma_start3A_155 = tpu.memref_slice %arg6[%add3A_152] : memref<329728xi32, #tpu.memory_space<hbm>> -> memref<112xi32, #tpu.memory_space<hbm>>
      %dma_start3A_156 = tpu.memref_slice %arg6[%add3A_152] : memref<329728xi32, #tpu.memory_space<hbm>> -> memref<112xi32, #tpu.memory_space<hbm>>
      tpu.enqueue_dma source(%dma_start3A_156 : memref<112xi32, #tpu.memory_space<hbm>>) target(%arg13 : memref<112xi32, #tpu.memory_space<vmem>>) target_semaphore(%arg25 : memref<!tpu.dma_semaphore, #tpu.memory_space<semaphore_mem>>)
      %dma_wait3A_157 = tpu.memref_slice %arg5[%mul3A_4] : memref<329728xi32, #tpu.memory_space<hbm>> -> memref<112xi32, #tpu.memory_space<hbm>>
      %dma_wait3A_158 = tpu.memref_slice %arg5[%mul3A_4] : memref<329728xi32, #tpu.memory_space<hbm>> -> memref<112xi32, #tpu.memory_space<hbm>>
      tpu.wait_dma2 semaphore(%arg27 : memref<!tpu.dma_semaphore, #tpu.memory_space<semaphore_mem>>) src(%dma_wait3A_158 : memref<112xi32, #tpu.memory_space<hbm>>) dst(%arg11 : memref<112xi32, #tpu.memory_space<vmem>>)
      %dma_wait3A_159 = tpu.memref_slice %arg6[%mul3A_4] : memref<329728xi32, #tpu.memory_space<hbm>> -> memref<112xi32, #tpu.memory_space<hbm>>
      %dma_wait3A_160 = tpu.memref_slice %arg6[%mul3A_4] : memref<329728xi32, #tpu.memory_space<hbm>> -> memref<112xi32, #tpu.memory_space<hbm>>
      tpu.wait_dma2 semaphore(%arg27 : memref<!tpu.dma_semaphore, #tpu.memory_space<semaphore_mem>>) src(%dma_wait3A_160 : memref<112xi32, #tpu.memory_space<hbm>>) dst(%arg15 : memref<112xi32, #tpu.memory_space<vmem>>)
      %dma_start3A_161 = arith.constant 0 : i32
      %dma_start3A_162 = arith.constant 0 : i32
      %dma_start3A_163 = tpu.memref_slice %arg2[%dma_start3A_161, %dma_start3A_162] : memref<10240x128xf32, #tpu.memory_space<hbm>> -> memref<10240x128xf32, #tpu.memory_space<hbm>>
      tpu.enqueue_indirect_dma source(%dma_start3A_163 : memref<10240x128xf32, #tpu.memory_space<hbm>>) target(%arg17 : memref<112x128xf32, #tpu.memory_space<vmem>>) offsets(%arg11 : memref<112xi32, #tpu.memory_space<vmem>>) semaphore(%arg29 : memref<!tpu.dma_semaphore, #tpu.memory_space<semaphore_mem>>)
      %dma_start3A_164 = arith.constant 0 : i32
      %dma_start3A_165 = arith.constant 0 : i32
      %dma_start3A_166 = tpu.memref_slice %arg3[%dma_start3A_164, %dma_start3A_165] : memref<10240x16xf32, #tpu.memory_space<hbm>> -> memref<10240x16xf32, #tpu.memory_space<hbm>>
      tpu.enqueue_indirect_dma source(%dma_start3A_166 : memref<10240x16xf32, #tpu.memory_space<hbm>>) target(%arg19 : memref<112x16xf32, #tpu.memory_space<vmem>>) offsets(%arg11 : memref<112xi32, #tpu.memory_space<vmem>>) semaphore(%arg29 : memref<!tpu.dma_semaphore, #tpu.memory_space<semaphore_mem>>)
      %dma_start3A_167 = arith.constant 0 : i32
      %dma_start3A_168 = arith.constant 0 : i32
      %dma_start3A_169 = tpu.memref_slice %arg4[%dma_start3A_167, %dma_start3A_168] : memref<10240x16xf32, #tpu.memory_space<hbm>> -> memref<10240x16xf32, #tpu.memory_space<hbm>>
      tpu.enqueue_indirect_dma source(%dma_start3A_169 : memref<10240x16xf32, #tpu.memory_space<hbm>>) target(%arg21 : memref<112x16xf32, #tpu.memory_space<vmem>>) offsets(%arg15 : memref<112xi32, #tpu.memory_space<vmem>>) semaphore(%arg29 : memref<!tpu.dma_semaphore, #tpu.memory_space<semaphore_mem>>)
      %scan3A_170 = arith.constant 0 : i32
      %scan3A_171 = arith.constant 0 : i32
      %scan3A_172 = arith.constant 112 : i32
      %scan3A_173 = arith.addi %scan3A_171, %scan3A_172 : i32
      %scan3A_174 = arith.constant 1 : i32
      scf.for %scan3A_262 = %scan3A_171 to %scan3A_173 step %scan3A_174  : i32 {
        %get3A = arith.index_cast %scan3A_262 : i32 to index
        %get3A_263 = arith.constant 0 : index
        %get3A_264 = tpu.vector_load %arg20[%get3A, %get3A_263] {strides = array<i32>} : memref<112x16xf32, #tpu.memory_space<vmem>>, vector<1x16xf32>,
        %get3A_265 = vector.shape_cast %get3A_264 : vector<1x16xf32> to vector<16xf32>
        %get3A_266 = arith.index_cast %scan3A_262 : i32 to index
        %get3A_267 = arith.constant 0 : index
        %get3A_268 = tpu.vector_load %arg22[%get3A_266, %get3A_267] {strides = array<i32>} : memref<112x16xf32, #tpu.memory_space<vmem>>, vector<1x16xf32>,
        %get3A_269 = vector.shape_cast %get3A_268 : vector<1x16xf32> to vector<16xf32>
        %add3A_270 = arith.addf %get3A_265, %get3A_269 : vector<16xf32>
        %ge3A = arith.constant 0.000000e+00 : f32
        %ge3A_271 = vector.broadcast %ge3A : f32 to vector<16xf32>
        %ge3A_272 = arith.cmpf oge, %add3A_270, %ge3A_271 : vector<16xf32>
        %mul3A_273 = arith.constant 2.000000e-01 : f32
        %mul3A_274 = vector.broadcast %mul3A_273 : f32 to vector<16xf32>
        %mul3A_275 = arith.mulf %mul3A_274, %add3A_270 : vector<16xf32>
        %select_n3A = arith.select %ge3A_272, %add3A_270, %mul3A_275 : vector<16xi1>, vector<16xf32>
        %exp3A = math.exp %select_n3A : vector<16xf32>
        %swap3A = arith.index_cast %scan3A_262 : i32 to index
        %swap3A_276 = arith.constant 0 : index
        %swap3A_277 = tpu.vector_load %arg20[%swap3A, %swap3A_276] {strides = array<i32>} : memref<112x16xf32, #tpu.memory_space<vmem>>, vector<1x16xf32>,
        %swap3A_278 = vector.shape_cast %swap3A_277 : vector<1x16xf32> to vector<16xf32>
        %swap3A_279 = vector.shape_cast %exp3A : vector<16xf32> to vector<1x16xf32>
        tpu.vector_store %arg20[%swap3A, %swap3A_276], %swap3A_279 {strides = array<i32>} : memref<112x16xf32, #tpu.memory_space<vmem>>, vector<1x16xf32>,
        %slice3A = vector.extract_strided_slice %exp3A {offsets = [0], sizes = [1], strides = [1]} : vector<16xf32> to vector<1xf32>
        %squeeze3A = vector.extract %slice3A[0] : f32 from vector<1xf32>
        %get3A_280 = arith.index_cast %scan3A_262 : i32 to index
        %get3A_281 = arith.constant 0 : index
        %get3A_282 = tpu.vector_load %arg18[%get3A_280, %get3A_281] {strides = array<i32>} : memref<112x128xf32, #tpu.memory_space<vmem>>, vector<1x16xf32>,
        %get3A_283 = vector.shape_cast %get3A_282 : vector<1x16xf32> to vector<16xf32>
        %mul3A_284 = vector.broadcast %squeeze3A : f32 to vector<16xf32>
        %mul3A_285 = arith.mulf %get3A_283, %mul3A_284 : vector<16xf32>
        %swap3A_286 = arith.index_cast %scan3A_262 : i32 to index
        %swap3A_287 = arith.constant 0 : index
        %swap3A_288 = tpu.vector_load %arg18[%swap3A_286, %swap3A_287] {strides = array<i32>} : memref<112x128xf32, #tpu.memory_space<vmem>>, vector<1x16xf32>,
        %swap3A_289 = vector.shape_cast %swap3A_288 : vector<1x16xf32> to vector<16xf32>
        %swap3A_290 = vector.shape_cast %mul3A_285 : vector<16xf32> to vector<1x16xf32>
        tpu.vector_store %arg18[%swap3A_286, %swap3A_287], %swap3A_290 {strides = array<i32>} : memref<112x128xf32, #tpu.memory_space<vmem>>, vector<1x16xf32>,
        %slice3A_291 = vector.extract_strided_slice %exp3A {offsets = [0], sizes = [1], strides = [1]} : vector<16xf32> to vector<1xf32>
        %squeeze3A_292 = vector.extract %slice3A_291[0] : f32 from vector<1xf32>
        %get3A_293 = arith.index_cast %scan3A_262 : i32 to index
        %get3A_294 = arith.constant 16 : index
        %get3A_295 = tpu.vector_load %arg18[%get3A_293, %get3A_294] {strides = array<i32>} : memref<112x128xf32, #tpu.memory_space<vmem>>, vector<1x16xf32>,
        %get3A_296 = vector.shape_cast %get3A_295 : vector<1x16xf32> to vector<16xf32>
        %mul3A_297 = vector.broadcast %squeeze3A_292 : f32 to vector<16xf32>
        %mul3A_298 = arith.mulf %get3A_296, %mul3A_297 : vector<16xf32>
        %swap3A_299 = arith.index_cast %scan3A_262 : i32 to index
        %swap3A_300 = arith.constant 16 : index
        %swap3A_301 = tpu.vector_load %arg18[%swap3A_299, %swap3A_300] {strides = array<i32>} : memref<112x128xf32, #tpu.memory_space<vmem>>, vector<1x16xf32>,
        %swap3A_302 = vector.shape_cast %swap3A_301 : vector<1x16xf32> to vector<16xf32>
        %swap3A_303 = vector.shape_cast %mul3A_298 : vector<16xf32> to vector<1x16xf32>
        tpu.vector_store %arg18[%swap3A_299, %swap3A_300], %swap3A_303 {strides = array<i32>} : memref<112x128xf32, #tpu.memory_space<vmem>>, vector<1x16xf32>,
        %slice3A_304 = vector.extract_strided_slice %exp3A {offsets = [1], sizes = [1], strides = [1]} : vector<16xf32> to vector<1xf32>
        %squeeze3A_305 = vector.extract %slice3A_304[0] : f32 from vector<1xf32>
        %get3A_306 = arith.index_cast %scan3A_262 : i32 to index
        %get3A_307 = arith.constant 32 : index
        %get3A_308 = tpu.vector_load %arg18[%get3A_306, %get3A_307] {strides = array<i32>} : memref<112x128xf32, #tpu.memory_space<vmem>>, vector<1x16xf32>,
        %get3A_309 = vector.shape_cast %get3A_308 : vector<1x16xf32> to vector<16xf32>
        %mul3A_310 = vector.broadcast %squeeze3A_305 : f32 to vector<16xf32>
        %mul3A_311 = arith.mulf %get3A_309, %mul3A_310 : vector<16xf32>
        %swap3A_312 = arith.index_cast %scan3A_262 : i32 to index
        %swap3A_313 = arith.constant 32 : index
        %swap3A_314 = tpu.vector_load %arg18[%swap3A_312, %swap3A_313] {strides = array<i32>} : memref<112x128xf32, #tpu.memory_space<vmem>>, vector<1x16xf32>,
        %swap3A_315 = vector.shape_cast %swap3A_314 : vector<1x16xf32> to vector<16xf32>
        %swap3A_316 = vector.shape_cast %mul3A_311 : vector<16xf32> to vector<1x16xf32>
        tpu.vector_store %arg18[%swap3A_312, %swap3A_313], %swap3A_316 {strides = array<i32>} : memref<112x128xf32, #tpu.memory_space<vmem>>, vector<1x16xf32>,
        %slice3A_317 = vector.extract_strided_slice %exp3A {offsets = [1], sizes = [1], strides = [1]} : vector<16xf32> to vector<1xf32>
        %squeeze3A_318 = vector.extract %slice3A_317[0] : f32 from vector<1xf32>
        %get3A_319 = arith.index_cast %scan3A_262 : i32 to index
        %get3A_320 = arith.constant 48 : index
        %get3A_321 = tpu.vector_load %arg18[%get3A_319, %get3A_320] {strides = array<i32>} : memref<112x128xf32, #tpu.memory_space<vmem>>, vector<1x16xf32>,
        %get3A_322 = vector.shape_cast %get3A_321 : vector<1x16xf32> to vector<16xf32>
        %mul3A_323 = vector.broadcast %squeeze3A_318 : f32 to vector<16xf32>
        %mul3A_324 = arith.mulf %get3A_322, %mul3A_323 : vector<16xf32>
        %swap3A_325 = arith.index_cast %scan3A_262 : i32 to index
        %swap3A_326 = arith.constant 48 : index
        %swap3A_327 = tpu.vector_load %arg18[%swap3A_325, %swap3A_326] {strides = array<i32>} : memref<112x128xf32, #tpu.memory_space<vmem>>, vector<1x16xf32>,
        %swap3A_328 = vector.shape_cast %swap3A_327 : vector<1x16xf32> to vector<16xf32>
        %swap3A_329 = vector.shape_cast %mul3A_324 : vector<16xf32> to vector<1x16xf32>
        tpu.vector_store %arg18[%swap3A_325, %swap3A_326], %swap3A_329 {strides = array<i32>} : memref<112x128xf32, #tpu.memory_space<vmem>>, vector<1x16xf32>,
        %slice3A_330 = vector.extract_strided_slice %exp3A {offsets = [2], sizes = [1], strides = [1]} : vector<16xf32> to vector<1xf32>
        %squeeze3A_331 = vector.extract %slice3A_330[0] : f32 from vector<1xf32>
        %get3A_332 = arith.index_cast %scan3A_262 : i32 to index
        %get3A_333 = arith.constant 64 : index
        %get3A_334 = tpu.vector_load %arg18[%get3A_332, %get3A_333] {strides = array<i32>} : memref<112x128xf32, #tpu.memory_space<vmem>>, vector<1x16xf32>,
        %get3A_335 = vector.shape_cast %get3A_334 : vector<1x16xf32> to vector<16xf32>
        %mul3A_336 = vector.broadcast %squeeze3A_331 : f32 to vector<16xf32>
        %mul3A_337 = arith.mulf %get3A_335, %mul3A_336 : vector<16xf32>
        %swap3A_338 = arith.index_cast %scan3A_262 : i32 to index
        %swap3A_339 = arith.constant 64 : index
        %swap3A_340 = tpu.vector_load %arg18[%swap3A_338, %swap3A_339] {strides = array<i32>} : memref<112x128xf32, #tpu.memory_space<vmem>>, vector<1x16xf32>,
        %swap3A_341 = vector.shape_cast %swap3A_340 : vector<1x16xf32> to vector<16xf32>
        %swap3A_342 = vector.shape_cast %mul3A_337 : vector<16xf32> to vector<1x16xf32>
        tpu.vector_store %arg18[%swap3A_338, %swap3A_339], %swap3A_342 {strides = array<i32>} : memref<112x128xf32, #tpu.memory_space<vmem>>, vector<1x16xf32>,
        %slice3A_343 = vector.extract_strided_slice %exp3A {offsets = [2], sizes = [1], strides = [1]} : vector<16xf32> to vector<1xf32>
        %squeeze3A_344 = vector.extract %slice3A_343[0] : f32 from vector<1xf32>
        %get3A_345 = arith.index_cast %scan3A_262 : i32 to index
        %get3A_346 = arith.constant 80 : index
        %get3A_347 = tpu.vector_load %arg18[%get3A_345, %get3A_346] {strides = array<i32>} : memref<112x128xf32, #tpu.memory_space<vmem>>, vector<1x16xf32>,
        %get3A_348 = vector.shape_cast %get3A_347 : vector<1x16xf32> to vector<16xf32>
        %mul3A_349 = vector.broadcast %squeeze3A_344 : f32 to vector<16xf32>
        %mul3A_350 = arith.mulf %get3A_348, %mul3A_349 : vector<16xf32>
        %swap3A_351 = arith.index_cast %scan3A_262 : i32 to index
        %swap3A_352 = arith.constant 80 : index
        %swap3A_353 = tpu.vector_load %arg18[%swap3A_351, %swap3A_352] {strides = array<i32>} : memref<112x128xf32, #tpu.memory_space<vmem>>, vector<1x16xf32>,
        %swap3A_354 = vector.shape_cast %swap3A_353 : vector<1x16xf32> to vector<16xf32>
        %swap3A_355 = vector.shape_cast %mul3A_350 : vector<16xf32> to vector<1x16xf32>
        tpu.vector_store %arg18[%swap3A_351, %swap3A_352], %swap3A_355 {strides = array<i32>} : memref<112x128xf32, #tpu.memory_space<vmem>>, vector<1x16xf32>,
        %slice3A_356 = vector.extract_strided_slice %exp3A {offsets = [3], sizes = [1], strides = [1]} : vector<16xf32> to vector<1xf32>
        %squeeze3A_357 = vector.extract %slice3A_356[0] : f32 from vector<1xf32>
        %get3A_358 = arith.index_cast %scan3A_262 : i32 to index
        %get3A_359 = arith.constant 96 : index
        %get3A_360 = tpu.vector_load %arg18[%get3A_358, %get3A_359] {strides = array<i32>} : memref<112x128xf32, #tpu.memory_space<vmem>>, vector<1x16xf32>,
        %get3A_361 = vector.shape_cast %get3A_360 : vector<1x16xf32> to vector<16xf32>
        %mul3A_362 = vector.broadcast %squeeze3A_357 : f32 to vector<16xf32>
        %mul3A_363 = arith.mulf %get3A_361, %mul3A_362 : vector<16xf32>
        %swap3A_364 = arith.index_cast %scan3A_262 : i32 to index
        %swap3A_365 = arith.constant 96 : index
        %swap3A_366 = tpu.vector_load %arg18[%swap3A_364, %swap3A_365] {strides = array<i32>} : memref<112x128xf32, #tpu.memory_space<vmem>>, vector<1x16xf32>,
        %swap3A_367 = vector.shape_cast %swap3A_366 : vector<1x16xf32> to vector<16xf32>
        %swap3A_368 = vector.shape_cast %mul3A_363 : vector<16xf32> to vector<1x16xf32>
        tpu.vector_store %arg18[%swap3A_364, %swap3A_365], %swap3A_368 {strides = array<i32>} : memref<112x128xf32, #tpu.memory_space<vmem>>, vector<1x16xf32>,
        %slice3A_369 = vector.extract_strided_slice %exp3A {offsets = [3], sizes = [1], strides = [1]} : vector<16xf32> to vector<1xf32>
        %squeeze3A_370 = vector.extract %slice3A_369[0] : f32 from vector<1xf32>
        %get3A_371 = arith.index_cast %scan3A_262 : i32 to index
        %get3A_372 = arith.constant 112 : index
        %get3A_373 = tpu.vector_load %arg18[%get3A_371, %get3A_372] {strides = array<i32>} : memref<112x128xf32, #tpu.memory_space<vmem>>, vector<1x16xf32>,
        %get3A_374 = vector.shape_cast %get3A_373 : vector<1x16xf32> to vector<16xf32>
        %mul3A_375 = vector.broadcast %squeeze3A_370 : f32 to vector<16xf32>
        %mul3A_376 = arith.mulf %get3A_374, %mul3A_375 : vector<16xf32>
        %swap3A_377 = arith.index_cast %scan3A_262 : i32 to index
        %swap3A_378 = arith.constant 112 : index
        %swap3A_379 = tpu.vector_load %arg18[%swap3A_377, %swap3A_378] {strides = array<i32>} : memref<112x128xf32, #tpu.memory_space<vmem>>, vector<1x16xf32>,
        %swap3A_380 = vector.shape_cast %swap3A_379 : vector<1x16xf32> to vector<16xf32>
        %swap3A_381 = vector.shape_cast %mul3A_376 : vector<16xf32> to vector<1x16xf32>
        tpu.vector_store %arg18[%swap3A_377, %swap3A_378], %swap3A_381 {strides = array<i32>} : memref<112x128xf32, #tpu.memory_space<vmem>>, vector<1x16xf32>,
      }
      %scan3A_175 = arith.constant 112 : i32
      "tpu.region"() ({
        %run_scoped3A = tpu.sem_alloc : memref<!tpu.dma_semaphore, #tpu.memory_space<semaphore_mem>>
        %dma_start3A_262 = arith.constant 0 : i32
        %dma_start3A_263 = arith.constant 0 : i32
        %dma_start3A_264 = tpu.memref_slice %arg23[%dma_start3A_262, %dma_start3A_263] : memref<10240x128xf32, #tpu.memory_space<vmem_shared>> -> memref<10240x128xf32, #tpu.memory_space<vmem_shared>>
        tpu.enqueue_indirect_dma source(%arg18 : memref<112x128xf32, #tpu.memory_space<vmem>>) target(%dma_start3A_264 : memref<10240x128xf32, #tpu.memory_space<vmem_shared>>) offsets(%arg14 : memref<112xi32, #tpu.memory_space<vmem>>) semaphore(%run_scoped3A : memref<!tpu.dma_semaphore, #tpu.memory_space<semaphore_mem>>) {add = true}
        %dma_wait3A_265 = arith.constant 0 : i32
        %dma_wait3A_266 = arith.constant 0 : i32
        %dma_wait3A_267 = tpu.memref_slice %arg23[%dma_wait3A_265, %dma_wait3A_266] : memref<10240x128xf32, #tpu.memory_space<vmem_shared>> -> memref<10240x128xf32, #tpu.memory_space<vmem_shared>>
        tpu.wait_indirect_dma semaphore(%run_scoped3A : memref<!tpu.dma_semaphore, #tpu.memory_space<semaphore_mem>>) src(%arg18 : memref<112x128xf32, #tpu.memory_space<vmem>>) dst(%dma_wait3A_267 : memref<10240x128xf32, #tpu.memory_space<vmem_shared>>)
        tpu.yield
      }) : () -> ()
      "tpu.region"() ({
        %run_scoped3A = tpu.sem_alloc : memref<!tpu.dma_semaphore, #tpu.memory_space<semaphore_mem>>
        %dma_start3A_262 = arith.constant 0 : i32
        %dma_start3A_263 = arith.constant 0 : i32
        %dma_start3A_264 = tpu.memref_slice %arg24[%dma_start3A_262, %dma_start3A_263] : memref<10240x16xf32, #tpu.memory_space<vmem_shared>> -> memref<10240x16xf32, #tpu.memory_space<vmem_shared>>
        tpu.enqueue_indirect_dma source(%arg20 : memref<112x16xf32, #tpu.memory_space<vmem>>) target(%dma_start3A_264 : memref<10240x16xf32, #tpu.memory_space<vmem_shared>>) offsets(%arg14 : memref<112xi32, #tpu.memory_space<vmem>>) semaphore(%run_scoped3A : memref<!tpu.dma_semaphore, #tpu.memory_space<semaphore_mem>>) {add = true}
        %dma_wait3A_265 = arith.constant 0 : i32
        %dma_wait3A_266 = arith.constant 0 : i32
        %dma_wait3A_267 = tpu.memref_slice %arg24[%dma_wait3A_265, %dma_wait3A_266] : memref<10240x16xf32, #tpu.memory_space<vmem_shared>> -> memref<10240x16xf32, #tpu.memory_space<vmem_shared>>
        tpu.wait_indirect_dma semaphore(%run_scoped3A : memref<!tpu.dma_semaphore, #tpu.memory_space<semaphore_mem>>) src(%arg20 : memref<112x16xf32, #tpu.memory_space<vmem>>) dst(%dma_wait3A_267 : memref<10240x16xf32, #tpu.memory_space<vmem_shared>>)
        tpu.yield
      }) : () -> ()
      %mul3A_176 = arith.constant 4 : i32
      %mul3A_177 = arith.muli %scan3A_90, %mul3A_176 : i32
      %add3A_178 = arith.constant 2 : i32
      %add3A_179 = arith.addi %mul3A_177, %add3A_178 : i32
      %dma_wait3A_180 = arith.constant 0 : i32
      %dma_wait3A_181 = arith.constant 0 : i32
      %dma_wait3A_182 = tpu.memref_slice %arg2[%dma_wait3A_180, %dma_wait3A_181] : memref<10240x128xf32, #tpu.memory_space<hbm>> -> memref<10240x128xf32, #tpu.memory_space<hbm>>
      tpu.wait_indirect_dma semaphore(%arg29 : memref<!tpu.dma_semaphore, #tpu.memory_space<semaphore_mem>>) src(%dma_wait3A_182 : memref<10240x128xf32, #tpu.memory_space<hbm>>) dst(%arg17 : memref<112x128xf32, #tpu.memory_space<vmem>>)
      %dma_wait3A_183 = arith.constant 0 : i32
      %dma_wait3A_184 = arith.constant 0 : i32
      %dma_wait3A_185 = tpu.memref_slice %arg3[%dma_wait3A_183, %dma_wait3A_184] : memref<10240x16xf32, #tpu.memory_space<hbm>> -> memref<10240x16xf32, #tpu.memory_space<hbm>>
      tpu.wait_indirect_dma semaphore(%arg29 : memref<!tpu.dma_semaphore, #tpu.memory_space<semaphore_mem>>) src(%dma_wait3A_185 : memref<10240x16xf32, #tpu.memory_space<hbm>>) dst(%arg19 : memref<112x16xf32, #tpu.memory_space<vmem>>)
      %dma_wait3A_186 = arith.constant 0 : i32
      %dma_wait3A_187 = arith.constant 0 : i32
      %dma_wait3A_188 = tpu.memref_slice %arg4[%dma_wait3A_186, %dma_wait3A_187] : memref<10240x16xf32, #tpu.memory_space<hbm>> -> memref<10240x16xf32, #tpu.memory_space<hbm>>
      tpu.wait_indirect_dma semaphore(%arg29 : memref<!tpu.dma_semaphore, #tpu.memory_space<semaphore_mem>>) src(%dma_wait3A_188 : memref<10240x16xf32, #tpu.memory_space<hbm>>) dst(%arg21 : memref<112x16xf32, #tpu.memory_space<vmem>>)
      %add3A_189 = arith.constant 3 : i32
      %add3A_190 = arith.addi %add3A_179, %add3A_189 : i32
      %min3A_191 = arith.constant 91 : i32
      %min3A_192 = arith.minsi %add3A_190, %min3A_191 : i32
      %mul3A_193 = arith.constant 112 : i32
      %mul3A_194 = arith.muli %min3A_192, %mul3A_193 : i32
      %add3A_195 = arith.addi %mul3A_4, %mul3A_194 : i32
      %dma_start3A_196 = tpu.memref_slice %arg5[%add3A_195] : memref<329728xi32, #tpu.memory_space<hbm>> -> memref<112xi32, #tpu.memory_space<hbm>>
      %dma_start3A_197 = tpu.memref_slice %arg5[%add3A_195] : memref<329728xi32, #tpu.memory_space<hbm>> -> memref<112xi32, #tpu.memory_space<hbm>>
      tpu.enqueue_dma source(%dma_start3A_197 : memref<112xi32, #tpu.memory_space<hbm>>) target(%arg10 : memref<112xi32, #tpu.memory_space<vmem>>) target_semaphore(%arg26 : memref<!tpu.dma_semaphore, #tpu.memory_space<semaphore_mem>>)
      %dma_start3A_198 = tpu.memref_slice %arg6[%add3A_195] : memref<329728xi32, #tpu.memory_space<hbm>> -> memref<112xi32, #tpu.memory_space<hbm>>
      %dma_start3A_199 = tpu.memref_slice %arg6[%add3A_195] : memref<329728xi32, #tpu.memory_space<hbm>> -> memref<112xi32, #tpu.memory_space<hbm>>
      tpu.enqueue_dma source(%dma_start3A_199 : memref<112xi32, #tpu.memory_space<hbm>>) target(%arg14 : memref<112xi32, #tpu.memory_space<vmem>>) target_semaphore(%arg26 : memref<!tpu.dma_semaphore, #tpu.memory_space<semaphore_mem>>)
      %dma_wait3A_200 = tpu.memref_slice %arg5[%mul3A_4] : memref<329728xi32, #tpu.memory_space<hbm>> -> memref<112xi32, #tpu.memory_space<hbm>>
      %dma_wait3A_201 = tpu.memref_slice %arg5[%mul3A_4] : memref<329728xi32, #tpu.memory_space<hbm>> -> memref<112xi32, #tpu.memory_space<hbm>>
      tpu.wait_dma2 semaphore(%arg28 : memref<!tpu.dma_semaphore, #tpu.memory_space<semaphore_mem>>) src(%dma_wait3A_201 : memref<112xi32, #tpu.memory_space<hbm>>) dst(%arg12 : memref<112xi32, #tpu.memory_space<vmem>>)
      %dma_wait3A_202 = tpu.memref_slice %arg6[%mul3A_4] : memref<329728xi32, #tpu.memory_space<hbm>> -> memref<112xi32, #tpu.memory_space<hbm>>
      %dma_wait3A_203 = tpu.memref_slice %arg6[%mul3A_4] : memref<329728xi32, #tpu.memory_space<hbm>> -> memref<112xi32, #tpu.memory_space<hbm>>
      tpu.wait_dma2 semaphore(%arg28 : memref<!tpu.dma_semaphore, #tpu.memory_space<semaphore_mem>>) src(%dma_wait3A_203 : memref<112xi32, #tpu.memory_space<hbm>>) dst(%arg16 : memref<112xi32, #tpu.memory_space<vmem>>)
      %dma_start3A_204 = arith.constant 0 : i32
      %dma_start3A_205 = arith.constant 0 : i32
      %dma_start3A_206 = tpu.memref_slice %arg2[%dma_start3A_204, %dma_start3A_205] : memref<10240x128xf32, #tpu.memory_space<hbm>> -> memref<10240x128xf32, #tpu.memory_space<hbm>>
      tpu.enqueue_indirect_dma source(%dma_start3A_206 : memref<10240x128xf32, #tpu.memory_space<hbm>>) target(%arg18 : memref<112x128xf32, #tpu.memory_space<vmem>>) offsets(%arg12 : memref<112xi32, #tpu.memory_space<vmem>>) semaphore(%arg30 : memref<!tpu.dma_semaphore, #tpu.memory_space<semaphore_mem>>)
      %dma_start3A_207 = arith.constant 0 : i32
      %dma_start3A_208 = arith.constant 0 : i32
      %dma_start3A_209 = tpu.memref_slice %arg3[%dma_start3A_207, %dma_start3A_208] : memref<10240x16xf32, #tpu.memory_space<hbm>> -> memref<10240x16xf32, #tpu.memory_space<hbm>>
      tpu.enqueue_indirect_dma source(%dma_start3A_209 : memref<10240x16xf32, #tpu.memory_space<hbm>>) target(%arg20 : memref<112x16xf32, #tpu.memory_space<vmem>>) offsets(%arg12 : memref<112xi32, #tpu.memory_space<vmem>>) semaphore(%arg30 : memref<!tpu.dma_semaphore, #tpu.memory_space<semaphore_mem>>)
      %dma_start3A_210 = arith.constant 0 : i32
      %dma_start3A_211 = arith.constant 0 : i32
      %dma_start3A_212 = tpu.memref_slice %arg4[%dma_start3A_210, %dma_start3A_211] : memref<10240x16xf32, #tpu.memory_space<hbm>> -> memref<10240x16xf32, #tpu.memory_space<hbm>>
      tpu.enqueue_indirect_dma source(%dma_start3A_212 : memref<10240x16xf32, #tpu.memory_space<hbm>>) target(%arg22 : memref<112x16xf32, #tpu.memory_space<vmem>>) offsets(%arg16 : memref<112xi32, #tpu.memory_space<vmem>>) semaphore(%arg30 : memref<!tpu.dma_semaphore, #tpu.memory_space<semaphore_mem>>)
      %scan3A_213 = arith.constant 0 : i32
      %scan3A_214 = arith.constant 0 : i32
      %scan3A_215 = arith.constant 112 : i32
      %scan3A_216 = arith.addi %scan3A_214, %scan3A_215 : i32
      %scan3A_217 = arith.constant 1 : i32
      scf.for %scan3A_262 = %scan3A_214 to %scan3A_216 step %scan3A_217  : i32 {
        %get3A = arith.index_cast %scan3A_262 : i32 to index
        %get3A_263 = arith.constant 0 : index
        %get3A_264 = tpu.vector_load %arg19[%get3A, %get3A_263] {strides = array<i32>} : memref<112x16xf32, #tpu.memory_space<vmem>>, vector<1x16xf32>,
        %get3A_265 = vector.shape_cast %get3A_264 : vector<1x16xf32> to vector<16xf32>
        %get3A_266 = arith.index_cast %scan3A_262 : i32 to index
        %get3A_267 = arith.constant 0 : index
        %get3A_268 = tpu.vector_load %arg21[%get3A_266, %get3A_267] {strides = array<i32>} : memref<112x16xf32, #tpu.memory_space<vmem>>, vector<1x16xf32>,
        %get3A_269 = vector.shape_cast %get3A_268 : vector<1x16xf32> to vector<16xf32>
        %add3A_270 = arith.addf %get3A_265, %get3A_269 : vector<16xf32>
        %ge3A = arith.constant 0.000000e+00 : f32
        %ge3A_271 = vector.broadcast %ge3A : f32 to vector<16xf32>
        %ge3A_272 = arith.cmpf oge, %add3A_270, %ge3A_271 : vector<16xf32>
        %mul3A_273 = arith.constant 2.000000e-01 : f32
        %mul3A_274 = vector.broadcast %mul3A_273 : f32 to vector<16xf32>
        %mul3A_275 = arith.mulf %mul3A_274, %add3A_270 : vector<16xf32>
        %select_n3A = arith.select %ge3A_272, %add3A_270, %mul3A_275 : vector<16xi1>, vector<16xf32>
        %exp3A = math.exp %select_n3A : vector<16xf32>
        %swap3A = arith.index_cast %scan3A_262 : i32 to index
        %swap3A_276 = arith.constant 0 : index
        %swap3A_277 = tpu.vector_load %arg19[%swap3A, %swap3A_276] {strides = array<i32>} : memref<112x16xf32, #tpu.memory_space<vmem>>, vector<1x16xf32>,
        %swap3A_278 = vector.shape_cast %swap3A_277 : vector<1x16xf32> to vector<16xf32>
        %swap3A_279 = vector.shape_cast %exp3A : vector<16xf32> to vector<1x16xf32>
        tpu.vector_store %arg19[%swap3A, %swap3A_276], %swap3A_279 {strides = array<i32>} : memref<112x16xf32, #tpu.memory_space<vmem>>, vector<1x16xf32>,
        %slice3A = vector.extract_strided_slice %exp3A {offsets = [0], sizes = [1], strides = [1]} : vector<16xf32> to vector<1xf32>
        %squeeze3A = vector.extract %slice3A[0] : f32 from vector<1xf32>
        %get3A_280 = arith.index_cast %scan3A_262 : i32 to index
        %get3A_281 = arith.constant 0 : index
        %get3A_282 = tpu.vector_load %arg17[%get3A_280, %get3A_281] {strides = array<i32>} : memref<112x128xf32, #tpu.memory_space<vmem>>, vector<1x16xf32>,
        %get3A_283 = vector.shape_cast %get3A_282 : vector<1x16xf32> to vector<16xf32>
        %mul3A_284 = vector.broadcast %squeeze3A : f32 to vector<16xf32>
        %mul3A_285 = arith.mulf %get3A_283, %mul3A_284 : vector<16xf32>
        %swap3A_286 = arith.index_cast %scan3A_262 : i32 to index
        %swap3A_287 = arith.constant 0 : index
        %swap3A_288 = tpu.vector_load %arg17[%swap3A_286, %swap3A_287] {strides = array<i32>} : memref<112x128xf32, #tpu.memory_space<vmem>>, vector<1x16xf32>,
        %swap3A_289 = vector.shape_cast %swap3A_288 : vector<1x16xf32> to vector<16xf32>
        %swap3A_290 = vector.shape_cast %mul3A_285 : vector<16xf32> to vector<1x16xf32>
        tpu.vector_store %arg17[%swap3A_286, %swap3A_287], %swap3A_290 {strides = array<i32>} : memref<112x128xf32, #tpu.memory_space<vmem>>, vector<1x16xf32>,
        %slice3A_291 = vector.extract_strided_slice %exp3A {offsets = [0], sizes = [1], strides = [1]} : vector<16xf32> to vector<1xf32>
        %squeeze3A_292 = vector.extract %slice3A_291[0] : f32 from vector<1xf32>
        %get3A_293 = arith.index_cast %scan3A_262 : i32 to index
        %get3A_294 = arith.constant 16 : index
        %get3A_295 = tpu.vector_load %arg17[%get3A_293, %get3A_294] {strides = array<i32>} : memref<112x128xf32, #tpu.memory_space<vmem>>, vector<1x16xf32>,
        %get3A_296 = vector.shape_cast %get3A_295 : vector<1x16xf32> to vector<16xf32>
        %mul3A_297 = vector.broadcast %squeeze3A_292 : f32 to vector<16xf32>
        %mul3A_298 = arith.mulf %get3A_296, %mul3A_297 : vector<16xf32>
        %swap3A_299 = arith.index_cast %scan3A_262 : i32 to index
        %swap3A_300 = arith.constant 16 : index
        %swap3A_301 = tpu.vector_load %arg17[%swap3A_299, %swap3A_300] {strides = array<i32>} : memref<112x128xf32, #tpu.memory_space<vmem>>, vector<1x16xf32>,
        %swap3A_302 = vector.shape_cast %swap3A_301 : vector<1x16xf32> to vector<16xf32>
        %swap3A_303 = vector.shape_cast %mul3A_298 : vector<16xf32> to vector<1x16xf32>
        tpu.vector_store %arg17[%swap3A_299, %swap3A_300], %swap3A_303 {strides = array<i32>} : memref<112x128xf32, #tpu.memory_space<vmem>>, vector<1x16xf32>,
        %slice3A_304 = vector.extract_strided_slice %exp3A {offsets = [1], sizes = [1], strides = [1]} : vector<16xf32> to vector<1xf32>
        %squeeze3A_305 = vector.extract %slice3A_304[0] : f32 from vector<1xf32>
        %get3A_306 = arith.index_cast %scan3A_262 : i32 to index
        %get3A_307 = arith.constant 32 : index
        %get3A_308 = tpu.vector_load %arg17[%get3A_306, %get3A_307] {strides = array<i32>} : memref<112x128xf32, #tpu.memory_space<vmem>>, vector<1x16xf32>,
        %get3A_309 = vector.shape_cast %get3A_308 : vector<1x16xf32> to vector<16xf32>
        %mul3A_310 = vector.broadcast %squeeze3A_305 : f32 to vector<16xf32>
        %mul3A_311 = arith.mulf %get3A_309, %mul3A_310 : vector<16xf32>
        %swap3A_312 = arith.index_cast %scan3A_262 : i32 to index
        %swap3A_313 = arith.constant 32 : index
        %swap3A_314 = tpu.vector_load %arg17[%swap3A_312, %swap3A_313] {strides = array<i32>} : memref<112x128xf32, #tpu.memory_space<vmem>>, vector<1x16xf32>,
        %swap3A_315 = vector.shape_cast %swap3A_314 : vector<1x16xf32> to vector<16xf32>
        %swap3A_316 = vector.shape_cast %mul3A_311 : vector<16xf32> to vector<1x16xf32>
        tpu.vector_store %arg17[%swap3A_312, %swap3A_313], %swap3A_316 {strides = array<i32>} : memref<112x128xf32, #tpu.memory_space<vmem>>, vector<1x16xf32>,
        %slice3A_317 = vector.extract_strided_slice %exp3A {offsets = [1], sizes = [1], strides = [1]} : vector<16xf32> to vector<1xf32>
        %squeeze3A_318 = vector.extract %slice3A_317[0] : f32 from vector<1xf32>
        %get3A_319 = arith.index_cast %scan3A_262 : i32 to index
        %get3A_320 = arith.constant 48 : index
        %get3A_321 = tpu.vector_load %arg17[%get3A_319, %get3A_320] {strides = array<i32>} : memref<112x128xf32, #tpu.memory_space<vmem>>, vector<1x16xf32>,
        %get3A_322 = vector.shape_cast %get3A_321 : vector<1x16xf32> to vector<16xf32>
        %mul3A_323 = vector.broadcast %squeeze3A_318 : f32 to vector<16xf32>
        %mul3A_324 = arith.mulf %get3A_322, %mul3A_323 : vector<16xf32>
        %swap3A_325 = arith.index_cast %scan3A_262 : i32 to index
        %swap3A_326 = arith.constant 48 : index
        %swap3A_327 = tpu.vector_load %arg17[%swap3A_325, %swap3A_326] {strides = array<i32>} : memref<112x128xf32, #tpu.memory_space<vmem>>, vector<1x16xf32>,
        %swap3A_328 = vector.shape_cast %swap3A_327 : vector<1x16xf32> to vector<16xf32>
        %swap3A_329 = vector.shape_cast %mul3A_324 : vector<16xf32> to vector<1x16xf32>
        tpu.vector_store %arg17[%swap3A_325, %swap3A_326], %swap3A_329 {strides = array<i32>} : memref<112x128xf32, #tpu.memory_space<vmem>>, vector<1x16xf32>,
        %slice3A_330 = vector.extract_strided_slice %exp3A {offsets = [2], sizes = [1], strides = [1]} : vector<16xf32> to vector<1xf32>
        %squeeze3A_331 = vector.extract %slice3A_330[0] : f32 from vector<1xf32>
        %get3A_332 = arith.index_cast %scan3A_262 : i32 to index
        %get3A_333 = arith.constant 64 : index
        %get3A_334 = tpu.vector_load %arg17[%get3A_332, %get3A_333] {strides = array<i32>} : memref<112x128xf32, #tpu.memory_space<vmem>>, vector<1x16xf32>,
        %get3A_335 = vector.shape_cast %get3A_334 : vector<1x16xf32> to vector<16xf32>
        %mul3A_336 = vector.broadcast %squeeze3A_331 : f32 to vector<16xf32>
        %mul3A_337 = arith.mulf %get3A_335, %mul3A_336 : vector<16xf32>
        %swap3A_338 = arith.index_cast %scan3A_262 : i32 to index
        %swap3A_339 = arith.constant 64 : index
        %swap3A_340 = tpu.vector_load %arg17[%swap3A_338, %swap3A_339] {strides = array<i32>} : memref<112x128xf32, #tpu.memory_space<vmem>>, vector<1x16xf32>,
        %swap3A_341 = vector.shape_cast %swap3A_340 : vector<1x16xf32> to vector<16xf32>
        %swap3A_342 = vector.shape_cast %mul3A_337 : vector<16xf32> to vector<1x16xf32>
        tpu.vector_store %arg17[%swap3A_338, %swap3A_339], %swap3A_342 {strides = array<i32>} : memref<112x128xf32, #tpu.memory_space<vmem>>, vector<1x16xf32>,
        %slice3A_343 = vector.extract_strided_slice %exp3A {offsets = [2], sizes = [1], strides = [1]} : vector<16xf32> to vector<1xf32>
        %squeeze3A_344 = vector.extract %slice3A_343[0] : f32 from vector<1xf32>
        %get3A_345 = arith.index_cast %scan3A_262 : i32 to index
        %get3A_346 = arith.constant 80 : index
        %get3A_347 = tpu.vector_load %arg17[%get3A_345, %get3A_346] {strides = array<i32>} : memref<112x128xf32, #tpu.memory_space<vmem>>, vector<1x16xf32>,
        %get3A_348 = vector.shape_cast %get3A_347 : vector<1x16xf32> to vector<16xf32>
        %mul3A_349 = vector.broadcast %squeeze3A_344 : f32 to vector<16xf32>
        %mul3A_350 = arith.mulf %get3A_348, %mul3A_349 : vector<16xf32>
        %swap3A_351 = arith.index_cast %scan3A_262 : i32 to index
        %swap3A_352 = arith.constant 80 : index
        %swap3A_353 = tpu.vector_load %arg17[%swap3A_351, %swap3A_352] {strides = array<i32>} : memref<112x128xf32, #tpu.memory_space<vmem>>, vector<1x16xf32>,
        %swap3A_354 = vector.shape_cast %swap3A_353 : vector<1x16xf32> to vector<16xf32>
        %swap3A_355 = vector.shape_cast %mul3A_350 : vector<16xf32> to vector<1x16xf32>
        tpu.vector_store %arg17[%swap3A_351, %swap3A_352], %swap3A_355 {strides = array<i32>} : memref<112x128xf32, #tpu.memory_space<vmem>>, vector<1x16xf32>,
        %slice3A_356 = vector.extract_strided_slice %exp3A {offsets = [3], sizes = [1], strides = [1]} : vector<16xf32> to vector<1xf32>
        %squeeze3A_357 = vector.extract %slice3A_356[0] : f32 from vector<1xf32>
        %get3A_358 = arith.index_cast %scan3A_262 : i32 to index
        %get3A_359 = arith.constant 96 : index
        %get3A_360 = tpu.vector_load %arg17[%get3A_358, %get3A_359] {strides = array<i32>} : memref<112x128xf32, #tpu.memory_space<vmem>>, vector<1x16xf32>,
        %get3A_361 = vector.shape_cast %get3A_360 : vector<1x16xf32> to vector<16xf32>
        %mul3A_362 = vector.broadcast %squeeze3A_357 : f32 to vector<16xf32>
        %mul3A_363 = arith.mulf %get3A_361, %mul3A_362 : vector<16xf32>
        %swap3A_364 = arith.index_cast %scan3A_262 : i32 to index
        %swap3A_365 = arith.constant 96 : index
        %swap3A_366 = tpu.vector_load %arg17[%swap3A_364, %swap3A_365] {strides = array<i32>} : memref<112x128xf32, #tpu.memory_space<vmem>>, vector<1x16xf32>,
        %swap3A_367 = vector.shape_cast %swap3A_366 : vector<1x16xf32> to vector<16xf32>
        %swap3A_368 = vector.shape_cast %mul3A_363 : vector<16xf32> to vector<1x16xf32>
        tpu.vector_store %arg17[%swap3A_364, %swap3A_365], %swap3A_368 {strides = array<i32>} : memref<112x128xf32, #tpu.memory_space<vmem>>, vector<1x16xf32>,
        %slice3A_369 = vector.extract_strided_slice %exp3A {offsets = [3], sizes = [1], strides = [1]} : vector<16xf32> to vector<1xf32>
        %squeeze3A_370 = vector.extract %slice3A_369[0] : f32 from vector<1xf32>
        %get3A_371 = arith.index_cast %scan3A_262 : i32 to index
        %get3A_372 = arith.constant 112 : index
        %get3A_373 = tpu.vector_load %arg17[%get3A_371, %get3A_372] {strides = array<i32>} : memref<112x128xf32, #tpu.memory_space<vmem>>, vector<1x16xf32>,
        %get3A_374 = vector.shape_cast %get3A_373 : vector<1x16xf32> to vector<16xf32>
        %mul3A_375 = vector.broadcast %squeeze3A_370 : f32 to vector<16xf32>
        %mul3A_376 = arith.mulf %get3A_374, %mul3A_375 : vector<16xf32>
        %swap3A_377 = arith.index_cast %scan3A_262 : i32 to index
        %swap3A_378 = arith.constant 112 : index
        %swap3A_379 = tpu.vector_load %arg17[%swap3A_377, %swap3A_378] {strides = array<i32>} : memref<112x128xf32, #tpu.memory_space<vmem>>, vector<1x16xf32>,
        %swap3A_380 = vector.shape_cast %swap3A_379 : vector<1x16xf32> to vector<16xf32>
        %swap3A_381 = vector.shape_cast %mul3A_376 : vector<16xf32> to vector<1x16xf32>
        tpu.vector_store %arg17[%swap3A_377, %swap3A_378], %swap3A_381 {strides = array<i32>} : memref<112x128xf32, #tpu.memory_space<vmem>>, vector<1x16xf32>,
      }
      %scan3A_218 = arith.constant 112 : i32
      "tpu.region"() ({
        %run_scoped3A = tpu.sem_alloc : memref<!tpu.dma_semaphore, #tpu.memory_space<semaphore_mem>>
        %dma_start3A_262 = arith.constant 0 : i32
        %dma_start3A_263 = arith.constant 0 : i32
        %dma_start3A_264 = tpu.memref_slice %arg23[%dma_start3A_262, %dma_start3A_263] : memref<10240x128xf32, #tpu.memory_space<vmem_shared>> -> memref<10240x128xf32, #tpu.memory_space<vmem_shared>>
        tpu.enqueue_indirect_dma source(%arg17 : memref<112x128xf32, #tpu.memory_space<vmem>>) target(%dma_start3A_264 : memref<10240x128xf32, #tpu.memory_space<vmem_shared>>) offsets(%arg15 : memref<112xi32, #tpu.memory_space<vmem>>) semaphore(%run_scoped3A : memref<!tpu.dma_semaphore, #tpu.memory_space<semaphore_mem>>) {add = true}
        %dma_wait3A_265 = arith.constant 0 : i32
        %dma_wait3A_266 = arith.constant 0 : i32
        %dma_wait3A_267 = tpu.memref_slice %arg23[%dma_wait3A_265, %dma_wait3A_266] : memref<10240x128xf32, #tpu.memory_space<vmem_shared>> -> memref<10240x128xf32, #tpu.memory_space<vmem_shared>>
        tpu.wait_indirect_dma semaphore(%run_scoped3A : memref<!tpu.dma_semaphore, #tpu.memory_space<semaphore_mem>>) src(%arg17 : memref<112x128xf32, #tpu.memory_space<vmem>>) dst(%dma_wait3A_267 : memref<10240x128xf32, #tpu.memory_space<vmem_shared>>)
        tpu.yield
      }) : () -> ()
      "tpu.region"() ({
        %run_scoped3A = tpu.sem_alloc : memref<!tpu.dma_semaphore, #tpu.memory_space<semaphore_mem>>
        %dma_start3A_262 = arith.constant 0 : i32
        %dma_start3A_263 = arith.constant 0 : i32
        %dma_start3A_264 = tpu.memref_slice %arg24[%dma_start3A_262, %dma_start3A_263] : memref<10240x16xf32, #tpu.memory_space<vmem_shared>> -> memref<10240x16xf32, #tpu.memory_space<vmem_shared>>
        tpu.enqueue_indirect_dma source(%arg19 : memref<112x16xf32, #tpu.memory_space<vmem>>) target(%dma_start3A_264 : memref<10240x16xf32, #tpu.memory_space<vmem_shared>>) offsets(%arg15 : memref<112xi32, #tpu.memory_space<vmem>>) semaphore(%run_scoped3A : memref<!tpu.dma_semaphore, #tpu.memory_space<semaphore_mem>>) {add = true}
        %dma_wait3A_265 = arith.constant 0 : i32
        %dma_wait3A_266 = arith.constant 0 : i32
        %dma_wait3A_267 = tpu.memref_slice %arg24[%dma_wait3A_265, %dma_wait3A_266] : memref<10240x16xf32, #tpu.memory_space<vmem_shared>> -> memref<10240x16xf32, #tpu.memory_space<vmem_shared>>
        tpu.wait_indirect_dma semaphore(%run_scoped3A : memref<!tpu.dma_semaphore, #tpu.memory_space<semaphore_mem>>) src(%arg19 : memref<112x16xf32, #tpu.memory_space<vmem>>) dst(%dma_wait3A_267 : memref<10240x16xf32, #tpu.memory_space<vmem_shared>>)
        tpu.yield
      }) : () -> ()
      %mul3A_219 = arith.constant 4 : i32
      %mul3A_220 = arith.muli %scan3A_90, %mul3A_219 : i32
      %add3A_221 = arith.constant 3 : i32
      %add3A_222 = arith.addi %mul3A_220, %add3A_221 : i32
      %dma_wait3A_223 = arith.constant 0 : i32
      %dma_wait3A_224 = arith.constant 0 : i32
      %dma_wait3A_225 = tpu.memref_slice %arg2[%dma_wait3A_223, %dma_wait3A_224] : memref<10240x128xf32, #tpu.memory_space<hbm>> -> memref<10240x128xf32, #tpu.memory_space<hbm>>
      tpu.wait_indirect_dma semaphore(%arg30 : memref<!tpu.dma_semaphore, #tpu.memory_space<semaphore_mem>>) src(%dma_wait3A_225 : memref<10240x128xf32, #tpu.memory_space<hbm>>) dst(%arg18 : memref<112x128xf32, #tpu.memory_space<vmem>>)
      %dma_wait3A_226 = arith.constant 0 : i32
      %dma_wait3A_227 = arith.constant 0 : i32
      %dma_wait3A_228 = tpu.memref_slice %arg3[%dma_wait3A_226, %dma_wait3A_227] : memref<10240x16xf32, #tpu.memory_space<hbm>> -> memref<10240x16xf32, #tpu.memory_space<hbm>>
      tpu.wait_indirect_dma semaphore(%arg30 : memref<!tpu.dma_semaphore, #tpu.memory_space<semaphore_mem>>) src(%dma_wait3A_228 : memref<10240x16xf32, #tpu.memory_space<hbm>>) dst(%arg20 : memref<112x16xf32, #tpu.memory_space<vmem>>)
      %dma_wait3A_229 = arith.constant 0 : i32
      %dma_wait3A_230 = arith.constant 0 : i32
      %dma_wait3A_231 = tpu.memref_slice %arg4[%dma_wait3A_229, %dma_wait3A_230] : memref<10240x16xf32, #tpu.memory_space<hbm>> -> memref<10240x16xf32, #tpu.memory_space<hbm>>
      tpu.wait_indirect_dma semaphore(%arg30 : memref<!tpu.dma_semaphore, #tpu.memory_space<semaphore_mem>>) src(%dma_wait3A_231 : memref<10240x16xf32, #tpu.memory_space<hbm>>) dst(%arg22 : memref<112x16xf32, #tpu.memory_space<vmem>>)
      %add3A_232 = arith.constant 3 : i32
      %add3A_233 = arith.addi %add3A_222, %add3A_232 : i32
      %min3A_234 = arith.constant 91 : i32
      %min3A_235 = arith.minsi %add3A_233, %min3A_234 : i32
      %mul3A_236 = arith.constant 112 : i32
      %mul3A_237 = arith.muli %min3A_235, %mul3A_236 : i32
      %add3A_238 = arith.addi %mul3A_4, %mul3A_237 : i32
      %dma_start3A_239 = tpu.memref_slice %arg5[%add3A_238] : memref<329728xi32, #tpu.memory_space<hbm>> -> memref<112xi32, #tpu.memory_space<hbm>>
      %dma_start3A_240 = tpu.memref_slice %arg5[%add3A_238] : memref<329728xi32, #tpu.memory_space<hbm>> -> memref<112xi32, #tpu.memory_space<hbm>>
      tpu.enqueue_dma source(%dma_start3A_240 : memref<112xi32, #tpu.memory_space<hbm>>) target(%arg11 : memref<112xi32, #tpu.memory_space<vmem>>) target_semaphore(%arg27 : memref<!tpu.dma_semaphore, #tpu.memory_space<semaphore_mem>>)
      %dma_start3A_241 = tpu.memref_slice %arg6[%add3A_238] : memref<329728xi32, #tpu.memory_space<hbm>> -> memref<112xi32, #tpu.memory_space<hbm>>
      %dma_start3A_242 = tpu.memref_slice %arg6[%add3A_238] : memref<329728xi32, #tpu.memory_space<hbm>> -> memref<112xi32, #tpu.memory_space<hbm>>
      tpu.enqueue_dma source(%dma_start3A_242 : memref<112xi32, #tpu.memory_space<hbm>>) target(%arg15 : memref<112xi32, #tpu.memory_space<vmem>>) target_semaphore(%arg27 : memref<!tpu.dma_semaphore, #tpu.memory_space<semaphore_mem>>)
      %dma_wait3A_243 = tpu.memref_slice %arg5[%mul3A_4] : memref<329728xi32, #tpu.memory_space<hbm>> -> memref<112xi32, #tpu.memory_space<hbm>>
      %dma_wait3A_244 = tpu.memref_slice %arg5[%mul3A_4] : memref<329728xi32, #tpu.memory_space<hbm>> -> memref<112xi32, #tpu.memory_space<hbm>>
      tpu.wait_dma2 semaphore(%arg25 : memref<!tpu.dma_semaphore, #tpu.memory_space<semaphore_mem>>) src(%dma_wait3A_244 : memref<112xi32, #tpu.memory_space<hbm>>) dst(%arg9 : memref<112xi32, #tpu.memory_space<vmem>>)
      %dma_wait3A_245 = tpu.memref_slice %arg6[%mul3A_4] : memref<329728xi32, #tpu.memory_space<hbm>> -> memref<112xi32, #tpu.memory_space<hbm>>
      %dma_wait3A_246 = tpu.memref_slice %arg6[%mul3A_4] : memref<329728xi32, #tpu.memory_space<hbm>> -> memref<112xi32, #tpu.memory_space<hbm>>
      tpu.wait_dma2 semaphore(%arg25 : memref<!tpu.dma_semaphore, #tpu.memory_space<semaphore_mem>>) src(%dma_wait3A_246 : memref<112xi32, #tpu.memory_space<hbm>>) dst(%arg13 : memref<112xi32, #tpu.memory_space<vmem>>)
      %dma_start3A_247 = arith.constant 0 : i32
      %dma_start3A_248 = arith.constant 0 : i32
      %dma_start3A_249 = tpu.memref_slice %arg2[%dma_start3A_247, %dma_start3A_248] : memref<10240x128xf32, #tpu.memory_space<hbm>> -> memref<10240x128xf32, #tpu.memory_space<hbm>>
      tpu.enqueue_indirect_dma source(%dma_start3A_249 : memref<10240x128xf32, #tpu.memory_space<hbm>>) target(%arg17 : memref<112x128xf32, #tpu.memory_space<vmem>>) offsets(%arg9 : memref<112xi32, #tpu.memory_space<vmem>>) semaphore(%arg29 : memref<!tpu.dma_semaphore, #tpu.memory_space<semaphore_mem>>)
      %dma_start3A_250 = arith.constant 0 : i32
      %dma_start3A_251 = arith.constant 0 : i32
      %dma_start3A_252 = tpu.memref_slice %arg3[%dma_start3A_250, %dma_start3A_251] : memref<10240x16xf32, #tpu.memory_space<hbm>> -> memref<10240x16xf32, #tpu.memory_space<hbm>>
      tpu.enqueue_indirect_dma source(%dma_start3A_252 : memref<10240x16xf32, #tpu.memory_space<hbm>>) target(%arg19 : memref<112x16xf32, #tpu.memory_space<vmem>>) offsets(%arg9 : memref<112xi32, #tpu.memory_space<vmem>>) semaphore(%arg29 : memref<!tpu.dma_semaphore, #tpu.memory_space<semaphore_mem>>)
      %dma_start3A_253 = arith.constant 0 : i32
      %dma_start3A_254 = arith.constant 0 : i32
      %dma_start3A_255 = tpu.memref_slice %arg4[%dma_start3A_253, %dma_start3A_254] : memref<10240x16xf32, #tpu.memory_space<hbm>> -> memref<10240x16xf32, #tpu.memory_space<hbm>>
      tpu.enqueue_indirect_dma source(%dma_start3A_255 : memref<10240x16xf32, #tpu.memory_space<hbm>>) target(%arg21 : memref<112x16xf32, #tpu.memory_space<vmem>>) offsets(%arg13 : memref<112xi32, #tpu.memory_space<vmem>>) semaphore(%arg29 : memref<!tpu.dma_semaphore, #tpu.memory_space<semaphore_mem>>)
      %scan3A_256 = arith.constant 0 : i32
      %scan3A_257 = arith.constant 0 : i32
      %scan3A_258 = arith.constant 112 : i32
      %scan3A_259 = arith.addi %scan3A_257, %scan3A_258 : i32
      %scan3A_260 = arith.constant 1 : i32
      scf.for %scan3A_262 = %scan3A_257 to %scan3A_259 step %scan3A_260  : i32 {
        %get3A = arith.index_cast %scan3A_262 : i32 to index
        %get3A_263 = arith.constant 0 : index
        %get3A_264 = tpu.vector_load %arg20[%get3A, %get3A_263] {strides = array<i32>} : memref<112x16xf32, #tpu.memory_space<vmem>>, vector<1x16xf32>,
        %get3A_265 = vector.shape_cast %get3A_264 : vector<1x16xf32> to vector<16xf32>
        %get3A_266 = arith.index_cast %scan3A_262 : i32 to index
        %get3A_267 = arith.constant 0 : index
        %get3A_268 = tpu.vector_load %arg22[%get3A_266, %get3A_267] {strides = array<i32>} : memref<112x16xf32, #tpu.memory_space<vmem>>, vector<1x16xf32>,
        %get3A_269 = vector.shape_cast %get3A_268 : vector<1x16xf32> to vector<16xf32>
        %add3A_270 = arith.addf %get3A_265, %get3A_269 : vector<16xf32>
        %ge3A = arith.constant 0.000000e+00 : f32
        %ge3A_271 = vector.broadcast %ge3A : f32 to vector<16xf32>
        %ge3A_272 = arith.cmpf oge, %add3A_270, %ge3A_271 : vector<16xf32>
        %mul3A_273 = arith.constant 2.000000e-01 : f32
        %mul3A_274 = vector.broadcast %mul3A_273 : f32 to vector<16xf32>
        %mul3A_275 = arith.mulf %mul3A_274, %add3A_270 : vector<16xf32>
        %select_n3A = arith.select %ge3A_272, %add3A_270, %mul3A_275 : vector<16xi1>, vector<16xf32>
        %exp3A = math.exp %select_n3A : vector<16xf32>
        %swap3A = arith.index_cast %scan3A_262 : i32 to index
        %swap3A_276 = arith.constant 0 : index
        %swap3A_277 = tpu.vector_load %arg20[%swap3A, %swap3A_276] {strides = array<i32>} : memref<112x16xf32, #tpu.memory_space<vmem>>, vector<1x16xf32>,
        %swap3A_278 = vector.shape_cast %swap3A_277 : vector<1x16xf32> to vector<16xf32>
        %swap3A_279 = vector.shape_cast %exp3A : vector<16xf32> to vector<1x16xf32>
        tpu.vector_store %arg20[%swap3A, %swap3A_276], %swap3A_279 {strides = array<i32>} : memref<112x16xf32, #tpu.memory_space<vmem>>, vector<1x16xf32>,
        %slice3A = vector.extract_strided_slice %exp3A {offsets = [0], sizes = [1], strides = [1]} : vector<16xf32> to vector<1xf32>
        %squeeze3A = vector.extract %slice3A[0] : f32 from vector<1xf32>
        %get3A_280 = arith.index_cast %scan3A_262 : i32 to index
        %get3A_281 = arith.constant 0 : index
        %get3A_282 = tpu.vector_load %arg18[%get3A_280, %get3A_281] {strides = array<i32>} : memref<112x128xf32, #tpu.memory_space<vmem>>, vector<1x16xf32>,
        %get3A_283 = vector.shape_cast %get3A_282 : vector<1x16xf32> to vector<16xf32>
        %mul3A_284 = vector.broadcast %squeeze3A : f32 to vector<16xf32>
        %mul3A_285 = arith.mulf %get3A_283, %mul3A_284 : vector<16xf32>
        %swap3A_286 = arith.index_cast %scan3A_262 : i32 to index
        %swap3A_287 = arith.constant 0 : index
        %swap3A_288 = tpu.vector_load %arg18[%swap3A_286, %swap3A_287] {strides = array<i32>} : memref<112x128xf32, #tpu.memory_space<vmem>>, vector<1x16xf32>,
        %swap3A_289 = vector.shape_cast %swap3A_288 : vector<1x16xf32> to vector<16xf32>
        %swap3A_290 = vector.shape_cast %mul3A_285 : vector<16xf32> to vector<1x16xf32>
        tpu.vector_store %arg18[%swap3A_286, %swap3A_287], %swap3A_290 {strides = array<i32>} : memref<112x128xf32, #tpu.memory_space<vmem>>, vector<1x16xf32>,
        %slice3A_291 = vector.extract_strided_slice %exp3A {offsets = [0], sizes = [1], strides = [1]} : vector<16xf32> to vector<1xf32>
        %squeeze3A_292 = vector.extract %slice3A_291[0] : f32 from vector<1xf32>
        %get3A_293 = arith.index_cast %scan3A_262 : i32 to index
        %get3A_294 = arith.constant 16 : index
        %get3A_295 = tpu.vector_load %arg18[%get3A_293, %get3A_294] {strides = array<i32>} : memref<112x128xf32, #tpu.memory_space<vmem>>, vector<1x16xf32>,
        %get3A_296 = vector.shape_cast %get3A_295 : vector<1x16xf32> to vector<16xf32>
        %mul3A_297 = vector.broadcast %squeeze3A_292 : f32 to vector<16xf32>
        %mul3A_298 = arith.mulf %get3A_296, %mul3A_297 : vector<16xf32>
        %swap3A_299 = arith.index_cast %scan3A_262 : i32 to index
        %swap3A_300 = arith.constant 16 : index
        %swap3A_301 = tpu.vector_load %arg18[%swap3A_299, %swap3A_300] {strides = array<i32>} : memref<112x128xf32, #tpu.memory_space<vmem>>, vector<1x16xf32>,
        %swap3A_302 = vector.shape_cast %swap3A_301 : vector<1x16xf32> to vector<16xf32>
        %swap3A_303 = vector.shape_cast %mul3A_298 : vector<16xf32> to vector<1x16xf32>
        tpu.vector_store %arg18[%swap3A_299, %swap3A_300], %swap3A_303 {strides = array<i32>} : memref<112x128xf32, #tpu.memory_space<vmem>>, vector<1x16xf32>,
        %slice3A_304 = vector.extract_strided_slice %exp3A {offsets = [1], sizes = [1], strides = [1]} : vector<16xf32> to vector<1xf32>
        %squeeze3A_305 = vector.extract %slice3A_304[0] : f32 from vector<1xf32>
        %get3A_306 = arith.index_cast %scan3A_262 : i32 to index
        %get3A_307 = arith.constant 32 : index
        %get3A_308 = tpu.vector_load %arg18[%get3A_306, %get3A_307] {strides = array<i32>} : memref<112x128xf32, #tpu.memory_space<vmem>>, vector<1x16xf32>,
        %get3A_309 = vector.shape_cast %get3A_308 : vector<1x16xf32> to vector<16xf32>
        %mul3A_310 = vector.broadcast %squeeze3A_305 : f32 to vector<16xf32>
        %mul3A_311 = arith.mulf %get3A_309, %mul3A_310 : vector<16xf32>
        %swap3A_312 = arith.index_cast %scan3A_262 : i32 to index
        %swap3A_313 = arith.constant 32 : index
        %swap3A_314 = tpu.vector_load %arg18[%swap3A_312, %swap3A_313] {strides = array<i32>} : memref<112x128xf32, #tpu.memory_space<vmem>>, vector<1x16xf32>,
        %swap3A_315 = vector.shape_cast %swap3A_314 : vector<1x16xf32> to vector<16xf32>
        %swap3A_316 = vector.shape_cast %mul3A_311 : vector<16xf32> to vector<1x16xf32>
        tpu.vector_store %arg18[%swap3A_312, %swap3A_313], %swap3A_316 {strides = array<i32>} : memref<112x128xf32, #tpu.memory_space<vmem>>, vector<1x16xf32>,
        %slice3A_317 = vector.extract_strided_slice %exp3A {offsets = [1], sizes = [1], strides = [1]} : vector<16xf32> to vector<1xf32>
        %squeeze3A_318 = vector.extract %slice3A_317[0] : f32 from vector<1xf32>
        %get3A_319 = arith.index_cast %scan3A_262 : i32 to index
        %get3A_320 = arith.constant 48 : index
        %get3A_321 = tpu.vector_load %arg18[%get3A_319, %get3A_320] {strides = array<i32>} : memref<112x128xf32, #tpu.memory_space<vmem>>, vector<1x16xf32>,
        %get3A_322 = vector.shape_cast %get3A_321 : vector<1x16xf32> to vector<16xf32>
        %mul3A_323 = vector.broadcast %squeeze3A_318 : f32 to vector<16xf32>
        %mul3A_324 = arith.mulf %get3A_322, %mul3A_323 : vector<16xf32>
        %swap3A_325 = arith.index_cast %scan3A_262 : i32 to index
        %swap3A_326 = arith.constant 48 : index
        %swap3A_327 = tpu.vector_load %arg18[%swap3A_325, %swap3A_326] {strides = array<i32>} : memref<112x128xf32, #tpu.memory_space<vmem>>, vector<1x16xf32>,
        %swap3A_328 = vector.shape_cast %swap3A_327 : vector<1x16xf32> to vector<16xf32>
        %swap3A_329 = vector.shape_cast %mul3A_324 : vector<16xf32> to vector<1x16xf32>
        tpu.vector_store %arg18[%swap3A_325, %swap3A_326], %swap3A_329 {strides = array<i32>} : memref<112x128xf32, #tpu.memory_space<vmem>>, vector<1x16xf32>,
        %slice3A_330 = vector.extract_strided_slice %exp3A {offsets = [2], sizes = [1], strides = [1]} : vector<16xf32> to vector<1xf32>
        %squeeze3A_331 = vector.extract %slice3A_330[0] : f32 from vector<1xf32>
        %get3A_332 = arith.index_cast %scan3A_262 : i32 to index
        %get3A_333 = arith.constant 64 : index
        %get3A_334 = tpu.vector_load %arg18[%get3A_332, %get3A_333] {strides = array<i32>} : memref<112x128xf32, #tpu.memory_space<vmem>>, vector<1x16xf32>,
        %get3A_335 = vector.shape_cast %get3A_334 : vector<1x16xf32> to vector<16xf32>
        %mul3A_336 = vector.broadcast %squeeze3A_331 : f32 to vector<16xf32>
        %mul3A_337 = arith.mulf %get3A_335, %mul3A_336 : vector<16xf32>
        %swap3A_338 = arith.index_cast %scan3A_262 : i32 to index
        %swap3A_339 = arith.constant 64 : index
        %swap3A_340 = tpu.vector_load %arg18[%swap3A_338, %swap3A_339] {strides = array<i32>} : memref<112x128xf32, #tpu.memory_space<vmem>>, vector<1x16xf32>,
        %swap3A_341 = vector.shape_cast %swap3A_340 : vector<1x16xf32> to vector<16xf32>
        %swap3A_342 = vector.shape_cast %mul3A_337 : vector<16xf32> to vector<1x16xf32>
        tpu.vector_store %arg18[%swap3A_338, %swap3A_339], %swap3A_342 {strides = array<i32>} : memref<112x128xf32, #tpu.memory_space<vmem>>, vector<1x16xf32>,
        %slice3A_343 = vector.extract_strided_slice %exp3A {offsets = [2], sizes = [1], strides = [1]} : vector<16xf32> to vector<1xf32>
        %squeeze3A_344 = vector.extract %slice3A_343[0] : f32 from vector<1xf32>
        %get3A_345 = arith.index_cast %scan3A_262 : i32 to index
        %get3A_346 = arith.constant 80 : index
        %get3A_347 = tpu.vector_load %arg18[%get3A_345, %get3A_346] {strides = array<i32>} : memref<112x128xf32, #tpu.memory_space<vmem>>, vector<1x16xf32>,
        %get3A_348 = vector.shape_cast %get3A_347 : vector<1x16xf32> to vector<16xf32>
        %mul3A_349 = vector.broadcast %squeeze3A_344 : f32 to vector<16xf32>
        %mul3A_350 = arith.mulf %get3A_348, %mul3A_349 : vector<16xf32>
        %swap3A_351 = arith.index_cast %scan3A_262 : i32 to index
        %swap3A_352 = arith.constant 80 : index
        %swap3A_353 = tpu.vector_load %arg18[%swap3A_351, %swap3A_352] {strides = array<i32>} : memref<112x128xf32, #tpu.memory_space<vmem>>, vector<1x16xf32>,
        %swap3A_354 = vector.shape_cast %swap3A_353 : vector<1x16xf32> to vector<16xf32>
        %swap3A_355 = vector.shape_cast %mul3A_350 : vector<16xf32> to vector<1x16xf32>
        tpu.vector_store %arg18[%swap3A_351, %swap3A_352], %swap3A_355 {strides = array<i32>} : memref<112x128xf32, #tpu.memory_space<vmem>>, vector<1x16xf32>,
        %slice3A_356 = vector.extract_strided_slice %exp3A {offsets = [3], sizes = [1], strides = [1]} : vector<16xf32> to vector<1xf32>
        %squeeze3A_357 = vector.extract %slice3A_356[0] : f32 from vector<1xf32>
        %get3A_358 = arith.index_cast %scan3A_262 : i32 to index
        %get3A_359 = arith.constant 96 : index
        %get3A_360 = tpu.vector_load %arg18[%get3A_358, %get3A_359] {strides = array<i32>} : memref<112x128xf32, #tpu.memory_space<vmem>>, vector<1x16xf32>,
        %get3A_361 = vector.shape_cast %get3A_360 : vector<1x16xf32> to vector<16xf32>
        %mul3A_362 = vector.broadcast %squeeze3A_357 : f32 to vector<16xf32>
        %mul3A_363 = arith.mulf %get3A_361, %mul3A_362 : vector<16xf32>
        %swap3A_364 = arith.index_cast %scan3A_262 : i32 to index
        %swap3A_365 = arith.constant 96 : index
        %swap3A_366 = tpu.vector_load %arg18[%swap3A_364, %swap3A_365] {strides = array<i32>} : memref<112x128xf32, #tpu.memory_space<vmem>>, vector<1x16xf32>,
        %swap3A_367 = vector.shape_cast %swap3A_366 : vector<1x16xf32> to vector<16xf32>
        %swap3A_368 = vector.shape_cast %mul3A_363 : vector<16xf32> to vector<1x16xf32>
        tpu.vector_store %arg18[%swap3A_364, %swap3A_365], %swap3A_368 {strides = array<i32>} : memref<112x128xf32, #tpu.memory_space<vmem>>, vector<1x16xf32>,
        %slice3A_369 = vector.extract_strided_slice %exp3A {offsets = [3], sizes = [1], strides = [1]} : vector<16xf32> to vector<1xf32>
        %squeeze3A_370 = vector.extract %slice3A_369[0] : f32 from vector<1xf32>
        %get3A_371 = arith.index_cast %scan3A_262 : i32 to index
        %get3A_372 = arith.constant 112 : index
        %get3A_373 = tpu.vector_load %arg18[%get3A_371, %get3A_372] {strides = array<i32>} : memref<112x128xf32, #tpu.memory_space<vmem>>, vector<1x16xf32>,
        %get3A_374 = vector.shape_cast %get3A_373 : vector<1x16xf32> to vector<16xf32>
        %mul3A_375 = vector.broadcast %squeeze3A_370 : f32 to vector<16xf32>
        %mul3A_376 = arith.mulf %get3A_374, %mul3A_375 : vector<16xf32>
        %swap3A_377 = arith.index_cast %scan3A_262 : i32 to index
        %swap3A_378 = arith.constant 112 : index
        %swap3A_379 = tpu.vector_load %arg18[%swap3A_377, %swap3A_378] {strides = array<i32>} : memref<112x128xf32, #tpu.memory_space<vmem>>, vector<1x16xf32>,
        %swap3A_380 = vector.shape_cast %swap3A_379 : vector<1x16xf32> to vector<16xf32>
        %swap3A_381 = vector.shape_cast %mul3A_376 : vector<16xf32> to vector<1x16xf32>
        tpu.vector_store %arg18[%swap3A_377, %swap3A_378], %swap3A_381 {strides = array<i32>} : memref<112x128xf32, #tpu.memory_space<vmem>>, vector<1x16xf32>,
      }
      %scan3A_261 = arith.constant 112 : i32
      "tpu.region"() ({
        %run_scoped3A = tpu.sem_alloc : memref<!tpu.dma_semaphore, #tpu.memory_space<semaphore_mem>>
        %dma_start3A_262 = arith.constant 0 : i32
        %dma_start3A_263 = arith.constant 0 : i32
        %dma_start3A_264 = tpu.memref_slice %arg23[%dma_start3A_262, %dma_start3A_263] : memref<10240x128xf32, #tpu.memory_space<vmem_shared>> -> memref<10240x128xf32, #tpu.memory_space<vmem_shared>>
        tpu.enqueue_indirect_dma source(%arg18 : memref<112x128xf32, #tpu.memory_space<vmem>>) target(%dma_start3A_264 : memref<10240x128xf32, #tpu.memory_space<vmem_shared>>) offsets(%arg16 : memref<112xi32, #tpu.memory_space<vmem>>) semaphore(%run_scoped3A : memref<!tpu.dma_semaphore, #tpu.memory_space<semaphore_mem>>) {add = true}
        %dma_wait3A_265 = arith.constant 0 : i32
        %dma_wait3A_266 = arith.constant 0 : i32
        %dma_wait3A_267 = tpu.memref_slice %arg23[%dma_wait3A_265, %dma_wait3A_266] : memref<10240x128xf32, #tpu.memory_space<vmem_shared>> -> memref<10240x128xf32, #tpu.memory_space<vmem_shared>>
        tpu.wait_indirect_dma semaphore(%run_scoped3A : memref<!tpu.dma_semaphore, #tpu.memory_space<semaphore_mem>>) src(%arg18 : memref<112x128xf32, #tpu.memory_space<vmem>>) dst(%dma_wait3A_267 : memref<10240x128xf32, #tpu.memory_space<vmem_shared>>)
        tpu.yield
      }) : () -> ()
      "tpu.region"() ({
        %run_scoped3A = tpu.sem_alloc : memref<!tpu.dma_semaphore, #tpu.memory_space<semaphore_mem>>
        %dma_start3A_262 = arith.constant 0 : i32
        %dma_start3A_263 = arith.constant 0 : i32
        %dma_start3A_264 = tpu.memref_slice %arg24[%dma_start3A_262, %dma_start3A_263] : memref<10240x16xf32, #tpu.memory_space<vmem_shared>> -> memref<10240x16xf32, #tpu.memory_space<vmem_shared>>
        tpu.enqueue_indirect_dma source(%arg20 : memref<112x16xf32, #tpu.memory_space<vmem>>) target(%dma_start3A_264 : memref<10240x16xf32, #tpu.memory_space<vmem_shared>>) offsets(%arg16 : memref<112xi32, #tpu.memory_space<vmem>>) semaphore(%run_scoped3A : memref<!tpu.dma_semaphore, #tpu.memory_space<semaphore_mem>>) {add = true}
        %dma_wait3A_265 = arith.constant 0 : i32
        %dma_wait3A_266 = arith.constant 0 : i32
        %dma_wait3A_267 = tpu.memref_slice %arg24[%dma_wait3A_265, %dma_wait3A_266] : memref<10240x16xf32, #tpu.memory_space<vmem_shared>> -> memref<10240x16xf32, #tpu.memory_space<vmem_shared>>
        tpu.wait_indirect_dma semaphore(%run_scoped3A : memref<!tpu.dma_semaphore, #tpu.memory_space<semaphore_mem>>) src(%arg20 : memref<112x16xf32, #tpu.memory_space<vmem>>) dst(%dma_wait3A_267 : memref<10240x16xf32, #tpu.memory_space<vmem_shared>>)
        tpu.yield
      }) : () -> ()
    }
    %scan3A_69 = arith.constant 23 : i32
    %dma_wait3A_70 = arith.constant 0 : i32
    %dma_wait3A_71 = arith.constant 0 : i32
    %dma_wait3A_72 = tpu.memref_slice %arg2[%dma_wait3A_70, %dma_wait3A_71] : memref<10240x128xf32, #tpu.memory_space<hbm>> -> memref<10240x128xf32, #tpu.memory_space<hbm>>
    tpu.wait_indirect_dma semaphore(%arg29 : memref<!tpu.dma_semaphore, #tpu.memory_space<semaphore_mem>>) src(%dma_wait3A_72 : memref<10240x128xf32, #tpu.memory_space<hbm>>) dst(%arg17 : memref<112x128xf32, #tpu.memory_space<vmem>>)
    %dma_wait3A_73 = arith.constant 0 : i32
    %dma_wait3A_74 = arith.constant 0 : i32
    %dma_wait3A_75 = tpu.memref_slice %arg3[%dma_wait3A_73, %dma_wait3A_74] : memref<10240x16xf32, #tpu.memory_space<hbm>> -> memref<10240x16xf32, #tpu.memory_space<hbm>>
    tpu.wait_indirect_dma semaphore(%arg29 : memref<!tpu.dma_semaphore, #tpu.memory_space<semaphore_mem>>) src(%dma_wait3A_75 : memref<10240x16xf32, #tpu.memory_space<hbm>>) dst(%arg19 : memref<112x16xf32, #tpu.memory_space<vmem>>)
    %dma_wait3A_76 = arith.constant 0 : i32
    %dma_wait3A_77 = arith.constant 0 : i32
    %dma_wait3A_78 = tpu.memref_slice %arg4[%dma_wait3A_76, %dma_wait3A_77] : memref<10240x16xf32, #tpu.memory_space<hbm>> -> memref<10240x16xf32, #tpu.memory_space<hbm>>
    tpu.wait_indirect_dma semaphore(%arg29 : memref<!tpu.dma_semaphore, #tpu.memory_space<semaphore_mem>>) src(%dma_wait3A_78 : memref<10240x16xf32, #tpu.memory_space<hbm>>) dst(%arg21 : memref<112x16xf32, #tpu.memory_space<vmem>>)
    %dma_wait3A_79 = tpu.memref_slice %arg5[%mul3A_4] : memref<329728xi32, #tpu.memory_space<hbm>> -> memref<112xi32, #tpu.memory_space<hbm>>
    %dma_wait3A_80 = tpu.memref_slice %arg5[%mul3A_4] : memref<329728xi32, #tpu.memory_space<hbm>> -> memref<112xi32, #tpu.memory_space<hbm>>
    tpu.wait_dma2 semaphore(%arg26 : memref<!tpu.dma_semaphore, #tpu.memory_space<semaphore_mem>>) src(%dma_wait3A_80 : memref<112xi32, #tpu.memory_space<hbm>>) dst(%arg10 : memref<112xi32, #tpu.memory_space<vmem>>)
    %dma_wait3A_81 = tpu.memref_slice %arg6[%mul3A_4] : memref<329728xi32, #tpu.memory_space<hbm>> -> memref<112xi32, #tpu.memory_space<hbm>>
    %dma_wait3A_82 = tpu.memref_slice %arg6[%mul3A_4] : memref<329728xi32, #tpu.memory_space<hbm>> -> memref<112xi32, #tpu.memory_space<hbm>>
    tpu.wait_dma2 semaphore(%arg26 : memref<!tpu.dma_semaphore, #tpu.memory_space<semaphore_mem>>) src(%dma_wait3A_82 : memref<112xi32, #tpu.memory_space<hbm>>) dst(%arg14 : memref<112xi32, #tpu.memory_space<vmem>>)
    %dma_wait3A_83 = tpu.memref_slice %arg5[%mul3A_4] : memref<329728xi32, #tpu.memory_space<hbm>> -> memref<112xi32, #tpu.memory_space<hbm>>
    %dma_wait3A_84 = tpu.memref_slice %arg5[%mul3A_4] : memref<329728xi32, #tpu.memory_space<hbm>> -> memref<112xi32, #tpu.memory_space<hbm>>
    tpu.wait_dma2 semaphore(%arg27 : memref<!tpu.dma_semaphore, #tpu.memory_space<semaphore_mem>>) src(%dma_wait3A_84 : memref<112xi32, #tpu.memory_space<hbm>>) dst(%arg11 : memref<112xi32, #tpu.memory_space<vmem>>)
    %dma_wait3A_85 = tpu.memref_slice %arg6[%mul3A_4] : memref<329728xi32, #tpu.memory_space<hbm>> -> memref<112xi32, #tpu.memory_space<hbm>>
    %dma_wait3A_86 = tpu.memref_slice %arg6[%mul3A_4] : memref<329728xi32, #tpu.memory_space<hbm>> -> memref<112xi32, #tpu.memory_space<hbm>>
    tpu.wait_dma2 semaphore(%arg27 : memref<!tpu.dma_semaphore, #tpu.memory_space<semaphore_mem>>) src(%dma_wait3A_86 : memref<112xi32, #tpu.memory_space<hbm>>) dst(%arg15 : memref<112xi32, #tpu.memory_space<vmem>>)
    %barrier3A_87 = arith.constant 0 : index
    tpu.barrier barrier_id(%barrier3A_87)
    %mul3A_88 = arith.constant 640 : i32
    %mul3A_89 = arith.muli %arg1, %mul3A_88 : i32
    "tpu.region"() ({
      %run_scoped3A = tpu.sem_alloc : memref<!tpu.dma_semaphore, #tpu.memory_space<semaphore_mem>>
      %dma_start3A_90 = arith.constant 0 : i32
      %dma_start3A_91 = tpu.memref_slice %arg7[%arg0, %mul3A_89, %dma_start3A_90] : memref<2x10240x128xf32, #tpu.memory_space<hbm>> -> memref<1x640x128xf32, #tpu.memory_space<hbm>>
      %dma_start3A_92 = tpu.memref_squeeze %dma_start3A_91 : memref<1x640x128xf32, #tpu.memory_space<hbm>> -> memref<640x128xf32, #tpu.memory_space<hbm>>
      %dma_start3A_93 = arith.constant 0 : i32
      %dma_start3A_94 = tpu.memref_slice %arg23[%mul3A_89, %dma_start3A_93] : memref<10240x128xf32, #tpu.memory_space<vmem_shared>> -> memref<640x128xf32, #tpu.memory_space<vmem_shared>>
      tpu.enqueue_dma source(%dma_start3A_94 : memref<640x128xf32, #tpu.memory_space<vmem_shared>>) target(%dma_start3A_92 : memref<640x128xf32, #tpu.memory_space<hbm>>) target_semaphore(%run_scoped3A : memref<!tpu.dma_semaphore, #tpu.memory_space<semaphore_mem>>)
      %dma_wait3A_95 = arith.constant 0 : i32
      %dma_wait3A_96 = tpu.memref_slice %arg7[%arg0, %mul3A_89, %dma_wait3A_95] : memref<2x10240x128xf32, #tpu.memory_space<hbm>> -> memref<1x640x128xf32, #tpu.memory_space<hbm>>
      %dma_wait3A_97 = tpu.memref_squeeze %dma_wait3A_96 : memref<1x640x128xf32, #tpu.memory_space<hbm>> -> memref<640x128xf32, #tpu.memory_space<hbm>>
      %dma_wait3A_98 = arith.constant 0 : i32
      %dma_wait3A_99 = tpu.memref_slice %arg23[%mul3A_89, %dma_wait3A_98] : memref<10240x128xf32, #tpu.memory_space<vmem_shared>> -> memref<640x128xf32, #tpu.memory_space<vmem_shared>>
      tpu.wait_dma2 semaphore(%run_scoped3A : memref<!tpu.dma_semaphore, #tpu.memory_space<semaphore_mem>>) src(%dma_wait3A_99 : memref<640x128xf32, #tpu.memory_space<vmem_shared>>) dst(%dma_wait3A_97 : memref<640x128xf32, #tpu.memory_space<hbm>>)
      tpu.yield
    }) : () -> ()
    "tpu.region"() ({
      %run_scoped3A = tpu.sem_alloc : memref<!tpu.dma_semaphore, #tpu.memory_space<semaphore_mem>>
      %dma_start3A_90 = arith.constant 0 : i32
      %dma_start3A_91 = tpu.memref_slice %arg8[%arg0, %mul3A_89, %dma_start3A_90] : memref<2x10240x16xf32, #tpu.memory_space<hbm>> -> memref<1x640x16xf32, #tpu.memory_space<hbm>>
      %dma_start3A_92 = tpu.memref_squeeze %dma_start3A_91 : memref<1x640x16xf32, #tpu.memory_space<hbm>> -> memref<640x16xf32, #tpu.memory_space<hbm>>
      %dma_start3A_93 = arith.constant 0 : i32
      %dma_start3A_94 = tpu.memref_slice %arg24[%mul3A_89, %dma_start3A_93] : memref<10240x16xf32, #tpu.memory_space<vmem_shared>> -> memref<640x16xf32, #tpu.memory_space<vmem_shared>>
      tpu.enqueue_dma source(%dma_start3A_94 : memref<640x16xf32, #tpu.memory_space<vmem_shared>>) target(%dma_start3A_92 : memref<640x16xf32, #tpu.memory_space<hbm>>) target_semaphore(%run_scoped3A : memref<!tpu.dma_semaphore, #tpu.memory_space<semaphore_mem>>)
      %dma_wait3A_95 = arith.constant 0 : i32
      %dma_wait3A_96 = tpu.memref_slice %arg8[%arg0, %mul3A_89, %dma_wait3A_95] : memref<2x10240x16xf32, #tpu.memory_space<hbm>> -> memref<1x640x16xf32, #tpu.memory_space<hbm>>
      %dma_wait3A_97 = tpu.memref_squeeze %dma_wait3A_96 : memref<1x640x16xf32, #tpu.memory_space<hbm>> -> memref<640x16xf32, #tpu.memory_space<hbm>>
      %dma_wait3A_98 = arith.constant 0 : i32
      %dma_wait3A_99 = tpu.memref_slice %arg24[%mul3A_89, %dma_wait3A_98] : memref<10240x16xf32, #tpu.memory_space<vmem_shared>> -> memref<640x16xf32, #tpu.memory_space<vmem_shared>>
      tpu.wait_dma2 semaphore(%run_scoped3A : memref<!tpu.dma_semaphore, #tpu.memory_space<semaphore_mem>>) src(%dma_wait3A_99 : memref<640x16xf32, #tpu.memory_space<vmem_shared>>) dst(%dma_wait3A_97 : memref<640x16xf32, #tpu.memory_space<hbm>>)
      tpu.yield
    }) : () -> ()
    return
  }
}

module attributes {stable_mosaic.version = 14 : i64} {
  func.func @_prologue_body(%arg0: i32, %arg1: memref<1024x128xf32, #tpu.memory_space<vmem>>, %arg2: memref<128x128xf32, #tpu.memory_space<vmem>>, %arg3: memref<128x16xf32, #tpu.memory_space<vmem>>, %arg4: memref<128x16xf32, #tpu.memory_space<vmem>>, %arg5: memref<1024x128xf32, #tpu.memory_space<vmem>>, %arg6: memref<1024x16xf32, #tpu.memory_space<vmem>>, %arg7: memref<1024x16xf32, #tpu.memory_space<vmem>>) attributes {dimension_semantics = [#tpu.dimension_semantics<arbitrary>], iteration_bounds = array<i64: 10>, scalar_prefetch = 0 : i64, scratch_operands = 0 : i64, tpu.core_type = #tpu.core_type<tc>, window_params = [{transform_indices = @transform_0, window_bounds = array<i64: 1024, 128>}, {pipeline_mode = #tpu.pipeline_mode<synchronous>, transform_indices = @transform_1, window_bounds = array<i64: 128, 128>}, {pipeline_mode = #tpu.pipeline_mode<synchronous>, transform_indices = @transform_2, window_bounds = array<i64: 128, 16>}, {pipeline_mode = #tpu.pipeline_mode<synchronous>, transform_indices = @transform_3, window_bounds = array<i64: 128, 16>}, {transform_indices = @transform_4, window_bounds = array<i64: 1024, 128>}, {transform_indices = @transform_5, window_bounds = array<i64: 1024, 16>}, {transform_indices = @transform_6, window_bounds = array<i64: 1024, 16>}]} {
    %get3A = arith.constant 0 : index
    %get3A_0 = arith.constant 0 : index
    %get3A_1 = vector.load %arg1[%get3A, %get3A_0] : memref<1024x128xf32, #tpu.memory_space<vmem>>, vector<1024x128xf32>
    %get3A_2 = arith.constant 0 : index
    %get3A_3 = arith.constant 0 : index
    %get3A_4 = vector.load %arg2[%get3A_2, %get3A_3] : memref<128x128xf32, #tpu.memory_space<vmem>>, vector<128x128xf32>
    %dot_general3A = arith.constant dense<0.000000e+00> : vector<1024x128xf32>
    %dot_general3A_5 = tpu.matmul %get3A_1, %get3A_4, %dot_general3A {dimension_numbers = #tpu.dot_dimension_numbers<[1], [0], [0], [1], [0, 0, 1, 1], [], []>, transpose_lhs_hint = false} : vector<1024x128xf32>, vector<128x128xf32>, vector<1024x128xf32> -> vector<1024x128xf32>
    %swap3A = arith.constant 0 : index
    %swap3A_6 = arith.constant 0 : index
    %swap3A_7 = vector.load %arg5[%swap3A, %swap3A_6] : memref<1024x128xf32, #tpu.memory_space<vmem>>, vector<1024x128xf32>
    tpu.vector_store %arg5[%swap3A, %swap3A_6], %dot_general3A_5 {strides = array<i32>} : memref<1024x128xf32, #tpu.memory_space<vmem>>, vector<1024x128xf32>,
    %get3A_8 = arith.constant 0 : index
    %get3A_9 = arith.constant 0 : index
    %get3A_10 = vector.load %arg3[%get3A_8, %get3A_9] : memref<128x16xf32, #tpu.memory_space<vmem>>, vector<128x16xf32>
    %dot_general3A_11 = arith.constant dense<0.000000e+00> : vector<1024x16xf32>
    %dot_general3A_12 = tpu.matmul %dot_general3A_5, %get3A_10, %dot_general3A_11 {dimension_numbers = #tpu.dot_dimension_numbers<[1], [0], [0], [1], [0, 0, 1, 1], [], []>, transpose_lhs_hint = false} : vector<1024x128xf32>, vector<128x16xf32>, vector<1024x16xf32> -> vector<1024x16xf32>
    %swap3A_13 = arith.constant 0 : index
    %swap3A_14 = arith.constant 0 : index
    %swap3A_15 = vector.load %arg6[%swap3A_13, %swap3A_14] : memref<1024x16xf32, #tpu.memory_space<vmem>>, vector<1024x16xf32>
    tpu.vector_store %arg6[%swap3A_13, %swap3A_14], %dot_general3A_12 {strides = array<i32>} : memref<1024x16xf32, #tpu.memory_space<vmem>>, vector<1024x16xf32>,
    %get3A_16 = arith.constant 0 : index
    %get3A_17 = arith.constant 0 : index
    %get3A_18 = vector.load %arg4[%get3A_16, %get3A_17] : memref<128x16xf32, #tpu.memory_space<vmem>>, vector<128x16xf32>
    %dot_general3A_19 = arith.constant dense<0.000000e+00> : vector<1024x16xf32>
    %dot_general3A_20 = tpu.matmul %dot_general3A_5, %get3A_18, %dot_general3A_19 {dimension_numbers = #tpu.dot_dimension_numbers<[1], [0], [0], [1], [0, 0, 1, 1], [], []>, transpose_lhs_hint = false} : vector<1024x128xf32>, vector<128x16xf32>, vector<1024x16xf32> -> vector<1024x16xf32>
    %swap3A_21 = arith.constant 0 : index
    %swap3A_22 = arith.constant 0 : index
    %swap3A_23 = vector.load %arg7[%swap3A_21, %swap3A_22] : memref<1024x16xf32, #tpu.memory_space<vmem>>, vector<1024x16xf32>
    tpu.vector_store %arg7[%swap3A_21, %swap3A_22], %dot_general3A_20 {strides = array<i32>} : memref<1024x16xf32, #tpu.memory_space<vmem>>, vector<1024x16xf32>,
    return
  }
  func.func @transform_0(%arg0: i32) -> (i32, i32) {
    %c0_i32 = arith.constant 0 : i32
    %c0_i32_0 = arith.constant 0 : i32
    return %arg0, %c0_i32 : i32, i32
  }
  func.func @transform_1(%arg0: i32) -> (i32, i32) {
    %c0_i32 = arith.constant 0 : i32
    %c0_i32_0 = arith.constant 0 : i32
    %c0_i32_1 = arith.constant 0 : i32
    return %c0_i32, %c0_i32_0 : i32, i32
  }
  func.func @transform_2(%arg0: i32) -> (i32, i32) {
    %c0_i32 = arith.constant 0 : i32
    %c0_i32_0 = arith.constant 0 : i32
    %c0_i32_1 = arith.constant 0 : i32
    return %c0_i32, %c0_i32_0 : i32, i32
  }
  func.func @transform_3(%arg0: i32) -> (i32, i32) {
    %c0_i32 = arith.constant 0 : i32
    %c0_i32_0 = arith.constant 0 : i32
    %c0_i32_1 = arith.constant 0 : i32
    return %c0_i32, %c0_i32_0 : i32, i32
  }
  func.func @transform_4(%arg0: i32) -> (i32, i32) {
    %c0_i32 = arith.constant 0 : i32
    %c0_i32_0 = arith.constant 0 : i32
    return %arg0, %c0_i32 : i32, i32
  }
  func.func @transform_5(%arg0: i32) -> (i32, i32) {
    %c0_i32 = arith.constant 0 : i32
    %c0_i32_0 = arith.constant 0 : i32
    return %arg0, %c0_i32 : i32, i32
  }
  func.func @transform_6(%arg0: i32) -> (i32, i32) {
    %c0_i32 = arith.constant 0 : i32
    %c0_i32_0 = arith.constant 0 : i32
    return %arg0, %c0_i32 : i32, i32
  }
}

module attributes {stable_mosaic.version = 14 : i64} {
  func.func @_mid_body(%arg0: i32, %arg1: memref<2x1024x128xf32, #tpu.memory_space<vmem>>, %arg2: memref<2x1024x16xf32, #tpu.memory_space<vmem>>, %arg3: memref<1024x128xf32, #tpu.memory_space<vmem>>, %arg4: memref<1024x16xf32, #tpu.memory_space<vmem>>, %arg5: memref<1024x16xf32, #tpu.memory_space<vmem>>, %arg6: memref<16x128xf32, #tpu.memory_space<vmem>>, %arg7: memref<1x128xf32, #tpu.memory_space<vmem>>, %arg8: memref<128x128xf32, #tpu.memory_space<vmem>>, %arg9: memref<128x16xf32, #tpu.memory_space<vmem>>, %arg10: memref<128x16xf32, #tpu.memory_space<vmem>>, %arg11: memref<1024x128xf32, #tpu.memory_space<vmem>>, %arg12: memref<1024x16xf32, #tpu.memory_space<vmem>>, %arg13: memref<1024x16xf32, #tpu.memory_space<vmem>>) attributes {dimension_semantics = [#tpu.dimension_semantics<arbitrary>], iteration_bounds = array<i64: 10>, scalar_prefetch = 0 : i64, scratch_operands = 0 : i64, tpu.core_type = #tpu.core_type<tc>, window_params = [{transform_indices = @transform_0, window_bounds = array<i64: 2, 1024, 128>}, {transform_indices = @transform_1, window_bounds = array<i64: 2, 1024, 16>}, {transform_indices = @transform_2, window_bounds = array<i64: 1024, 128>}, {transform_indices = @transform_3, window_bounds = array<i64: 1024, 16>}, {transform_indices = @transform_4, window_bounds = array<i64: 1024, 16>}, {pipeline_mode = #tpu.pipeline_mode<synchronous>, transform_indices = @transform_5, window_bounds = array<i64: 16, 128>}, {pipeline_mode = #tpu.pipeline_mode<synchronous>, transform_indices = @transform_6, window_bounds = array<i64: 1, 128>}, {pipeline_mode = #tpu.pipeline_mode<synchronous>, transform_indices = @transform_7, window_bounds = array<i64: 128, 128>}, {pipeline_mode = #tpu.pipeline_mode<synchronous>, transform_indices = @transform_8, window_bounds = array<i64: 128, 16>}, {pipeline_mode = #tpu.pipeline_mode<synchronous>, transform_indices = @transform_9, window_bounds = array<i64: 128, 16>}, {transform_indices = @transform_10, window_bounds = array<i64: 1024, 128>}, {transform_indices = @transform_11, window_bounds = array<i64: 1024, 16>}, {transform_indices = @transform_12, window_bounds = array<i64: 1024, 16>}]} {
    %get3A = arith.constant 0 : index
    %get3A_0 = arith.constant 0 : index
    %get3A_1 = vector.load %arg4[%get3A, %get3A_0] : memref<1024x16xf32, #tpu.memory_space<vmem>>, vector<1024x16xf32>
    %get3A_2 = arith.constant 0 : index
    %get3A_3 = arith.constant 0 : index
    %get3A_4 = vector.load %arg5[%get3A_2, %get3A_3] : memref<1024x16xf32, #tpu.memory_space<vmem>>, vector<1024x16xf32>
    %add3A = arith.addf %get3A_1, %get3A_4 : vector<1024x16xf32>
    %ge3A = arith.constant 0.000000e+00 : f32
    %ge3A_5 = vector.broadcast %ge3A : f32 to vector<1024x16xf32>
    %ge3A_6 = arith.cmpf oge, %add3A, %ge3A_5 : vector<1024x16xf32>
    %mul3A = arith.constant 2.000000e-01 : f32
    %mul3A_7 = vector.broadcast %mul3A : f32 to vector<1024x16xf32>
    %mul3A_8 = arith.mulf %mul3A_7, %add3A : vector<1024x16xf32>
    %select_n3A = arith.select %ge3A_6, %add3A, %mul3A_8 : vector<1024x16xi1>, vector<1024x16xf32>
    %exp3A = math.exp %select_n3A : vector<1024x16xf32>
    %get3A_9 = arith.constant 0 : index
    %get3A_10 = arith.constant 0 : index
    %get3A_11 = vector.load %arg6[%get3A_9, %get3A_10] : memref<16x128xf32, #tpu.memory_space<vmem>>, vector<16x128xf32>
    %get3A_12 = arith.constant 0 : index
    %get3A_13 = arith.constant 0 : index
    %get3A_14 = arith.constant 0 : index
    %get3A_15 = vector.load %arg2[%get3A_12, %get3A_13, %get3A_14] : memref<2x1024x16xf32, #tpu.memory_space<vmem>>, vector<1x1024x16xf32>
    %get3A_16 = vector.shape_cast %get3A_15 : vector<1x1024x16xf32> to vector<1024x16xf32>
    %get3A_17 = arith.constant 1 : index
    %get3A_18 = arith.constant 0 : index
    %get3A_19 = arith.constant 0 : index
    %get3A_20 = vector.load %arg2[%get3A_17, %get3A_18, %get3A_19] : memref<2x1024x16xf32, #tpu.memory_space<vmem>>, vector<1x1024x16xf32>
    %get3A_21 = vector.shape_cast %get3A_20 : vector<1x1024x16xf32> to vector<1024x16xf32>
    %add3A_22 = arith.addf %get3A_16, %get3A_21 : vector<1024x16xf32>
    %add3A_23 = arith.addf %add3A_22, %exp3A : vector<1024x16xf32>
    %dot_general3A = arith.constant dense<0.000000e+00> : vector<1024x128xf32>
    %dot_general3A_24 = tpu.matmul %add3A_23, %get3A_11, %dot_general3A {dimension_numbers = #tpu.dot_dimension_numbers<[1], [0], [0], [1], [0, 0, 1, 1], [], []>, transpose_lhs_hint = false} : vector<1024x16xf32>, vector<16x128xf32>, vector<1024x128xf32> -> vector<1024x128xf32>
    %get3A_25 = arith.constant 0 : index
    %get3A_26 = arith.constant 0 : index
    %get3A_27 = arith.constant 0 : index
    %get3A_28 = vector.load %arg1[%get3A_25, %get3A_26, %get3A_27] : memref<2x1024x128xf32, #tpu.memory_space<vmem>>, vector<1x1024x128xf32>
    %get3A_29 = vector.shape_cast %get3A_28 : vector<1x1024x128xf32> to vector<1024x128xf32>
    %get3A_30 = arith.constant 1 : index
    %get3A_31 = arith.constant 0 : index
    %get3A_32 = arith.constant 0 : index
    %get3A_33 = vector.load %arg1[%get3A_30, %get3A_31, %get3A_32] : memref<2x1024x128xf32, #tpu.memory_space<vmem>>, vector<1x1024x128xf32>
    %get3A_34 = vector.shape_cast %get3A_33 : vector<1x1024x128xf32> to vector<1024x128xf32>
    %add3A_35 = arith.addf %get3A_29, %get3A_34 : vector<1024x128xf32>
    %dot_general3A_36 = arith.constant dense<0.000000e+00> : vector<1024x128xf32>
    %dot_general3A_37 = tpu.matmul %exp3A, %get3A_11, %dot_general3A_36 {dimension_numbers = #tpu.dot_dimension_numbers<[1], [0], [0], [1], [0, 0, 1, 1], [], []>, transpose_lhs_hint = false} : vector<1024x16xf32>, vector<16x128xf32>, vector<1024x128xf32> -> vector<1024x128xf32>
    %get3A_38 = arith.constant 0 : index
    %get3A_39 = arith.constant 0 : index
    %get3A_40 = vector.load %arg3[%get3A_38, %get3A_39] : memref<1024x128xf32, #tpu.memory_space<vmem>>, vector<1024x128xf32>
    %mul3A_41 = arith.mulf %dot_general3A_37, %get3A_40 : vector<1024x128xf32>
    %add3A_42 = arith.addf %add3A_35, %mul3A_41 : vector<1024x128xf32>
    %div3A = arith.divf %add3A_42, %dot_general3A_24 : vector<1024x128xf32>
    %get3A_43 = arith.constant 0 : index
    %get3A_44 = arith.constant 0 : index
    %get3A_45 = vector.load %arg7[%get3A_43, %get3A_44] : memref<1x128xf32, #tpu.memory_space<vmem>>, vector<1x128xf32>
    %add3A_46 = vector.broadcast %get3A_45 : vector<1x128xf32> to vector<1024x128xf32>
    %add3A_47 = arith.addf %div3A, %add3A_46 : vector<1024x128xf32>
    %gt3A = arith.constant 0.000000e+00 : f32
    %gt3A_48 = vector.broadcast %gt3A : f32 to vector<1024x128xf32>
    %gt3A_49 = arith.cmpf ogt, %add3A_47, %gt3A_48 : vector<1024x128xf32>
    %exp3A_50 = math.exp %add3A_47 : vector<1024x128xf32>
    %sub3A = arith.constant 1.000000e+00 : f32
    %sub3A_51 = vector.broadcast %sub3A : f32 to vector<1024x128xf32>
    %sub3A_52 = arith.subf %exp3A_50, %sub3A_51 : vector<1024x128xf32>
    %select_n3A_53 = arith.select %gt3A_49, %add3A_47, %sub3A_52 : vector<1024x128xi1>, vector<1024x128xf32>
    %get3A_54 = arith.constant 0 : index
    %get3A_55 = arith.constant 0 : index
    %get3A_56 = vector.load %arg8[%get3A_54, %get3A_55] : memref<128x128xf32, #tpu.memory_space<vmem>>, vector<128x128xf32>
    %dot_general3A_57 = arith.constant dense<0.000000e+00> : vector<1024x128xf32>
    %dot_general3A_58 = tpu.matmul %select_n3A_53, %get3A_56, %dot_general3A_57 {dimension_numbers = #tpu.dot_dimension_numbers<[1], [0], [0], [1], [0, 0, 1, 1], [], []>, transpose_lhs_hint = false} : vector<1024x128xf32>, vector<128x128xf32>, vector<1024x128xf32> -> vector<1024x128xf32>
    %swap3A = arith.constant 0 : index
    %swap3A_59 = arith.constant 0 : index
    %swap3A_60 = vector.load %arg11[%swap3A, %swap3A_59] : memref<1024x128xf32, #tpu.memory_space<vmem>>, vector<1024x128xf32>
    tpu.vector_store %arg11[%swap3A, %swap3A_59], %dot_general3A_58 {strides = array<i32>} : memref<1024x128xf32, #tpu.memory_space<vmem>>, vector<1024x128xf32>,
    %get3A_61 = arith.constant 0 : index
    %get3A_62 = arith.constant 0 : index
    %get3A_63 = vector.load %arg9[%get3A_61, %get3A_62] : memref<128x16xf32, #tpu.memory_space<vmem>>, vector<128x16xf32>
    %dot_general3A_64 = arith.constant dense<0.000000e+00> : vector<1024x16xf32>
    %dot_general3A_65 = tpu.matmul %dot_general3A_58, %get3A_63, %dot_general3A_64 {dimension_numbers = #tpu.dot_dimension_numbers<[1], [0], [0], [1], [0, 0, 1, 1], [], []>, transpose_lhs_hint = false} : vector<1024x128xf32>, vector<128x16xf32>, vector<1024x16xf32> -> vector<1024x16xf32>
    %swap3A_66 = arith.constant 0 : index
    %swap3A_67 = arith.constant 0 : index
    %swap3A_68 = vector.load %arg12[%swap3A_66, %swap3A_67] : memref<1024x16xf32, #tpu.memory_space<vmem>>, vector<1024x16xf32>
    tpu.vector_store %arg12[%swap3A_66, %swap3A_67], %dot_general3A_65 {strides = array<i32>} : memref<1024x16xf32, #tpu.memory_space<vmem>>, vector<1024x16xf32>,
    %get3A_69 = arith.constant 0 : index
    %get3A_70 = arith.constant 0 : index
    %get3A_71 = vector.load %arg10[%get3A_69, %get3A_70] : memref<128x16xf32, #tpu.memory_space<vmem>>, vector<128x16xf32>
    %dot_general3A_72 = arith.constant dense<0.000000e+00> : vector<1024x16xf32>
    %dot_general3A_73 = tpu.matmul %dot_general3A_58, %get3A_71, %dot_general3A_72 {dimension_numbers = #tpu.dot_dimension_numbers<[1], [0], [0], [1], [0, 0, 1, 1], [], []>, transpose_lhs_hint = false} : vector<1024x128xf32>, vector<128x16xf32>, vector<1024x16xf32> -> vector<1024x16xf32>
    %swap3A_74 = arith.constant 0 : index
    %swap3A_75 = arith.constant 0 : index
    %swap3A_76 = vector.load %arg13[%swap3A_74, %swap3A_75] : memref<1024x16xf32, #tpu.memory_space<vmem>>, vector<1024x16xf32>
    tpu.vector_store %arg13[%swap3A_74, %swap3A_75], %dot_general3A_73 {strides = array<i32>} : memref<1024x16xf32, #tpu.memory_space<vmem>>, vector<1024x16xf32>,
    return
  }
  func.func @transform_0(%arg0: i32) -> (i32, i32, i32) {
    %c0_i32 = arith.constant 0 : i32
    %c0_i32_0 = arith.constant 0 : i32
    %c0_i32_1 = arith.constant 0 : i32
    return %c0_i32, %arg0, %c0_i32_0 : i32, i32, i32
  }
  func.func @transform_1(%arg0: i32) -> (i32, i32, i32) {
    %c0_i32 = arith.constant 0 : i32
    %c0_i32_0 = arith.constant 0 : i32
    %c0_i32_1 = arith.constant 0 : i32
    return %c0_i32, %arg0, %c0_i32_0 : i32, i32, i32
  }
  func.func @transform_2(%arg0: i32) -> (i32, i32) {
    %c0_i32 = arith.constant 0 : i32
    %c0_i32_0 = arith.constant 0 : i32
    return %arg0, %c0_i32 : i32, i32
  }
  func.func @transform_3(%arg0: i32) -> (i32, i32) {
    %c0_i32 = arith.constant 0 : i32
    %c0_i32_0 = arith.constant 0 : i32
    return %arg0, %c0_i32 : i32, i32
  }
  func.func @transform_4(%arg0: i32) -> (i32, i32) {
    %c0_i32 = arith.constant 0 : i32
    %c0_i32_0 = arith.constant 0 : i32
    return %arg0, %c0_i32 : i32, i32
  }
  func.func @transform_5(%arg0: i32) -> (i32, i32) {
    %c0_i32 = arith.constant 0 : i32
    %c0_i32_0 = arith.constant 0 : i32
    %c0_i32_1 = arith.constant 0 : i32
    return %c0_i32, %c0_i32_0 : i32, i32
  }
  func.func @transform_6(%arg0: i32) -> (i32, i32) {
    %c0_i32 = arith.constant 0 : i32
    %c0_i32_0 = arith.constant 0 : i32
    %c0_i32_1 = arith.constant 0 : i32
    return %c0_i32, %c0_i32_0 : i32, i32
  }
  func.func @transform_7(%arg0: i32) -> (i32, i32) {
    %c0_i32 = arith.constant 0 : i32
    %c0_i32_0 = arith.constant 0 : i32
    %c0_i32_1 = arith.constant 0 : i32
    return %c0_i32, %c0_i32_0 : i32, i32
  }
  func.func @transform_8(%arg0: i32) -> (i32, i32) {
    %c0_i32 = arith.constant 0 : i32
    %c0_i32_0 = arith.constant 0 : i32
    %c0_i32_1 = arith.constant 0 : i32
    return %c0_i32, %c0_i32_0 : i32, i32
  }
  func.func @transform_9(%arg0: i32) -> (i32, i32) {
    %c0_i32 = arith.constant 0 : i32
    %c0_i32_0 = arith.constant 0 : i32
    %c0_i32_1 = arith.constant 0 : i32
    return %c0_i32, %c0_i32_0 : i32, i32
  }
  func.func @transform_10(%arg0: i32) -> (i32, i32) {
    %c0_i32 = arith.constant 0 : i32
    %c0_i32_0 = arith.constant 0 : i32
    return %arg0, %c0_i32 : i32, i32
  }
  func.func @transform_11(%arg0: i32) -> (i32, i32) {
    %c0_i32 = arith.constant 0 : i32
    %c0_i32_0 = arith.constant 0 : i32
    return %arg0, %c0_i32 : i32, i32
  }
  func.func @transform_12(%arg0: i32) -> (i32, i32) {
    %c0_i32 = arith.constant 0 : i32
    %c0_i32_0 = arith.constant 0 : i32
    return %arg0, %c0_i32 : i32, i32
  }
}

module attributes {stable_mosaic.version = 14 : i64} {
  func.func @_final_body(%arg0: i32, %arg1: memref<2x1000x128xf32, #tpu.memory_space<vmem>>, %arg2: memref<2x1000x16xf32, #tpu.memory_space<vmem>>, %arg3: memref<1000x128xf32, #tpu.memory_space<vmem>>, %arg4: memref<1000x16xf32, #tpu.memory_space<vmem>>, %arg5: memref<1000x16xf32, #tpu.memory_space<vmem>>, %arg6: memref<16x128xf32, #tpu.memory_space<vmem>>, %arg7: memref<128x32xf32, #tpu.memory_space<vmem>>, %arg8: memref<1x32xf32, #tpu.memory_space<vmem>>, %arg9: memref<32x16xf32, #tpu.memory_space<vmem>>, %arg10: memref<1x16xf32, #tpu.memory_space<vmem>>, %arg11: memref<1000x16xf32, #tpu.memory_space<vmem>>) attributes {dimension_semantics = [#tpu.dimension_semantics<arbitrary>], iteration_bounds = array<i64: 10>, scalar_prefetch = 0 : i64, scratch_operands = 0 : i64, tpu.core_type = #tpu.core_type<tc>, window_params = [{transform_indices = @transform_0, window_bounds = array<i64: 2, 1000, 128>}, {transform_indices = @transform_1, window_bounds = array<i64: 2, 1000, 16>}, {transform_indices = @transform_2, window_bounds = array<i64: 1000, 128>}, {transform_indices = @transform_3, window_bounds = array<i64: 1000, 16>}, {transform_indices = @transform_4, window_bounds = array<i64: 1000, 16>}, {pipeline_mode = #tpu.pipeline_mode<synchronous>, transform_indices = @transform_5, window_bounds = array<i64: 16, 128>}, {pipeline_mode = #tpu.pipeline_mode<synchronous>, transform_indices = @transform_6, window_bounds = array<i64: 128, 32>}, {pipeline_mode = #tpu.pipeline_mode<synchronous>, transform_indices = @transform_7, window_bounds = array<i64: 1, 32>}, {pipeline_mode = #tpu.pipeline_mode<synchronous>, transform_indices = @transform_8, window_bounds = array<i64: 32, 16>}, {pipeline_mode = #tpu.pipeline_mode<synchronous>, transform_indices = @transform_9, window_bounds = array<i64: 1, 16>}, {transform_indices = @transform_10, window_bounds = array<i64: 1000, 16>}]} {
    %get3A = arith.constant 0 : index
    %get3A_0 = arith.constant 0 : index
    %get3A_1 = vector.load %arg4[%get3A, %get3A_0] : memref<1000x16xf32, #tpu.memory_space<vmem>>, vector<1000x16xf32>
    %get3A_2 = arith.constant 0 : index
    %get3A_3 = arith.constant 0 : index
    %get3A_4 = vector.load %arg5[%get3A_2, %get3A_3] : memref<1000x16xf32, #tpu.memory_space<vmem>>, vector<1000x16xf32>
    %add3A = arith.addf %get3A_1, %get3A_4 : vector<1000x16xf32>
    %ge3A = arith.constant 0.000000e+00 : f32
    %ge3A_5 = vector.broadcast %ge3A : f32 to vector<1000x16xf32>
    %ge3A_6 = arith.cmpf oge, %add3A, %ge3A_5 : vector<1000x16xf32>
    %mul3A = arith.constant 2.000000e-01 : f32
    %mul3A_7 = vector.broadcast %mul3A : f32 to vector<1000x16xf32>
    %mul3A_8 = arith.mulf %mul3A_7, %add3A : vector<1000x16xf32>
    %select_n3A = arith.select %ge3A_6, %add3A, %mul3A_8 : vector<1000x16xi1>, vector<1000x16xf32>
    %exp3A = math.exp %select_n3A : vector<1000x16xf32>
    %get3A_9 = arith.constant 0 : index
    %get3A_10 = arith.constant 0 : index
    %get3A_11 = vector.load %arg6[%get3A_9, %get3A_10] : memref<16x128xf32, #tpu.memory_space<vmem>>, vector<16x128xf32>
    %get3A_12 = arith.constant 0 : index
    %get3A_13 = arith.constant 0 : index
    %get3A_14 = arith.constant 0 : index
    %get3A_15 = vector.load %arg2[%get3A_12, %get3A_13, %get3A_14] : memref<2x1000x16xf32, #tpu.memory_space<vmem>>, vector<1x1000x16xf32>
    %get3A_16 = vector.shape_cast %get3A_15 : vector<1x1000x16xf32> to vector<1000x16xf32>
    %get3A_17 = arith.constant 1 : index
    %get3A_18 = arith.constant 0 : index
    %get3A_19 = arith.constant 0 : index
    %get3A_20 = vector.load %arg2[%get3A_17, %get3A_18, %get3A_19] : memref<2x1000x16xf32, #tpu.memory_space<vmem>>, vector<1x1000x16xf32>
    %get3A_21 = vector.shape_cast %get3A_20 : vector<1x1000x16xf32> to vector<1000x16xf32>
    %add3A_22 = arith.addf %get3A_16, %get3A_21 : vector<1000x16xf32>
    %add3A_23 = arith.addf %add3A_22, %exp3A : vector<1000x16xf32>
    %dot_general3A = arith.constant dense<0.000000e+00> : vector<1000x128xf32>
    %dot_general3A_24 = tpu.matmul %add3A_23, %get3A_11, %dot_general3A {dimension_numbers = #tpu.dot_dimension_numbers<[1], [0], [0], [1], [0, 0, 1, 1], [], []>, transpose_lhs_hint = false} : vector<1000x16xf32>, vector<16x128xf32>, vector<1000x128xf32> -> vector<1000x128xf32>
    %get3A_25 = arith.constant 0 : index
    %get3A_26 = arith.constant 0 : index
    %get3A_27 = arith.constant 0 : index
    %get3A_28 = vector.load %arg1[%get3A_25, %get3A_26, %get3A_27] : memref<2x1000x128xf32, #tpu.memory_space<vmem>>, vector<1x1000x128xf32>
    %get3A_29 = vector.shape_cast %get3A_28 : vector<1x1000x128xf32> to vector<1000x128xf32>
    %get3A_30 = arith.constant 1 : index
    %get3A_31 = arith.constant 0 : index
    %get3A_32 = arith.constant 0 : index
    %get3A_33 = vector.load %arg1[%get3A_30, %get3A_31, %get3A_32] : memref<2x1000x128xf32, #tpu.memory_space<vmem>>, vector<1x1000x128xf32>
    %get3A_34 = vector.shape_cast %get3A_33 : vector<1x1000x128xf32> to vector<1000x128xf32>
    %add3A_35 = arith.addf %get3A_29, %get3A_34 : vector<1000x128xf32>
    %dot_general3A_36 = arith.constant dense<0.000000e+00> : vector<1000x128xf32>
    %dot_general3A_37 = tpu.matmul %exp3A, %get3A_11, %dot_general3A_36 {dimension_numbers = #tpu.dot_dimension_numbers<[1], [0], [0], [1], [0, 0, 1, 1], [], []>, transpose_lhs_hint = false} : vector<1000x16xf32>, vector<16x128xf32>, vector<1000x128xf32> -> vector<1000x128xf32>
    %get3A_38 = arith.constant 0 : index
    %get3A_39 = arith.constant 0 : index
    %get3A_40 = vector.load %arg3[%get3A_38, %get3A_39] : memref<1000x128xf32, #tpu.memory_space<vmem>>, vector<1000x128xf32>
    %mul3A_41 = arith.mulf %dot_general3A_37, %get3A_40 : vector<1000x128xf32>
    %add3A_42 = arith.addf %add3A_35, %mul3A_41 : vector<1000x128xf32>
    %div3A = arith.divf %add3A_42, %dot_general3A_24 : vector<1000x128xf32>
    %get3A_43 = arith.constant 0 : index
    %get3A_44 = arith.constant 0 : index
    %get3A_45 = vector.load %arg7[%get3A_43, %get3A_44] : memref<128x32xf32, #tpu.memory_space<vmem>>, vector<128x32xf32>
    %dot_general3A_46 = arith.constant dense<0.000000e+00> : vector<1000x32xf32>
    %dot_general3A_47 = tpu.matmul %div3A, %get3A_45, %dot_general3A_46 {dimension_numbers = #tpu.dot_dimension_numbers<[1], [0], [0], [1], [0, 0, 1, 1], [], []>, transpose_lhs_hint = false} : vector<1000x128xf32>, vector<128x32xf32>, vector<1000x32xf32> -> vector<1000x32xf32>
    %get3A_48 = arith.constant 0 : index
    %get3A_49 = arith.constant 0 : index
    %get3A_50 = vector.load %arg8[%get3A_48, %get3A_49] : memref<1x32xf32, #tpu.memory_space<vmem>>, vector<1x32xf32>
    %add3A_51 = vector.broadcast %get3A_50 : vector<1x32xf32> to vector<1000x32xf32>
    %add3A_52 = arith.addf %dot_general3A_47, %add3A_51 : vector<1000x32xf32>
    %gt3A = arith.constant 0.000000e+00 : f32
    %gt3A_53 = vector.broadcast %gt3A : f32 to vector<1000x32xf32>
    %gt3A_54 = arith.cmpf ogt, %add3A_52, %gt3A_53 : vector<1000x32xf32>
    %exp3A_55 = math.exp %add3A_52 : vector<1000x32xf32>
    %sub3A = arith.constant 1.000000e+00 : f32
    %sub3A_56 = vector.broadcast %sub3A : f32 to vector<1000x32xf32>
    %sub3A_57 = arith.subf %exp3A_55, %sub3A_56 : vector<1000x32xf32>
    %select_n3A_58 = arith.select %gt3A_54, %add3A_52, %sub3A_57 : vector<1000x32xi1>, vector<1000x32xf32>
    %get3A_59 = arith.constant 0 : index
    %get3A_60 = arith.constant 0 : index
    %get3A_61 = vector.load %arg9[%get3A_59, %get3A_60] : memref<32x16xf32, #tpu.memory_space<vmem>>, vector<32x16xf32>
    %dot_general3A_62 = arith.constant dense<0.000000e+00> : vector<1000x16xf32>
    %dot_general3A_63 = tpu.matmul %select_n3A_58, %get3A_61, %dot_general3A_62 {dimension_numbers = #tpu.dot_dimension_numbers<[1], [0], [0], [1], [0, 0, 1, 1], [], []>, transpose_lhs_hint = false} : vector<1000x32xf32>, vector<32x16xf32>, vector<1000x16xf32> -> vector<1000x16xf32>
    %get3A_64 = arith.constant 0 : index
    %get3A_65 = arith.constant 0 : index
    %get3A_66 = vector.load %arg10[%get3A_64, %get3A_65] : memref<1x16xf32, #tpu.memory_space<vmem>>, vector<1x16xf32>
    %add3A_67 = vector.broadcast %get3A_66 : vector<1x16xf32> to vector<1000x16xf32>
    %add3A_68 = arith.addf %dot_general3A_63, %add3A_67 : vector<1000x16xf32>
    %swap3A = arith.constant 0 : index
    %swap3A_69 = arith.constant 0 : index
    %swap3A_70 = vector.load %arg11[%swap3A, %swap3A_69] : memref<1000x16xf32, #tpu.memory_space<vmem>>, vector<1000x16xf32>
    tpu.vector_store %arg11[%swap3A, %swap3A_69], %add3A_68 {strides = array<i32>} : memref<1000x16xf32, #tpu.memory_space<vmem>>, vector<1000x16xf32>,
    return
  }
  func.func @transform_0(%arg0: i32) -> (i32, i32, i32) {
    %c0_i32 = arith.constant 0 : i32
    %c0_i32_0 = arith.constant 0 : i32
    %c0_i32_1 = arith.constant 0 : i32
    return %c0_i32, %arg0, %c0_i32_0 : i32, i32, i32
  }
  func.func @transform_1(%arg0: i32) -> (i32, i32, i32) {
    %c0_i32 = arith.constant 0 : i32
    %c0_i32_0 = arith.constant 0 : i32
    %c0_i32_1 = arith.constant 0 : i32
    return %c0_i32, %arg0, %c0_i32_0 : i32, i32, i32
  }
  func.func @transform_2(%arg0: i32) -> (i32, i32) {
    %c0_i32 = arith.constant 0 : i32
    %c0_i32_0 = arith.constant 0 : i32
    return %arg0, %c0_i32 : i32, i32
  }
  func.func @transform_3(%arg0: i32) -> (i32, i32) {
    %c0_i32 = arith.constant 0 : i32
    %c0_i32_0 = arith.constant 0 : i32
    return %arg0, %c0_i32 : i32, i32
  }
  func.func @transform_4(%arg0: i32) -> (i32, i32) {
    %c0_i32 = arith.constant 0 : i32
    %c0_i32_0 = arith.constant 0 : i32
    return %arg0, %c0_i32 : i32, i32
  }
  func.func @transform_5(%arg0: i32) -> (i32, i32) {
    %c0_i32 = arith.constant 0 : i32
    %c0_i32_0 = arith.constant 0 : i32
    %c0_i32_1 = arith.constant 0 : i32
    return %c0_i32, %c0_i32_0 : i32, i32
  }
  func.func @transform_6(%arg0: i32) -> (i32, i32) {
    %c0_i32 = arith.constant 0 : i32
    %c0_i32_0 = arith.constant 0 : i32
    %c0_i32_1 = arith.constant 0 : i32
    return %c0_i32, %c0_i32_0 : i32, i32
  }
  func.func @transform_7(%arg0: i32) -> (i32, i32) {
    %c0_i32 = arith.constant 0 : i32
    %c0_i32_0 = arith.constant 0 : i32
    %c0_i32_1 = arith.constant 0 : i32
    return %c0_i32, %c0_i32_0 : i32, i32
  }
  func.func @transform_8(%arg0: i32) -> (i32, i32) {
    %c0_i32 = arith.constant 0 : i32
    %c0_i32_0 = arith.constant 0 : i32
    %c0_i32_1 = arith.constant 0 : i32
    return %c0_i32, %c0_i32_0 : i32, i32
  }
  func.func @transform_9(%arg0: i32) -> (i32, i32) {
    %c0_i32 = arith.constant 0 : i32
    %c0_i32_0 = arith.constant 0 : i32
    %c0_i32_1 = arith.constant 0 : i32
    return %c0_i32, %c0_i32_0 : i32, i32
  }
  func.func @transform_10(%arg0: i32) -> (i32, i32) {
    %c0_i32 = arith.constant 0 : i32
    %c0_i32_0 = arith.constant 0 : i32
    return %arg0, %c0_i32 : i32, i32
  }
}

</mosaic_0001>

<sc_bundles>
// kernel: kernel.10.cloned.1.call-start
scs
__scs_entry_jumppad:
0x0: {  	(pc) =	sbr.rel $0x88, $3  }
0x1: {  	(tag) =	ssettag $0x0;
	lr =	simm.s32 $0x1  }
0x2: {  	[smem:$0x3F95] =	sst lr;
	_ =	strace $0xD0000000  }
0x3: {  	_ = 	snop  }
0x4: {  	_ = 	snop  }
0x5: {  	_ = 	snop  }
0x6: {  	_ = 	snop  }
0x7: {  	_ = 	snop  }
__scs_overlays_trampoline_lowered:
0x8: {  	[smem:$0x3FA4] =	sst s0  }
0x9: {  	[smem:$0x3FA5] =	sst s1  }
0xa: {  	[smem:$0x3FA6] =	sst s2  }
0xb: {  	[smem:$0x3FA7] =	sst s3  }
0xc: {  	[smem:$0x3FA8] =	sst s4  }
0xd: {  	[smem:$0x3FA9] =	sst s5  }
0xe: {  	[smem:$0x3FAA] =	sst s6  }
0xf: {  	[smem:$0x3FAB] =	sst s7  }
0x10: {  	[smem:$0x3FAC] =	sst s8  }
0x11: {  	[smem:$0x3FAD] =	sst s9;
	s0 =	simm.s32 @!p0 $0x0  }
0x12: {  	s1 =	sld [smem:$0x3F93];
	s0 =	simm.s32 @p0 $0x1  }
0x13: {  	[smem:$0x3FAE] =	sst s0;
	s0 =	simm.s32 @!p1 $0x0  }
0x14: {  	s2 =	sld [smem:$0x3F92];
	s0 =	simm.s32 @p1 $0x1  }
0x15: {  	[smem:$0x3FAF] =	sst s0;
	s0 =	simm.s32 @!p2 $0x0  }
0x16: {  	s3 =	sld [smem:$0x3FDB];
	s0 =	simm.s32 @p2 $0x1  }
0x17: {  	s4 =	simm.s32 $0x1BF5;
	[smem:$0x3FB1] =	sst s0  }
0x18: {  	s0 =	sld [smem:$0x3F94];
	_ =	swait.ge [sflag:s4], $0x0  }
0x19: {  	s7 =	sld [smem:$0x3F95]  }
0x1a: {  	s8 =	sadd.s32 $0xFFFFE003, lr  }
0x1b: {  	s9 =	sadd.s32 $0xFFFFFEF7, lr;
	s5 =	simm.s32 $0xFFFFFFFF;
	p2 =	slt.u32 s8, $0xFFFFF086  }
0x1c: {  	p1 =	slt.u32 s9, $0xF7A;
	s5 =	simm.s32 @!p2 $0x0  }
0x1d: {  	s5 =	simm.s32 @p1 $0x1;
	p0 =	seq.s32 s7, s2  }
0x1e: {  	s7 =	smul.u32 @!p0 $0xF7A, s2;
	p2 =	seq.s32 @!p0 s5, $0x0  }
0x1f: {  	s9 =	smul.u32 $0xF7A, s1;
	s8 =	simm.s32 @!p0 $0x1BF5;
	p2 =	por !p2, p0  }
0x20: {  	[sflag:s8] =	ssyncset.s32 @!p0 $0xFFFFF086;
	s6 =	sadd.s32 @!p0 s3, s7;
	s7 =	simm.s32 @!p0 $0x108  }
0x21: {  	s3 =	sadd.s32 s3, s9;
	s6 =	sadd.s32 @!p0 $0x88, s6;
	s7 =	simm.s32 @p2 $0x1082  }
0x22: {  	[simem:s7], [sflag:s8] =	dma.local @!p0 [hbm:s6], $0xF7A  }
0x23: {  	s9 =	sor.u32 $0xD0000000, s2;
	s6 =	simm.s32 $0x108;
	_ =	swait.ge @!p0 [sflag:s8], $0x0  }
0x24: {  	s3 =	sadd.s32 $0x88, s3;
	s6 =	simm.s32 @!p1 $0x1082;
	[sflag:s4] =	ssyncset.s32 $0xFFFFF086  }
0x25: {  	[simem:s6], [sflag:s4] =	dma.local [hbm:s3], $0xF7A  }
0x26: {  	[smem:$0x3F95] =	sst s1;
	(tag) =	ssettag s2;
	_ =	strace s9  }
0x27: {  	s1 =	sld [smem:$0x3FA5]  }
0x28: {  	s2 =	sld [smem:$0x3FA6]  }
0x29: {  	s4 =	sld [smem:$0x3FA8]  }
0x2a: {  	p0 =	seq.s32 s5, $0x0;
	s5 =	sld [smem:$0x3FA9]  }
0x2b: {  	s6 =	sld [smem:$0x3FAA]  }
0x2c: {  	s7 =	sld [smem:$0x3FAB]  }
0x2d: {  	s3 =	simm.s32 $0x108;
	s8 =	sld [smem:$0x3FAC]  }
0x2e: {  	s3 =	simm.s32 @!p0 $0x1082;
	s9 =	sld [smem:$0x3FAD]  }
0x2f: {  	lr =	sadd.s32 s0, s3;
	s0 =	sld [smem:$0x3FA4]  }
0x30: {  	s3 =	sld [smem:$0x3FA7]  }
0x31: {  	[smem:$0x3FB0] =	sst s10  }
0x32: {  	s10 =	sld [smem:$0x3FAE];
	_ =	sdelay $0x3  }
0x33: {  	p0 =	seq.s32 s10, $0x1;
	s10 =	sld [smem:$0x3FB0];
	_ =	sdelay $0x3  }
0x34: {  	[smem:$0x3FB0] =	sst s10  }
0x35: {  	s10 =	sld [smem:$0x3FAF];
	_ =	sdelay $0x3  }
0x36: {  	p1 =	seq.s32 s10, $0x1;
	s10 =	sld [smem:$0x3FB0];
	_ =	sdelay $0x3  }
0x37: {  	[smem:$0x3FB0] =	sst s10  }
0x38: {  	s10 =	sld [smem:$0x3FB1]  }
0x39: {  	_ = 	snop;
	(pc) =	sbr.ind lr, $3  }
0x3a: {  	_ = 	snop  }
0x3b: {  	_ = 	snop  }
0x3c: {  	p2 =	seq.s32 s10, $0x1;
	s10 =	sld [smem:$0x3FB0]  }
0x3d: {  	_ =	shalt  }
0x3e: {  	_ =	shalt  }
0x3f: {  	_ =	shalt  }
0x40: {  	_ =	shalt  }
0x41: {  	_ =	shalt  }
0x42: {  	_ =	shalt  }
0x43: {  	_ =	shalt  }
0x44: {  	_ =	shalt  }
0x45: {  	_ =	shalt  }
0x46: {  	_ =	shalt  }
0x47: {  	_ =	shalt  }
0x48: {  	_ =	shalt  }
0x49: {  	_ =	shalt  }
0x4a: {  	_ =	shalt  }
0x4b: {  	_ =	shalt  }
0x4c: {  	_ =	shalt  }
0x4d: {  	_ =	shalt  }
0x4e: {  	_ =	shalt  }
0x4f: {  	_ =	shalt  }
0x50: {  	_ =	shalt  }
0x51: {  	_ =	shalt  }
0x52: {  	_ =	shalt  }
0x53: {  	_ =	shalt  }
0x54: {  	_ =	shalt  }
0x55: {  	_ =	shalt  }
0x56: {  	_ =	shalt  }
0x57: {  	_ =	shalt  }
0x58: {  	_ =	shalt  }
0x59: {  	_ =	shalt  }
0x5a: {  	_ =	shalt  }
0x5b: {  	_ =	shalt  }
0x5c: {  	_ =	shalt  }
0x5d: {  	_ =	shalt  }
0x5e: {  	_ =	shalt  }
0x5f: {  	_ =	shalt  }
0x60: {  	_ =	shalt  }
0x61: {  	_ =	shalt  }
0x62: {  	_ =	shalt  }
0x63: {  	_ =	shalt  }
0x64: {  	_ =	shalt  }
0x65: {  	_ =	shalt  }
0x66: {  	_ =	shalt  }
0x67: {  	_ =	shalt  }
0x68: {  	_ =	shalt  }
0x69: {  	_ =	shalt  }
0x6a: {  	_ =	shalt  }
0x6b: {  	_ =	shalt  }
0x6c: {  	_ =	shalt  }
0x6d: {  	_ =	shalt  }
0x6e: {  	_ =	shalt  }
0x6f: {  	_ =	shalt  }
0x70: {  	_ =	shalt  }
0x71: {  	_ =	shalt  }
0x72: {  	_ =	shalt  }
0x73: {  	_ =	shalt  }
0x74: {  	_ =	shalt  }
0x75: {  	_ =	shalt  }
0x76: {  	_ =	shalt  }
0x77: {  	_ =	shalt  }
0x78: {  	_ =	shalt  }
0x79: {  	_ =	shalt  }
0x7a: {  	_ =	shalt  }
0x7b: {  	_ =	shalt  }
0x7c: {  	_ =	shalt  }
0x7d: {  	_ =	shalt  }
0x7e: {  	_ =	shalt  }
0x7f: {  	_ =	shalt  }
0x80: {  	_ =	shalt  }
0x81: {  	_ =	shalt  }
0x82: {  	_ =	shalt  }
0x83: {  	_ =	shalt  }
0x84: {  	_ =	shalt  }
0x85: {  	_ =	shalt  }
0x86: {  	_ =	shalt  }
0x87: {  	_ =	shalt  }
.Lfunc_end0:
.L_simem_size_0:
called_computation.1_lowered:
.L_overlay_start_0:
0x88: {  	s2 =	sld [smem:$0x3FD9]  }
0x89: {  	s3 =	sld [smem:$0x3FFE];
	_ =	sdelay $0x1  }
0x8a: {  	s1 =	srdreg.scid  }
0x8b: {  	s0 =	sand.u32 $0x1, s1  }
0x8c: {  	s16 =	sshll.u32 s0, $0xA;
	s2 =	sadd.s32 s3, s2  }
0x8d: {  	s2 =	sadd.s32 s2, s16  }
0x8e: {  	[smem:$0x3FBC] =	sst s2  }
0x8f: {  	_ = 	snop  }
0x90: {  	(tm) =	ssettm $0x1  }
0x91: {  	s17 =	sld [smem:$0x3FFB];
	_ =	sdelay $0x3  }
0x92: {  	_ =	strace s17  }
0x93: {  	s2 =	sld [smem:$0x3FFC];
	_ =	sdelay $0x3  }
0x94: {  	_ =	strace s2  }
0x95: {  	s2 =	sld [smem:$0x3FFD];
	_ =	sdelay $0x3  }
0x96: {  	_ =	strace s2  }
0x97: {  	_ =	strace $0x8FFFFFFF  }
0x98: {  	s18 =	sld [smem:$0x3FDB];
	_ =	sdelay $0x1  }
0x99: {  	s19 =	simm.s32 $_scs_section_size  }
0x9a: {  	s4 =	simm.s32 $_size__tile_overlayer_lowered;
	s5 =	simm.s32 $_tile_overlayer_lowered  }
0x9b: {  	s22 =	simm.s32 $0x1BFF;
	s21 =	sshll.u32 s5, $0x1;
	s2 =	sadd.s32 s19, s18  }
0x9c: {  	s6 =	simm.s32 $0x0;
	s20 =	sshll.u32 s4, $0x1;
	s4 =	sadd.s32 s21, s2  }
0x9d: {  	[timem:s6], [sflag:s22] =	dma.local [hbm:s4], s20  }
0x9e: {  	_ =	swait.ge [sflag:s22], s20  }
0x9f: {  	s3 =	ssub.s32 $0x0, s20;
	[sflag:s22] =	ssyncset.done $0x0  }
0xa0: {  	[sflag:s22] =	ssyncadd.s32 s3;
	_ =	sdelay $0x1  }
0xa1: {  	s23 =	simm.s32 $0x1B8B  }
0xa2: {  	_ =	swait.ge [sflag:s23], $0x1  }
0xa3: {  	[sflag:s23] =	ssyncset.done $0x0  }
0xa4: {  	s25 =	simm.s32 $0x1B8E;
	s24 =	sld [smem:$0x3FFE];
	[sflag:s23] =	ssyncadd.s32 $0xFFFFFFFF  }
0xa5: {  	s26 =	simm.s32 $execute0_lowered;
	[smem:$0x3FD2] =	sst s25  }
0xa6: {  	s4 =	sshll.u32 s26, $0x1;
	_ =	strace $0x80000049;
	[dreg:$0x1] =	wrdreg $0xFFFFFFFF  }
0xa7: {  	s28 =	simm.s32 $_size_execute0_lowered;
	s2 =	sadd.s32 s2, s4;
	[dreg:$0x0] =	wrdreg $0x0  }
0xa8: {  	s4 =	sshll.u32 s28, $0x1;
	[dreg:$0x2] =	wrdreg s2  }
0xa9: {  	[dreg:$0x3] =	wrdreg s4  }
0xaa: {  	[dreg:$0x4] =	wrdreg $0xC0  }
0xab: {  	_ =	task [dreg:s6], $0x5FFFF  }
0xac: {  	[dreg:$0x1] =	wrdreg $0xFFFFFFFF  }
0xad: {  	[dreg:$0x0] =	wrdreg $0x60  }
0xae: {  	[dreg:$0x2] =	wrdreg s24  }
0xaf: {  	[dreg:$0x3] =	wrdreg $0x8F800  }
0xb0: {  	[dreg:$0x4] =	wrdreg $0x1CF800  }
0xb1: {  	[dreg:$0x5] =	wrdreg $0x9  }
0xb2: {  	_ =	task.clear_ibuf [dreg:s6], $0x6FFFF;
	_ =	strace $0x90000049  }
0xb3: {  	s29 =	simm.s32 $0x9;
	_ =	strace $0x8000004B  }
0xb4: {  	_ =	swait.ge [sflag:s29], $0x1  }
0xb5: {  	[sflag:s29] =	ssyncadd.s32 $0xFFFFFFFF  }
0xb6: {  	_ =	strace $0x9000004B  }
0xb7: {  	_ =	sfence  }
0xb8: {  	s30 =	sld [smem:$0x0];
	_ =	sdelay $0x2  }
0xb9: {  	s31 =	sshll.u32 s1, $0xD;
	s1 =	sshrl.u32 s1, $0x2  }
0xba: {  	s3 =	sand.u32 $0x4000, s31;
	s1 =	sadd.s32 s1, s30  }
0xbb: {  	s0 =	sor.u32 s3, s0;
	s1 =	sshll.u32 s1, $0x11  }
0xbc: {  	s0 =	sor.u32 s1, s0  }
0xbd: {  	s0 =	sadd.s32 $0x8F2B, s0  }
0xbe: {  	[sflag:s0] =	ssyncadd.remote.s32 $0x1  }
0xbf: {  	_ =	sfence.sel $0xFFFF  }
0xc0: {  	[dreg:$0x0] =	wrdreg $0xFFFFFFFF;
	(pc) =	sbr.abs _section_cstart, $3  }
0xc1: {  	[dreg:$0x1] =	wrdreg $0xFFFFFFFF  }
0xc2: {  	_ =	task.clear_ibuf [dreg:s6], $0x2FFFF;
	_ =	strace $0x9FFFFFFF  }
0xc3: {  	(tm) =	ssettm $0x7FFFFFFF  }
tec
execute0_lowered:
.L_overlay_start_1:
0x0: {  	(tag) =	ssettag $0x1  }
0x1: {  	s0 =	rddreg [dreg:$0x0]  }
0x2: {  	s2 =	rddreg [dreg:$0x1]  }
0x3: {  	s3 =	rddreg [dreg:$0x2]  }
0x4: {  	s1 =	srdreg.scid;
	s16 =	stileid.u32;
	s23 =	simm.s32 $0x0  }
0x5: {  	s28 =	simm.s32 $0x2;
	s1 =	sand.u32 $0x1, s1;
	s4 =	smul.u32 $0x14000, s16  }
0x6: {  	[smem:$0x7FF] =	sst s23;
	s5 =	sadd.s32 $0x2E00, s0;
	s10 =	smul.u32 $0x2800, s16  }
0x7: {  	s6 =	sadd.s32 $0x2FE00, s0;
	s8 =	sadd.s32 $0x84E00, s0;
	s29 =	smul.u32 $0x280, s16  }
0x8: {  	s14 =	sshll.u32 s16, $0x1;
	s7 =	smul.u32 $0x140000, s1;
	_ =	strace $0x8000004A  }
0x9: {  	s11 =	smul.u32 $0x28000, s1;
	s13 =	ssub.s32 $0x2, s1;
	s1 =	sor.u32 s1, s14  }
0xa: {  	s15 =	sshrl.u32 s13, $0x1;
	s1 =	smul.u32 $0x2840, s1;
	s30 =	sadd.s32 s4, s2  }
0xb: {  	s31 =	sadd.s32 s10, s3;
	s16 =	sor.u32 $0x70, s29;
	s18 =	sadd.s32 $0xE0, s29  }
0xc: {  	s21 =	sadd.s32 $0x150, s29;
	s25 =	sadd.s32 $0x1C0, s29;
	s29 =	sadd.s32 $0x230, s29  }
0xd: {  	s9 =	sadd.s32 s4, s7;
	s7 =	sadd.s32 $0x2AE00, s0;
	s11 =	sadd.s32 s10, s11  }
0xe: {  	s17 =	sshll.u32 s16, $0x7;
	s4 =	sshll.u32 s16, $0x4;
	s19 =	sshll.u32 s18, $0x7  }
0xf: {  	s20 =	sshll.u32 s18, $0x4;
	s22 =	sshll.u32 s21, $0x7;
	[dreg:$0x5] =	wrdreg s30  }
0x10: {  	s26 =	sshll.u32 s25, $0x7;
	[dreg:$0x6] =	wrdreg s31;
	s12 =	sshrl.u32 s9, $0x3  }
0x11: {  	s9 =	sadd.s32 $0x8F000, s0;
	s11 =	sshrl.u32 s11, $0x3;
	s10 =	sadd.s32 s17, s2  }
0x12: {  	s4 =	sadd.s32 s4, s3;
	s12 =	sadd.s32 s12, s0;
	[dreg:$0x7] =	wrdreg s10  }
0x13: {  	s0 =	sadd.s32 s11, s0;
	[dreg:$0x8] =	wrdreg s4;
	s4 =	sadd.s32 s19, s2  }
0x14: {  	s10 =	sshll.u32 s21, $0x4;
	[dreg:$0x9] =	wrdreg s4;
	s4 =	sadd.s32 s20, s3  }
0x15: {  	s11 =	ssub.s32 s13, s15;
	s24 =	sadd.s32 s10, s3;
	[dreg:$0xa] =	wrdreg s4  }
0x16: {  	s15 =	sshrl.u32 s1, $0x3;
	s10 =	sadd.s32 s26, s2;
	[dreg:$0xc] =	wrdreg s24  }
0x17: {  	s14 =	sshll.u32 s29, $0x4;
	s16 =	sadd.s32 s8, s15;
	[dreg:$0xd] =	wrdreg s10  }
0x18: {  	s17 =	sadd.s32 $0xE, s15;
	s18 =	sadd.s32 s9, s15;
	[dreg:$0x11] =	wrdreg s16  }
0x19: {  	s26 =	sadd.s32 $0x99200, s12;
	s0 =	sadd.s32 $0x34E00, s0;
	[dreg:$0x12] =	wrdreg s18  }
0x1a: {  	s12 =	simm.s32 $0x7A80;
	s4 =	sadd.s32 s22, s2;
	[dreg:$0x1b] =	wrdreg s26  }
0x1b: {  	s10 =	sshll.u32 s29, $0x7;
	s19 =	sadd.s32 s8, s17;
	[dreg:$0x1c] =	wrdreg s0  }
0x1c: {  	s22 =	sadd.s32 $0x150, s1;
	s24 =	sadd.s32 $0x1C0, s1;
	[dreg:$0xb] =	wrdreg s4  }
0x1d: {  	s29 =	smax.u32 s11, $0x1;
	s16 =	simm.s32 $0x7380;
	[dreg:$0x13] =	wrdreg s19  }
0x1e: {  	s18 =	simm.s32 $0x70;
	s26 =	simm.s32 $0x310;
	[dreg:$0x17] =	wrdreg s22  }
0x1f: {  	s11 =	simm.s32 $0x3;
	s4 =	sshll.u32 s25, $0x4;
	[dreg:$0x18] =	wrdreg s24  }
0x20: {  	s25 =	sadd.s32 $0x230, s1;
	s1 =	sadd.s32 $0x2A0, s1;
	[dreg:$0x1d] =	wrdreg s29  }
0x21: {  	s19 =	simm.s32 $0x230;
	s22 =	simm.s32 $0x1;
	[dreg:$0x19] =	wrdreg s25  }
0x22: {  	s24 =	simm.s32 $0x5;
	s4 =	sadd.s32 s4, s3;
	[dreg:$0x1a] =	wrdreg s1  }
0x23: {  	s25 =	simm.s32 $0x150;
	s1 =	simm.s32 $0x3B80;
	[dreg:$0xe] =	wrdreg s4  }
0x24: {  	s4 =	sadd.s32 s10, s2;
	s10 =	sadd.s32 $0x1C, s15;
	s15 =	simm.s32 $0x7  }
0x25: {  	[dreg:$0xf] =	wrdreg s4;
	s4 =	sadd.s32 s14, s3;
	s20 =	sadd.s32 s8, s10  }
0x26: {  	s21 =	sadd.s32 s9, s10;
	s14 =	simm.s32 $0x380;
	[dreg:$0x10] =	wrdreg s4  }
0x27: {  	s10 =	simm.s32 $0x6;
	s4 =	sadd.s32 s9, s17;
	[dreg:$0x15] =	wrdreg s20  }
0x28: {  	[dreg:$0x16] =	wrdreg s21;
	s17 =	simm.s32 $0x1C0;
	s20 =	simm.s32 $0xE0  }
0x29: {  	v0 =	vimm.f32 $0.0e+00;
	s21 =	simm.s32 $0x2A0;
	[dreg:$0x14] =	wrdreg s4;
	s4 =	simm.s32 $0x4  }
.LBB2_1:
0x2a: {  	s0 =	simm.s32 $0x3C0  }
0x2b: {  	s13 =	simm.s32 $0x3BC0;
	[tilespmem:s0+$0xFFFFFFC0] =	vst v0  }
0x2c: {  	[tilespmem:s13+$0xFFFFFFC0] =	vst v0  }
0x2d: {  	[tilespmem:s0+$0xFFFFFFD0] =	vst v0  }
0x2e: {  	[tilespmem:s13+$0xFFFFFFD0] =	vst v0  }
0x2f: {  	[tilespmem:s0+$0xFFFFFFE0] =	vst v0  }
0x30: {  	[tilespmem:s13+$0xFFFFFFE0] =	vst v0  }
0x31: {  	[tilespmem:s0+$0xFFFFFFF0] =	vst v0  }
0x32: {  	[tilespmem:s13+$0xFFFFFFF0] =	vst v0  }
0x33: {  	[tilespmem:s0+$0x0] =	vst v0  }
0x34: {  	[tilespmem:s13+$0x0] =	vst v0  }
0x35: {  	[tilespmem:s0+$0x10] =	vst v0  }
0x36: {  	[tilespmem:s13+$0x10] =	vst v0  }
0x37: {  	[tilespmem:s0+$0x20] =	vst v0  }
0x38: {  	[tilespmem:s13+$0x20] =	vst v0  }
0x39: {  	[tilespmem:s0+$0x30] =	vst v0  }
0x3a: {  	[dreg:$0x4] =	wrdreg s23;
	s29 =	simm.s32 $0x0;
	s23 =	simm.s32 $0x40;
	[tilespmem:s13+$0x30] =	vst v0  }
.LBB2_2:
0x3b: {  	p0 =	sne.s32 s23, $0x1BC0;
	[tilespmem:s29+$0x7380] =	vst v0  }
0x3c: {  	s0 =	sadd.s32 $0x80, s0;
	[tilespmem:s29+$0x7A80] =	vst v0  }
0x3d: {  	s13 =	sadd.s32 $0x80, s13;
	[tilespmem:s0+$0xFFFFFFC0] =	vst v0  }
0x3e: {  	[tilespmem:s13+$0xFFFFFFC0] =	vst v0  }
0x3f: {  	[tilespmem:s0+$0xFFFFFFD0] =	vst v0  }
0x40: {  	[tilespmem:s13+$0xFFFFFFD0] =	vst v0  }
0x41: {  	[tilespmem:s0+$0xFFFFFFE0] =	vst v0  }
0x42: {  	[tilespmem:s13+$0xFFFFFFE0] =	vst v0  }
0x43: {  	[tilespmem:s0+$0xFFFFFFF0] =	vst v0  }
0x44: {  	[tilespmem:s13+$0xFFFFFFF0] =	vst v0  }
0x45: {  	[tilespmem:s0+$0x0] =	vst v0  }
0x46: {  	[tilespmem:s13+$0x0] =	vst v0  }
0x47: {  	[tilespmem:s0+$0x10] =	vst v0  }
.Ltmp0:
0x48: {  	[tilespmem:s13+$0x10] =	vst v0;
	(pc) =	sbr.rel @p0 .LBB2_2-.Ltmp0, $4  }
0x49: {  	[tilespmem:s0+$0x20] =	vst v0  }
0x4a: {  	[tilespmem:s13+$0x20] =	vst v0  }
0x4b: {  	[tilespmem:s0+$0x30] =	vst v0  }
0x4c: {  	s29 =	sshra.s32 s23, $0x2;
	s23 =	sadd.s32 $0x40, s23;
	[tilespmem:s13+$0x30] =	vst v0  }
0x4d: {  	[tilespmem:s29+$0x7380] =	vst v0  }
0x4e: {  	[tilespmem:s29+$0x7A80] =	vst v0  }
0x4f: {  	[spmem:s30] =	stream.linear.scatter [tilespmem:s14], [sflag:$0x7], $0x3800, $0x38;
	[tilespmem:$0x1F780] =	vst v63  }
0x50: {  	_ =	swait.ge [sflag:s15], $0x3800  }
0x51: {  	[sflag:s15] =	ssyncset.done $0x0  }
0x52: {  	[sflag:s15] =	ssyncadd.s32 $0xFFFFC800  }
0x53: {  	[spmem:s31] =	stream.linear.scatter [tilespmem:s16], [sflag:$0x7], $0x700, $0x38;
	[tilespmem:$0x1F780] =	vst v63  }
0x54: {  	_ =	swait.ge [sflag:s15], $0x700  }
0x55: {  	[sflag:s15] =	ssyncset.done $0x0  }
0x56: {  	s0 =	rddreg [dreg:$0x7];
	[sflag:s15] =	ssyncadd.s32 $0xFFFFF900  }
0x57: {  	[spmem:s0] =	stream.linear.scatter [tilespmem:s14], [sflag:$0x7], $0x3800, $0x38;
	[tilespmem:$0x1F780] =	vst v63  }
0x58: {  	_ =	swait.ge [sflag:s15], $0x3800  }
0x59: {  	[sflag:s15] =	ssyncset.done $0x0  }
0x5a: {  	s29 =	rddreg [dreg:$0x8];
	[sflag:s15] =	ssyncadd.s32 $0xFFFFC800  }
0x5b: {  	[spmem:s29] =	stream.linear.scatter [tilespmem:s16], [sflag:$0x7], $0x700, $0x38;
	[tilespmem:$0x1F780] =	vst v63  }
0x5c: {  	_ =	swait.ge [sflag:s15], $0x700  }
0x5d: {  	[sflag:s15] =	ssyncset.done $0x0  }
0x5e: {  	s31 =	rddreg [dreg:$0x9];
	[sflag:s15] =	ssyncadd.s32 $0xFFFFF900  }
0x5f: {  	[spmem:s31] =	stream.linear.scatter [tilespmem:s14], [sflag:$0x7], $0x3800, $0x38;
	[tilespmem:$0x1F780] =	vst v63  }
0x60: {  	_ =	swait.ge [sflag:s15], $0x3800  }
0x61: {  	[sflag:s15] =	ssyncset.done $0x0  }
0x62: {  	s13 =	rddreg [dreg:$0xa];
	[sflag:s15] =	ssyncadd.s32 $0xFFFFC800  }
0x63: {  	[spmem:s13] =	stream.linear.scatter [tilespmem:s16], [sflag:$0x7], $0x700, $0x38;
	[tilespmem:$0x1F780] =	vst v63  }
0x64: {  	_ =	swait.ge [sflag:s15], $0x700  }
0x65: {  	[sflag:s15] =	ssyncset.done $0x0  }
0x66: {  	s23 =	rddreg [dreg:$0xb];
	[sflag:s15] =	ssyncadd.s32 $0xFFFFF900  }
0x67: {  	[spmem:s23] =	stream.linear.scatter [tilespmem:s14], [sflag:$0x7], $0x3800, $0x38;
	[tilespmem:$0x1F780] =	vst v63  }
0x68: {  	_ =	swait.ge [sflag:s15], $0x3800  }
0x69: {  	[sflag:s15] =	ssyncset.done $0x0  }
0x6a: {  	s29 =	rddreg [dreg:$0xc];
	[sflag:s15] =	ssyncadd.s32 $0xFFFFC800  }
0x6b: {  	[spmem:s29] =	stream.linear.scatter [tilespmem:s16], [sflag:$0x7], $0x700, $0x38;
	[tilespmem:$0x1F780] =	vst v63  }
0x6c: {  	_ =	swait.ge [sflag:s15], $0x700  }
0x6d: {  	[sflag:s15] =	ssyncset.done $0x0  }
0x6e: {  	s31 =	rddreg [dreg:$0xd];
	[sflag:s15] =	ssyncadd.s32 $0xFFFFF900  }
0x6f: {  	[spmem:s31] =	stream.linear.scatter [tilespmem:s14], [sflag:$0x7], $0x3800, $0x38;
	[tilespmem:$0x1F780] =	vst v63  }
0x70: {  	_ =	swait.ge [sflag:s15], $0x3800  }
0x71: {  	[sflag:s15] =	ssyncset.done $0x0  }
0x72: {  	s13 =	rddreg [dreg:$0xe];
	[sflag:s15] =	ssyncadd.s32 $0xFFFFC800  }
0x73: {  	[spmem:s13] =	stream.linear.scatter [tilespmem:s16], [sflag:$0x7], $0x700, $0x38;
	[tilespmem:$0x1F780] =	vst v63  }
0x74: {  	_ =	swait.ge [sflag:s15], $0x700  }
0x75: {  	[sflag:s15] =	ssyncset.done $0x0  }
0x76: {  	s23 =	rddreg [dreg:$0xf];
	[sflag:s15] =	ssyncadd.s32 $0xFFFFF900  }
0x77: {  	[spmem:s23] =	stream.linear.scatter [tilespmem:s14], [sflag:$0x7], $0x2800, $0x38;
	[tilespmem:$0x1F780] =	vst v63  }
0x78: {  	_ =	swait.ge [sflag:s15], $0x2800  }
0x79: {  	[sflag:s15] =	ssyncset.done $0x0  }
0x7a: {  	s29 =	rddreg [dreg:$0x10];
	[sflag:s15] =	ssyncadd.s32 $0xFFFFD800  }
0x7b: {  	[spmem:s29] =	stream.linear.scatter [tilespmem:s16], [sflag:$0x7], $0x500, $0x38;
	[tilespmem:$0x1F780] =	vst v63  }
0x7c: {  	_ =	swait.ge [sflag:s15], $0x500  }
0x7d: {  	[sflag:s15] =	ssyncset.done $0x0  }
0x7e: {  	[sflag:s15] =	ssyncadd.s32 $0xFFFFFB00  }
0x7f: {  	[bflag:$0x0] =	sbarrier.arrive $0xFFFF  }
0x80: {  	s13 =	simm.s32 $0x0;
	s31 =	rddreg [dreg:$0x11]  }
0x81: {  	[tilespmem:s13], [sflag:$0x1] =	stream.linear.gather [hbm4b:s31+s13], $0x70, $0x38;
	[tilespmem:$0x1F780] =	vst v63  }
0x82: {  	s23 =	rddreg [dreg:$0x12]  }
0x83: {  	[tilespmem:s17], [sflag:$0x1] =	stream.linear.gather [hbm4b:s23+s13], $0x70, $0x38;
	[tilespmem:$0x1F780] =	vst v63  }
0x84: {  	s29 =	rddreg [dreg:$0x13]  }
0x85: {  	[tilespmem:s18], [sflag:$0x2] =	stream.linear.gather [hbm4b:s29+s13], $0x70, $0x38;
	[tilespmem:$0x1F780] =	vst v63  }
0x86: {  	s31 =	rddreg [dreg:$0x14]  }
0x87: {  	[tilespmem:s19], [sflag:$0x2] =	stream.linear.gather [hbm4b:s31+s13], $0x70, $0x38;
	[tilespmem:$0x1F780] =	vst v63  }
0x88: {  	s23 =	rddreg [dreg:$0x15]  }
0x89: {  	[tilespmem:s20], [sflag:$0x3] =	stream.linear.gather [hbm4b:s23+s13], $0x70, $0x38;
	[tilespmem:$0x1F780] =	vst v63  }
0x8a: {  	s29 =	rddreg [dreg:$0x16]  }
0x8b: {  	[tilespmem:s21], [sflag:$0x3] =	stream.linear.gather [hbm4b:s29+s13], $0x70, $0x38;
	[tilespmem:$0x1F780] =	vst v63  }
0x8c: {  	_ =	swait.ge [sflag:s22], $0x70  }
0x8d: {  	[sflag:s22] =	ssyncset.done $0x0  }
0x8e: {  	[sflag:s22] =	ssyncadd.s32 $0xFFFFFF90  }
0x8f: {  	_ =	swait.ge [sflag:s22], $0x70  }
0x90: {  	[sflag:s22] =	ssyncset.done $0x0  }
0x91: {  	[sflag:s22] =	ssyncadd.s32 $0xFFFFFF90  }
0x92: {  	[tilespmem:s14], [sflag:$0x5] =	stream.indirect.gather [hbm4b:s5+s18], $0x80, s13, s18, $0xb8;
	[tilespmem:$0x1F780] =	vst v63  }
0x93: {  	_ = 	snop  }
0x94: {  	[tilespmem:s16], [sflag:$0x5] =	stream.indirect.gather [hbm4b:s6+s18], $0x10, s13, s18, $0xb8;
	[tilespmem:$0x1F780] =	vst v63  }
0x95: {  	s30 =	simm.s32 $0x0;
	s31 =	simm.s32 $0x8180  }
0x96: {  	[tilespmem:s31], [sflag:$0x5] =	stream.indirect.gather [hbm4b:s7+s18], $0x10, s17, s18, $0xb8;
	[tilespmem:$0x1F780] =	vst v63  }
.LBB2_4:
0x97: {  	_ =	swait.ge [sflag:s24], $0x3800  }
0x98: {  	[sflag:s24] =	ssyncset.done $0x0  }
0x99: {  	[sflag:s24] =	ssyncadd.s32 $0xFFFFC800  }
0x9a: {  	_ =	swait.ge [sflag:s24], $0x700  }
0x9b: {  	[sflag:s24] =	ssyncset.done $0x0  }
0x9c: {  	[sflag:s24] =	ssyncadd.s32 $0xFFFFF900  }
0x9d: {  	s0 =	smul.u32 $0x1C0, s30;
	_ =	swait.ge [sflag:s24], $0x700  }
0x9e: {  	s13 =	rddreg [dreg:$0x17]  }
0x9f: {  	s0 =	sadd.s32 s0, s13  }
0xa0: {  	[sflag:s24] =	ssyncset.done $0x0;
	s0 =	sshrl.u32 s0, $0x3  }
0xa1: {  	s23 =	simm.s32 $0x0;
	[sflag:s24] =	ssyncadd.s32 $0xFFFFF900;
	s29 =	sadd.s32 s8, s0  }
0xa2: {  	[tilespmem:s25], [sflag:$0x4] =	stream.linear.gather [hbm4b:s29+s23], $0x70, $0x38;
	[tilespmem:$0x1F780] =	vst v63  }
0xa3: {  	s0 =	sadd.s32 s9, s0  }
0xa4: {  	[tilespmem:s26], [sflag:$0x4] =	stream.linear.gather [hbm4b:s0+s23], $0x70, $0x38;
	[tilespmem:$0x1F780] =	vst v63  }
0xa5: {  	_ =	swait.ge [sflag:s28], $0x70  }
0xa6: {  	[sflag:s28] =	ssyncset.done $0x0  }
0xa7: {  	[sflag:s28] =	ssyncadd.s32 $0xFFFFFF90  }
0xa8: {  	_ =	swait.ge [sflag:s28], $0x70  }
0xa9: {  	[sflag:s28] =	ssyncset.done $0x0  }
0xaa: {  	[sflag:s28] =	ssyncadd.s32 $0xFFFFFF90  }
0xab: {  	[tilespmem:s1], [sflag:$0x6] =	stream.indirect.gather [hbm4b:s5+s18], $0x80, s18, s18, $0xb8;
	[tilespmem:$0x1F780] =	vst v63  }
0xac: {  	_ = 	snop  }
0xad: {  	[tilespmem:s12], [sflag:$0x6] =	stream.indirect.gather [hbm4b:s6+s18], $0x10, s18, s18, $0xb8;
	[tilespmem:$0x1F780] =	vst v63  }
0xae: {  	s29 =	simm.s32 $0x0;
	s23 =	simm.s32 $0x8880  }
0xaf: {  	[tilespmem:s23], [sflag:$0x6] =	stream.indirect.gather [hbm4b:s7+s18], $0x10, s19, s18, $0xb8;
	[tilespmem:$0x1F780] =	vst v63  }
0xb0: {  	v1 =	vld [tilespmem:s29+$0x7380]  }
0xb1: {  	v2 =	vld [tilespmem:s29+$0x8180];
	_ =	sdelay $0x4  }
0xb2: {  	v1 =	vadd.f32 v2, v1;
	_ =	sdelay $0x1  }
0xb3: {  	v2 =	vmul.f32 $2.000000030e-01, v1  }
0xb4: {  	vm0 =	vge.f32 v1, $0.0e+00  }
0xb5: {  	v1 =	vsel vm0, v1, v2  }
0xb6: {  	v1 =	vmul.f32 $1.442695020e+00, v1;
	_ =	sdelay $0x1  }
0xb7: {  	(erf) = vpow2.f32 v1;
	_ =	sdelay $0x8  }
0xb8: {  	v2 =	vpop (erf)  }
0xb9: {  	s31 =	simm.s32 $0x3C0;
	[tilespmem:s29+$0x7380] =	vst v2  }
0xba: {  	v10 =	vld [tilespmem:s31+$0x30]  }
0xbb: {  	v9 =	vld [tilespmem:s31+$0xFFFFFFE0]  }
0xbc: {  	v7 =	vld [tilespmem:s31+$0x10]  }
0xbd: {  	v4 =	vbroadcast v2, $0x3;
	v3 =	vld [tilespmem:s31+$0x20]  }
0xbe: {  	v1 =	vbroadcast v2, $0x1;
	v5 =	vld [tilespmem:s31+$0xFFFFFFD0]  }
0xbf: {  	s13 =	simm.s32 $0x3C0;
	s0 =	simm.s32 $0x40;
	v8 =	vbroadcast v2, $0x2;
	v6 =	vld [tilespmem:s31+$0x0];
	v10 =	vmul.f32 v10, v4  }
.LBB2_5:
0xc0: {  	p0 =	sne.s32 s0, $0x1BC0  }
0xc1: {  	v9 =	vmul.f32 v1, v9;
	v11 =	vld [tilespmem:s31+$0xFFFFFFF0];
	s13 =	sadd.s32 $0x80, s13;
	s23 =	smov.u32 s0;
	s0 =	sadd.s32 $0x40, s0  }
0xc2: {  	v2 =	vbroadcast v2, $0x0;
	v12 =	vld [tilespmem:s31+$0xFFFFFFC0];
	v7 =	vmul.f32 v7, v8;
	[tilespmem:s31+$0x30] =	vst v10  }
0xc3: {  	[tilespmem:s31+$0xFFFFFFE0] =	vst v9;
	v3 =	vmul.f32 v3, v4  }
0xc4: {  	v4 =	vmul.f32 v2, v5;
	[tilespmem:s31+$0x10] =	vst v7  }
0xc5: {  	v5 =	vmul.f32 v6, v8;
	[tilespmem:s31+$0x20] =	vst v3  }
0xc6: {  	[tilespmem:s31+$0xFFFFFFD0] =	vst v4;
	v1 =	vmul.f32 v11, v1  }
0xc7: {  	v2 =	vmul.f32 v2, v12;
	[tilespmem:s31+$0x0] =	vst v5  }
0xc8: {  	[tilespmem:s31+$0xFFFFFFF0] =	vst v1  }
0xc9: {  	s23 =	sshra.s32 s23, $0x2;
	[tilespmem:s31+$0xFFFFFFC0] =	vst v2;
	s31 =	smov.u32 s13  }
0xca: {  	v1 =	vld [tilespmem:s23+$0x7380]  }
0xcb: {  	v2 =	vld [tilespmem:s23+$0x8180];
	_ =	sdelay $0x4  }
0xcc: {  	v1 =	vadd.f32 v2, v1;
	_ =	sdelay $0x1  }
0xcd: {  	vm0 =	vge.f32 v1, $0.0e+00;
	v2 =	vmul.f32 $2.000000030e-01, v1;
	_ =	sdelay $0x1  }
0xce: {  	v1 =	vsel vm0, v1, v2  }
0xcf: {  	v1 =	vmul.f32 $1.442695020e+00, v1;
	_ =	sdelay $0x1  }
0xd0: {  	(erf) = vpow2.f32 v1;
	_ =	sdelay $0x8  }
0xd1: {  	v2 =	vpop (erf)  }
0xd2: {  	[tilespmem:s23+$0x7380] =	vst v2  }
0xd3: {  	v10 =	vld [tilespmem:s13+$0x30]  }
.Ltmp1:
0xd4: {  	v9 =	vld [tilespmem:s13+$0xFFFFFFE0];
	(pc) =	sbr.rel @p0 .LBB2_5-.Ltmp1, $4  }
0xd5: {  	v7 =	vld [tilespmem:s13+$0x10]  }
0xd6: {  	v4 =	vbroadcast v2, $0x3;
	v3 =	vld [tilespmem:s13+$0x20]  }
0xd7: {  	v1 =	vbroadcast v2, $0x1;
	v5 =	vld [tilespmem:s13+$0xFFFFFFD0]  }
0xd8: {  	v8 =	vbroadcast v2, $0x2;
	v6 =	vld [tilespmem:s13+$0x0];
	v10 =	vmul.f32 v10, v4  }
0xd9: {  	v9 =	vmul.f32 v1, v9;
	v11 =	vld [tilespmem:s31+$0xFFFFFFF0]  }
0xda: {  	v12 =	vld [tilespmem:s31+$0xFFFFFFC0];
	v2 =	vbroadcast v2, $0x0;
	v7 =	vmul.f32 v7, v8;
	[tilespmem:s31+$0x30] =	vst v10  }
0xdb: {  	[tilespmem:s31+$0xFFFFFFE0] =	vst v9;
	v3 =	vmul.f32 v3, v4  }
0xdc: {  	v4 =	vmul.f32 v2, v5;
	[tilespmem:s31+$0x10] =	vst v7  }
0xdd: {  	v5 =	vmul.f32 v6, v8;
	[tilespmem:s31+$0x20] =	vst v3  }
0xde: {  	[tilespmem:s31+$0xFFFFFFD0] =	vst v4;
	v1 =	vmul.f32 v11, v1  }
0xdf: {  	v2 =	vmul.f32 v2, v12;
	[tilespmem:s31+$0x0] =	vst v5  }
0xe0: {  	[tilespmem:s31+$0xFFFFFFF0] =	vst v1  }
0xe1: {  	[tilespmem:s31+$0xFFFFFFC0] =	vst v2  }
0xe2: {  	[spmem:s2] =	stream.indirect.scatter.add.f32 [tilespmem:s14], [sflag:$0x7], $0x80, s17, s18, $0xb8;
	[tilespmem:$0x1F780] =	vst v63  }
0xe3: {  	_ =	swait.ge [sflag:s15], $0x3800  }
0xe4: {  	[sflag:s15] =	ssyncset.done $0x0  }
0xe5: {  	[sflag:s15] =	ssyncadd.s32 $0xFFFFC800  }
0xe6: {  	[spmem:s3] =	stream.indirect.scatter.add.f32 [tilespmem:s16], [sflag:$0x7], $0x10, s17, s18, $0xb8;
	[tilespmem:$0x1F780] =	vst v63  }
0xe7: {  	_ =	swait.ge [sflag:s15], $0x700  }
0xe8: {  	[sflag:s15] =	ssyncset.done $0x0  }
0xe9: {  	[sflag:s15] =	ssyncadd.s32 $0xFFFFF900  }
0xea: {  	_ =	swait.ge [sflag:s10], $0x3800  }
0xeb: {  	[sflag:s10] =	ssyncset.done $0x0  }
0xec: {  	[sflag:s10] =	ssyncadd.s32 $0xFFFFC800  }
0xed: {  	_ =	swait.ge [sflag:s10], $0x700  }
0xee: {  	s31 =	sshll.u32 s30, $0x2;
	[sflag:s10] =	ssyncset.done $0x0  }
0xef: {  	s0 =	smin.u32 s31, $0x57;
	[sflag:s10] =	ssyncadd.s32 $0xFFFFF900  }
0xf0: {  	s0 =	smul.u32 $0x70, s0;
	_ =	swait.ge [sflag:s10], $0x700  }
0xf1: {  	s13 =	rddreg [dreg:$0x18]  }
0xf2: {  	s0 =	sadd.s32 s0, s13  }
0xf3: {  	[sflag:s10] =	ssyncset.done $0x0;
	s0 =	sshrl.u32 s0, $0x3  }
0xf4: {  	s23 =	simm.s32 $0x0;
	[sflag:s10] =	ssyncadd.s32 $0xFFFFF900;
	s29 =	sadd.s32 s8, s0  }
0xf5: {  	[tilespmem:s23], [sflag:$0x1] =	stream.linear.gather [hbm4b:s29+s23], $0x70, $0x38;
	[tilespmem:$0x1F780] =	vst v63  }
0xf6: {  	s0 =	sadd.s32 s9, s0  }
0xf7: {  	[tilespmem:s17], [sflag:$0x1] =	stream.linear.gather [hbm4b:s0+s23], $0x70, $0x38;
	[tilespmem:$0x1F780] =	vst v63  }
0xf8: {  	_ =	swait.ge [sflag:s11], $0x70  }
0xf9: {  	[sflag:s11] =	ssyncset.done $0x0  }
0xfa: {  	[sflag:s11] =	ssyncadd.s32 $0xFFFFFF90  }
0xfb: {  	_ =	swait.ge [sflag:s11], $0x70  }
0xfc: {  	[sflag:s11] =	ssyncset.done $0x0  }
0xfd: {  	[sflag:s11] =	ssyncadd.s32 $0xFFFFFF90  }
0xfe: {  	[tilespmem:s14], [sflag:$0x5] =	stream.indirect.gather [hbm4b:s5+s18], $0x80, s20, s18, $0xb8;
	[tilespmem:$0x1F780] =	vst v63  }
0xff: {  	_ = 	snop  }
0x100: {  	[tilespmem:s16], [sflag:$0x5] =	stream.indirect.gather [hbm4b:s6+s18], $0x10, s20, s18, $0xb8;
	[tilespmem:$0x1F780] =	vst v63  }
0x101: {  	s29 =	simm.s32 $0x0;
	s23 =	simm.s32 $0x8180  }
0x102: {  	[tilespmem:s23], [sflag:$0x5] =	stream.indirect.gather [hbm4b:s7+s18], $0x10, s21, s18, $0xb8;
	[tilespmem:$0x1F780] =	vst v63  }
0x103: {  	v1 =	vld [tilespmem:s29+$0x7A80]  }
0x104: {  	v2 =	vld [tilespmem:s29+$0x8880];
	_ =	sdelay $0x4  }
0x105: {  	v1 =	vadd.f32 v2, v1;
	_ =	sdelay $0x1  }
0x106: {  	v2 =	vmul.f32 $2.000000030e-01, v1  }
0x107: {  	vm0 =	vge.f32 v1, $0.0e+00  }
0x108: {  	v1 =	vsel vm0, v1, v2  }
0x109: {  	v1 =	vmul.f32 $1.442695020e+00, v1;
	_ =	sdelay $0x1  }
0x10a: {  	(erf) = vpow2.f32 v1;
	_ =	sdelay $0x8  }
0x10b: {  	v2 =	vpop (erf)  }
0x10c: {  	s0 =	simm.s32 $0x3BC0;
	[tilespmem:s29+$0x7A80] =	vst v2  }
0x10d: {  	v10 =	vld [tilespmem:s0+$0x30]  }
0x10e: {  	v9 =	vld [tilespmem:s0+$0xFFFFFFE0]  }
0x10f: {  	v7 =	vld [tilespmem:s0+$0x10]  }
0x110: {  	v4 =	vbroadcast v2, $0x3;
	v3 =	vld [tilespmem:s0+$0x20]  }
0x111: {  	v1 =	vbroadcast v2, $0x1;
	v5 =	vld [tilespmem:s0+$0xFFFFFFD0]  }
0x112: {  	s13 =	simm.s32 $0x40;
	s23 =	simm.s32 $0x3BC0;
	v8 =	vbroadcast v2, $0x2;
	v6 =	vld [tilespmem:s0+$0x0];
	v10 =	vmul.f32 v10, v4  }
.LBB2_7:
0x113: {  	p0 =	sne.s32 s13, $0x1BC0  }
0x114: {  	v9 =	vmul.f32 v1, v9;
	v11 =	vld [tilespmem:s0+$0xFFFFFFF0];
	s23 =	sadd.s32 $0x80, s23;
	s29 =	smov.u32 s13;
	s13 =	sadd.s32 $0x40, s13  }
0x115: {  	v2 =	vbroadcast v2, $0x0;
	v12 =	vld [tilespmem:s0+$0xFFFFFFC0];
	v7 =	vmul.f32 v7, v8;
	[tilespmem:s0+$0x30] =	vst v10  }
0x116: {  	[tilespmem:s0+$0xFFFFFFE0] =	vst v9;
	v3 =	vmul.f32 v3, v4  }
0x117: {  	v4 =	vmul.f32 v2, v5;
	[tilespmem:s0+$0x10] =	vst v7  }
0x118: {  	v5 =	vmul.f32 v6, v8;
	[tilespmem:s0+$0x20] =	vst v3  }
0x119: {  	[tilespmem:s0+$0xFFFFFFD0] =	vst v4;
	v1 =	vmul.f32 v11, v1  }
0x11a: {  	v2 =	vmul.f32 v2, v12;
	[tilespmem:s0+$0x0] =	vst v5  }
0x11b: {  	[tilespmem:s0+$0xFFFFFFF0] =	vst v1  }
0x11c: {  	s29 =	sshra.s32 s29, $0x2;
	[tilespmem:s0+$0xFFFFFFC0] =	vst v2;
	s0 =	smov.u32 s23  }
0x11d: {  	v1 =	vld [tilespmem:s29+$0x7A80]  }
0x11e: {  	v2 =	vld [tilespmem:s29+$0x8880];
	_ =	sdelay $0x4  }
0x11f: {  	v1 =	vadd.f32 v2, v1;
	_ =	sdelay $0x1  }
0x120: {  	vm0 =	vge.f32 v1, $0.0e+00;
	v2 =	vmul.f32 $2.000000030e-01, v1;
	_ =	sdelay $0x1  }
0x121: {  	v1 =	vsel vm0, v1, v2  }
0x122: {  	v1 =	vmul.f32 $1.442695020e+00, v1;
	_ =	sdelay $0x1  }
0x123: {  	(erf) = vpow2.f32 v1;
	_ =	sdelay $0x8  }
0x124: {  	v2 =	vpop (erf)  }
0x125: {  	[tilespmem:s29+$0x7A80] =	vst v2  }
0x126: {  	v10 =	vld [tilespmem:s23+$0x30]  }
.Ltmp2:
0x127: {  	v9 =	vld [tilespmem:s23+$0xFFFFFFE0];
	(pc) =	sbr.rel @p0 .LBB2_7-.Ltmp2, $4  }
0x128: {  	v7 =	vld [tilespmem:s23+$0x10]  }
0x129: {  	v4 =	vbroadcast v2, $0x3;
	v3 =	vld [tilespmem:s23+$0x20]  }
0x12a: {  	v1 =	vbroadcast v2, $0x1;
	v5 =	vld [tilespmem:s23+$0xFFFFFFD0]  }
0x12b: {  	v8 =	vbroadcast v2, $0x2;
	v6 =	vld [tilespmem:s23+$0x0];
	v10 =	vmul.f32 v10, v4  }
0x12c: {  	v9 =	vmul.f32 v1, v9;
	v11 =	vld [tilespmem:s0+$0xFFFFFFF0]  }
0x12d: {  	v12 =	vld [tilespmem:s0+$0xFFFFFFC0];
	v2 =	vbroadcast v2, $0x0;
	v7 =	vmul.f32 v7, v8;
	[tilespmem:s0+$0x30] =	vst v10  }
0x12e: {  	[tilespmem:s0+$0xFFFFFFE0] =	vst v9;
	v3 =	vmul.f32 v3, v4  }
0x12f: {  	v4 =	vmul.f32 v2, v5;
	[tilespmem:s0+$0x10] =	vst v7  }
0x130: {  	v5 =	vmul.f32 v6, v8;
	[tilespmem:s0+$0x20] =	vst v3  }
0x131: {  	[tilespmem:s0+$0xFFFFFFD0] =	vst v4;
	v1 =	vmul.f32 v11, v1  }
0x132: {  	v2 =	vmul.f32 v2, v12;
	[tilespmem:s0+$0x0] =	vst v5  }
0x133: {  	[tilespmem:s0+$0xFFFFFFF0] =	vst v1  }
0x134: {  	[tilespmem:s0+$0xFFFFFFC0] =	vst v2  }
0x135: {  	[spmem:s2] =	stream.indirect.scatter.add.f32 [tilespmem:s1], [sflag:$0x7], $0x80, s19, s18, $0xb8;
	[tilespmem:$0x1F780] =	vst v63  }
0x136: {  	_ =	swait.ge [sflag:s15], $0x3800  }
0x137: {  	[sflag:s15] =	ssyncset.done $0x0  }
0x138: {  	[sflag:s15] =	ssyncadd.s32 $0xFFFFC800  }
0x139: {  	[spmem:s3] =	stream.indirect.scatter.add.f32 [tilespmem:s12], [sflag:$0x7], $0x10, s19, s18, $0xb8;
	[tilespmem:$0x1F780] =	vst v63  }
0x13a: {  	_ =	swait.ge [sflag:s15], $0x700  }
0x13b: {  	[sflag:s15] =	ssyncset.done $0x0  }
0x13c: {  	[sflag:s15] =	ssyncadd.s32 $0xFFFFF900  }
0x13d: {  	_ =	swait.ge [sflag:s24], $0x3800  }
0x13e: {  	[sflag:s24] =	ssyncset.done $0x0  }
0x13f: {  	[sflag:s24] =	ssyncadd.s32 $0xFFFFC800  }
0x140: {  	_ =	swait.ge [sflag:s24], $0x700  }
0x141: {  	[sflag:s24] =	ssyncset.done $0x0  }
0x142: {  	s23 =	smin.u32 s31, $0x56;
	[sflag:s24] =	ssyncadd.s32 $0xFFFFF900  }
0x143: {  	s0 =	smul.u32 $0x70, s23;
	_ =	swait.ge [sflag:s24], $0x700  }
0x144: {  	s13 =	rddreg [dreg:$0x19]  }
0x145: {  	s0 =	sadd.s32 s0, s13  }
0x146: {  	[sflag:s24] =	ssyncset.done $0x0;
	s0 =	sshrl.u32 s0, $0x3  }
0x147: {  	s23 =	simm.s32 $0x0;
	[sflag:s24] =	ssyncadd.s32 $0xFFFFF900;
	s29 =	sadd.s32 s8, s0  }
0x148: {  	[tilespmem:s18], [sflag:$0x2] =	stream.linear.gather [hbm4b:s29+s23], $0x70, $0x38;
	[tilespmem:$0x1F780] =	vst v63  }
0x149: {  	s0 =	sadd.s32 s9, s0  }
0x14a: {  	[tilespmem:s19], [sflag:$0x2] =	stream.linear.gather [hbm4b:s0+s23], $0x70, $0x38;
	[tilespmem:$0x1F780] =	vst v63  }
0x14b: {  	_ =	swait.ge [sflag:s4], $0x70  }
0x14c: {  	[sflag:s4] =	ssyncset.done $0x0  }
0x14d: {  	[sflag:s4] =	ssyncadd.s32 $0xFFFFFF90  }
0x14e: {  	_ =	swait.ge [sflag:s4], $0x70  }
0x14f: {  	[sflag:s4] =	ssyncset.done $0x0  }
0x150: {  	[sflag:s4] =	ssyncadd.s32 $0xFFFFFF90  }
0x151: {  	[tilespmem:s1], [sflag:$0x6] =	stream.indirect.gather [hbm4b:s5+s18], $0x80, s25, s18, $0xb8;
	[tilespmem:$0x1F780] =	vst v63  }
0x152: {  	_ = 	snop  }
0x153: {  	[tilespmem:s12], [sflag:$0x6] =	stream.indirect.gather [hbm4b:s6+s18], $0x10, s25, s18, $0xb8;
	[tilespmem:$0x1F780] =	vst v63  }
0x154: {  	s29 =	simm.s32 $0x0;
	s23 =	simm.s32 $0x8880  }
0x155: {  	[tilespmem:s23], [sflag:$0x6] =	stream.indirect.gather [hbm4b:s7+s18], $0x10, s26, s18, $0xb8;
	[tilespmem:$0x1F780] =	vst v63  }
0x156: {  	v1 =	vld [tilespmem:s29+$0x7380]  }
0x157: {  	v2 =	vld [tilespmem:s29+$0x8180];
	_ =	sdelay $0x4  }
0x158: {  	v1 =	vadd.f32 v2, v1;
	_ =	sdelay $0x1  }
0x159: {  	v2 =	vmul.f32 $2.000000030e-01, v1  }
0x15a: {  	vm0 =	vge.f32 v1, $0.0e+00  }
0x15b: {  	v1 =	vsel vm0, v1, v2  }
0x15c: {  	v1 =	vmul.f32 $1.442695020e+00, v1;
	_ =	sdelay $0x1  }
0x15d: {  	(erf) = vpow2.f32 v1;
	_ =	sdelay $0x8  }
0x15e: {  	v2 =	vpop (erf)  }
0x15f: {  	s0 =	simm.s32 $0x3C0;
	[tilespmem:s29+$0x7380] =	vst v2  }
0x160: {  	v10 =	vld [tilespmem:s0+$0x30]  }
0x161: {  	v9 =	vld [tilespmem:s0+$0xFFFFFFE0]  }
0x162: {  	v7 =	vld [tilespmem:s0+$0x10]  }
0x163: {  	v4 =	vbroadcast v2, $0x3;
	v3 =	vld [tilespmem:s0+$0x20]  }
0x164: {  	v1 =	vbroadcast v2, $0x1;
	v5 =	vld [tilespmem:s0+$0xFFFFFFD0]  }
0x165: {  	s13 =	simm.s32 $0x40;
	s23 =	simm.s32 $0x3C0;
	v8 =	vbroadcast v2, $0x2;
	v6 =	vld [tilespmem:s0+$0x0];
	v10 =	vmul.f32 v10, v4  }
.LBB2_9:
0x166: {  	p0 =	sne.s32 s13, $0x1BC0  }
0x167: {  	v9 =	vmul.f32 v1, v9;
	v11 =	vld [tilespmem:s0+$0xFFFFFFF0];
	s23 =	sadd.s32 $0x80, s23;
	s29 =	smov.u32 s13;
	s13 =	sadd.s32 $0x40, s13  }
0x168: {  	v2 =	vbroadcast v2, $0x0;
	v12 =	vld [tilespmem:s0+$0xFFFFFFC0];
	v7 =	vmul.f32 v7, v8;
	[tilespmem:s0+$0x30] =	vst v10  }
0x169: {  	[tilespmem:s0+$0xFFFFFFE0] =	vst v9;
	v3 =	vmul.f32 v3, v4  }
0x16a: {  	v4 =	vmul.f32 v2, v5;
	[tilespmem:s0+$0x10] =	vst v7  }
0x16b: {  	v5 =	vmul.f32 v6, v8;
	[tilespmem:s0+$0x20] =	vst v3  }
0x16c: {  	[tilespmem:s0+$0xFFFFFFD0] =	vst v4;
	v1 =	vmul.f32 v11, v1  }
0x16d: {  	v2 =	vmul.f32 v2, v12;
	[tilespmem:s0+$0x0] =	vst v5  }
0x16e: {  	[tilespmem:s0+$0xFFFFFFF0] =	vst v1  }
0x16f: {  	s29 =	sshra.s32 s29, $0x2;
	[tilespmem:s0+$0xFFFFFFC0] =	vst v2;
	s0 =	smov.u32 s23  }
0x170: {  	v1 =	vld [tilespmem:s29+$0x7380]  }
0x171: {  	v2 =	vld [tilespmem:s29+$0x8180];
	_ =	sdelay $0x4  }
0x172: {  	v1 =	vadd.f32 v2, v1;
	_ =	sdelay $0x1  }
0x173: {  	vm0 =	vge.f32 v1, $0.0e+00;
	v2 =	vmul.f32 $2.000000030e-01, v1;
	_ =	sdelay $0x1  }
0x174: {  	v1 =	vsel vm0, v1, v2  }
0x175: {  	v1 =	vmul.f32 $1.442695020e+00, v1;
	_ =	sdelay $0x1  }
0x176: {  	(erf) = vpow2.f32 v1;
	_ =	sdelay $0x8  }
0x177: {  	v2 =	vpop (erf)  }
0x178: {  	[tilespmem:s29+$0x7380] =	vst v2  }
0x179: {  	v10 =	vld [tilespmem:s23+$0x30]  }
.Ltmp3:
0x17a: {  	v9 =	vld [tilespmem:s23+$0xFFFFFFE0];
	(pc) =	sbr.rel @p0 .LBB2_9-.Ltmp3, $4  }
0x17b: {  	v7 =	vld [tilespmem:s23+$0x10]  }
0x17c: {  	v4 =	vbroadcast v2, $0x3;
	v3 =	vld [tilespmem:s23+$0x20]  }
0x17d: {  	v1 =	vbroadcast v2, $0x1;
	v5 =	vld [tilespmem:s23+$0xFFFFFFD0]  }
0x17e: {  	v8 =	vbroadcast v2, $0x2;
	v6 =	vld [tilespmem:s23+$0x0];
	v10 =	vmul.f32 v10, v4  }
0x17f: {  	v9 =	vmul.f32 v1, v9;
	v11 =	vld [tilespmem:s0+$0xFFFFFFF0]  }
0x180: {  	v12 =	vld [tilespmem:s0+$0xFFFFFFC0];
	v2 =	vbroadcast v2, $0x0;
	v7 =	vmul.f32 v7, v8;
	[tilespmem:s0+$0x30] =	vst v10  }
0x181: {  	[tilespmem:s0+$0xFFFFFFE0] =	vst v9;
	v3 =	vmul.f32 v3, v4  }
0x182: {  	v4 =	vmul.f32 v2, v5;
	[tilespmem:s0+$0x10] =	vst v7  }
0x183: {  	v5 =	vmul.f32 v6, v8;
	[tilespmem:s0+$0x20] =	vst v3  }
0x184: {  	[tilespmem:s0+$0xFFFFFFD0] =	vst v4;
	v1 =	vmul.f32 v11, v1  }
0x185: {  	v2 =	vmul.f32 v2, v12;
	[tilespmem:s0+$0x0] =	vst v5  }
0x186: {  	[tilespmem:s0+$0xFFFFFFF0] =	vst v1  }
0x187: {  	[tilespmem:s0+$0xFFFFFFC0] =	vst v2  }
0x188: {  	[spmem:s2] =	stream.indirect.scatter.add.f32 [tilespmem:s14], [sflag:$0x7], $0x80, s21, s18, $0xb8;
	[tilespmem:$0x1F780] =	vst v63  }
0x189: {  	_ =	swait.ge [sflag:s15], $0x3800  }
0x18a: {  	[sflag:s15] =	ssyncset.done $0x0  }
0x18b: {  	[sflag:s15] =	ssyncadd.s32 $0xFFFFC800  }
0x18c: {  	[spmem:s3] =	stream.indirect.scatter.add.f32 [tilespmem:s16], [sflag:$0x7], $0x10, s21, s18, $0xb8;
	[tilespmem:$0x1F780] =	vst v63  }
0x18d: {  	_ =	swait.ge [sflag:s15], $0x700  }
0x18e: {  	[sflag:s15] =	ssyncset.done $0x0  }
0x18f: {  	[sflag:s15] =	ssyncadd.s32 $0xFFFFF900  }
0x190: {  	_ =	swait.ge [sflag:s10], $0x3800  }
0x191: {  	[sflag:s10] =	ssyncset.done $0x0  }
0x192: {  	[sflag:s10] =	ssyncadd.s32 $0xFFFFC800  }
0x193: {  	_ =	swait.ge [sflag:s10], $0x700  }
0x194: {  	[sflag:s10] =	ssyncset.done $0x0  }
0x195: {  	s29 =	smin.u32 s31, $0x55;
	[sflag:s10] =	ssyncadd.s32 $0xFFFFF900  }
0x196: {  	s0 =	smul.u32 $0x70, s29;
	_ =	swait.ge [sflag:s10], $0x700  }
0x197: {  	s13 =	rddreg [dreg:$0x1a]  }
0x198: {  	s0 =	sadd.s32 s0, s13  }
0x199: {  	[sflag:s10] =	ssyncset.done $0x0;
	s0 =	sshrl.u32 s0, $0x3  }
0x19a: {  	s23 =	simm.s32 $0x0;
	[sflag:s10] =	ssyncadd.s32 $0xFFFFF900;
	s31 =	sadd.s32 s8, s0  }
0x19b: {  	[tilespmem:s20], [sflag:$0x3] =	stream.linear.gather [hbm4b:s31+s23], $0x70, $0x38;
	[tilespmem:$0x1F780] =	vst v63  }
0x19c: {  	s0 =	sadd.s32 s9, s0  }
0x19d: {  	[tilespmem:s21], [sflag:$0x3] =	stream.linear.gather [hbm4b:s0+s23], $0x70, $0x38;
	[tilespmem:$0x1F780] =	vst v63  }
0x19e: {  	_ =	swait.ge [sflag:s22], $0x70  }
0x19f: {  	[sflag:s22] =	ssyncset.done $0x0  }
0x1a0: {  	[sflag:s22] =	ssyncadd.s32 $0xFFFFFF90  }
0x1a1: {  	_ =	swait.ge [sflag:s22], $0x70  }
0x1a2: {  	[sflag:s22] =	ssyncset.done $0x0  }
0x1a3: {  	[sflag:s22] =	ssyncadd.s32 $0xFFFFFF90  }
0x1a4: {  	[tilespmem:s14], [sflag:$0x5] =	stream.indirect.gather [hbm4b:s5+s18], $0x80, s23, s18, $0xb8;
	[tilespmem:$0x1F780] =	vst v63  }
0x1a5: {  	_ = 	snop  }
0x1a6: {  	[tilespmem:s16], [sflag:$0x5] =	stream.indirect.gather [hbm4b:s6+s18], $0x10, s23, s18, $0xb8;
	[tilespmem:$0x1F780] =	vst v63  }
0x1a7: {  	s29 =	simm.s32 $0x8180;
	s31 =	simm.s32 $0x0  }
0x1a8: {  	[tilespmem:s29], [sflag:$0x5] =	stream.indirect.gather [hbm4b:s7+s18], $0x10, s17, s18, $0xb8;
	[tilespmem:$0x1F780] =	vst v63  }
0x1a9: {  	v1 =	vld [tilespmem:s31+$0x7A80]  }
0x1aa: {  	v2 =	vld [tilespmem:s31+$0x8880];
	_ =	sdelay $0x4  }
0x1ab: {  	v1 =	vadd.f32 v2, v1;
	_ =	sdelay $0x1  }
0x1ac: {  	v2 =	vmul.f32 $2.000000030e-01, v1  }
0x1ad: {  	vm0 =	vge.f32 v1, $0.0e+00  }
0x1ae: {  	v1 =	vsel vm0, v1, v2  }
0x1af: {  	v1 =	vmul.f32 $1.442695020e+00, v1;
	_ =	sdelay $0x1  }
0x1b0: {  	(erf) = vpow2.f32 v1;
	_ =	sdelay $0x8  }
0x1b1: {  	v2 =	vpop (erf)  }
0x1b2: {  	s0 =	simm.s32 $0x3BC0;
	[tilespmem:s31+$0x7A80] =	vst v2  }
0x1b3: {  	v10 =	vld [tilespmem:s0+$0x30]  }
0x1b4: {  	v9 =	vld [tilespmem:s0+$0xFFFFFFE0]  }
0x1b5: {  	v7 =	vld [tilespmem:s0+$0x10]  }
0x1b6: {  	v4 =	vbroadcast v2, $0x3;
	v3 =	vld [tilespmem:s0+$0x20]  }
0x1b7: {  	v1 =	vbroadcast v2, $0x1;
	v5 =	vld [tilespmem:s0+$0xFFFFFFD0]  }
0x1b8: {  	s13 =	simm.s32 $0x40;
	s23 =	simm.s32 $0x3BC0;
	v8 =	vbroadcast v2, $0x2;
	v6 =	vld [tilespmem:s0+$0x0];
	v10 =	vmul.f32 v10, v4  }
.LBB2_11:
0x1b9: {  	p0 =	sne.s32 s13, $0x1BC0  }
0x1ba: {  	v9 =	vmul.f32 v1, v9;
	v11 =	vld [tilespmem:s0+$0xFFFFFFF0];
	s23 =	sadd.s32 $0x80, s23;
	s29 =	smov.u32 s13;
	s13 =	sadd.s32 $0x40, s13  }
0x1bb: {  	v2 =	vbroadcast v2, $0x0;
	v12 =	vld [tilespmem:s0+$0xFFFFFFC0];
	v7 =	vmul.f32 v7, v8;
	[tilespmem:s0+$0x30] =	vst v10  }
0x1bc: {  	[tilespmem:s0+$0xFFFFFFE0] =	vst v9;
	v3 =	vmul.f32 v3, v4  }
0x1bd: {  	v4 =	vmul.f32 v2, v5;
	[tilespmem:s0+$0x10] =	vst v7  }
0x1be: {  	v5 =	vmul.f32 v6, v8;
	[tilespmem:s0+$0x20] =	vst v3  }
0x1bf: {  	[tilespmem:s0+$0xFFFFFFD0] =	vst v4;
	v1 =	vmul.f32 v11, v1  }
0x1c0: {  	v2 =	vmul.f32 v2, v12;
	[tilespmem:s0+$0x0] =	vst v5  }
0x1c1: {  	[tilespmem:s0+$0xFFFFFFF0] =	vst v1  }
0x1c2: {  	s29 =	sshra.s32 s29, $0x2;
	[tilespmem:s0+$0xFFFFFFC0] =	vst v2;
	s0 =	smov.u32 s23  }
0x1c3: {  	v1 =	vld [tilespmem:s29+$0x7A80]  }
0x1c4: {  	v2 =	vld [tilespmem:s29+$0x8880];
	_ =	sdelay $0x4  }
0x1c5: {  	v1 =	vadd.f32 v2, v1;
	_ =	sdelay $0x1  }
0x1c6: {  	vm0 =	vge.f32 v1, $0.0e+00;
	v2 =	vmul.f32 $2.000000030e-01, v1;
	_ =	sdelay $0x1  }
0x1c7: {  	v1 =	vsel vm0, v1, v2  }
0x1c8: {  	v1 =	vmul.f32 $1.442695020e+00, v1;
	_ =	sdelay $0x1  }
0x1c9: {  	(erf) = vpow2.f32 v1;
	_ =	sdelay $0x8  }
0x1ca: {  	v2 =	vpop (erf)  }
0x1cb: {  	[tilespmem:s29+$0x7A80] =	vst v2  }
0x1cc: {  	v10 =	vld [tilespmem:s23+$0x30]  }
.Ltmp4:
0x1cd: {  	v9 =	vld [tilespmem:s23+$0xFFFFFFE0];
	(pc) =	sbr.rel @p0 .LBB2_11-.Ltmp4, $4  }
0x1ce: {  	v7 =	vld [tilespmem:s23+$0x10]  }
0x1cf: {  	v4 =	vbroadcast v2, $0x3;
	v3 =	vld [tilespmem:s23+$0x20]  }
0x1d0: {  	v1 =	vbroadcast v2, $0x1;
	v5 =	vld [tilespmem:s23+$0xFFFFFFD0]  }
0x1d1: {  	v8 =	vbroadcast v2, $0x2;
	v6 =	vld [tilespmem:s23+$0x0];
	v10 =	vmul.f32 v10, v4  }
0x1d2: {  	v9 =	vmul.f32 v1, v9;
	v11 =	vld [tilespmem:s0+$0xFFFFFFF0]  }
0x1d3: {  	v12 =	vld [tilespmem:s0+$0xFFFFFFC0];
	v2 =	vbroadcast v2, $0x0;
	v7 =	vmul.f32 v7, v8;
	[tilespmem:s0+$0x30] =	vst v10  }
0x1d4: {  	[tilespmem:s0+$0xFFFFFFE0] =	vst v9;
	v3 =	vmul.f32 v3, v4  }
0x1d5: {  	v62 =	vmul.f32 v2, v5;
	[tilespmem:s0+$0x10] =	vst v7  }
0x1d6: {  	v63 =	vmul.f32 v6, v8;
	[tilespmem:s0+$0x20] =	vst v3  }
0x1d7: {  	[tilespmem:s0+$0xFFFFFFD0] =	vst v62;
	v1 =	vmul.f32 v11, v1  }
0x1d8: {  	v2 =	vmul.f32 v2, v12;
	[tilespmem:s0+$0x0] =	vst v63  }
0x1d9: {  	[tilespmem:s0+$0xFFFFFFF0] =	vst v1  }
0x1da: {  	[tilespmem:s0+$0xFFFFFFC0] =	vst v2  }
0x1db: {  	[spmem:s2] =	stream.indirect.scatter.add.f32 [tilespmem:s1], [sflag:$0x7], $0x80, s26, s18, $0xb8;
	[tilespmem:$0x1F780] =	vst v63  }
0x1dc: {  	s30 =	sadd.s32 $0x1, s30;
	_ =	swait.ge [sflag:s15], $0x3800  }
0x1dd: {  	p0 =	sne.s32 s30, $0x17;
	[sflag:s15] =	ssyncset.done $0x0  }
.Ltmp5:
0x1de: {  	[sflag:s15] =	ssyncadd.s32 $0xFFFFC800;
	(pc) =	sbr.rel @p0 .LBB2_4-.Ltmp5, $4  }
0x1df: {  	[spmem:s3] =	stream.indirect.scatter.add.f32 [tilespmem:s12], [sflag:$0x7], $0x10, s26, s18, $0xb8;
	[tilespmem:$0x1F780] =	vst v63  }
0x1e0: {  	_ =	swait.ge [sflag:s15], $0x700  }
0x1e1: {  	[sflag:s15] =	ssyncset.done $0x0  }
0x1e2: {  	[sflag:s15] =	ssyncadd.s32 $0xFFFFF900  }
0x1e3: {  	_ =	swait.ge [sflag:s24], $0x3800  }
0x1e4: {  	[sflag:s24] =	ssyncset.done $0x0  }
0x1e5: {  	[sflag:s24] =	ssyncadd.s32 $0xFFFFC800  }
0x1e6: {  	_ =	swait.ge [sflag:s24], $0x700  }
0x1e7: {  	[sflag:s24] =	ssyncset.done $0x0  }
0x1e8: {  	[sflag:s24] =	ssyncadd.s32 $0xFFFFF900  }
0x1e9: {  	_ =	swait.ge [sflag:s24], $0x700  }
0x1ea: {  	[sflag:s24] =	ssyncset.done $0x0  }
0x1eb: {  	[sflag:s24] =	ssyncadd.s32 $0xFFFFF900  }
0x1ec: {  	_ =	swait.ge [sflag:s28], $0x70  }
0x1ed: {  	[sflag:s28] =	ssyncset.done $0x0  }
0x1ee: {  	[sflag:s28] =	ssyncadd.s32 $0xFFFFFF90  }
0x1ef: {  	_ =	swait.ge [sflag:s28], $0x70  }
0x1f0: {  	[sflag:s28] =	ssyncset.done $0x0  }
0x1f1: {  	[sflag:s28] =	ssyncadd.s32 $0xFFFFFF90  }
0x1f2: {  	_ =	swait.ge [sflag:s11], $0x70  }
0x1f3: {  	[sflag:s11] =	ssyncset.done $0x0  }
0x1f4: {  	[sflag:s11] =	ssyncadd.s32 $0xFFFFFF90  }
0x1f5: {  	_ =	swait.ge [sflag:s11], $0x70  }
0x1f6: {  	[sflag:s11] =	ssyncset.done $0x0  }
0x1f7: {  	[sflag:s11] =	ssyncadd.s32 $0xFFFFFF90  }
0x1f8: {  	s0 =	stileid.u32;
	[bflag:$0x0] =	sbarrier.arrive $0xFFFF  }
0x1f9: {  	s0 =	sshll.u32 s0, $0x6;
	s30 =	rddreg [dreg:$0x5]  }
0x1fa: {  	s0 =	sor.u32 $0x1C07, s0;
	s23 =	rddreg [dreg:$0x1b];
	s13 =	sshrl.u32 s30, $0x3  }
0x1fb: {  	[hbm:s23], [sflag:s0] =	dma.local [spmem:s13], $0x2800  }
0x1fc: {  	_ =	swait.ge [sflag:s15], $0x2800  }
0x1fd: {  	[sflag:s15] =	ssyncset.done $0x0;
	s31 =	rddreg [dreg:$0x6]  }
0x1fe: {  	s29 =	rddreg [dreg:$0x1c];
	[sflag:s15] =	ssyncadd.s32 $0xFFFFD800;
	s23 =	sshrl.u32 s31, $0x3  }
0x1ff: {  	[hbm:s29], [sflag:s0] =	dma.local [spmem:s23], $0x500  }
0x200: {  	_ =	swait.ge [sflag:s15], $0x500  }
0x201: {  	s13 =	rddreg [dreg:$0x4]  }
0x202: {  	s29 =	rddreg [dreg:$0x1d];
	s23 =	sadd.s32 $0x1, s13  }
0x203: {  	p0 =	sne.s32 s23, s29  }
.Ltmp6:
0x204: {  	_ = 	snop;
	(pc) =	sbr.rel @p0 .LBB2_1-.Ltmp6, $3  }
0x205: {  	_ =	sdelay $0x1  }
0x206: {  	[sflag:s15] =	ssyncset.done $0x0  }
0x207: {  	[sflag:s15] =	ssyncadd.s32 $0xFFFFFB00  }
0x208: {  	_ =	sfence.sel $0x180000  }
0x209: {  	[bflag:$0x0] =	sbarrier.arrive $0xFFFF  }
0x20a: {  	_ =	strace $0x9000004A  }
0x20b: {  	s0 =	stileid.u32;
	[bflag:$0x2] =	sbarrier.arrive $0xFFFF  }
0x20c: {  	p0 =	sne.s32 s0, $0x0;
	s0 =	rddreg [dreg:$0x3]  }
0x20d: {  	s0 =	sadd.s32 @!p0 $0x100000, s0  }
0x20e: {  	[sflag:s0] =	ssyncadd.tile.s32 @!p0 $0x1;
	_ =	shalt  }
.Lfunc_end2:
_tile_overlayer_lowered:
.L_overlay_start_2:
0x20f: {  	(tag) =	ssettag $0x2  }
0x210: {  	s0 =	rddreg [dreg:$0x0];
	s2 =	stileid.u32  }
0x211: {  	s1 =	rddreg [dreg:$0x1];
	p0 =	sne.s32 s2, $0x0  }
0x212: {  	s3 =	rddreg [dreg:$0x2];
	[bflag:$0x3] =	sbarrier.arrive $0xFFFF;
	s2 =	simm.s32 @!p0 $0x1C07  }
0x213: {  	[timem:s3], [sflag:s2] =	dma.local @!p0 [hbm:s0], s1  }
0x214: {  	s0 =	simm.s32 @!p0 $0x7  }
0x215: {  	_ =	swait.ge @!p0 [sflag:s0], s1  }
0x216: {  	s1 =	ssub.s32 @!p0 $0x0, s1;
	[sflag:s0] =	ssyncset.done @!p0 $0x0  }
0x217: {  	[sflag:s0] =	ssyncadd.s32 @!p0 s1  }
0x218: {  	[bflag:$0x3] =	sbarrier.arrive $0xFFFF  }
0x219: {  	_ =	shalt  }

// kernel: kernel.7.cloned.1.call-start
scs
__scs_entry_jumppad:
0x0: {  	(pc) =	sbr.rel $0x88, $3  }
0x1: {  	(tag) =	ssettag $0x0;
	lr =	simm.s32 $0x1  }
0x2: {  	[smem:$0x3F95] =	sst lr;
	_ =	strace $0xD0000000  }
0x3: {  	_ = 	snop  }
0x4: {  	_ = 	snop  }
0x5: {  	_ = 	snop  }
0x6: {  	_ = 	snop  }
0x7: {  	_ = 	snop  }
__scs_overlays_trampoline_lowered:
0x8: {  	[smem:$0x3FA4] =	sst s0  }
0x9: {  	[smem:$0x3FA5] =	sst s1  }
0xa: {  	[smem:$0x3FA6] =	sst s2  }
0xb: {  	[smem:$0x3FA7] =	sst s3  }
0xc: {  	[smem:$0x3FA8] =	sst s4  }
0xd: {  	[smem:$0x3FA9] =	sst s5  }
0xe: {  	[smem:$0x3FAA] =	sst s6  }
0xf: {  	[smem:$0x3FAB] =	sst s7  }
0x10: {  	[smem:$0x3FAC] =	sst s8  }
0x11: {  	[smem:$0x3FAD] =	sst s9;
	s0 =	simm.s32 @!p0 $0x0  }
0x12: {  	s1 =	sld [smem:$0x3F93];
	s0 =	simm.s32 @p0 $0x1  }
0x13: {  	[smem:$0x3FAE] =	sst s0;
	s0 =	simm.s32 @!p1 $0x0  }
0x14: {  	s2 =	sld [smem:$0x3F92];
	s0 =	simm.s32 @p1 $0x1  }
0x15: {  	[smem:$0x3FAF] =	sst s0;
	s0 =	simm.s32 @!p2 $0x0  }
0x16: {  	s3 =	sld [smem:$0x3FDB];
	s0 =	simm.s32 @p2 $0x1  }
0x17: {  	s4 =	simm.s32 $0x1BF5;
	[smem:$0x3FB1] =	sst s0  }
0x18: {  	s0 =	sld [smem:$0x3F94];
	_ =	swait.ge [sflag:s4], $0x0  }
0x19: {  	s7 =	sld [smem:$0x3F95]  }
0x1a: {  	s8 =	sadd.s32 $0xFFFFE003, lr  }
0x1b: {  	s9 =	sadd.s32 $0xFFFFFEF7, lr;
	s5 =	simm.s32 $0xFFFFFFFF;
	p2 =	slt.u32 s8, $0xFFFFF086  }
0x1c: {  	p1 =	slt.u32 s9, $0xF7A;
	s5 =	simm.s32 @!p2 $0x0  }
0x1d: {  	s5 =	simm.s32 @p1 $0x1;
	p0 =	seq.s32 s7, s2  }
0x1e: {  	s7 =	smul.u32 @!p0 $0xF7A, s2;
	p2 =	seq.s32 @!p0 s5, $0x0  }
0x1f: {  	s9 =	smul.u32 $0xF7A, s1;
	s8 =	simm.s32 @!p0 $0x1BF5;
	p2 =	por !p2, p0  }
0x20: {  	[sflag:s8] =	ssyncset.s32 @!p0 $0xFFFFF086;
	s6 =	sadd.s32 @!p0 s3, s7;
	s7 =	simm.s32 @!p0 $0x108  }
0x21: {  	s3 =	sadd.s32 s3, s9;
	s6 =	sadd.s32 @!p0 $0x88, s6;
	s7 =	simm.s32 @p2 $0x1082  }
0x22: {  	[simem:s7], [sflag:s8] =	dma.local @!p0 [hbm:s6], $0xF7A  }
0x23: {  	s9 =	sor.u32 $0xD0000000, s2;
	s6 =	simm.s32 $0x108;
	_ =	swait.ge @!p0 [sflag:s8], $0x0  }
0x24: {  	s3 =	sadd.s32 $0x88, s3;
	s6 =	simm.s32 @!p1 $0x1082;
	[sflag:s4] =	ssyncset.s32 $0xFFFFF086  }
0x25: {  	[simem:s6], [sflag:s4] =	dma.local [hbm:s3], $0xF7A  }
0x26: {  	[smem:$0x3F95] =	sst s1;
	(tag) =	ssettag s2;
	_ =	strace s9  }
0x27: {  	s1 =	sld [smem:$0x3FA5]  }
0x28: {  	s2 =	sld [smem:$0x3FA6]  }
0x29: {  	s4 =	sld [smem:$0x3FA8]  }
0x2a: {  	p0 =	seq.s32 s5, $0x0;
	s5 =	sld [smem:$0x3FA9]  }
0x2b: {  	s6 =	sld [smem:$0x3FAA]  }
0x2c: {  	s7 =	sld [smem:$0x3FAB]  }
0x2d: {  	s3 =	simm.s32 $0x108;
	s8 =	sld [smem:$0x3FAC]  }
0x2e: {  	s3 =	simm.s32 @!p0 $0x1082;
	s9 =	sld [smem:$0x3FAD]  }
0x2f: {  	lr =	sadd.s32 s0, s3;
	s0 =	sld [smem:$0x3FA4]  }
0x30: {  	s3 =	sld [smem:$0x3FA7]  }
0x31: {  	[smem:$0x3FB0] =	sst s10  }
0x32: {  	s10 =	sld [smem:$0x3FAE];
	_ =	sdelay $0x3  }
0x33: {  	p0 =	seq.s32 s10, $0x1;
	s10 =	sld [smem:$0x3FB0];
	_ =	sdelay $0x3  }
0x34: {  	[smem:$0x3FB0] =	sst s10  }
0x35: {  	s10 =	sld [smem:$0x3FAF];
	_ =	sdelay $0x3  }
0x36: {  	p1 =	seq.s32 s10, $0x1;
	s10 =	sld [smem:$0x3FB0];
	_ =	sdelay $0x3  }
0x37: {  	[smem:$0x3FB0] =	sst s10  }
0x38: {  	s10 =	sld [smem:$0x3FB1]  }
0x39: {  	_ = 	snop;
	(pc) =	sbr.ind lr, $3  }
0x3a: {  	_ = 	snop  }
0x3b: {  	_ = 	snop  }
0x3c: {  	p2 =	seq.s32 s10, $0x1;
	s10 =	sld [smem:$0x3FB0]  }
0x3d: {  	_ =	shalt  }
0x3e: {  	_ =	shalt  }
0x3f: {  	_ =	shalt  }
0x40: {  	_ =	shalt  }
0x41: {  	_ =	shalt  }
0x42: {  	_ =	shalt  }
0x43: {  	_ =	shalt  }
0x44: {  	_ =	shalt  }
0x45: {  	_ =	shalt  }
0x46: {  	_ =	shalt  }
0x47: {  	_ =	shalt  }
0x48: {  	_ =	shalt  }
0x49: {  	_ =	shalt  }
0x4a: {  	_ =	shalt  }
0x4b: {  	_ =	shalt  }
0x4c: {  	_ =	shalt  }
0x4d: {  	_ =	shalt  }
0x4e: {  	_ =	shalt  }
0x4f: {  	_ =	shalt  }
0x50: {  	_ =	shalt  }
0x51: {  	_ =	shalt  }
0x52: {  	_ =	shalt  }
0x53: {  	_ =	shalt  }
0x54: {  	_ =	shalt  }
0x55: {  	_ =	shalt  }
0x56: {  	_ =	shalt  }
0x57: {  	_ =	shalt  }
0x58: {  	_ =	shalt  }
0x59: {  	_ =	shalt  }
0x5a: {  	_ =	shalt  }
0x5b: {  	_ =	shalt  }
0x5c: {  	_ =	shalt  }
0x5d: {  	_ =	shalt  }
0x5e: {  	_ =	shalt  }
0x5f: {  	_ =	shalt  }
0x60: {  	_ =	shalt  }
0x61: {  	_ =	shalt  }
0x62: {  	_ =	shalt  }
0x63: {  	_ =	shalt  }
0x64: {  	_ =	shalt  }
0x65: {  	_ =	shalt  }
0x66: {  	_ =	shalt  }
0x67: {  	_ =	shalt  }
0x68: {  	_ =	shalt  }
0x69: {  	_ =	shalt  }
0x6a: {  	_ =	shalt  }
0x6b: {  	_ =	shalt  }
0x6c: {  	_ =	shalt  }
0x6d: {  	_ =	shalt  }
0x6e: {  	_ =	shalt  }
0x6f: {  	_ =	shalt  }
0x70: {  	_ =	shalt  }
0x71: {  	_ =	shalt  }
0x72: {  	_ =	shalt  }
0x73: {  	_ =	shalt  }
0x74: {  	_ =	shalt  }
0x75: {  	_ =	shalt  }
0x76: {  	_ =	shalt  }
0x77: {  	_ =	shalt  }
0x78: {  	_ =	shalt  }
0x79: {  	_ =	shalt  }
0x7a: {  	_ =	shalt  }
0x7b: {  	_ =	shalt  }
0x7c: {  	_ =	shalt  }
0x7d: {  	_ =	shalt  }
0x7e: {  	_ =	shalt  }
0x7f: {  	_ =	shalt  }
0x80: {  	_ =	shalt  }
0x81: {  	_ =	shalt  }
0x82: {  	_ =	shalt  }
0x83: {  	_ =	shalt  }
0x84: {  	_ =	shalt  }
0x85: {  	_ =	shalt  }
0x86: {  	_ =	shalt  }
0x87: {  	_ =	shalt  }
.Lfunc_end0:
.L_simem_size_0:
called_computation_lowered:
.L_overlay_start_0:
0x88: {  	s2 =	sld [smem:$0x3FD9]  }
0x89: {  	s3 =	sld [smem:$0x3FFE];
	_ =	sdelay $0x1  }
0x8a: {  	s1 =	srdreg.scid  }
0x8b: {  	s0 =	sand.u32 $0x1, s1  }
0x8c: {  	s16 =	sshll.u32 s0, $0xA;
	s2 =	sadd.s32 s3, s2  }
0x8d: {  	s2 =	sadd.s32 s2, s16  }
0x8e: {  	[smem:$0x3FBC] =	sst s2  }
0x8f: {  	_ = 	snop  }
0x90: {  	(tm) =	ssettm $0x1  }
0x91: {  	s17 =	sld [smem:$0x3FFB];
	_ =	sdelay $0x3  }
0x92: {  	_ =	strace s17  }
0x93: {  	s2 =	sld [smem:$0x3FFC];
	_ =	sdelay $0x3  }
0x94: {  	_ =	strace s2  }
0x95: {  	s2 =	sld [smem:$0x3FFD];
	_ =	sdelay $0x3  }
0x96: {  	_ =	strace s2  }
0x97: {  	_ =	strace $0x8FFFFFFF  }
0x98: {  	s18 =	sld [smem:$0x3FDB];
	_ =	sdelay $0x1  }
0x99: {  	s19 =	simm.s32 $_scs_section_size  }
0x9a: {  	s4 =	simm.s32 $_size__tile_overlayer_lowered;
	s5 =	simm.s32 $_tile_overlayer_lowered  }
0x9b: {  	s22 =	simm.s32 $0x1BFF;
	s21 =	sshll.u32 s5, $0x1;
	s2 =	sadd.s32 s19, s18  }
0x9c: {  	s6 =	simm.s32 $0x0;
	s20 =	sshll.u32 s4, $0x1;
	s4 =	sadd.s32 s21, s2  }
0x9d: {  	[timem:s6], [sflag:s22] =	dma.local [hbm:s4], s20  }
0x9e: {  	_ =	swait.ge [sflag:s22], s20  }
0x9f: {  	s3 =	ssub.s32 $0x0, s20;
	[sflag:s22] =	ssyncset.done $0x0  }
0xa0: {  	[sflag:s22] =	ssyncadd.s32 s3;
	_ =	sdelay $0x1  }
0xa1: {  	s23 =	simm.s32 $0x1B8B  }
0xa2: {  	_ =	swait.ge [sflag:s23], $0x1  }
0xa3: {  	[sflag:s23] =	ssyncset.done $0x0  }
0xa4: {  	s25 =	simm.s32 $0x1B8E;
	s24 =	sld [smem:$0x3FFE];
	[sflag:s23] =	ssyncadd.s32 $0xFFFFFFFF  }
0xa5: {  	s26 =	simm.s32 $execute0_lowered;
	[smem:$0x3FD2] =	sst s25  }
0xa6: {  	s4 =	sshll.u32 s26, $0x1;
	_ =	strace $0x80000046;
	[dreg:$0x1] =	wrdreg $0xFFFFFFFF  }
0xa7: {  	s28 =	simm.s32 $_size_execute0_lowered;
	s2 =	sadd.s32 s2, s4;
	[dreg:$0x0] =	wrdreg $0x0  }
0xa8: {  	s4 =	sshll.u32 s28, $0x1;
	[dreg:$0x2] =	wrdreg s2  }
0xa9: {  	[dreg:$0x3] =	wrdreg s4  }
0xaa: {  	[dreg:$0x4] =	wrdreg $0xC0  }
0xab: {  	_ =	task [dreg:s6], $0x5FFFF  }
0xac: {  	[dreg:$0x1] =	wrdreg $0xFFFFFFFF  }
0xad: {  	[dreg:$0x0] =	wrdreg $0x60  }
0xae: {  	[dreg:$0x2] =	wrdreg s24  }
0xaf: {  	[dreg:$0x3] =	wrdreg $0x8F800  }
0xb0: {  	[dreg:$0x4] =	wrdreg $0x1CF800  }
0xb1: {  	[dreg:$0x5] =	wrdreg $0x9  }
0xb2: {  	_ =	task.clear_ibuf [dreg:s6], $0x6FFFF;
	_ =	strace $0x90000046  }
0xb3: {  	s29 =	simm.s32 $0x9;
	_ =	strace $0x80000048  }
0xb4: {  	_ =	swait.ge [sflag:s29], $0x1  }
0xb5: {  	[sflag:s29] =	ssyncadd.s32 $0xFFFFFFFF  }
0xb6: {  	_ =	strace $0x90000048  }
0xb7: {  	_ =	sfence  }
0xb8: {  	s30 =	sld [smem:$0x0];
	_ =	sdelay $0x2  }
0xb9: {  	s31 =	sshll.u32 s1, $0xD;
	s1 =	sshrl.u32 s1, $0x2  }
0xba: {  	s3 =	sand.u32 $0x4000, s31;
	s1 =	sadd.s32 s1, s30  }
0xbb: {  	s0 =	sor.u32 s3, s0;
	s1 =	sshll.u32 s1, $0x11  }
0xbc: {  	s0 =	sor.u32 s1, s0  }
0xbd: {  	s0 =	sadd.s32 $0x8F2B, s0  }
0xbe: {  	[sflag:s0] =	ssyncadd.remote.s32 $0x1  }
0xbf: {  	_ =	sfence.sel $0xFFFF  }
0xc0: {  	[dreg:$0x0] =	wrdreg $0xFFFFFFFF;
	(pc) =	sbr.abs _section_cstart, $3  }
0xc1: {  	[dreg:$0x1] =	wrdreg $0xFFFFFFFF  }
0xc2: {  	_ =	task.clear_ibuf [dreg:s6], $0x2FFFF;
	_ =	strace $0x9FFFFFFF  }
0xc3: {  	(tm) =	ssettm $0x7FFFFFFF  }
tec
execute0_lowered:
.L_overlay_start_1:
0x0: {  	(tag) =	ssettag $0x1  }
0x1: {  	s0 =	rddreg [dreg:$0x0]  }
0x2: {  	s2 =	rddreg [dreg:$0x1]  }
0x3: {  	s3 =	rddreg [dreg:$0x2]  }
0x4: {  	s1 =	srdreg.scid;
	s16 =	stileid.u32;
	s23 =	simm.s32 $0x0  }
0x5: {  	s28 =	simm.s32 $0x2;
	s1 =	sand.u32 $0x1, s1;
	s4 =	smul.u32 $0x14000, s16  }
0x6: {  	[smem:$0x7FF] =	sst s23;
	s5 =	sadd.s32 $0x2E00, s0;
	s10 =	smul.u32 $0x2800, s16  }
0x7: {  	s6 =	sadd.s32 $0x7FE00, s0;
	s8 =	sadd.s32 $0x84E00, s0;
	s29 =	smul.u32 $0x280, s16  }
0x8: {  	s14 =	sshll.u32 s16, $0x1;
	s7 =	smul.u32 $0x140000, s1;
	_ =	strace $0x80000047  }
0x9: {  	s11 =	smul.u32 $0x28000, s1;
	s13 =	ssub.s32 $0x2, s1;
	s1 =	sor.u32 s1, s14  }
0xa: {  	s15 =	sshrl.u32 s13, $0x1;
	s1 =	smul.u32 $0x2840, s1;
	s30 =	sadd.s32 s4, s2  }
0xb: {  	s31 =	sadd.s32 s10, s3;
	s16 =	sor.u32 $0x70, s29;
	s18 =	sadd.s32 $0xE0, s29  }
0xc: {  	s21 =	sadd.s32 $0x150, s29;
	s25 =	sadd.s32 $0x1C0, s29;
	s29 =	sadd.s32 $0x230, s29  }
0xd: {  	s9 =	sadd.s32 s4, s7;
	s7 =	sadd.s32 $0x7AE00, s0;
	s11 =	sadd.s32 s10, s11  }
0xe: {  	s17 =	sshll.u32 s16, $0x7;
	s4 =	sshll.u32 s16, $0x4;
	s19 =	sshll.u32 s18, $0x7  }
0xf: {  	s20 =	sshll.u32 s18, $0x4;
	s22 =	sshll.u32 s21, $0x7;
	[dreg:$0x5] =	wrdreg s30  }
0x10: {  	s26 =	sshll.u32 s25, $0x7;
	[dreg:$0x6] =	wrdreg s31;
	s12 =	sshrl.u32 s9, $0x3  }
0x11: {  	s9 =	sadd.s32 $0x8F000, s0;
	s11 =	sshrl.u32 s11, $0x3;
	s10 =	sadd.s32 s17, s2  }
0x12: {  	s4 =	sadd.s32 s4, s3;
	s12 =	sadd.s32 s12, s0;
	[dreg:$0x7] =	wrdreg s10  }
0x13: {  	s0 =	sadd.s32 s11, s0;
	[dreg:$0x8] =	wrdreg s4;
	s4 =	sadd.s32 s19, s2  }
0x14: {  	s10 =	sshll.u32 s21, $0x4;
	[dreg:$0x9] =	wrdreg s4;
	s4 =	sadd.s32 s20, s3  }
0x15: {  	s11 =	ssub.s32 s13, s15;
	s24 =	sadd.s32 s10, s3;
	[dreg:$0xa] =	wrdreg s4  }
0x16: {  	s15 =	sshrl.u32 s1, $0x3;
	s10 =	sadd.s32 s26, s2;
	[dreg:$0xc] =	wrdreg s24  }
0x17: {  	s14 =	sshll.u32 s29, $0x4;
	s16 =	sadd.s32 s8, s15;
	[dreg:$0xd] =	wrdreg s10  }
0x18: {  	s17 =	sadd.s32 $0xE, s15;
	s18 =	sadd.s32 s9, s15;
	[dreg:$0x11] =	wrdreg s16  }
0x19: {  	s26 =	sadd.s32 $0xA3200, s12;
	s0 =	sadd.s32 $0x99200, s0;
	[dreg:$0x12] =	wrdreg s18  }
0x1a: {  	s12 =	simm.s32 $0x7A80;
	s4 =	sadd.s32 s22, s2;
	[dreg:$0x1b] =	wrdreg s26  }
0x1b: {  	s10 =	sshll.u32 s29, $0x7;
	s19 =	sadd.s32 s8, s17;
	[dreg:$0x1c] =	wrdreg s0  }
0x1c: {  	s22 =	sadd.s32 $0x150, s1;
	s24 =	sadd.s32 $0x1C0, s1;
	[dreg:$0xb] =	wrdreg s4  }
0x1d: {  	s29 =	smax.u32 s11, $0x1;
	s16 =	simm.s32 $0x7380;
	[dreg:$0x13] =	wrdreg s19  }
0x1e: {  	s18 =	simm.s32 $0x70;
	s26 =	simm.s32 $0x310;
	[dreg:$0x17] =	wrdreg s22  }
0x1f: {  	s11 =	simm.s32 $0x3;
	s4 =	sshll.u32 s25, $0x4;
	[dreg:$0x18] =	wrdreg s24  }
0x20: {  	s25 =	sadd.s32 $0x230, s1;
	s1 =	sadd.s32 $0x2A0, s1;
	[dreg:$0x1d] =	wrdreg s29  }
0x21: {  	s19 =	simm.s32 $0x230;
	s22 =	simm.s32 $0x1;
	[dreg:$0x19] =	wrdreg s25  }
0x22: {  	s24 =	simm.s32 $0x5;
	s4 =	sadd.s32 s4, s3;
	[dreg:$0x1a] =	wrdreg s1  }
0x23: {  	s25 =	simm.s32 $0x150;
	s1 =	simm.s32 $0x3B80;
	[dreg:$0xe] =	wrdreg s4  }
0x24: {  	s4 =	sadd.s32 s10, s2;
	s10 =	sadd.s32 $0x1C, s15;
	s15 =	simm.s32 $0x7  }
0x25: {  	[dreg:$0xf] =	wrdreg s4;
	s4 =	sadd.s32 s14, s3;
	s20 =	sadd.s32 s8, s10  }
0x26: {  	s21 =	sadd.s32 s9, s10;
	s14 =	simm.s32 $0x380;
	[dreg:$0x10] =	wrdreg s4  }
0x27: {  	s10 =	simm.s32 $0x6;
	s4 =	sadd.s32 s9, s17;
	[dreg:$0x15] =	wrdreg s20  }
0x28: {  	[dreg:$0x16] =	wrdreg s21;
	s17 =	simm.s32 $0x1C0;
	s20 =	simm.s32 $0xE0  }
0x29: {  	v0 =	vimm.f32 $0.0e+00;
	s21 =	simm.s32 $0x2A0;
	[dreg:$0x14] =	wrdreg s4;
	s4 =	simm.s32 $0x4  }
.LBB2_1:
0x2a: {  	s0 =	simm.s32 $0x3C0  }
0x2b: {  	s13 =	simm.s32 $0x3BC0;
	[tilespmem:s0+$0xFFFFFFC0] =	vst v0  }
0x2c: {  	[tilespmem:s13+$0xFFFFFFC0] =	vst v0  }
0x2d: {  	[tilespmem:s0+$0xFFFFFFD0] =	vst v0  }
0x2e: {  	[tilespmem:s13+$0xFFFFFFD0] =	vst v0  }
0x2f: {  	[tilespmem:s0+$0xFFFFFFE0] =	vst v0  }
0x30: {  	[tilespmem:s13+$0xFFFFFFE0] =	vst v0  }
0x31: {  	[tilespmem:s0+$0xFFFFFFF0] =	vst v0  }
0x32: {  	[tilespmem:s13+$0xFFFFFFF0] =	vst v0  }
0x33: {  	[tilespmem:s0+$0x0] =	vst v0  }
0x34: {  	[tilespmem:s13+$0x0] =	vst v0  }
0x35: {  	[tilespmem:s0+$0x10] =	vst v0  }
0x36: {  	[tilespmem:s13+$0x10] =	vst v0  }
0x37: {  	[tilespmem:s0+$0x20] =	vst v0  }
0x38: {  	[tilespmem:s13+$0x20] =	vst v0  }
0x39: {  	[tilespmem:s0+$0x30] =	vst v0  }
0x3a: {  	[dreg:$0x4] =	wrdreg s23;
	s29 =	simm.s32 $0x0;
	s23 =	simm.s32 $0x40;
	[tilespmem:s13+$0x30] =	vst v0  }
.LBB2_2:
0x3b: {  	p0 =	sne.s32 s23, $0x1BC0;
	[tilespmem:s29+$0x7380] =	vst v0  }
0x3c: {  	s0 =	sadd.s32 $0x80, s0;
	[tilespmem:s29+$0x7A80] =	vst v0  }
0x3d: {  	s13 =	sadd.s32 $0x80, s13;
	[tilespmem:s0+$0xFFFFFFC0] =	vst v0  }
0x3e: {  	[tilespmem:s13+$0xFFFFFFC0] =	vst v0  }
0x3f: {  	[tilespmem:s0+$0xFFFFFFD0] =	vst v0  }
0x40: {  	[tilespmem:s13+$0xFFFFFFD0] =	vst v0  }
0x41: {  	[tilespmem:s0+$0xFFFFFFE0] =	vst v0  }
0x42: {  	[tilespmem:s13+$0xFFFFFFE0] =	vst v0  }
0x43: {  	[tilespmem:s0+$0xFFFFFFF0] =	vst v0  }
0x44: {  	[tilespmem:s13+$0xFFFFFFF0] =	vst v0  }
0x45: {  	[tilespmem:s0+$0x0] =	vst v0  }
0x46: {  	[tilespmem:s13+$0x0] =	vst v0  }
0x47: {  	[tilespmem:s0+$0x10] =	vst v0  }
.Ltmp0:
0x48: {  	[tilespmem:s13+$0x10] =	vst v0;
	(pc) =	sbr.rel @p0 .LBB2_2-.Ltmp0, $4  }
0x49: {  	[tilespmem:s0+$0x20] =	vst v0  }
0x4a: {  	[tilespmem:s13+$0x20] =	vst v0  }
0x4b: {  	[tilespmem:s0+$0x30] =	vst v0  }
0x4c: {  	s29 =	sshra.s32 s23, $0x2;
	s23 =	sadd.s32 $0x40, s23;
	[tilespmem:s13+$0x30] =	vst v0  }
0x4d: {  	[tilespmem:s29+$0x7380] =	vst v0  }
0x4e: {  	[tilespmem:s29+$0x7A80] =	vst v0  }
0x4f: {  	[spmem:s30] =	stream.linear.scatter [tilespmem:s14], [sflag:$0x7], $0x3800, $0x38;
	[tilespmem:$0x1F780] =	vst v63  }
0x50: {  	_ =	swait.ge [sflag:s15], $0x3800  }
0x51: {  	[sflag:s15] =	ssyncset.done $0x0  }
0x52: {  	[sflag:s15] =	ssyncadd.s32 $0xFFFFC800  }
0x53: {  	[spmem:s31] =	stream.linear.scatter [tilespmem:s16], [sflag:$0x7], $0x700, $0x38;
	[tilespmem:$0x1F780] =	vst v63  }
0x54: {  	_ =	swait.ge [sflag:s15], $0x700  }
0x55: {  	[sflag:s15] =	ssyncset.done $0x0  }
0x56: {  	s0 =	rddreg [dreg:$0x7];
	[sflag:s15] =	ssyncadd.s32 $0xFFFFF900  }
0x57: {  	[spmem:s0] =	stream.linear.scatter [tilespmem:s14], [sflag:$0x7], $0x3800, $0x38;
	[tilespmem:$0x1F780] =	vst v63  }
0x58: {  	_ =	swait.ge [sflag:s15], $0x3800  }
0x59: {  	[sflag:s15] =	ssyncset.done $0x0  }
0x5a: {  	s29 =	rddreg [dreg:$0x8];
	[sflag:s15] =	ssyncadd.s32 $0xFFFFC800  }
0x5b: {  	[spmem:s29] =	stream.linear.scatter [tilespmem:s16], [sflag:$0x7], $0x700, $0x38;
	[tilespmem:$0x1F780] =	vst v63  }
0x5c: {  	_ =	swait.ge [sflag:s15], $0x700  }
0x5d: {  	[sflag:s15] =	ssyncset.done $0x0  }
0x5e: {  	s31 =	rddreg [dreg:$0x9];
	[sflag:s15] =	ssyncadd.s32 $0xFFFFF900  }
0x5f: {  	[spmem:s31] =	stream.linear.scatter [tilespmem:s14], [sflag:$0x7], $0x3800, $0x38;
	[tilespmem:$0x1F780] =	vst v63  }
0x60: {  	_ =	swait.ge [sflag:s15], $0x3800  }
0x61: {  	[sflag:s15] =	ssyncset.done $0x0  }
0x62: {  	s13 =	rddreg [dreg:$0xa];
	[sflag:s15] =	ssyncadd.s32 $0xFFFFC800  }
0x63: {  	[spmem:s13] =	stream.linear.scatter [tilespmem:s16], [sflag:$0x7], $0x700, $0x38;
	[tilespmem:$0x1F780] =	vst v63  }
0x64: {  	_ =	swait.ge [sflag:s15], $0x700  }
0x65: {  	[sflag:s15] =	ssyncset.done $0x0  }
0x66: {  	s23 =	rddreg [dreg:$0xb];
	[sflag:s15] =	ssyncadd.s32 $0xFFFFF900  }
0x67: {  	[spmem:s23] =	stream.linear.scatter [tilespmem:s14], [sflag:$0x7], $0x3800, $0x38;
	[tilespmem:$0x1F780] =	vst v63  }
0x68: {  	_ =	swait.ge [sflag:s15], $0x3800  }
0x69: {  	[sflag:s15] =	ssyncset.done $0x0  }
0x6a: {  	s29 =	rddreg [dreg:$0xc];
	[sflag:s15] =	ssyncadd.s32 $0xFFFFC800  }
0x6b: {  	[spmem:s29] =	stream.linear.scatter [tilespmem:s16], [sflag:$0x7], $0x700, $0x38;
	[tilespmem:$0x1F780] =	vst v63  }
0x6c: {  	_ =	swait.ge [sflag:s15], $0x700  }
0x6d: {  	[sflag:s15] =	ssyncset.done $0x0  }
0x6e: {  	s31 =	rddreg [dreg:$0xd];
	[sflag:s15] =	ssyncadd.s32 $0xFFFFF900  }
0x6f: {  	[spmem:s31] =	stream.linear.scatter [tilespmem:s14], [sflag:$0x7], $0x3800, $0x38;
	[tilespmem:$0x1F780] =	vst v63  }
0x70: {  	_ =	swait.ge [sflag:s15], $0x3800  }
0x71: {  	[sflag:s15] =	ssyncset.done $0x0  }
0x72: {  	s13 =	rddreg [dreg:$0xe];
	[sflag:s15] =	ssyncadd.s32 $0xFFFFC800  }
0x73: {  	[spmem:s13] =	stream.linear.scatter [tilespmem:s16], [sflag:$0x7], $0x700, $0x38;
	[tilespmem:$0x1F780] =	vst v63  }
0x74: {  	_ =	swait.ge [sflag:s15], $0x700  }
0x75: {  	[sflag:s15] =	ssyncset.done $0x0  }
0x76: {  	s23 =	rddreg [dreg:$0xf];
	[sflag:s15] =	ssyncadd.s32 $0xFFFFF900  }
0x77: {  	[spmem:s23] =	stream.linear.scatter [tilespmem:s14], [sflag:$0x7], $0x2800, $0x38;
	[tilespmem:$0x1F780] =	vst v63  }
0x78: {  	_ =	swait.ge [sflag:s15], $0x2800  }
0x79: {  	[sflag:s15] =	ssyncset.done $0x0  }
0x7a: {  	s29 =	rddreg [dreg:$0x10];
	[sflag:s15] =	ssyncadd.s32 $0xFFFFD800  }
0x7b: {  	[spmem:s29] =	stream.linear.scatter [tilespmem:s16], [sflag:$0x7], $0x500, $0x38;
	[tilespmem:$0x1F780] =	vst v63  }
0x7c: {  	_ =	swait.ge [sflag:s15], $0x500  }
0x7d: {  	[sflag:s15] =	ssyncset.done $0x0  }
0x7e: {  	[sflag:s15] =	ssyncadd.s32 $0xFFFFFB00  }
0x7f: {  	[bflag:$0x0] =	sbarrier.arrive $0xFFFF  }
0x80: {  	s13 =	simm.s32 $0x0;
	s31 =	rddreg [dreg:$0x11]  }
0x81: {  	[tilespmem:s13], [sflag:$0x1] =	stream.linear.gather [hbm4b:s31+s13], $0x70, $0x38;
	[tilespmem:$0x1F780] =	vst v63  }
0x82: {  	s23 =	rddreg [dreg:$0x12]  }
0x83: {  	[tilespmem:s17], [sflag:$0x1] =	stream.linear.gather [hbm4b:s23+s13], $0x70, $0x38;
	[tilespmem:$0x1F780] =	vst v63  }
0x84: {  	s29 =	rddreg [dreg:$0x13]  }
0x85: {  	[tilespmem:s18], [sflag:$0x2] =	stream.linear.gather [hbm4b:s29+s13], $0x70, $0x38;
	[tilespmem:$0x1F780] =	vst v63  }
0x86: {  	s31 =	rddreg [dreg:$0x14]  }
0x87: {  	[tilespmem:s19], [sflag:$0x2] =	stream.linear.gather [hbm4b:s31+s13], $0x70, $0x38;
	[tilespmem:$0x1F780] =	vst v63  }
0x88: {  	s23 =	rddreg [dreg:$0x15]  }
0x89: {  	[tilespmem:s20], [sflag:$0x3] =	stream.linear.gather [hbm4b:s23+s13], $0x70, $0x38;
	[tilespmem:$0x1F780] =	vst v63  }
0x8a: {  	s29 =	rddreg [dreg:$0x16]  }
0x8b: {  	[tilespmem:s21], [sflag:$0x3] =	stream.linear.gather [hbm4b:s29+s13], $0x70, $0x38;
	[tilespmem:$0x1F780] =	vst v63  }
0x8c: {  	_ =	swait.ge [sflag:s22], $0x70  }
0x8d: {  	[sflag:s22] =	ssyncset.done $0x0  }
0x8e: {  	[sflag:s22] =	ssyncadd.s32 $0xFFFFFF90  }
0x8f: {  	_ =	swait.ge [sflag:s22], $0x70  }
0x90: {  	[sflag:s22] =	ssyncset.done $0x0  }
0x91: {  	[sflag:s22] =	ssyncadd.s32 $0xFFFFFF90  }
0x92: {  	[tilespmem:s14], [sflag:$0x5] =	stream.indirect.gather [hbm4b:s5+s18], $0x80, s13, s18, $0xb8;
	[tilespmem:$0x1F780] =	vst v63  }
0x93: {  	_ = 	snop  }
0x94: {  	[tilespmem:s16], [sflag:$0x5] =	stream.indirect.gather [hbm4b:s6+s18], $0x10, s13, s18, $0xb8;
	[tilespmem:$0x1F780] =	vst v63  }
0x95: {  	s30 =	simm.s32 $0x0;
	s31 =	simm.s32 $0x8180  }
0x96: {  	[tilespmem:s31], [sflag:$0x5] =	stream.indirect.gather [hbm4b:s7+s18], $0x10, s17, s18, $0xb8;
	[tilespmem:$0x1F780] =	vst v63  }
.LBB2_4:
0x97: {  	_ =	swait.ge [sflag:s24], $0x3800  }
0x98: {  	[sflag:s24] =	ssyncset.done $0x0  }
0x99: {  	[sflag:s24] =	ssyncadd.s32 $0xFFFFC800  }
0x9a: {  	_ =	swait.ge [sflag:s24], $0x700  }
0x9b: {  	[sflag:s24] =	ssyncset.done $0x0  }
0x9c: {  	[sflag:s24] =	ssyncadd.s32 $0xFFFFF900  }
0x9d: {  	s0 =	smul.u32 $0x1C0, s30;
	_ =	swait.ge [sflag:s24], $0x700  }
0x9e: {  	s13 =	rddreg [dreg:$0x17]  }
0x9f: {  	s0 =	sadd.s32 s0, s13  }
0xa0: {  	[sflag:s24] =	ssyncset.done $0x0;
	s0 =	sshrl.u32 s0, $0x3  }
0xa1: {  	s23 =	simm.s32 $0x0;
	[sflag:s24] =	ssyncadd.s32 $0xFFFFF900;
	s29 =	sadd.s32 s8, s0  }
0xa2: {  	[tilespmem:s25], [sflag:$0x4] =	stream.linear.gather [hbm4b:s29+s23], $0x70, $0x38;
	[tilespmem:$0x1F780] =	vst v63  }
0xa3: {  	s0 =	sadd.s32 s9, s0  }
0xa4: {  	[tilespmem:s26], [sflag:$0x4] =	stream.linear.gather [hbm4b:s0+s23], $0x70, $0x38;
	[tilespmem:$0x1F780] =	vst v63  }
0xa5: {  	_ =	swait.ge [sflag:s28], $0x70  }
0xa6: {  	[sflag:s28] =	ssyncset.done $0x0  }
0xa7: {  	[sflag:s28] =	ssyncadd.s32 $0xFFFFFF90  }
0xa8: {  	_ =	swait.ge [sflag:s28], $0x70  }
0xa9: {  	[sflag:s28] =	ssyncset.done $0x0  }
0xaa: {  	[sflag:s28] =	ssyncadd.s32 $0xFFFFFF90  }
0xab: {  	[tilespmem:s1], [sflag:$0x6] =	stream.indirect.gather [hbm4b:s5+s18], $0x80, s18, s18, $0xb8;
	[tilespmem:$0x1F780] =	vst v63  }
0xac: {  	_ = 	snop  }
0xad: {  	[tilespmem:s12], [sflag:$0x6] =	stream.indirect.gather [hbm4b:s6+s18], $0x10, s18, s18, $0xb8;
	[tilespmem:$0x1F780] =	vst v63  }
0xae: {  	s29 =	simm.s32 $0x0;
	s23 =	simm.s32 $0x8880  }
0xaf: {  	[tilespmem:s23], [sflag:$0x6] =	stream.indirect.gather [hbm4b:s7+s18], $0x10, s19, s18, $0xb8;
	[tilespmem:$0x1F780] =	vst v63  }
0xb0: {  	v1 =	vld [tilespmem:s29+$0x7380]  }
0xb1: {  	v2 =	vld [tilespmem:s29+$0x8180];
	_ =	sdelay $0x4  }
0xb2: {  	v1 =	vadd.f32 v2, v1;
	_ =	sdelay $0x1  }
0xb3: {  	v2 =	vmul.f32 $2.000000030e-01, v1  }
0xb4: {  	vm0 =	vge.f32 v1, $0.0e+00  }
0xb5: {  	v1 =	vsel vm0, v1, v2  }
0xb6: {  	v1 =	vmul.f32 $1.442695020e+00, v1;
	_ =	sdelay $0x1  }
0xb7: {  	(erf) = vpow2.f32 v1;
	_ =	sdelay $0x8  }
0xb8: {  	v2 =	vpop (erf)  }
0xb9: {  	s31 =	simm.s32 $0x3C0;
	[tilespmem:s29+$0x7380] =	vst v2  }
0xba: {  	v10 =	vld [tilespmem:s31+$0x30]  }
0xbb: {  	v9 =	vld [tilespmem:s31+$0xFFFFFFE0]  }
0xbc: {  	v7 =	vld [tilespmem:s31+$0x10]  }
0xbd: {  	v4 =	vbroadcast v2, $0x3;
	v3 =	vld [tilespmem:s31+$0x20]  }
0xbe: {  	v1 =	vbroadcast v2, $0x1;
	v5 =	vld [tilespmem:s31+$0xFFFFFFD0]  }
0xbf: {  	s13 =	simm.s32 $0x3C0;
	s0 =	simm.s32 $0x40;
	v8 =	vbroadcast v2, $0x2;
	v6 =	vld [tilespmem:s31+$0x0];
	v10 =	vmul.f32 v10, v4  }
.LBB2_5:
0xc0: {  	p0 =	sne.s32 s0, $0x1BC0  }
0xc1: {  	v9 =	vmul.f32 v1, v9;
	v11 =	vld [tilespmem:s31+$0xFFFFFFF0];
	s13 =	sadd.s32 $0x80, s13;
	s23 =	smov.u32 s0;
	s0 =	sadd.s32 $0x40, s0  }
0xc2: {  	v2 =	vbroadcast v2, $0x0;
	v12 =	vld [tilespmem:s31+$0xFFFFFFC0];
	v7 =	vmul.f32 v7, v8;
	[tilespmem:s31+$0x30] =	vst v10  }
0xc3: {  	[tilespmem:s31+$0xFFFFFFE0] =	vst v9;
	v3 =	vmul.f32 v3, v4  }
0xc4: {  	v4 =	vmul.f32 v2, v5;
	[tilespmem:s31+$0x10] =	vst v7  }
0xc5: {  	v5 =	vmul.f32 v6, v8;
	[tilespmem:s31+$0x20] =	vst v3  }
0xc6: {  	[tilespmem:s31+$0xFFFFFFD0] =	vst v4;
	v1 =	vmul.f32 v11, v1  }
0xc7: {  	v2 =	vmul.f32 v2, v12;
	[tilespmem:s31+$0x0] =	vst v5  }
0xc8: {  	[tilespmem:s31+$0xFFFFFFF0] =	vst v1  }
0xc9: {  	s23 =	sshra.s32 s23, $0x2;
	[tilespmem:s31+$0xFFFFFFC0] =	vst v2;
	s31 =	smov.u32 s13  }
0xca: {  	v1 =	vld [tilespmem:s23+$0x7380]  }
0xcb: {  	v2 =	vld [tilespmem:s23+$0x8180];
	_ =	sdelay $0x4  }
0xcc: {  	v1 =	vadd.f32 v2, v1;
	_ =	sdelay $0x1  }
0xcd: {  	vm0 =	vge.f32 v1, $0.0e+00;
	v2 =	vmul.f32 $2.000000030e-01, v1;
	_ =	sdelay $0x1  }
0xce: {  	v1 =	vsel vm0, v1, v2  }
0xcf: {  	v1 =	vmul.f32 $1.442695020e+00, v1;
	_ =	sdelay $0x1  }
0xd0: {  	(erf) = vpow2.f32 v1;
	_ =	sdelay $0x8  }
0xd1: {  	v2 =	vpop (erf)  }
0xd2: {  	[tilespmem:s23+$0x7380] =	vst v2  }
0xd3: {  	v10 =	vld [tilespmem:s13+$0x30]  }
.Ltmp1:
0xd4: {  	v9 =	vld [tilespmem:s13+$0xFFFFFFE0];
	(pc) =	sbr.rel @p0 .LBB2_5-.Ltmp1, $4  }
0xd5: {  	v7 =	vld [tilespmem:s13+$0x10]  }
0xd6: {  	v4 =	vbroadcast v2, $0x3;
	v3 =	vld [tilespmem:s13+$0x20]  }
0xd7: {  	v1 =	vbroadcast v2, $0x1;
	v5 =	vld [tilespmem:s13+$0xFFFFFFD0]  }
0xd8: {  	v8 =	vbroadcast v2, $0x2;
	v6 =	vld [tilespmem:s13+$0x0];
	v10 =	vmul.f32 v10, v4  }
0xd9: {  	v9 =	vmul.f32 v1, v9;
	v11 =	vld [tilespmem:s31+$0xFFFFFFF0]  }
0xda: {  	v12 =	vld [tilespmem:s31+$0xFFFFFFC0];
	v2 =	vbroadcast v2, $0x0;
	v7 =	vmul.f32 v7, v8;
	[tilespmem:s31+$0x30] =	vst v10  }
0xdb: {  	[tilespmem:s31+$0xFFFFFFE0] =	vst v9;
	v3 =	vmul.f32 v3, v4  }
0xdc: {  	v4 =	vmul.f32 v2, v5;
	[tilespmem:s31+$0x10] =	vst v7  }
0xdd: {  	v5 =	vmul.f32 v6, v8;
	[tilespmem:s31+$0x20] =	vst v3  }
0xde: {  	[tilespmem:s31+$0xFFFFFFD0] =	vst v4;
	v1 =	vmul.f32 v11, v1  }
0xdf: {  	v2 =	vmul.f32 v2, v12;
	[tilespmem:s31+$0x0] =	vst v5  }
0xe0: {  	[tilespmem:s31+$0xFFFFFFF0] =	vst v1  }
0xe1: {  	[tilespmem:s31+$0xFFFFFFC0] =	vst v2  }
0xe2: {  	[spmem:s2] =	stream.indirect.scatter.add.f32 [tilespmem:s14], [sflag:$0x7], $0x80, s17, s18, $0xb8;
	[tilespmem:$0x1F780] =	vst v63  }
0xe3: {  	_ =	swait.ge [sflag:s15], $0x3800  }
0xe4: {  	[sflag:s15] =	ssyncset.done $0x0  }
0xe5: {  	[sflag:s15] =	ssyncadd.s32 $0xFFFFC800  }
0xe6: {  	[spmem:s3] =	stream.indirect.scatter.add.f32 [tilespmem:s16], [sflag:$0x7], $0x10, s17, s18, $0xb8;
	[tilespmem:$0x1F780] =	vst v63  }
0xe7: {  	_ =	swait.ge [sflag:s15], $0x700  }
0xe8: {  	[sflag:s15] =	ssyncset.done $0x0  }
0xe9: {  	[sflag:s15] =	ssyncadd.s32 $0xFFFFF900  }
0xea: {  	_ =	swait.ge [sflag:s10], $0x3800  }
0xeb: {  	[sflag:s10] =	ssyncset.done $0x0  }
0xec: {  	[sflag:s10] =	ssyncadd.s32 $0xFFFFC800  }
0xed: {  	_ =	swait.ge [sflag:s10], $0x700  }
0xee: {  	s31 =	sshll.u32 s30, $0x2;
	[sflag:s10] =	ssyncset.done $0x0  }
0xef: {  	s0 =	smin.u32 s31, $0x57;
	[sflag:s10] =	ssyncadd.s32 $0xFFFFF900  }
0xf0: {  	s0 =	smul.u32 $0x70, s0;
	_ =	swait.ge [sflag:s10], $0x700  }
0xf1: {  	s13 =	rddreg [dreg:$0x18]  }
0xf2: {  	s0 =	sadd.s32 s0, s13  }
0xf3: {  	[sflag:s10] =	ssyncset.done $0x0;
	s0 =	sshrl.u32 s0, $0x3  }
0xf4: {  	s23 =	simm.s32 $0x0;
	[sflag:s10] =	ssyncadd.s32 $0xFFFFF900;
	s29 =	sadd.s32 s8, s0  }
0xf5: {  	[tilespmem:s23], [sflag:$0x1] =	stream.linear.gather [hbm4b:s29+s23], $0x70, $0x38;
	[tilespmem:$0x1F780] =	vst v63  }
0xf6: {  	s0 =	sadd.s32 s9, s0  }
0xf7: {  	[tilespmem:s17], [sflag:$0x1] =	stream.linear.gather [hbm4b:s0+s23], $0x70, $0x38;
	[tilespmem:$0x1F780] =	vst v63  }
0xf8: {  	_ =	swait.ge [sflag:s11], $0x70  }
0xf9: {  	[sflag:s11] =	ssyncset.done $0x0  }
0xfa: {  	[sflag:s11] =	ssyncadd.s32 $0xFFFFFF90  }
0xfb: {  	_ =	swait.ge [sflag:s11], $0x70  }
0xfc: {  	[sflag:s11] =	ssyncset.done $0x0  }
0xfd: {  	[sflag:s11] =	ssyncadd.s32 $0xFFFFFF90  }
0xfe: {  	[tilespmem:s14], [sflag:$0x5] =	stream.indirect.gather [hbm4b:s5+s18], $0x80, s20, s18, $0xb8;
	[tilespmem:$0x1F780] =	vst v63  }
0xff: {  	_ = 	snop  }
0x100: {  	[tilespmem:s16], [sflag:$0x5] =	stream.indirect.gather [hbm4b:s6+s18], $0x10, s20, s18, $0xb8;
	[tilespmem:$0x1F780] =	vst v63  }
0x101: {  	s29 =	simm.s32 $0x0;
	s23 =	simm.s32 $0x8180  }
0x102: {  	[tilespmem:s23], [sflag:$0x5] =	stream.indirect.gather [hbm4b:s7+s18], $0x10, s21, s18, $0xb8;
	[tilespmem:$0x1F780] =	vst v63  }
0x103: {  	v1 =	vld [tilespmem:s29+$0x7A80]  }
0x104: {  	v2 =	vld [tilespmem:s29+$0x8880];
	_ =	sdelay $0x4  }
0x105: {  	v1 =	vadd.f32 v2, v1;
	_ =	sdelay $0x1  }
0x106: {  	v2 =	vmul.f32 $2.000000030e-01, v1  }
0x107: {  	vm0 =	vge.f32 v1, $0.0e+00  }
0x108: {  	v1 =	vsel vm0, v1, v2  }
0x109: {  	v1 =	vmul.f32 $1.442695020e+00, v1;
	_ =	sdelay $0x1  }
0x10a: {  	(erf) = vpow2.f32 v1;
	_ =	sdelay $0x8  }
0x10b: {  	v2 =	vpop (erf)  }
0x10c: {  	s0 =	simm.s32 $0x3BC0;
	[tilespmem:s29+$0x7A80] =	vst v2  }
0x10d: {  	v10 =	vld [tilespmem:s0+$0x30]  }
0x10e: {  	v9 =	vld [tilespmem:s0+$0xFFFFFFE0]  }
0x10f: {  	v7 =	vld [tilespmem:s0+$0x10]  }
0x110: {  	v4 =	vbroadcast v2, $0x3;
	v3 =	vld [tilespmem:s0+$0x20]  }
0x111: {  	v1 =	vbroadcast v2, $0x1;
	v5 =	vld [tilespmem:s0+$0xFFFFFFD0]  }
0x112: {  	s13 =	simm.s32 $0x40;
	s23 =	simm.s32 $0x3BC0;
	v8 =	vbroadcast v2, $0x2;
	v6 =	vld [tilespmem:s0+$0x0];
	v10 =	vmul.f32 v10, v4  }
.LBB2_7:
0x113: {  	p0 =	sne.s32 s13, $0x1BC0  }
0x114: {  	v9 =	vmul.f32 v1, v9;
	v11 =	vld [tilespmem:s0+$0xFFFFFFF0];
	s23 =	sadd.s32 $0x80, s23;
	s29 =	smov.u32 s13;
	s13 =	sadd.s32 $0x40, s13  }
0x115: {  	v2 =	vbroadcast v2, $0x0;
	v12 =	vld [tilespmem:s0+$0xFFFFFFC0];
	v7 =	vmul.f32 v7, v8;
	[tilespmem:s0+$0x30] =	vst v10  }
0x116: {  	[tilespmem:s0+$0xFFFFFFE0] =	vst v9;
	v3 =	vmul.f32 v3, v4  }
0x117: {  	v4 =	vmul.f32 v2, v5;
	[tilespmem:s0+$0x10] =	vst v7  }
0x118: {  	v5 =	vmul.f32 v6, v8;
	[tilespmem:s0+$0x20] =	vst v3  }
0x119: {  	[tilespmem:s0+$0xFFFFFFD0] =	vst v4;
	v1 =	vmul.f32 v11, v1  }
0x11a: {  	v2 =	vmul.f32 v2, v12;
	[tilespmem:s0+$0x0] =	vst v5  }
0x11b: {  	[tilespmem:s0+$0xFFFFFFF0] =	vst v1  }
0x11c: {  	s29 =	sshra.s32 s29, $0x2;
	[tilespmem:s0+$0xFFFFFFC0] =	vst v2;
	s0 =	smov.u32 s23  }
0x11d: {  	v1 =	vld [tilespmem:s29+$0x7A80]  }
0x11e: {  	v2 =	vld [tilespmem:s29+$0x8880];
	_ =	sdelay $0x4  }
0x11f: {  	v1 =	vadd.f32 v2, v1;
	_ =	sdelay $0x1  }
0x120: {  	vm0 =	vge.f32 v1, $0.0e+00;
	v2 =	vmul.f32 $2.000000030e-01, v1;
	_ =	sdelay $0x1  }
0x121: {  	v1 =	vsel vm0, v1, v2  }
0x122: {  	v1 =	vmul.f32 $1.442695020e+00, v1;
	_ =	sdelay $0x1  }
0x123: {  	(erf) = vpow2.f32 v1;
	_ =	sdelay $0x8  }
0x124: {  	v2 =	vpop (erf)  }
0x125: {  	[tilespmem:s29+$0x7A80] =	vst v2  }
0x126: {  	v10 =	vld [tilespmem:s23+$0x30]  }
.Ltmp2:
0x127: {  	v9 =	vld [tilespmem:s23+$0xFFFFFFE0];
	(pc) =	sbr.rel @p0 .LBB2_7-.Ltmp2, $4  }
0x128: {  	v7 =	vld [tilespmem:s23+$0x10]  }
0x129: {  	v4 =	vbroadcast v2, $0x3;
	v3 =	vld [tilespmem:s23+$0x20]  }
0x12a: {  	v1 =	vbroadcast v2, $0x1;
	v5 =	vld [tilespmem:s23+$0xFFFFFFD0]  }
0x12b: {  	v8 =	vbroadcast v2, $0x2;
	v6 =	vld [tilespmem:s23+$0x0];
	v10 =	vmul.f32 v10, v4  }
0x12c: {  	v9 =	vmul.f32 v1, v9;
	v11 =	vld [tilespmem:s0+$0xFFFFFFF0]  }
0x12d: {  	v12 =	vld [tilespmem:s0+$0xFFFFFFC0];
	v2 =	vbroadcast v2, $0x0;
	v7 =	vmul.f32 v7, v8;
	[tilespmem:s0+$0x30] =	vst v10  }
0x12e: {  	[tilespmem:s0+$0xFFFFFFE0] =	vst v9;
	v3 =	vmul.f32 v3, v4  }
0x12f: {  	v4 =	vmul.f32 v2, v5;
	[tilespmem:s0+$0x10] =	vst v7  }
0x130: {  	v5 =	vmul.f32 v6, v8;
	[tilespmem:s0+$0x20] =	vst v3  }
0x131: {  	[tilespmem:s0+$0xFFFFFFD0] =	vst v4;
	v1 =	vmul.f32 v11, v1  }
0x132: {  	v2 =	vmul.f32 v2, v12;
	[tilespmem:s0+$0x0] =	vst v5  }
0x133: {  	[tilespmem:s0+$0xFFFFFFF0] =	vst v1  }
0x134: {  	[tilespmem:s0+$0xFFFFFFC0] =	vst v2  }
0x135: {  	[spmem:s2] =	stream.indirect.scatter.add.f32 [tilespmem:s1], [sflag:$0x7], $0x80, s19, s18, $0xb8;
	[tilespmem:$0x1F780] =	vst v63  }
0x136: {  	_ =	swait.ge [sflag:s15], $0x3800  }
0x137: {  	[sflag:s15] =	ssyncset.done $0x0  }
0x138: {  	[sflag:s15] =	ssyncadd.s32 $0xFFFFC800  }
0x139: {  	[spmem:s3] =	stream.indirect.scatter.add.f32 [tilespmem:s12], [sflag:$0x7], $0x10, s19, s18, $0xb8;
	[tilespmem:$0x1F780] =	vst v63  }
0x13a: {  	_ =	swait.ge [sflag:s15], $0x700  }
0x13b: {  	[sflag:s15] =	ssyncset.done $0x0  }
0x13c: {  	[sflag:s15] =	ssyncadd.s32 $0xFFFFF900  }
0x13d: {  	_ =	swait.ge [sflag:s24], $0x3800  }
0x13e: {  	[sflag:s24] =	ssyncset.done $0x0  }
0x13f: {  	[sflag:s24] =	ssyncadd.s32 $0xFFFFC800  }
0x140: {  	_ =	swait.ge [sflag:s24], $0x700  }
0x141: {  	[sflag:s24] =	ssyncset.done $0x0  }
0x142: {  	s23 =	smin.u32 s31, $0x56;
	[sflag:s24] =	ssyncadd.s32 $0xFFFFF900  }
0x143: {  	s0 =	smul.u32 $0x70, s23;
	_ =	swait.ge [sflag:s24], $0x700  }
0x144: {  	s13 =	rddreg [dreg:$0x19]  }
0x145: {  	s0 =	sadd.s32 s0, s13  }
0x146: {  	[sflag:s24] =	ssyncset.done $0x0;
	s0 =	sshrl.u32 s0, $0x3  }
0x147: {  	s23 =	simm.s32 $0x0;
	[sflag:s24] =	ssyncadd.s32 $0xFFFFF900;
	s29 =	sadd.s32 s8, s0  }
0x148: {  	[tilespmem:s18], [sflag:$0x2] =	stream.linear.gather [hbm4b:s29+s23], $0x70, $0x38;
	[tilespmem:$0x1F780] =	vst v63  }
0x149: {  	s0 =	sadd.s32 s9, s0  }
0x14a: {  	[tilespmem:s19], [sflag:$0x2] =	stream.linear.gather [hbm4b:s0+s23], $0x70, $0x38;
	[tilespmem:$0x1F780] =	vst v63  }
0x14b: {  	_ =	swait.ge [sflag:s4], $0x70  }
0x14c: {  	[sflag:s4] =	ssyncset.done $0x0  }
0x14d: {  	[sflag:s4] =	ssyncadd.s32 $0xFFFFFF90  }
0x14e: {  	_ =	swait.ge [sflag:s4], $0x70  }
0x14f: {  	[sflag:s4] =	ssyncset.done $0x0  }
0x150: {  	[sflag:s4] =	ssyncadd.s32 $0xFFFFFF90  }
0x151: {  	[tilespmem:s1], [sflag:$0x6] =	stream.indirect.gather [hbm4b:s5+s18], $0x80, s25, s18, $0xb8;
	[tilespmem:$0x1F780] =	vst v63  }
0x152: {  	_ = 	snop  }
0x153: {  	[tilespmem:s12], [sflag:$0x6] =	stream.indirect.gather [hbm4b:s6+s18], $0x10, s25, s18, $0xb8;
	[tilespmem:$0x1F780] =	vst v63  }
0x154: {  	s29 =	simm.s32 $0x0;
	s23 =	simm.s32 $0x8880  }
0x155: {  	[tilespmem:s23], [sflag:$0x6] =	stream.indirect.gather [hbm4b:s7+s18], $0x10, s26, s18, $0xb8;
	[tilespmem:$0x1F780] =	vst v63  }
0x156: {  	v1 =	vld [tilespmem:s29+$0x7380]  }
0x157: {  	v2 =	vld [tilespmem:s29+$0x8180];
	_ =	sdelay $0x4  }
0x158: {  	v1 =	vadd.f32 v2, v1;
	_ =	sdelay $0x1  }
0x159: {  	v2 =	vmul.f32 $2.000000030e-01, v1  }
0x15a: {  	vm0 =	vge.f32 v1, $0.0e+00  }
0x15b: {  	v1 =	vsel vm0, v1, v2  }
0x15c: {  	v1 =	vmul.f32 $1.442695020e+00, v1;
	_ =	sdelay $0x1  }
0x15d: {  	(erf) = vpow2.f32 v1;
	_ =	sdelay $0x8  }
0x15e: {  	v2 =	vpop (erf)  }
0x15f: {  	s0 =	simm.s32 $0x3C0;
	[tilespmem:s29+$0x7380] =	vst v2  }
0x160: {  	v10 =	vld [tilespmem:s0+$0x30]  }
0x161: {  	v9 =	vld [tilespmem:s0+$0xFFFFFFE0]  }
0x162: {  	v7 =	vld [tilespmem:s0+$0x10]  }
0x163: {  	v4 =	vbroadcast v2, $0x3;
	v3 =	vld [tilespmem:s0+$0x20]  }
0x164: {  	v1 =	vbroadcast v2, $0x1;
	v5 =	vld [tilespmem:s0+$0xFFFFFFD0]  }
0x165: {  	s13 =	simm.s32 $0x40;
	s23 =	simm.s32 $0x3C0;
	v8 =	vbroadcast v2, $0x2;
	v6 =	vld [tilespmem:s0+$0x0];
	v10 =	vmul.f32 v10, v4  }
.LBB2_9:
0x166: {  	p0 =	sne.s32 s13, $0x1BC0  }
0x167: {  	v9 =	vmul.f32 v1, v9;
	v11 =	vld [tilespmem:s0+$0xFFFFFFF0];
	s23 =	sadd.s32 $0x80, s23;
	s29 =	smov.u32 s13;
	s13 =	sadd.s32 $0x40, s13  }
0x168: {  	v2 =	vbroadcast v2, $0x0;
	v12 =	vld [tilespmem:s0+$0xFFFFFFC0];
	v7 =	vmul.f32 v7, v8;
	[tilespmem:s0+$0x30] =	vst v10  }
0x169: {  	[tilespmem:s0+$0xFFFFFFE0] =	vst v9;
	v3 =	vmul.f32 v3, v4  }
0x16a: {  	v4 =	vmul.f32 v2, v5;
	[tilespmem:s0+$0x10] =	vst v7  }
0x16b: {  	v5 =	vmul.f32 v6, v8;
	[tilespmem:s0+$0x20] =	vst v3  }
0x16c: {  	[tilespmem:s0+$0xFFFFFFD0] =	vst v4;
	v1 =	vmul.f32 v11, v1  }
0x16d: {  	v2 =	vmul.f32 v2, v12;
	[tilespmem:s0+$0x0] =	vst v5  }
0x16e: {  	[tilespmem:s0+$0xFFFFFFF0] =	vst v1  }
0x16f: {  	s29 =	sshra.s32 s29, $0x2;
	[tilespmem:s0+$0xFFFFFFC0] =	vst v2;
	s0 =	smov.u32 s23  }
0x170: {  	v1 =	vld [tilespmem:s29+$0x7380]  }
0x171: {  	v2 =	vld [tilespmem:s29+$0x8180];
	_ =	sdelay $0x4  }
0x172: {  	v1 =	vadd.f32 v2, v1;
	_ =	sdelay $0x1  }
0x173: {  	vm0 =	vge.f32 v1, $0.0e+00;
	v2 =	vmul.f32 $2.000000030e-01, v1;
	_ =	sdelay $0x1  }
0x174: {  	v1 =	vsel vm0, v1, v2  }
0x175: {  	v1 =	vmul.f32 $1.442695020e+00, v1;
	_ =	sdelay $0x1  }
0x176: {  	(erf) = vpow2.f32 v1;
	_ =	sdelay $0x8  }
0x177: {  	v2 =	vpop (erf)  }
0x178: {  	[tilespmem:s29+$0x7380] =	vst v2  }
0x179: {  	v10 =	vld [tilespmem:s23+$0x30]  }
.Ltmp3:
0x17a: {  	v9 =	vld [tilespmem:s23+$0xFFFFFFE0];
	(pc) =	sbr.rel @p0 .LBB2_9-.Ltmp3, $4  }
0x17b: {  	v7 =	vld [tilespmem:s23+$0x10]  }
0x17c: {  	v4 =	vbroadcast v2, $0x3;
	v3 =	vld [tilespmem:s23+$0x20]  }
0x17d: {  	v1 =	vbroadcast v2, $0x1;
	v5 =	vld [tilespmem:s23+$0xFFFFFFD0]  }
0x17e: {  	v8 =	vbroadcast v2, $0x2;
	v6 =	vld [tilespmem:s23+$0x0];
	v10 =	vmul.f32 v10, v4  }
0x17f: {  	v9 =	vmul.f32 v1, v9;
	v11 =	vld [tilespmem:s0+$0xFFFFFFF0]  }
0x180: {  	v12 =	vld [tilespmem:s0+$0xFFFFFFC0];
	v2 =	vbroadcast v2, $0x0;
	v7 =	vmul.f32 v7, v8;
	[tilespmem:s0+$0x30] =	vst v10  }
0x181: {  	[tilespmem:s0+$0xFFFFFFE0] =	vst v9;
	v3 =	vmul.f32 v3, v4  }
0x182: {  	v4 =	vmul.f32 v2, v5;
	[tilespmem:s0+$0x10] =	vst v7  }
0x183: {  	v5 =	vmul.f32 v6, v8;
	[tilespmem:s0+$0x20] =	vst v3  }
0x184: {  	[tilespmem:s0+$0xFFFFFFD0] =	vst v4;
	v1 =	vmul.f32 v11, v1  }
0x185: {  	v2 =	vmul.f32 v2, v12;
	[tilespmem:s0+$0x0] =	vst v5  }
0x186: {  	[tilespmem:s0+$0xFFFFFFF0] =	vst v1  }
0x187: {  	[tilespmem:s0+$0xFFFFFFC0] =	vst v2  }
0x188: {  	[spmem:s2] =	stream.indirect.scatter.add.f32 [tilespmem:s14], [sflag:$0x7], $0x80, s21, s18, $0xb8;
	[tilespmem:$0x1F780] =	vst v63  }
0x189: {  	_ =	swait.ge [sflag:s15], $0x3800  }
0x18a: {  	[sflag:s15] =	ssyncset.done $0x0  }
0x18b: {  	[sflag:s15] =	ssyncadd.s32 $0xFFFFC800  }
0x18c: {  	[spmem:s3] =	stream.indirect.scatter.add.f32 [tilespmem:s16], [sflag:$0x7], $0x10, s21, s18, $0xb8;
	[tilespmem:$0x1F780] =	vst v63  }
0x18d: {  	_ =	swait.ge [sflag:s15], $0x700  }
0x18e: {  	[sflag:s15] =	ssyncset.done $0x0  }
0x18f: {  	[sflag:s15] =	ssyncadd.s32 $0xFFFFF900  }
0x190: {  	_ =	swait.ge [sflag:s10], $0x3800  }
0x191: {  	[sflag:s10] =	ssyncset.done $0x0  }
0x192: {  	[sflag:s10] =	ssyncadd.s32 $0xFFFFC800  }
0x193: {  	_ =	swait.ge [sflag:s10], $0x700  }
0x194: {  	[sflag:s10] =	ssyncset.done $0x0  }
0x195: {  	s29 =	smin.u32 s31, $0x55;
	[sflag:s10] =	ssyncadd.s32 $0xFFFFF900  }
0x196: {  	s0 =	smul.u32 $0x70, s29;
	_ =	swait.ge [sflag:s10], $0x700  }
0x197: {  	s13 =	rddreg [dreg:$0x1a]  }
0x198: {  	s0 =	sadd.s32 s0, s13  }
0x199: {  	[sflag:s10] =	ssyncset.done $0x0;
	s0 =	sshrl.u32 s0, $0x3  }
0x19a: {  	s23 =	simm.s32 $0x0;
	[sflag:s10] =	ssyncadd.s32 $0xFFFFF900;
	s31 =	sadd.s32 s8, s0  }
0x19b: {  	[tilespmem:s20], [sflag:$0x3] =	stream.linear.gather [hbm4b:s31+s23], $0x70, $0x38;
	[tilespmem:$0x1F780] =	vst v63  }
0x19c: {  	s0 =	sadd.s32 s9, s0  }
0x19d: {  	[tilespmem:s21], [sflag:$0x3] =	stream.linear.gather [hbm4b:s0+s23], $0x70, $0x38;
	[tilespmem:$0x1F780] =	vst v63  }
0x19e: {  	_ =	swait.ge [sflag:s22], $0x70  }
0x19f: {  	[sflag:s22] =	ssyncset.done $0x0  }
0x1a0: {  	[sflag:s22] =	ssyncadd.s32 $0xFFFFFF90  }
0x1a1: {  	_ =	swait.ge [sflag:s22], $0x70  }
0x1a2: {  	[sflag:s22] =	ssyncset.done $0x0  }
0x1a3: {  	[sflag:s22] =	ssyncadd.s32 $0xFFFFFF90  }
0x1a4: {  	[tilespmem:s14], [sflag:$0x5] =	stream.indirect.gather [hbm4b:s5+s18], $0x80, s23, s18, $0xb8;
	[tilespmem:$0x1F780] =	vst v63  }
0x1a5: {  	_ = 	snop  }
0x1a6: {  	[tilespmem:s16], [sflag:$0x5] =	stream.indirect.gather [hbm4b:s6+s18], $0x10, s23, s18, $0xb8;
	[tilespmem:$0x1F780] =	vst v63  }
0x1a7: {  	s29 =	simm.s32 $0x8180;
	s31 =	simm.s32 $0x0  }
0x1a8: {  	[tilespmem:s29], [sflag:$0x5] =	stream.indirect.gather [hbm4b:s7+s18], $0x10, s17, s18, $0xb8;
	[tilespmem:$0x1F780] =	vst v63  }
0x1a9: {  	v1 =	vld [tilespmem:s31+$0x7A80]  }
0x1aa: {  	v2 =	vld [tilespmem:s31+$0x8880];
	_ =	sdelay $0x4  }
0x1ab: {  	v1 =	vadd.f32 v2, v1;
	_ =	sdelay $0x1  }
0x1ac: {  	v2 =	vmul.f32 $2.000000030e-01, v1  }
0x1ad: {  	vm0 =	vge.f32 v1, $0.0e+00  }
0x1ae: {  	v1 =	vsel vm0, v1, v2  }
0x1af: {  	v1 =	vmul.f32 $1.442695020e+00, v1;
	_ =	sdelay $0x1  }
0x1b0: {  	(erf) = vpow2.f32 v1;
	_ =	sdelay $0x8  }
0x1b1: {  	v2 =	vpop (erf)  }
0x1b2: {  	s0 =	simm.s32 $0x3BC0;
	[tilespmem:s31+$0x7A80] =	vst v2  }
0x1b3: {  	v10 =	vld [tilespmem:s0+$0x30]  }
0x1b4: {  	v9 =	vld [tilespmem:s0+$0xFFFFFFE0]  }
0x1b5: {  	v7 =	vld [tilespmem:s0+$0x10]  }
0x1b6: {  	v4 =	vbroadcast v2, $0x3;
	v3 =	vld [tilespmem:s0+$0x20]  }
0x1b7: {  	v1 =	vbroadcast v2, $0x1;
	v5 =	vld [tilespmem:s0+$0xFFFFFFD0]  }
0x1b8: {  	s13 =	simm.s32 $0x40;
	s23 =	simm.s32 $0x3BC0;
	v8 =	vbroadcast v2, $0x2;
	v6 =	vld [tilespmem:s0+$0x0];
	v10 =	vmul.f32 v10, v4  }
.LBB2_11:
0x1b9: {  	p0 =	sne.s32 s13, $0x1BC0  }
0x1ba: {  	v9 =	vmul.f32 v1, v9;
	v11 =	vld [tilespmem:s0+$0xFFFFFFF0];
	s23 =	sadd.s32 $0x80, s23;
	s29 =	smov.u32 s13;
	s13 =	sadd.s32 $0x40, s13  }
0x1bb: {  	v2 =	vbroadcast v2, $0x0;
	v12 =	vld [tilespmem:s0+$0xFFFFFFC0];
	v7 =	vmul.f32 v7, v8;
	[tilespmem:s0+$0x30] =	vst v10  }
0x1bc: {  	[tilespmem:s0+$0xFFFFFFE0] =	vst v9;
	v3 =	vmul.f32 v3, v4  }
0x1bd: {  	v4 =	vmul.f32 v2, v5;
	[tilespmem:s0+$0x10] =	vst v7  }
0x1be: {  	v5 =	vmul.f32 v6, v8;
	[tilespmem:s0+$0x20] =	vst v3  }
0x1bf: {  	[tilespmem:s0+$0xFFFFFFD0] =	vst v4;
	v1 =	vmul.f32 v11, v1  }
0x1c0: {  	v2 =	vmul.f32 v2, v12;
	[tilespmem:s0+$0x0] =	vst v5  }
0x1c1: {  	[tilespmem:s0+$0xFFFFFFF0] =	vst v1  }
0x1c2: {  	s29 =	sshra.s32 s29, $0x2;
	[tilespmem:s0+$0xFFFFFFC0] =	vst v2;
	s0 =	smov.u32 s23  }
0x1c3: {  	v1 =	vld [tilespmem:s29+$0x7A80]  }
0x1c4: {  	v2 =	vld [tilespmem:s29+$0x8880];
	_ =	sdelay $0x4  }
0x1c5: {  	v1 =	vadd.f32 v2, v1;
	_ =	sdelay $0x1  }
0x1c6: {  	vm0 =	vge.f32 v1, $0.0e+00;
	v2 =	vmul.f32 $2.000000030e-01, v1;
	_ =	sdelay $0x1  }
0x1c7: {  	v1 =	vsel vm0, v1, v2  }
0x1c8: {  	v1 =	vmul.f32 $1.442695020e+00, v1;
	_ =	sdelay $0x1  }
0x1c9: {  	(erf) = vpow2.f32 v1;
	_ =	sdelay $0x8  }
0x1ca: {  	v2 =	vpop (erf)  }
0x1cb: {  	[tilespmem:s29+$0x7A80] =	vst v2  }
0x1cc: {  	v10 =	vld [tilespmem:s23+$0x30]  }
.Ltmp4:
0x1cd: {  	v9 =	vld [tilespmem:s23+$0xFFFFFFE0];
	(pc) =	sbr.rel @p0 .LBB2_11-.Ltmp4, $4  }
0x1ce: {  	v7 =	vld [tilespmem:s23+$0x10]  }
0x1cf: {  	v4 =	vbroadcast v2, $0x3;
	v3 =	vld [tilespmem:s23+$0x20]  }
0x1d0: {  	v1 =	vbroadcast v2, $0x1;
	v5 =	vld [tilespmem:s23+$0xFFFFFFD0]  }
0x1d1: {  	v8 =	vbroadcast v2, $0x2;
	v6 =	vld [tilespmem:s23+$0x0];
	v10 =	vmul.f32 v10, v4  }
0x1d2: {  	v9 =	vmul.f32 v1, v9;
	v11 =	vld [tilespmem:s0+$0xFFFFFFF0]  }
0x1d3: {  	v12 =	vld [tilespmem:s0+$0xFFFFFFC0];
	v2 =	vbroadcast v2, $0x0;
	v7 =	vmul.f32 v7, v8;
	[tilespmem:s0+$0x30] =	vst v10  }
0x1d4: {  	[tilespmem:s0+$0xFFFFFFE0] =	vst v9;
	v3 =	vmul.f32 v3, v4  }
0x1d5: {  	v62 =	vmul.f32 v2, v5;
	[tilespmem:s0+$0x10] =	vst v7  }
0x1d6: {  	v63 =	vmul.f32 v6, v8;
	[tilespmem:s0+$0x20] =	vst v3  }
0x1d7: {  	[tilespmem:s0+$0xFFFFFFD0] =	vst v62;
	v1 =	vmul.f32 v11, v1  }
0x1d8: {  	v2 =	vmul.f32 v2, v12;
	[tilespmem:s0+$0x0] =	vst v63  }
0x1d9: {  	[tilespmem:s0+$0xFFFFFFF0] =	vst v1  }
0x1da: {  	[tilespmem:s0+$0xFFFFFFC0] =	vst v2  }
0x1db: {  	[spmem:s2] =	stream.indirect.scatter.add.f32 [tilespmem:s1], [sflag:$0x7], $0x80, s26, s18, $0xb8;
	[tilespmem:$0x1F780] =	vst v63  }
0x1dc: {  	s30 =	sadd.s32 $0x1, s30;
	_ =	swait.ge [sflag:s15], $0x3800  }
0x1dd: {  	p0 =	sne.s32 s30, $0x17;
	[sflag:s15] =	ssyncset.done $0x0  }
.Ltmp5:
0x1de: {  	[sflag:s15] =	ssyncadd.s32 $0xFFFFC800;
	(pc) =	sbr.rel @p0 .LBB2_4-.Ltmp5, $4  }
0x1df: {  	[spmem:s3] =	stream.indirect.scatter.add.f32 [tilespmem:s12], [sflag:$0x7], $0x10, s26, s18, $0xb8;
	[tilespmem:$0x1F780] =	vst v63  }
0x1e0: {  	_ =	swait.ge [sflag:s15], $0x700  }
0x1e1: {  	[sflag:s15] =	ssyncset.done $0x0  }
0x1e2: {  	[sflag:s15] =	ssyncadd.s32 $0xFFFFF900  }
0x1e3: {  	_ =	swait.ge [sflag:s24], $0x3800  }
0x1e4: {  	[sflag:s24] =	ssyncset.done $0x0  }
0x1e5: {  	[sflag:s24] =	ssyncadd.s32 $0xFFFFC800  }
0x1e6: {  	_ =	swait.ge [sflag:s24], $0x700  }
0x1e7: {  	[sflag:s24] =	ssyncset.done $0x0  }
0x1e8: {  	[sflag:s24] =	ssyncadd.s32 $0xFFFFF900  }
0x1e9: {  	_ =	swait.ge [sflag:s24], $0x700  }
0x1ea: {  	[sflag:s24] =	ssyncset.done $0x0  }
0x1eb: {  	[sflag:s24] =	ssyncadd.s32 $0xFFFFF900  }
0x1ec: {  	_ =	swait.ge [sflag:s28], $0x70  }
0x1ed: {  	[sflag:s28] =	ssyncset.done $0x0  }
0x1ee: {  	[sflag:s28] =	ssyncadd.s32 $0xFFFFFF90  }
0x1ef: {  	_ =	swait.ge [sflag:s28], $0x70  }
0x1f0: {  	[sflag:s28] =	ssyncset.done $0x0  }
0x1f1: {  	[sflag:s28] =	ssyncadd.s32 $0xFFFFFF90  }
0x1f2: {  	_ =	swait.ge [sflag:s11], $0x70  }
0x1f3: {  	[sflag:s11] =	ssyncset.done $0x0  }
0x1f4: {  	[sflag:s11] =	ssyncadd.s32 $0xFFFFFF90  }
0x1f5: {  	_ =	swait.ge [sflag:s11], $0x70  }
0x1f6: {  	[sflag:s11] =	ssyncset.done $0x0  }
0x1f7: {  	[sflag:s11] =	ssyncadd.s32 $0xFFFFFF90  }
0x1f8: {  	s0 =	stileid.u32;
	[bflag:$0x0] =	sbarrier.arrive $0xFFFF  }
0x1f9: {  	s0 =	sshll.u32 s0, $0x6;
	s30 =	rddreg [dreg:$0x5]  }
0x1fa: {  	s0 =	sor.u32 $0x1C07, s0;
	s23 =	rddreg [dreg:$0x1b];
	s13 =	sshrl.u32 s30, $0x3  }
0x1fb: {  	[hbm:s23], [sflag:s0] =	dma.local [spmem:s13], $0x2800  }
0x1fc: {  	_ =	swait.ge [sflag:s15], $0x2800  }
0x1fd: {  	[sflag:s15] =	ssyncset.done $0x0;
	s31 =	rddreg [dreg:$0x6]  }
0x1fe: {  	s29 =	rddreg [dreg:$0x1c];
	[sflag:s15] =	ssyncadd.s32 $0xFFFFD800;
	s23 =	sshrl.u32 s31, $0x3  }
0x1ff: {  	[hbm:s29], [sflag:s0] =	dma.local [spmem:s23], $0x500  }
0x200: {  	_ =	swait.ge [sflag:s15], $0x500  }
0x201: {  	s13 =	rddreg [dreg:$0x4]  }
0x202: {  	s29 =	rddreg [dreg:$0x1d];
	s23 =	sadd.s32 $0x1, s13  }
0x203: {  	p0 =	sne.s32 s23, s29  }
.Ltmp6:
0x204: {  	_ = 	snop;
	(pc) =	sbr.rel @p0 .LBB2_1-.Ltmp6, $3  }
0x205: {  	_ =	sdelay $0x1  }
0x206: {  	[sflag:s15] =	ssyncset.done $0x0  }
0x207: {  	[sflag:s15] =	ssyncadd.s32 $0xFFFFFB00  }
0x208: {  	_ =	sfence.sel $0x180000  }
0x209: {  	[bflag:$0x0] =	sbarrier.arrive $0xFFFF  }
0x20a: {  	_ =	strace $0x90000047  }
0x20b: {  	s0 =	stileid.u32;
	[bflag:$0x2] =	sbarrier.arrive $0xFFFF  }
0x20c: {  	p0 =	sne.s32 s0, $0x0;
	s0 =	rddreg [dreg:$0x3]  }
0x20d: {  	s0 =	sadd.s32 @!p0 $0x100000, s0  }
0x20e: {  	[sflag:s0] =	ssyncadd.tile.s32 @!p0 $0x1;
	_ =	shalt  }
.Lfunc_end2:
_tile_overlayer_lowered:
.L_overlay_start_2:
0x20f: {  	(tag) =	ssettag $0x2  }
0x210: {  	s0 =	rddreg [dreg:$0x0];
	s2 =	stileid.u32  }
0x211: {  	s1 =	rddreg [dreg:$0x1];
	p0 =	sne.s32 s2, $0x0  }
0x212: {  	s3 =	rddreg [dreg:$0x2];
	[bflag:$0x3] =	sbarrier.arrive $0xFFFF;
	s2 =	simm.s32 @!p0 $0x1C07  }
0x213: {  	[timem:s3], [sflag:s2] =	dma.local @!p0 [hbm:s0], s1  }
0x214: {  	s0 =	simm.s32 @!p0 $0x7  }
0x215: {  	_ =	swait.ge @!p0 [sflag:s0], s1  }
0x216: {  	s1 =	ssub.s32 @!p0 $0x0, s1;
	[sflag:s0] =	ssyncset.done @!p0 $0x0  }
0x217: {  	[sflag:s0] =	ssyncadd.s32 @!p0 s1  }
0x218: {  	[bflag:$0x3] =	sbarrier.arrive $0xFFFF  }
0x219: {  	_ =	shalt  }

</sc_bundles>
